<compile_context>
chip_gen: v7x
topology: tpu7x:2x2x1
jax: 0.10.2.dev20260603
libtpu: 0.0.44.dev20260713+nightly
codegen_flags: <defaults>
</compile_context>

<pallas_src>
import functools

import jax
import jax.numpy as jnp
from jax import lax
from jax.experimental import pallas as pl
from jax.experimental.pallas import tpu as pltpu
from jax.experimental.pallas import tpu_sc as plsc

NC, NS = 2, 16
NW = NC * NS
NPAD = 10240
ZR = NPAD // NS
HW = 16
F = 32
K = 500


def _sc_mesh():
    return plsc.VectorSubcoreMesh(
        core_axis_name="c", subcore_axis_name="s", num_cores=NC, num_subcores=NS
    )


_SC_PARAMS = pltpu.CompilerParams(use_tc_tiling_on_sc=False)


def _hist(ei3):
    E = ei3.shape[1] * ei3.shape[2]
    EPW = E // NW
    CH = EPW // K

    @functools.partial(
        pl.kernel,
        out_type=[
            jax.ShapeDtypeStruct((NC, NPAD, F), jnp.float32),
            jax.ShapeDtypeStruct((NC, NPAD, F), jnp.float32),
        ],
        mesh=_sc_mesh(),
        compiler_params=_SC_PARAMS,
        scratch_types=[
            pltpu.VMEM((CH, K), jnp.int32),
            pltpu.VMEM((CH, K), jnp.int32),
            pltpu.VMEM((K, HW), jnp.float32),
            pltpu.VMEM((ZR, HW), jnp.float32),
            pltpu.VMEM((ZR, F), jnp.float32),
            pltpu.VMEM_SHARED((NPAD, HW), jnp.float32),
            pltpu.VMEM_SHARED((NPAD, HW), jnp.float32),
            pltpu.SemaphoreType.DMA,
            pltpu.SemaphoreType.DMA,
        ],
    )
    def k(ei_h, out_o, out_i, idx_a, idx_b, ones, zbuf, wide,
          acc_o, acc_i, sem_o, sem_i):
        cid = lax.axis_index("c")
        sid = lax.axis_index("s")
        wid = sid * NC + cid

        def fill(i, _):
            ones[i, :] = jnp.ones((HW,), jnp.float32)
            zbuf[i % ZR, :] = jnp.zeros((HW,), jnp.float32)
            return 0

        lax.fori_loop(0, K, fill, 0)
        pltpu.sync_copy(zbuf, acc_o.at[pl.ds(sid * ZR, ZR)])
        pltpu.sync_copy(zbuf, acc_i.at[pl.ds(sid * ZR, ZR)])
        rb = wid * CH
        pltpu.sync_copy(ei_h.at[0, pl.ds(rb, CH)], idx_a)
        pltpu.sync_copy(ei_h.at[1, pl.ds(rb, CH)], idx_b)
        plsc.subcore_barrier()

        so = [None] * CH
        si = [None] * CH
        for i in range(CH):
            so[i] = pltpu.async_copy(ones, acc_o.at[idx_a.at[i]], sem_o,
                                     add=True)
            si[i] = pltpu.async_copy(ones, acc_i.at[idx_b.at[i]], sem_i,
                                     add=True)
        for i in range(CH):
            so[i].wait()
            si[i].wait()
        plsc.subcore_barrier()

        for acc, out in ((acc_o, out_o), (acc_i, out_i)):
            pltpu.sync_copy(acc.at[pl.ds(sid * ZR, ZR)], zbuf)

            def dup(r, _):
                v = zbuf[r, :]
                wide[r, pl.ds(0, HW)] = v
                wide[r, pl.ds(HW, HW)] = v
                return 0

            lax.fori_loop(0, ZR, dup, 0)
            pltpu.sync_copy(wide, out.at[cid, pl.ds(sid * ZR, ZR)])

    return k(ei3)


def _edge_agg(table, ei3):
    E = ei3.shape[1] * ei3.shape[2]
    EPW = E // NW
    CH = EPW // K

    @functools.partial(
        pl.kernel,
        out_type=jax.ShapeDtypeStruct((NC, NPAD, F), jnp.float32),
        mesh=_sc_mesh(),
        compiler_params=_SC_PARAMS,
        scratch_types=[
            pltpu.VMEM((CH, K), jnp.int32),
            pltpu.VMEM((CH, K), jnp.int32),
            pltpu.VMEM((K, F), jnp.float32),
            pltpu.VMEM((K, F), jnp.float32),
            pltpu.VMEM((K, F), jnp.float32),
            pltpu.VMEM_SHARED((NPAD, F), jnp.float32),
            pltpu.SemaphoreType.DMA,
            pltpu.SemaphoreType.DMA,
        ],
    )
    def k(table_h, ei_h, out_h, idx_s, idx_d, rows0, rows1, rows2,
          acc, gsem, ssem):
        cid = lax.axis_index("c")
        sid = lax.axis_index("s")
        wid = sid * NC + cid
        rows = [rows0, rows1, rows2]

        def zfill(i, _):
            rows0[i, pl.ds(0, 16)] = jnp.zeros((16,), jnp.float32)
            rows0[i, pl.ds(16, 16)] = jnp.zeros((16,), jnp.float32)
            return 0

        lax.fori_loop(0, ZR, zfill, 0)
        pltpu.sync_copy(rows0.at[pl.ds(0, ZR)], acc.at[pl.ds(sid * ZR, ZR)])
        rb = wid * CH
        pltpu.sync_copy(ei_h.at[0, pl.ds(rb, CH)], idx_s)
        pltpu.sync_copy(ei_h.at[1, pl.ds(rb, CH)], idx_d)
        plsc.subcore_barrier()

        g = [None] * CH
        s = [None] * CH
        g[0] = pltpu.async_copy(table_h.at[idx_s.at[0]], rows[0], gsem)
        if CH >= 2:
            g[1] = pltpu.async_copy(table_h.at[idx_s.at[1]], rows[1], gsem)
        for i in range(CH):
            g[i].wait()
            s[i] = pltpu.async_copy(rows[i % 3], acc.at[idx_d.at[i]], ssem,
                                    add=True)
            if i + 2 < CH:
                if i >= 1:
                    s[i - 1].wait()
                g[i + 2] = pltpu.async_copy(table_h.at[idx_s.at[i + 2]],
                                            rows[(i + 2) % 3], gsem)
        if CH >= 3:
            s[CH - 3].wait()
        if CH >= 2:
            s[CH - 2].wait()
        s[CH - 1].wait()
        plsc.subcore_barrier()
        pltpu.sync_copy(acc.at[pl.ds(sid * ZR, ZR)],
                        out_h.at[cid, pl.ds(sid * ZR, ZR)])

    return k(table, ei3)


def _prep(xp, w1bd, dop, ddp):
    RP = xp.shape[0]
    RN = dop.shape[1]

    def body(x_ref, w_ref, do_ref, di_ref, t_ref, no_ref, ni_ref):
        do = do_ref[0] + do_ref[1]
        di = di_ref[0] + di_ref[1]
        no = jnp.where(do > 0, lax.rsqrt(jnp.maximum(do, 1e-12)), 0.0)
        ni = jnp.where(di > 0, lax.rsqrt(jnp.maximum(di, 1e-12)), 0.0)
        no_ref[...] = no
        ni_ref[...] = ni
        y = jnp.dot(x_ref[...], w_ref[...], preferred_element_type=jnp.float32)
        t_ref[...] = y * no[:RP]

    return pl.pallas_call(
        body,
        out_shape=[
            jax.ShapeDtypeStruct((RP, 128), jnp.float32),
            jax.ShapeDtypeStruct((RN, 128), jnp.float32),
            jax.ShapeDtypeStruct((RN, 128), jnp.float32),
        ],
    )(xp, w1bd, dop, ddp)


def _mid(parts, nip, nop, bp, wbd):
    RP = NPAD // 4 - (NPAD - 10000) // 4

    def body(p_ref, ni_ref, no_ref, b_ref, w_ref, t_ref):
        agg = p_ref[0, :RP] + p_ref[1, :RP]
        b = b_ref[...]
        bp = jnp.concatenate([b, b, b, b])
        h = jnp.maximum(agg * ni_ref[:RP] + bp, 0.0)
        y = jnp.dot(h, w_ref[...], preferred_element_type=jnp.float32)
        t_ref[...] = y * no_ref[:RP]

    return pl.pallas_call(
        body,
        out_shape=jax.ShapeDtypeStruct((RP, 128), jnp.float32),
    )(parts, nip, nop, bp, wbd)


def _final(parts, nip, bp, Wfc, bfc):
    RP = 2500

    def body(p_ref, ni_ref, b_ref, w_ref, bf_ref, o_ref):
        agg = p_ref[0, :RP] + p_ref[1, :RP]
        b = b_ref[...]
        bp = jnp.concatenate([b, b, b, b])
        h = jnp.maximum(agg * ni_ref[:RP] + bp, 0.0)
        m = jnp.max(h, axis=0, keepdims=True)
        m32 = jnp.maximum(jnp.maximum(m[:, 0:32], m[:, 32:64]),
                          jnp.maximum(m[:, 64:96], m[:, 96:128]))
        logits = jnp.dot(m32, w_ref[...],
                         preferred_element_type=jnp.float32) + bf_ref[...]
        mx = jnp.max(logits, axis=-1, keepdims=True)
        e = jnp.exp(logits - mx)
        o_ref[...] = e / jnp.sum(e, axis=-1, keepdims=True)

    return pl.pallas_call(
        body,
        out_shape=jax.ShapeDtypeStruct((1, bfc.shape[-1]), jnp.float32),
    )(parts, nip, bp, Wfc, bfc)


def kernel(inputs, edge_index, W1, b1, W2, b2, W3, b3, Wfc, bfc):
    N = inputs.shape[0]
    E = edge_index.shape[1]
    ei3 = edge_index.reshape(2, E // K, K)
    xp = inputs.reshape(N // 4, 512)
    eye4 = jnp.eye(4, dtype=jnp.float32)
    w1bd = jnp.kron(eye4, W1)
    w2bd = jnp.kron(eye4, W2)
    w3bd = jnp.kron(eye4, W3)
    bfc2 = bfc.reshape(1, -1)

    dop, ddp = _hist(ei3)
    dopP = dop.reshape(NC, NPAD // 4, 128)
    ddpP = ddp.reshape(NC, NPAD // 4, 128)
    t1p, nop, nip = _prep(xp, w1bd, dopP, ddpP)

    p1 = _edge_agg(t1p.reshape(N, F), ei3).reshape(NC, NPAD // 4, 128)
    t2p = _mid(p1, nip, nop, b1, w2bd)
    p2 = _edge_agg(t2p.reshape(N, F), ei3).reshape(NC, NPAD // 4, 128)
    t3p = _mid(p2, nip, nop, b2, w3bd)
    p3 = _edge_agg(t3p.reshape(N, F), ei3).reshape(NC, NPAD // 4, 128)
    return _final(p3, nip, b3, Wfc, bfc2)

# --- scband reference (transcript-rebuilt; emitter-appended) ---
"""Pipeline reference for scband-basic-graph-model-79680233276022 (READ-ONLY COPY).

The authoritative reference and input builder live on the scoring server;
editing this copy changes nothing except your own understanding.
"""

import jax, jax.numpy as jnp
import numpy as np

N = 10000
E = 320000
D_IN = 128
H = 32
N_CLASSES = 8


def _glorot(key, shape):
    fan_in, fan_out = shape[0], shape[1]
    scale = jnp.sqrt(6.0 / (fan_in + fan_out))
    return jax.random.uniform(key, shape, jnp.float32, -scale, scale)


def setup_inputs(seed: int = 0) -> dict:
    key = jax.random.key(seed)
    ks = jax.random.split(key, 10)
    inputs = jax.random.normal(ks[0], (N, D_IN), jnp.float32)
    edge_index = jax.random.randint(ks[1], (2, E), 0, N, dtype=jnp.int32)
    W1 = _glorot(ks[2], (D_IN, H)); b1 = jnp.zeros((H,), jnp.float32)
    W2 = _glorot(ks[3], (H, H));    b2 = jnp.zeros((H,), jnp.float32)
    W3 = _glorot(ks[4], (H, H));    b3 = jnp.zeros((H,), jnp.float32)
    Wfc = _glorot(ks[5], (H, N_CLASSES)); bfc = jnp.zeros((N_CLASSES,), jnp.float32)
    return {"inputs": inputs, "edge_index": edge_index,
            "W1": W1, "b1": b1, "W2": W2, "b2": b2, "W3": W3, "b3": b3,
            "Wfc": Wfc, "bfc": bfc}


def _graph_conv(x, src, dst, norm_out, norm_in, W, b, activation):
    # DGL GraphConv with norm='both': D_in^{-1/2} A D_out^{-1/2} X W + b
    h = x * norm_out[:, None]
    m = jnp.take(h, src, axis=0)
    agg = jax.ops.segment_sum(m, dst, num_segments=N)
    h = agg * norm_in[:, None]
    h = h @ W + b
    if activation:
        h = jax.nn.relu(h)
    return h


def reference(inputs, edge_index, W1, b1, W2, b2, W3, b3, Wfc, bfc):
    src = edge_index[0]
    dst = edge_index[1]
    ones = jnp.ones((E,), jnp.float32)
    deg_out = jax.ops.segment_sum(ones, src, num_segments=N)
    deg_in = jax.ops.segment_sum(ones, dst, num_segments=N)
    norm_out = jnp.where(deg_out > 0, jax.lax.rsqrt(jnp.maximum(deg_out, 1e-12)), 0.0)
    norm_in = jnp.where(deg_in > 0, jax.lax.rsqrt(jnp.maximum(deg_in, 1e-12)), 0.0)
    h = _graph_conv(inputs, src, dst, norm_out, norm_in, W1, b1, True)
    h = _graph_conv(h, src, dst, norm_out, norm_in, W2, b2, True)
    h = _graph_conv(h, src, dst, norm_out, norm_in, W3, b3, False)
    h = jax.nn.relu(h)  # dropout is identity in eval mode
    pooled = jnp.max(h, axis=0, keepdims=True)  # MaxPooling readout over single graph -> [1, H]
    out = pooled @ Wfc + bfc
    return jax.nn.softmax(out, axis=-1)

if __name__ == "__main__":
    import jax
    _d = setup_inputs()
    print(jax.jit(kernel)(*tuple(_d.values())))

</pallas_src>

<mosaic_0001>
#map = affine_map<(d0, d1) -> (0, 0, 0)>
module attributes {stable_mosaic.version = 14 : i64} {
  func.func @k(%arg0: i32, %arg1: i32, %arg2: memref<2x640x500xi32, #tpu.memory_space<hbm>>, %arg3: memref<2x10240x32xf32, #tpu.memory_space<hbm>>, %arg4: memref<2x10240x32xf32, #tpu.memory_space<hbm>>, %arg5: memref<20x500xi32, #tpu.memory_space<vmem>>, %arg6: memref<20x500xi32, #tpu.memory_space<vmem>>, %arg7: memref<500x16xf32, #tpu.memory_space<vmem>>, %arg8: memref<640x16xf32, #tpu.memory_space<vmem>>, %arg9: memref<640x32xf32, #tpu.memory_space<vmem>>, %arg10: memref<10240x16xf32, #tpu.memory_space<vmem_shared>>, %arg11: memref<10240x16xf32, #tpu.memory_space<vmem_shared>>, %arg12: memref<!tpu.dma_semaphore, #tpu.memory_space<semaphore_mem>>, %arg13: memref<!tpu.dma_semaphore, #tpu.memory_space<semaphore_mem>>) attributes {dimension_semantics = [#tpu.dimension_semantics<core_parallel>, #tpu.dimension_semantics<subcore_parallel>], iteration_bounds = array<i64: 2, 16>, scalar_prefetch = 0 : i64, scratch_operands = 9 : i64, tpu.core_type = #tpu.core_type<sc_vector_subcore>, window_params = [{transform_indices = #map}, {transform_indices = #map}, {transform_indices = #map}]} {
    %mul3A = arith.constant 2 : i32
    %mul3A_0 = arith.muli %arg1, %mul3A : i32
    %add3A = arith.addi %mul3A_0, %arg0 : i32
    %scan3A = arith.constant 0 : i32
    %scan3A_1 = arith.constant 0 : i32
    %scan3A_2 = arith.constant 500 : i32
    %scan3A_3 = arith.addi %scan3A_1, %scan3A_2 : i32
    %scan3A_4 = arith.constant 1 : i32
    %scan3A_5 = scf.for %scan3A_595 = %scan3A_1 to %scan3A_3 step %scan3A_4 iter_args(%scan3A_596 = %scan3A) -> (i32)  : i32 {
      %broadcast_in_dim3A = arith.constant 1.000000e+00 : f32
      %broadcast_in_dim3A_597 = vector.broadcast %broadcast_in_dim3A : f32 to vector<16xf32>
      %swap3A = arith.index_cast %scan3A_595 : i32 to index
      %swap3A_598 = arith.constant 0 : index
      %swap3A_599 = tpu.vector_load %arg7[%swap3A, %swap3A_598] {strides = array<i32>} : memref<500x16xf32, #tpu.memory_space<vmem>>, vector<1x16xf32>,
      %swap3A_600 = vector.shape_cast %swap3A_599 : vector<1x16xf32> to vector<16xf32>
      %swap3A_601 = vector.shape_cast %broadcast_in_dim3A_597 : vector<16xf32> to vector<1x16xf32>
      tpu.vector_store %arg7[%swap3A, %swap3A_598], %swap3A_601 {strides = array<i32>} : memref<500x16xf32, #tpu.memory_space<vmem>>, vector<1x16xf32>,
      %broadcast_in_dim3A_602 = arith.constant 0.000000e+00 : f32
      %broadcast_in_dim3A_603 = vector.broadcast %broadcast_in_dim3A_602 : f32 to vector<16xf32>
      %jit3A = arith.constant 640 : i32
      %eq3A = arith.constant 0 : i32
      %eq3A_604 = arith.cmpi eq, %jit3A, %eq3A : i32
      %jit3A_605 = arith.constant 1 : i32
      %select_n3A = arith.select %eq3A_604, %jit3A_605, %jit3A : i32
      %rem3A = arith.remsi %scan3A_595, %select_n3A : i32
      %ne3A = arith.constant 0 : i32
      %ne3A_606 = arith.cmpi ne, %rem3A, %ne3A : i32
      %lt3A = arith.constant 0 : i32
      %lt3A_607 = arith.cmpi slt, %rem3A, %lt3A : i32
      %lt3A_608 = arith.constant 0 : i32
      %lt3A_609 = arith.cmpi slt, %select_n3A, %lt3A_608 : i32
      %ne3A_610 = arith.xori %lt3A_607, %lt3A_609 : i1
      %and3A = arith.andi %ne3A_610, %ne3A_606 : i1
      %add3A_611 = arith.addi %rem3A, %select_n3A : i32
      %select_n3A_612 = arith.select %and3A, %add3A_611, %rem3A : i32
      %swap3A_613 = arith.index_cast %select_n3A_612 : i32 to index
      %swap3A_614 = arith.constant 0 : index
      %swap3A_615 = tpu.vector_load %arg8[%swap3A_613, %swap3A_614] {strides = array<i32>} : memref<640x16xf32, #tpu.memory_space<vmem>>, vector<1x16xf32>,
      %swap3A_616 = vector.shape_cast %swap3A_615 : vector<1x16xf32> to vector<16xf32>
      %swap3A_617 = vector.shape_cast %broadcast_in_dim3A_603 : vector<16xf32> to vector<1x16xf32>
      tpu.vector_store %arg8[%swap3A_613, %swap3A_614], %swap3A_617 {strides = array<i32>} : memref<640x16xf32, #tpu.memory_space<vmem>>, vector<1x16xf32>,
      %scan3A_618 = arith.constant 0 : i32
      scf.yield %scan3A_618 : i32
    }
    %scan3A_6 = arith.constant 500 : i32
    %mul3A_7 = arith.constant 640 : i32
    %mul3A_8 = arith.muli %arg1, %mul3A_7 : i32
    "tpu.region"() ({
      %run_scoped3A_595 = tpu.sem_alloc : memref<!tpu.dma_semaphore, #tpu.memory_space<semaphore_mem>>
      %dma_start3A_596 = arith.constant 0 : i32
      %dma_start3A_597 = tpu.memref_slice %arg10[%mul3A_8, %dma_start3A_596] : memref<10240x16xf32, #tpu.memory_space<vmem_shared>> -> memref<640x16xf32, #tpu.memory_space<vmem_shared>>
      %dma_start3A_598 = arith.constant 0 : i32
      %dma_start3A_599 = tpu.memref_slice %arg10[%mul3A_8, %dma_start3A_598] : memref<10240x16xf32, #tpu.memory_space<vmem_shared>> -> memref<640x16xf32, #tpu.memory_space<vmem_shared>>
      tpu.enqueue_dma source(%arg8 : memref<640x16xf32, #tpu.memory_space<vmem>>) target(%dma_start3A_599 : memref<640x16xf32, #tpu.memory_space<vmem_shared>>) target_semaphore(%run_scoped3A_595 : memref<!tpu.dma_semaphore, #tpu.memory_space<semaphore_mem>>)
      %dma_wait3A_600 = arith.constant 0 : i32
      %dma_wait3A_601 = tpu.memref_slice %arg10[%mul3A_8, %dma_wait3A_600] : memref<10240x16xf32, #tpu.memory_space<vmem_shared>> -> memref<640x16xf32, #tpu.memory_space<vmem_shared>>
      %dma_wait3A_602 = arith.constant 0 : i32
      %dma_wait3A_603 = tpu.memref_slice %arg10[%mul3A_8, %dma_wait3A_602] : memref<10240x16xf32, #tpu.memory_space<vmem_shared>> -> memref<640x16xf32, #tpu.memory_space<vmem_shared>>
      tpu.wait_dma2 semaphore(%run_scoped3A_595 : memref<!tpu.dma_semaphore, #tpu.memory_space<semaphore_mem>>) src(%arg8 : memref<640x16xf32, #tpu.memory_space<vmem>>) dst(%dma_wait3A_603 : memref<640x16xf32, #tpu.memory_space<vmem_shared>>)
      tpu.yield
    }) : () -> ()
    %mul3A_9 = arith.constant 640 : i32
    %mul3A_10 = arith.muli %arg1, %mul3A_9 : i32
    "tpu.region"() ({
      %run_scoped3A_595 = tpu.sem_alloc : memref<!tpu.dma_semaphore, #tpu.memory_space<semaphore_mem>>
      %dma_start3A_596 = arith.constant 0 : i32
      %dma_start3A_597 = tpu.memref_slice %arg11[%mul3A_10, %dma_start3A_596] : memref<10240x16xf32, #tpu.memory_space<vmem_shared>> -> memref<640x16xf32, #tpu.memory_space<vmem_shared>>
      %dma_start3A_598 = arith.constant 0 : i32
      %dma_start3A_599 = tpu.memref_slice %arg11[%mul3A_10, %dma_start3A_598] : memref<10240x16xf32, #tpu.memory_space<vmem_shared>> -> memref<640x16xf32, #tpu.memory_space<vmem_shared>>
      tpu.enqueue_dma source(%arg8 : memref<640x16xf32, #tpu.memory_space<vmem>>) target(%dma_start3A_599 : memref<640x16xf32, #tpu.memory_space<vmem_shared>>) target_semaphore(%run_scoped3A_595 : memref<!tpu.dma_semaphore, #tpu.memory_space<semaphore_mem>>)
      %dma_wait3A_600 = arith.constant 0 : i32
      %dma_wait3A_601 = tpu.memref_slice %arg11[%mul3A_10, %dma_wait3A_600] : memref<10240x16xf32, #tpu.memory_space<vmem_shared>> -> memref<640x16xf32, #tpu.memory_space<vmem_shared>>
      %dma_wait3A_602 = arith.constant 0 : i32
      %dma_wait3A_603 = tpu.memref_slice %arg11[%mul3A_10, %dma_wait3A_602] : memref<10240x16xf32, #tpu.memory_space<vmem_shared>> -> memref<640x16xf32, #tpu.memory_space<vmem_shared>>
      tpu.wait_dma2 semaphore(%run_scoped3A_595 : memref<!tpu.dma_semaphore, #tpu.memory_space<semaphore_mem>>) src(%arg8 : memref<640x16xf32, #tpu.memory_space<vmem>>) dst(%dma_wait3A_603 : memref<640x16xf32, #tpu.memory_space<vmem_shared>>)
      tpu.yield
    }) : () -> ()
    %mul3A_11 = arith.constant 20 : i32
    %mul3A_12 = arith.muli %add3A, %mul3A_11 : i32
    %run_scoped3A = arith.constant 0 : i32
    "tpu.region"() ({
      %run_scoped3A_595 = tpu.sem_alloc : memref<!tpu.dma_semaphore, #tpu.memory_space<semaphore_mem>>
      %dma_start3A_596 = arith.constant 0 : i32
      %dma_start3A_597 = tpu.memref_slice %arg2[%run_scoped3A, %mul3A_12, %dma_start3A_596] : memref<2x640x500xi32, #tpu.memory_space<hbm>> -> memref<1x20x500xi32, #tpu.memory_space<hbm>>
      %dma_start3A_598 = tpu.memref_squeeze %dma_start3A_597 : memref<1x20x500xi32, #tpu.memory_space<hbm>> -> memref<20x500xi32, #tpu.memory_space<hbm>>
      %dma_start3A_599 = arith.constant 0 : i32
      %dma_start3A_600 = tpu.memref_slice %arg2[%run_scoped3A, %mul3A_12, %dma_start3A_599] : memref<2x640x500xi32, #tpu.memory_space<hbm>> -> memref<1x20x500xi32, #tpu.memory_space<hbm>>
      %dma_start3A_601 = tpu.memref_squeeze %dma_start3A_600 : memref<1x20x500xi32, #tpu.memory_space<hbm>> -> memref<20x500xi32, #tpu.memory_space<hbm>>
      tpu.enqueue_dma source(%dma_start3A_601 : memref<20x500xi32, #tpu.memory_space<hbm>>) target(%arg5 : memref<20x500xi32, #tpu.memory_space<vmem>>) target_semaphore(%run_scoped3A_595 : memref<!tpu.dma_semaphore, #tpu.memory_space<semaphore_mem>>)
      %dma_wait3A_602 = arith.constant 0 : i32
      %dma_wait3A_603 = tpu.memref_slice %arg2[%run_scoped3A, %mul3A_12, %dma_wait3A_602] : memref<2x640x500xi32, #tpu.memory_space<hbm>> -> memref<1x20x500xi32, #tpu.memory_space<hbm>>
      %dma_wait3A_604 = tpu.memref_squeeze %dma_wait3A_603 : memref<1x20x500xi32, #tpu.memory_space<hbm>> -> memref<20x500xi32, #tpu.memory_space<hbm>>
      %dma_wait3A_605 = arith.constant 0 : i32
      %dma_wait3A_606 = tpu.memref_slice %arg2[%run_scoped3A, %mul3A_12, %dma_wait3A_605] : memref<2x640x500xi32, #tpu.memory_space<hbm>> -> memref<1x20x500xi32, #tpu.memory_space<hbm>>
      %dma_wait3A_607 = tpu.memref_squeeze %dma_wait3A_606 : memref<1x20x500xi32, #tpu.memory_space<hbm>> -> memref<20x500xi32, #tpu.memory_space<hbm>>
      tpu.wait_dma2 semaphore(%run_scoped3A_595 : memref<!tpu.dma_semaphore, #tpu.memory_space<semaphore_mem>>) src(%dma_wait3A_607 : memref<20x500xi32, #tpu.memory_space<hbm>>) dst(%arg5 : memref<20x500xi32, #tpu.memory_space<vmem>>)
      tpu.yield
    }) : () -> ()
    %run_scoped3A_13 = arith.constant 1 : i32
    "tpu.region"() ({
      %run_scoped3A_595 = tpu.sem_alloc : memref<!tpu.dma_semaphore, #tpu.memory_space<semaphore_mem>>
      %dma_start3A_596 = arith.constant 0 : i32
      %dma_start3A_597 = tpu.memref_slice %arg2[%run_scoped3A_13, %mul3A_12, %dma_start3A_596] : memref<2x640x500xi32, #tpu.memory_space<hbm>> -> memref<1x20x500xi32, #tpu.memory_space<hbm>>
      %dma_start3A_598 = tpu.memref_squeeze %dma_start3A_597 : memref<1x20x500xi32, #tpu.memory_space<hbm>> -> memref<20x500xi32, #tpu.memory_space<hbm>>
      %dma_start3A_599 = arith.constant 0 : i32
      %dma_start3A_600 = tpu.memref_slice %arg2[%run_scoped3A_13, %mul3A_12, %dma_start3A_599] : memref<2x640x500xi32, #tpu.memory_space<hbm>> -> memref<1x20x500xi32, #tpu.memory_space<hbm>>
      %dma_start3A_601 = tpu.memref_squeeze %dma_start3A_600 : memref<1x20x500xi32, #tpu.memory_space<hbm>> -> memref<20x500xi32, #tpu.memory_space<hbm>>
      tpu.enqueue_dma source(%dma_start3A_601 : memref<20x500xi32, #tpu.memory_space<hbm>>) target(%arg6 : memref<20x500xi32, #tpu.memory_space<vmem>>) target_semaphore(%run_scoped3A_595 : memref<!tpu.dma_semaphore, #tpu.memory_space<semaphore_mem>>)
      %dma_wait3A_602 = arith.constant 0 : i32
      %dma_wait3A_603 = tpu.memref_slice %arg2[%run_scoped3A_13, %mul3A_12, %dma_wait3A_602] : memref<2x640x500xi32, #tpu.memory_space<hbm>> -> memref<1x20x500xi32, #tpu.memory_space<hbm>>
      %dma_wait3A_604 = tpu.memref_squeeze %dma_wait3A_603 : memref<1x20x500xi32, #tpu.memory_space<hbm>> -> memref<20x500xi32, #tpu.memory_space<hbm>>
      %dma_wait3A_605 = arith.constant 0 : i32
      %dma_wait3A_606 = tpu.memref_slice %arg2[%run_scoped3A_13, %mul3A_12, %dma_wait3A_605] : memref<2x640x500xi32, #tpu.memory_space<hbm>> -> memref<1x20x500xi32, #tpu.memory_space<hbm>>
      %dma_wait3A_607 = tpu.memref_squeeze %dma_wait3A_606 : memref<1x20x500xi32, #tpu.memory_space<hbm>> -> memref<20x500xi32, #tpu.memory_space<hbm>>
      tpu.wait_dma2 semaphore(%run_scoped3A_595 : memref<!tpu.dma_semaphore, #tpu.memory_space<semaphore_mem>>) src(%dma_wait3A_607 : memref<20x500xi32, #tpu.memory_space<hbm>>) dst(%arg6 : memref<20x500xi32, #tpu.memory_space<vmem>>)
      tpu.yield
    }) : () -> ()
    %barrier3A = arith.constant 0 : index
    tpu.barrier barrier_id(%barrier3A)
    %dma_start3A = arith.constant 0 : i32
    %dma_start3A_14 = arith.constant 0 : i32
    %dma_start3A_15 = tpu.memref_slice %arg5[%dma_start3A, %dma_start3A_14] : memref<20x500xi32, #tpu.memory_space<vmem>> -> memref<1x500xi32, #tpu.memory_space<vmem>>
    %dma_start3A_16 = tpu.memref_squeeze %dma_start3A_15 : memref<1x500xi32, #tpu.memory_space<vmem>> -> memref<500xi32, #tpu.memory_space<vmem>>
    %dma_start3A_17 = arith.constant 0 : i32
    %dma_start3A_18 = arith.constant 0 : i32
    %dma_start3A_19 = tpu.memref_slice %arg10[%dma_start3A_17, %dma_start3A_18] : memref<10240x16xf32, #tpu.memory_space<vmem_shared>> -> memref<10240x16xf32, #tpu.memory_space<vmem_shared>>
    tpu.enqueue_indirect_dma source(%arg7 : memref<500x16xf32, #tpu.memory_space<vmem>>) target(%dma_start3A_19 : memref<10240x16xf32, #tpu.memory_space<vmem_shared>>) offsets(%dma_start3A_16 : memref<500xi32, #tpu.memory_space<vmem>>) semaphore(%arg12 : memref<!tpu.dma_semaphore, #tpu.memory_space<semaphore_mem>>) {add = true}
    %dma_start3A_20 = arith.constant 0 : i32
    %dma_start3A_21 = arith.constant 0 : i32
    %dma_start3A_22 = tpu.memref_slice %arg6[%dma_start3A_20, %dma_start3A_21] : memref<20x500xi32, #tpu.memory_space<vmem>> -> memref<1x500xi32, #tpu.memory_space<vmem>>
    %dma_start3A_23 = tpu.memref_squeeze %dma_start3A_22 : memref<1x500xi32, #tpu.memory_space<vmem>> -> memref<500xi32, #tpu.memory_space<vmem>>
    %dma_start3A_24 = arith.constant 0 : i32
    %dma_start3A_25 = arith.constant 0 : i32
    %dma_start3A_26 = tpu.memref_slice %arg11[%dma_start3A_24, %dma_start3A_25] : memref<10240x16xf32, #tpu.memory_space<vmem_shared>> -> memref<10240x16xf32, #tpu.memory_space<vmem_shared>>
    tpu.enqueue_indirect_dma source(%arg7 : memref<500x16xf32, #tpu.memory_space<vmem>>) target(%dma_start3A_26 : memref<10240x16xf32, #tpu.memory_space<vmem_shared>>) offsets(%dma_start3A_23 : memref<500xi32, #tpu.memory_space<vmem>>) semaphore(%arg13 : memref<!tpu.dma_semaphore, #tpu.memory_space<semaphore_mem>>) {add = true}
    %dma_start3A_27 = arith.constant 1 : i32
    %dma_start3A_28 = arith.constant 0 : i32
    %dma_start3A_29 = tpu.memref_slice %arg5[%dma_start3A_27, %dma_start3A_28] : memref<20x500xi32, #tpu.memory_space<vmem>> -> memref<1x500xi32, #tpu.memory_space<vmem>>
    %dma_start3A_30 = tpu.memref_squeeze %dma_start3A_29 : memref<1x500xi32, #tpu.memory_space<vmem>> -> memref<500xi32, #tpu.memory_space<vmem>>
    %dma_start3A_31 = arith.constant 0 : i32
    %dma_start3A_32 = arith.constant 0 : i32
    %dma_start3A_33 = tpu.memref_slice %arg10[%dma_start3A_31, %dma_start3A_32] : memref<10240x16xf32, #tpu.memory_space<vmem_shared>> -> memref<10240x16xf32, #tpu.memory_space<vmem_shared>>
    tpu.enqueue_indirect_dma source(%arg7 : memref<500x16xf32, #tpu.memory_space<vmem>>) target(%dma_start3A_33 : memref<10240x16xf32, #tpu.memory_space<vmem_shared>>) offsets(%dma_start3A_30 : memref<500xi32, #tpu.memory_space<vmem>>) semaphore(%arg12 : memref<!tpu.dma_semaphore, #tpu.memory_space<semaphore_mem>>) {add = true}
    %dma_start3A_34 = arith.constant 1 : i32
    %dma_start3A_35 = arith.constant 0 : i32
    %dma_start3A_36 = tpu.memref_slice %arg6[%dma_start3A_34, %dma_start3A_35] : memref<20x500xi32, #tpu.memory_space<vmem>> -> memref<1x500xi32, #tpu.memory_space<vmem>>
    %dma_start3A_37 = tpu.memref_squeeze %dma_start3A_36 : memref<1x500xi32, #tpu.memory_space<vmem>> -> memref<500xi32, #tpu.memory_space<vmem>>
    %dma_start3A_38 = arith.constant 0 : i32
    %dma_start3A_39 = arith.constant 0 : i32
    %dma_start3A_40 = tpu.memref_slice %arg11[%dma_start3A_38, %dma_start3A_39] : memref<10240x16xf32, #tpu.memory_space<vmem_shared>> -> memref<10240x16xf32, #tpu.memory_space<vmem_shared>>
    tpu.enqueue_indirect_dma source(%arg7 : memref<500x16xf32, #tpu.memory_space<vmem>>) target(%dma_start3A_40 : memref<10240x16xf32, #tpu.memory_space<vmem_shared>>) offsets(%dma_start3A_37 : memref<500xi32, #tpu.memory_space<vmem>>) semaphore(%arg13 : memref<!tpu.dma_semaphore, #tpu.memory_space<semaphore_mem>>) {add = true}
    %dma_start3A_41 = arith.constant 2 : i32
    %dma_start3A_42 = arith.constant 0 : i32
    %dma_start3A_43 = tpu.memref_slice %arg5[%dma_start3A_41, %dma_start3A_42] : memref<20x500xi32, #tpu.memory_space<vmem>> -> memref<1x500xi32, #tpu.memory_space<vmem>>
    %dma_start3A_44 = tpu.memref_squeeze %dma_start3A_43 : memref<1x500xi32, #tpu.memory_space<vmem>> -> memref<500xi32, #tpu.memory_space<vmem>>
    %dma_start3A_45 = arith.constant 0 : i32
    %dma_start3A_46 = arith.constant 0 : i32
    %dma_start3A_47 = tpu.memref_slice %arg10[%dma_start3A_45, %dma_start3A_46] : memref<10240x16xf32, #tpu.memory_space<vmem_shared>> -> memref<10240x16xf32, #tpu.memory_space<vmem_shared>>
    tpu.enqueue_indirect_dma source(%arg7 : memref<500x16xf32, #tpu.memory_space<vmem>>) target(%dma_start3A_47 : memref<10240x16xf32, #tpu.memory_space<vmem_shared>>) offsets(%dma_start3A_44 : memref<500xi32, #tpu.memory_space<vmem>>) semaphore(%arg12 : memref<!tpu.dma_semaphore, #tpu.memory_space<semaphore_mem>>) {add = true}
    %dma_start3A_48 = arith.constant 2 : i32
    %dma_start3A_49 = arith.constant 0 : i32
    %dma_start3A_50 = tpu.memref_slice %arg6[%dma_start3A_48, %dma_start3A_49] : memref<20x500xi32, #tpu.memory_space<vmem>> -> memref<1x500xi32, #tpu.memory_space<vmem>>
    %dma_start3A_51 = tpu.memref_squeeze %dma_start3A_50 : memref<1x500xi32, #tpu.memory_space<vmem>> -> memref<500xi32, #tpu.memory_space<vmem>>
    %dma_start3A_52 = arith.constant 0 : i32
    %dma_start3A_53 = arith.constant 0 : i32
    %dma_start3A_54 = tpu.memref_slice %arg11[%dma_start3A_52, %dma_start3A_53] : memref<10240x16xf32, #tpu.memory_space<vmem_shared>> -> memref<10240x16xf32, #tpu.memory_space<vmem_shared>>
    tpu.enqueue_indirect_dma source(%arg7 : memref<500x16xf32, #tpu.memory_space<vmem>>) target(%dma_start3A_54 : memref<10240x16xf32, #tpu.memory_space<vmem_shared>>) offsets(%dma_start3A_51 : memref<500xi32, #tpu.memory_space<vmem>>) semaphore(%arg13 : memref<!tpu.dma_semaphore, #tpu.memory_space<semaphore_mem>>) {add = true}
    %dma_start3A_55 = arith.constant 3 : i32
    %dma_start3A_56 = arith.constant 0 : i32
    %dma_start3A_57 = tpu.memref_slice %arg5[%dma_start3A_55, %dma_start3A_56] : memref<20x500xi32, #tpu.memory_space<vmem>> -> memref<1x500xi32, #tpu.memory_space<vmem>>
    %dma_start3A_58 = tpu.memref_squeeze %dma_start3A_57 : memref<1x500xi32, #tpu.memory_space<vmem>> -> memref<500xi32, #tpu.memory_space<vmem>>
    %dma_start3A_59 = arith.constant 0 : i32
    %dma_start3A_60 = arith.constant 0 : i32
    %dma_start3A_61 = tpu.memref_slice %arg10[%dma_start3A_59, %dma_start3A_60] : memref<10240x16xf32, #tpu.memory_space<vmem_shared>> -> memref<10240x16xf32, #tpu.memory_space<vmem_shared>>
    tpu.enqueue_indirect_dma source(%arg7 : memref<500x16xf32, #tpu.memory_space<vmem>>) target(%dma_start3A_61 : memref<10240x16xf32, #tpu.memory_space<vmem_shared>>) offsets(%dma_start3A_58 : memref<500xi32, #tpu.memory_space<vmem>>) semaphore(%arg12 : memref<!tpu.dma_semaphore, #tpu.memory_space<semaphore_mem>>) {add = true}
    %dma_start3A_62 = arith.constant 3 : i32
    %dma_start3A_63 = arith.constant 0 : i32
    %dma_start3A_64 = tpu.memref_slice %arg6[%dma_start3A_62, %dma_start3A_63] : memref<20x500xi32, #tpu.memory_space<vmem>> -> memref<1x500xi32, #tpu.memory_space<vmem>>
    %dma_start3A_65 = tpu.memref_squeeze %dma_start3A_64 : memref<1x500xi32, #tpu.memory_space<vmem>> -> memref<500xi32, #tpu.memory_space<vmem>>
    %dma_start3A_66 = arith.constant 0 : i32
    %dma_start3A_67 = arith.constant 0 : i32
    %dma_start3A_68 = tpu.memref_slice %arg11[%dma_start3A_66, %dma_start3A_67] : memref<10240x16xf32, #tpu.memory_space<vmem_shared>> -> memref<10240x16xf32, #tpu.memory_space<vmem_shared>>
    tpu.enqueue_indirect_dma source(%arg7 : memref<500x16xf32, #tpu.memory_space<vmem>>) target(%dma_start3A_68 : memref<10240x16xf32, #tpu.memory_space<vmem_shared>>) offsets(%dma_start3A_65 : memref<500xi32, #tpu.memory_space<vmem>>) semaphore(%arg13 : memref<!tpu.dma_semaphore, #tpu.memory_space<semaphore_mem>>) {add = true}
    %dma_start3A_69 = arith.constant 4 : i32
    %dma_start3A_70 = arith.constant 0 : i32
    %dma_start3A_71 = tpu.memref_slice %arg5[%dma_start3A_69, %dma_start3A_70] : memref<20x500xi32, #tpu.memory_space<vmem>> -> memref<1x500xi32, #tpu.memory_space<vmem>>
    %dma_start3A_72 = tpu.memref_squeeze %dma_start3A_71 : memref<1x500xi32, #tpu.memory_space<vmem>> -> memref<500xi32, #tpu.memory_space<vmem>>
    %dma_start3A_73 = arith.constant 0 : i32
    %dma_start3A_74 = arith.constant 0 : i32
    %dma_start3A_75 = tpu.memref_slice %arg10[%dma_start3A_73, %dma_start3A_74] : memref<10240x16xf32, #tpu.memory_space<vmem_shared>> -> memref<10240x16xf32, #tpu.memory_space<vmem_shared>>
    tpu.enqueue_indirect_dma source(%arg7 : memref<500x16xf32, #tpu.memory_space<vmem>>) target(%dma_start3A_75 : memref<10240x16xf32, #tpu.memory_space<vmem_shared>>) offsets(%dma_start3A_72 : memref<500xi32, #tpu.memory_space<vmem>>) semaphore(%arg12 : memref<!tpu.dma_semaphore, #tpu.memory_space<semaphore_mem>>) {add = true}
    %dma_start3A_76 = arith.constant 4 : i32
    %dma_start3A_77 = arith.constant 0 : i32
    %dma_start3A_78 = tpu.memref_slice %arg6[%dma_start3A_76, %dma_start3A_77] : memref<20x500xi32, #tpu.memory_space<vmem>> -> memref<1x500xi32, #tpu.memory_space<vmem>>
    %dma_start3A_79 = tpu.memref_squeeze %dma_start3A_78 : memref<1x500xi32, #tpu.memory_space<vmem>> -> memref<500xi32, #tpu.memory_space<vmem>>
    %dma_start3A_80 = arith.constant 0 : i32
    %dma_start3A_81 = arith.constant 0 : i32
    %dma_start3A_82 = tpu.memref_slice %arg11[%dma_start3A_80, %dma_start3A_81] : memref<10240x16xf32, #tpu.memory_space<vmem_shared>> -> memref<10240x16xf32, #tpu.memory_space<vmem_shared>>
    tpu.enqueue_indirect_dma source(%arg7 : memref<500x16xf32, #tpu.memory_space<vmem>>) target(%dma_start3A_82 : memref<10240x16xf32, #tpu.memory_space<vmem_shared>>) offsets(%dma_start3A_79 : memref<500xi32, #tpu.memory_space<vmem>>) semaphore(%arg13 : memref<!tpu.dma_semaphore, #tpu.memory_space<semaphore_mem>>) {add = true}
    %dma_start3A_83 = arith.constant 5 : i32
    %dma_start3A_84 = arith.constant 0 : i32
    %dma_start3A_85 = tpu.memref_slice %arg5[%dma_start3A_83, %dma_start3A_84] : memref<20x500xi32, #tpu.memory_space<vmem>> -> memref<1x500xi32, #tpu.memory_space<vmem>>
    %dma_start3A_86 = tpu.memref_squeeze %dma_start3A_85 : memref<1x500xi32, #tpu.memory_space<vmem>> -> memref<500xi32, #tpu.memory_space<vmem>>
    %dma_start3A_87 = arith.constant 0 : i32
    %dma_start3A_88 = arith.constant 0 : i32
    %dma_start3A_89 = tpu.memref_slice %arg10[%dma_start3A_87, %dma_start3A_88] : memref<10240x16xf32, #tpu.memory_space<vmem_shared>> -> memref<10240x16xf32, #tpu.memory_space<vmem_shared>>
    tpu.enqueue_indirect_dma source(%arg7 : memref<500x16xf32, #tpu.memory_space<vmem>>) target(%dma_start3A_89 : memref<10240x16xf32, #tpu.memory_space<vmem_shared>>) offsets(%dma_start3A_86 : memref<500xi32, #tpu.memory_space<vmem>>) semaphore(%arg12 : memref<!tpu.dma_semaphore, #tpu.memory_space<semaphore_mem>>) {add = true}
    %dma_start3A_90 = arith.constant 5 : i32
    %dma_start3A_91 = arith.constant 0 : i32
    %dma_start3A_92 = tpu.memref_slice %arg6[%dma_start3A_90, %dma_start3A_91] : memref<20x500xi32, #tpu.memory_space<vmem>> -> memref<1x500xi32, #tpu.memory_space<vmem>>
    %dma_start3A_93 = tpu.memref_squeeze %dma_start3A_92 : memref<1x500xi32, #tpu.memory_space<vmem>> -> memref<500xi32, #tpu.memory_space<vmem>>
    %dma_start3A_94 = arith.constant 0 : i32
    %dma_start3A_95 = arith.constant 0 : i32
    %dma_start3A_96 = tpu.memref_slice %arg11[%dma_start3A_94, %dma_start3A_95] : memref<10240x16xf32, #tpu.memory_space<vmem_shared>> -> memref<10240x16xf32, #tpu.memory_space<vmem_shared>>
    tpu.enqueue_indirect_dma source(%arg7 : memref<500x16xf32, #tpu.memory_space<vmem>>) target(%dma_start3A_96 : memref<10240x16xf32, #tpu.memory_space<vmem_shared>>) offsets(%dma_start3A_93 : memref<500xi32, #tpu.memory_space<vmem>>) semaphore(%arg13 : memref<!tpu.dma_semaphore, #tpu.memory_space<semaphore_mem>>) {add = true}
    %dma_start3A_97 = arith.constant 6 : i32
    %dma_start3A_98 = arith.constant 0 : i32
    %dma_start3A_99 = tpu.memref_slice %arg5[%dma_start3A_97, %dma_start3A_98] : memref<20x500xi32, #tpu.memory_space<vmem>> -> memref<1x500xi32, #tpu.memory_space<vmem>>
    %dma_start3A_100 = tpu.memref_squeeze %dma_start3A_99 : memref<1x500xi32, #tpu.memory_space<vmem>> -> memref<500xi32, #tpu.memory_space<vmem>>
    %dma_start3A_101 = arith.constant 0 : i32
    %dma_start3A_102 = arith.constant 0 : i32
    %dma_start3A_103 = tpu.memref_slice %arg10[%dma_start3A_101, %dma_start3A_102] : memref<10240x16xf32, #tpu.memory_space<vmem_shared>> -> memref<10240x16xf32, #tpu.memory_space<vmem_shared>>
    tpu.enqueue_indirect_dma source(%arg7 : memref<500x16xf32, #tpu.memory_space<vmem>>) target(%dma_start3A_103 : memref<10240x16xf32, #tpu.memory_space<vmem_shared>>) offsets(%dma_start3A_100 : memref<500xi32, #tpu.memory_space<vmem>>) semaphore(%arg12 : memref<!tpu.dma_semaphore, #tpu.memory_space<semaphore_mem>>) {add = true}
    %dma_start3A_104 = arith.constant 6 : i32
    %dma_start3A_105 = arith.constant 0 : i32
    %dma_start3A_106 = tpu.memref_slice %arg6[%dma_start3A_104, %dma_start3A_105] : memref<20x500xi32, #tpu.memory_space<vmem>> -> memref<1x500xi32, #tpu.memory_space<vmem>>
    %dma_start3A_107 = tpu.memref_squeeze %dma_start3A_106 : memref<1x500xi32, #tpu.memory_space<vmem>> -> memref<500xi32, #tpu.memory_space<vmem>>
    %dma_start3A_108 = arith.constant 0 : i32
    %dma_start3A_109 = arith.constant 0 : i32
    %dma_start3A_110 = tpu.memref_slice %arg11[%dma_start3A_108, %dma_start3A_109] : memref<10240x16xf32, #tpu.memory_space<vmem_shared>> -> memref<10240x16xf32, #tpu.memory_space<vmem_shared>>
    tpu.enqueue_indirect_dma source(%arg7 : memref<500x16xf32, #tpu.memory_space<vmem>>) target(%dma_start3A_110 : memref<10240x16xf32, #tpu.memory_space<vmem_shared>>) offsets(%dma_start3A_107 : memref<500xi32, #tpu.memory_space<vmem>>) semaphore(%arg13 : memref<!tpu.dma_semaphore, #tpu.memory_space<semaphore_mem>>) {add = true}
    %dma_start3A_111 = arith.constant 7 : i32
    %dma_start3A_112 = arith.constant 0 : i32
    %dma_start3A_113 = tpu.memref_slice %arg5[%dma_start3A_111, %dma_start3A_112] : memref<20x500xi32, #tpu.memory_space<vmem>> -> memref<1x500xi32, #tpu.memory_space<vmem>>
    %dma_start3A_114 = tpu.memref_squeeze %dma_start3A_113 : memref<1x500xi32, #tpu.memory_space<vmem>> -> memref<500xi32, #tpu.memory_space<vmem>>
    %dma_start3A_115 = arith.constant 0 : i32
    %dma_start3A_116 = arith.constant 0 : i32
    %dma_start3A_117 = tpu.memref_slice %arg10[%dma_start3A_115, %dma_start3A_116] : memref<10240x16xf32, #tpu.memory_space<vmem_shared>> -> memref<10240x16xf32, #tpu.memory_space<vmem_shared>>
    tpu.enqueue_indirect_dma source(%arg7 : memref<500x16xf32, #tpu.memory_space<vmem>>) target(%dma_start3A_117 : memref<10240x16xf32, #tpu.memory_space<vmem_shared>>) offsets(%dma_start3A_114 : memref<500xi32, #tpu.memory_space<vmem>>) semaphore(%arg12 : memref<!tpu.dma_semaphore, #tpu.memory_space<semaphore_mem>>) {add = true}
    %dma_start3A_118 = arith.constant 7 : i32
    %dma_start3A_119 = arith.constant 0 : i32
    %dma_start3A_120 = tpu.memref_slice %arg6[%dma_start3A_118, %dma_start3A_119] : memref<20x500xi32, #tpu.memory_space<vmem>> -> memref<1x500xi32, #tpu.memory_space<vmem>>
    %dma_start3A_121 = tpu.memref_squeeze %dma_start3A_120 : memref<1x500xi32, #tpu.memory_space<vmem>> -> memref<500xi32, #tpu.memory_space<vmem>>
    %dma_start3A_122 = arith.constant 0 : i32
    %dma_start3A_123 = arith.constant 0 : i32
    %dma_start3A_124 = tpu.memref_slice %arg11[%dma_start3A_122, %dma_start3A_123] : memref<10240x16xf32, #tpu.memory_space<vmem_shared>> -> memref<10240x16xf32, #tpu.memory_space<vmem_shared>>
    tpu.enqueue_indirect_dma source(%arg7 : memref<500x16xf32, #tpu.memory_space<vmem>>) target(%dma_start3A_124 : memref<10240x16xf32, #tpu.memory_space<vmem_shared>>) offsets(%dma_start3A_121 : memref<500xi32, #tpu.memory_space<vmem>>) semaphore(%arg13 : memref<!tpu.dma_semaphore, #tpu.memory_space<semaphore_mem>>) {add = true}
    %dma_start3A_125 = arith.constant 8 : i32
    %dma_start3A_126 = arith.constant 0 : i32
    %dma_start3A_127 = tpu.memref_slice %arg5[%dma_start3A_125, %dma_start3A_126] : memref<20x500xi32, #tpu.memory_space<vmem>> -> memref<1x500xi32, #tpu.memory_space<vmem>>
    %dma_start3A_128 = tpu.memref_squeeze %dma_start3A_127 : memref<1x500xi32, #tpu.memory_space<vmem>> -> memref<500xi32, #tpu.memory_space<vmem>>
    %dma_start3A_129 = arith.constant 0 : i32
    %dma_start3A_130 = arith.constant 0 : i32
    %dma_start3A_131 = tpu.memref_slice %arg10[%dma_start3A_129, %dma_start3A_130] : memref<10240x16xf32, #tpu.memory_space<vmem_shared>> -> memref<10240x16xf32, #tpu.memory_space<vmem_shared>>
    tpu.enqueue_indirect_dma source(%arg7 : memref<500x16xf32, #tpu.memory_space<vmem>>) target(%dma_start3A_131 : memref<10240x16xf32, #tpu.memory_space<vmem_shared>>) offsets(%dma_start3A_128 : memref<500xi32, #tpu.memory_space<vmem>>) semaphore(%arg12 : memref<!tpu.dma_semaphore, #tpu.memory_space<semaphore_mem>>) {add = true}
    %dma_start3A_132 = arith.constant 8 : i32
    %dma_start3A_133 = arith.constant 0 : i32
    %dma_start3A_134 = tpu.memref_slice %arg6[%dma_start3A_132, %dma_start3A_133] : memref<20x500xi32, #tpu.memory_space<vmem>> -> memref<1x500xi32, #tpu.memory_space<vmem>>
    %dma_start3A_135 = tpu.memref_squeeze %dma_start3A_134 : memref<1x500xi32, #tpu.memory_space<vmem>> -> memref<500xi32, #tpu.memory_space<vmem>>
    %dma_start3A_136 = arith.constant 0 : i32
    %dma_start3A_137 = arith.constant 0 : i32
    %dma_start3A_138 = tpu.memref_slice %arg11[%dma_start3A_136, %dma_start3A_137] : memref<10240x16xf32, #tpu.memory_space<vmem_shared>> -> memref<10240x16xf32, #tpu.memory_space<vmem_shared>>
    tpu.enqueue_indirect_dma source(%arg7 : memref<500x16xf32, #tpu.memory_space<vmem>>) target(%dma_start3A_138 : memref<10240x16xf32, #tpu.memory_space<vmem_shared>>) offsets(%dma_start3A_135 : memref<500xi32, #tpu.memory_space<vmem>>) semaphore(%arg13 : memref<!tpu.dma_semaphore, #tpu.memory_space<semaphore_mem>>) {add = true}
    %dma_start3A_139 = arith.constant 9 : i32
    %dma_start3A_140 = arith.constant 0 : i32
    %dma_start3A_141 = tpu.memref_slice %arg5[%dma_start3A_139, %dma_start3A_140] : memref<20x500xi32, #tpu.memory_space<vmem>> -> memref<1x500xi32, #tpu.memory_space<vmem>>
    %dma_start3A_142 = tpu.memref_squeeze %dma_start3A_141 : memref<1x500xi32, #tpu.memory_space<vmem>> -> memref<500xi32, #tpu.memory_space<vmem>>
    %dma_start3A_143 = arith.constant 0 : i32
    %dma_start3A_144 = arith.constant 0 : i32
    %dma_start3A_145 = tpu.memref_slice %arg10[%dma_start3A_143, %dma_start3A_144] : memref<10240x16xf32, #tpu.memory_space<vmem_shared>> -> memref<10240x16xf32, #tpu.memory_space<vmem_shared>>
    tpu.enqueue_indirect_dma source(%arg7 : memref<500x16xf32, #tpu.memory_space<vmem>>) target(%dma_start3A_145 : memref<10240x16xf32, #tpu.memory_space<vmem_shared>>) offsets(%dma_start3A_142 : memref<500xi32, #tpu.memory_space<vmem>>) semaphore(%arg12 : memref<!tpu.dma_semaphore, #tpu.memory_space<semaphore_mem>>) {add = true}
    %dma_start3A_146 = arith.constant 9 : i32
    %dma_start3A_147 = arith.constant 0 : i32
    %dma_start3A_148 = tpu.memref_slice %arg6[%dma_start3A_146, %dma_start3A_147] : memref<20x500xi32, #tpu.memory_space<vmem>> -> memref<1x500xi32, #tpu.memory_space<vmem>>
    %dma_start3A_149 = tpu.memref_squeeze %dma_start3A_148 : memref<1x500xi32, #tpu.memory_space<vmem>> -> memref<500xi32, #tpu.memory_space<vmem>>
    %dma_start3A_150 = arith.constant 0 : i32
    %dma_start3A_151 = arith.constant 0 : i32
    %dma_start3A_152 = tpu.memref_slice %arg11[%dma_start3A_150, %dma_start3A_151] : memref<10240x16xf32, #tpu.memory_space<vmem_shared>> -> memref<10240x16xf32, #tpu.memory_space<vmem_shared>>
    tpu.enqueue_indirect_dma source(%arg7 : memref<500x16xf32, #tpu.memory_space<vmem>>) target(%dma_start3A_152 : memref<10240x16xf32, #tpu.memory_space<vmem_shared>>) offsets(%dma_start3A_149 : memref<500xi32, #tpu.memory_space<vmem>>) semaphore(%arg13 : memref<!tpu.dma_semaphore, #tpu.memory_space<semaphore_mem>>) {add = true}
    %dma_start3A_153 = arith.constant 10 : i32
    %dma_start3A_154 = arith.constant 0 : i32
    %dma_start3A_155 = tpu.memref_slice %arg5[%dma_start3A_153, %dma_start3A_154] : memref<20x500xi32, #tpu.memory_space<vmem>> -> memref<1x500xi32, #tpu.memory_space<vmem>>
    %dma_start3A_156 = tpu.memref_squeeze %dma_start3A_155 : memref<1x500xi32, #tpu.memory_space<vmem>> -> memref<500xi32, #tpu.memory_space<vmem>>
    %dma_start3A_157 = arith.constant 0 : i32
    %dma_start3A_158 = arith.constant 0 : i32
    %dma_start3A_159 = tpu.memref_slice %arg10[%dma_start3A_157, %dma_start3A_158] : memref<10240x16xf32, #tpu.memory_space<vmem_shared>> -> memref<10240x16xf32, #tpu.memory_space<vmem_shared>>
    tpu.enqueue_indirect_dma source(%arg7 : memref<500x16xf32, #tpu.memory_space<vmem>>) target(%dma_start3A_159 : memref<10240x16xf32, #tpu.memory_space<vmem_shared>>) offsets(%dma_start3A_156 : memref<500xi32, #tpu.memory_space<vmem>>) semaphore(%arg12 : memref<!tpu.dma_semaphore, #tpu.memory_space<semaphore_mem>>) {add = true}
    %dma_start3A_160 = arith.constant 10 : i32
    %dma_start3A_161 = arith.constant 0 : i32
    %dma_start3A_162 = tpu.memref_slice %arg6[%dma_start3A_160, %dma_start3A_161] : memref<20x500xi32, #tpu.memory_space<vmem>> -> memref<1x500xi32, #tpu.memory_space<vmem>>
    %dma_start3A_163 = tpu.memref_squeeze %dma_start3A_162 : memref<1x500xi32, #tpu.memory_space<vmem>> -> memref<500xi32, #tpu.memory_space<vmem>>
    %dma_start3A_164 = arith.constant 0 : i32
    %dma_start3A_165 = arith.constant 0 : i32
    %dma_start3A_166 = tpu.memref_slice %arg11[%dma_start3A_164, %dma_start3A_165] : memref<10240x16xf32, #tpu.memory_space<vmem_shared>> -> memref<10240x16xf32, #tpu.memory_space<vmem_shared>>
    tpu.enqueue_indirect_dma source(%arg7 : memref<500x16xf32, #tpu.memory_space<vmem>>) target(%dma_start3A_166 : memref<10240x16xf32, #tpu.memory_space<vmem_shared>>) offsets(%dma_start3A_163 : memref<500xi32, #tpu.memory_space<vmem>>) semaphore(%arg13 : memref<!tpu.dma_semaphore, #tpu.memory_space<semaphore_mem>>) {add = true}
    %dma_start3A_167 = arith.constant 11 : i32
    %dma_start3A_168 = arith.constant 0 : i32
    %dma_start3A_169 = tpu.memref_slice %arg5[%dma_start3A_167, %dma_start3A_168] : memref<20x500xi32, #tpu.memory_space<vmem>> -> memref<1x500xi32, #tpu.memory_space<vmem>>
    %dma_start3A_170 = tpu.memref_squeeze %dma_start3A_169 : memref<1x500xi32, #tpu.memory_space<vmem>> -> memref<500xi32, #tpu.memory_space<vmem>>
    %dma_start3A_171 = arith.constant 0 : i32
    %dma_start3A_172 = arith.constant 0 : i32
    %dma_start3A_173 = tpu.memref_slice %arg10[%dma_start3A_171, %dma_start3A_172] : memref<10240x16xf32, #tpu.memory_space<vmem_shared>> -> memref<10240x16xf32, #tpu.memory_space<vmem_shared>>
    tpu.enqueue_indirect_dma source(%arg7 : memref<500x16xf32, #tpu.memory_space<vmem>>) target(%dma_start3A_173 : memref<10240x16xf32, #tpu.memory_space<vmem_shared>>) offsets(%dma_start3A_170 : memref<500xi32, #tpu.memory_space<vmem>>) semaphore(%arg12 : memref<!tpu.dma_semaphore, #tpu.memory_space<semaphore_mem>>) {add = true}
    %dma_start3A_174 = arith.constant 11 : i32
    %dma_start3A_175 = arith.constant 0 : i32
    %dma_start3A_176 = tpu.memref_slice %arg6[%dma_start3A_174, %dma_start3A_175] : memref<20x500xi32, #tpu.memory_space<vmem>> -> memref<1x500xi32, #tpu.memory_space<vmem>>
    %dma_start3A_177 = tpu.memref_squeeze %dma_start3A_176 : memref<1x500xi32, #tpu.memory_space<vmem>> -> memref<500xi32, #tpu.memory_space<vmem>>
    %dma_start3A_178 = arith.constant 0 : i32
    %dma_start3A_179 = arith.constant 0 : i32
    %dma_start3A_180 = tpu.memref_slice %arg11[%dma_start3A_178, %dma_start3A_179] : memref<10240x16xf32, #tpu.memory_space<vmem_shared>> -> memref<10240x16xf32, #tpu.memory_space<vmem_shared>>
    tpu.enqueue_indirect_dma source(%arg7 : memref<500x16xf32, #tpu.memory_space<vmem>>) target(%dma_start3A_180 : memref<10240x16xf32, #tpu.memory_space<vmem_shared>>) offsets(%dma_start3A_177 : memref<500xi32, #tpu.memory_space<vmem>>) semaphore(%arg13 : memref<!tpu.dma_semaphore, #tpu.memory_space<semaphore_mem>>) {add = true}
    %dma_start3A_181 = arith.constant 12 : i32
    %dma_start3A_182 = arith.constant 0 : i32
    %dma_start3A_183 = tpu.memref_slice %arg5[%dma_start3A_181, %dma_start3A_182] : memref<20x500xi32, #tpu.memory_space<vmem>> -> memref<1x500xi32, #tpu.memory_space<vmem>>
    %dma_start3A_184 = tpu.memref_squeeze %dma_start3A_183 : memref<1x500xi32, #tpu.memory_space<vmem>> -> memref<500xi32, #tpu.memory_space<vmem>>
    %dma_start3A_185 = arith.constant 0 : i32
    %dma_start3A_186 = arith.constant 0 : i32
    %dma_start3A_187 = tpu.memref_slice %arg10[%dma_start3A_185, %dma_start3A_186] : memref<10240x16xf32, #tpu.memory_space<vmem_shared>> -> memref<10240x16xf32, #tpu.memory_space<vmem_shared>>
    tpu.enqueue_indirect_dma source(%arg7 : memref<500x16xf32, #tpu.memory_space<vmem>>) target(%dma_start3A_187 : memref<10240x16xf32, #tpu.memory_space<vmem_shared>>) offsets(%dma_start3A_184 : memref<500xi32, #tpu.memory_space<vmem>>) semaphore(%arg12 : memref<!tpu.dma_semaphore, #tpu.memory_space<semaphore_mem>>) {add = true}
    %dma_start3A_188 = arith.constant 12 : i32
    %dma_start3A_189 = arith.constant 0 : i32
    %dma_start3A_190 = tpu.memref_slice %arg6[%dma_start3A_188, %dma_start3A_189] : memref<20x500xi32, #tpu.memory_space<vmem>> -> memref<1x500xi32, #tpu.memory_space<vmem>>
    %dma_start3A_191 = tpu.memref_squeeze %dma_start3A_190 : memref<1x500xi32, #tpu.memory_space<vmem>> -> memref<500xi32, #tpu.memory_space<vmem>>
    %dma_start3A_192 = arith.constant 0 : i32
    %dma_start3A_193 = arith.constant 0 : i32
    %dma_start3A_194 = tpu.memref_slice %arg11[%dma_start3A_192, %dma_start3A_193] : memref<10240x16xf32, #tpu.memory_space<vmem_shared>> -> memref<10240x16xf32, #tpu.memory_space<vmem_shared>>
    tpu.enqueue_indirect_dma source(%arg7 : memref<500x16xf32, #tpu.memory_space<vmem>>) target(%dma_start3A_194 : memref<10240x16xf32, #tpu.memory_space<vmem_shared>>) offsets(%dma_start3A_191 : memref<500xi32, #tpu.memory_space<vmem>>) semaphore(%arg13 : memref<!tpu.dma_semaphore, #tpu.memory_space<semaphore_mem>>) {add = true}
    %dma_start3A_195 = arith.constant 13 : i32
    %dma_start3A_196 = arith.constant 0 : i32
    %dma_start3A_197 = tpu.memref_slice %arg5[%dma_start3A_195, %dma_start3A_196] : memref<20x500xi32, #tpu.memory_space<vmem>> -> memref<1x500xi32, #tpu.memory_space<vmem>>
    %dma_start3A_198 = tpu.memref_squeeze %dma_start3A_197 : memref<1x500xi32, #tpu.memory_space<vmem>> -> memref<500xi32, #tpu.memory_space<vmem>>
    %dma_start3A_199 = arith.constant 0 : i32
    %dma_start3A_200 = arith.constant 0 : i32
    %dma_start3A_201 = tpu.memref_slice %arg10[%dma_start3A_199, %dma_start3A_200] : memref<10240x16xf32, #tpu.memory_space<vmem_shared>> -> memref<10240x16xf32, #tpu.memory_space<vmem_shared>>
    tpu.enqueue_indirect_dma source(%arg7 : memref<500x16xf32, #tpu.memory_space<vmem>>) target(%dma_start3A_201 : memref<10240x16xf32, #tpu.memory_space<vmem_shared>>) offsets(%dma_start3A_198 : memref<500xi32, #tpu.memory_space<vmem>>) semaphore(%arg12 : memref<!tpu.dma_semaphore, #tpu.memory_space<semaphore_mem>>) {add = true}
    %dma_start3A_202 = arith.constant 13 : i32
    %dma_start3A_203 = arith.constant 0 : i32
    %dma_start3A_204 = tpu.memref_slice %arg6[%dma_start3A_202, %dma_start3A_203] : memref<20x500xi32, #tpu.memory_space<vmem>> -> memref<1x500xi32, #tpu.memory_space<vmem>>
    %dma_start3A_205 = tpu.memref_squeeze %dma_start3A_204 : memref<1x500xi32, #tpu.memory_space<vmem>> -> memref<500xi32, #tpu.memory_space<vmem>>
    %dma_start3A_206 = arith.constant 0 : i32
    %dma_start3A_207 = arith.constant 0 : i32
    %dma_start3A_208 = tpu.memref_slice %arg11[%dma_start3A_206, %dma_start3A_207] : memref<10240x16xf32, #tpu.memory_space<vmem_shared>> -> memref<10240x16xf32, #tpu.memory_space<vmem_shared>>
    tpu.enqueue_indirect_dma source(%arg7 : memref<500x16xf32, #tpu.memory_space<vmem>>) target(%dma_start3A_208 : memref<10240x16xf32, #tpu.memory_space<vmem_shared>>) offsets(%dma_start3A_205 : memref<500xi32, #tpu.memory_space<vmem>>) semaphore(%arg13 : memref<!tpu.dma_semaphore, #tpu.memory_space<semaphore_mem>>) {add = true}
    %dma_start3A_209 = arith.constant 14 : i32
    %dma_start3A_210 = arith.constant 0 : i32
    %dma_start3A_211 = tpu.memref_slice %arg5[%dma_start3A_209, %dma_start3A_210] : memref<20x500xi32, #tpu.memory_space<vmem>> -> memref<1x500xi32, #tpu.memory_space<vmem>>
    %dma_start3A_212 = tpu.memref_squeeze %dma_start3A_211 : memref<1x500xi32, #tpu.memory_space<vmem>> -> memref<500xi32, #tpu.memory_space<vmem>>
    %dma_start3A_213 = arith.constant 0 : i32
    %dma_start3A_214 = arith.constant 0 : i32
    %dma_start3A_215 = tpu.memref_slice %arg10[%dma_start3A_213, %dma_start3A_214] : memref<10240x16xf32, #tpu.memory_space<vmem_shared>> -> memref<10240x16xf32, #tpu.memory_space<vmem_shared>>
    tpu.enqueue_indirect_dma source(%arg7 : memref<500x16xf32, #tpu.memory_space<vmem>>) target(%dma_start3A_215 : memref<10240x16xf32, #tpu.memory_space<vmem_shared>>) offsets(%dma_start3A_212 : memref<500xi32, #tpu.memory_space<vmem>>) semaphore(%arg12 : memref<!tpu.dma_semaphore, #tpu.memory_space<semaphore_mem>>) {add = true}
    %dma_start3A_216 = arith.constant 14 : i32
    %dma_start3A_217 = arith.constant 0 : i32
    %dma_start3A_218 = tpu.memref_slice %arg6[%dma_start3A_216, %dma_start3A_217] : memref<20x500xi32, #tpu.memory_space<vmem>> -> memref<1x500xi32, #tpu.memory_space<vmem>>
    %dma_start3A_219 = tpu.memref_squeeze %dma_start3A_218 : memref<1x500xi32, #tpu.memory_space<vmem>> -> memref<500xi32, #tpu.memory_space<vmem>>
    %dma_start3A_220 = arith.constant 0 : i32
    %dma_start3A_221 = arith.constant 0 : i32
    %dma_start3A_222 = tpu.memref_slice %arg11[%dma_start3A_220, %dma_start3A_221] : memref<10240x16xf32, #tpu.memory_space<vmem_shared>> -> memref<10240x16xf32, #tpu.memory_space<vmem_shared>>
    tpu.enqueue_indirect_dma source(%arg7 : memref<500x16xf32, #tpu.memory_space<vmem>>) target(%dma_start3A_222 : memref<10240x16xf32, #tpu.memory_space<vmem_shared>>) offsets(%dma_start3A_219 : memref<500xi32, #tpu.memory_space<vmem>>) semaphore(%arg13 : memref<!tpu.dma_semaphore, #tpu.memory_space<semaphore_mem>>) {add = true}
    %dma_start3A_223 = arith.constant 15 : i32
    %dma_start3A_224 = arith.constant 0 : i32
    %dma_start3A_225 = tpu.memref_slice %arg5[%dma_start3A_223, %dma_start3A_224] : memref<20x500xi32, #tpu.memory_space<vmem>> -> memref<1x500xi32, #tpu.memory_space<vmem>>
    %dma_start3A_226 = tpu.memref_squeeze %dma_start3A_225 : memref<1x500xi32, #tpu.memory_space<vmem>> -> memref<500xi32, #tpu.memory_space<vmem>>
    %dma_start3A_227 = arith.constant 0 : i32
    %dma_start3A_228 = arith.constant 0 : i32
    %dma_start3A_229 = tpu.memref_slice %arg10[%dma_start3A_227, %dma_start3A_228] : memref<10240x16xf32, #tpu.memory_space<vmem_shared>> -> memref<10240x16xf32, #tpu.memory_space<vmem_shared>>
    tpu.enqueue_indirect_dma source(%arg7 : memref<500x16xf32, #tpu.memory_space<vmem>>) target(%dma_start3A_229 : memref<10240x16xf32, #tpu.memory_space<vmem_shared>>) offsets(%dma_start3A_226 : memref<500xi32, #tpu.memory_space<vmem>>) semaphore(%arg12 : memref<!tpu.dma_semaphore, #tpu.memory_space<semaphore_mem>>) {add = true}
    %dma_start3A_230 = arith.constant 15 : i32
    %dma_start3A_231 = arith.constant 0 : i32
    %dma_start3A_232 = tpu.memref_slice %arg6[%dma_start3A_230, %dma_start3A_231] : memref<20x500xi32, #tpu.memory_space<vmem>> -> memref<1x500xi32, #tpu.memory_space<vmem>>
    %dma_start3A_233 = tpu.memref_squeeze %dma_start3A_232 : memref<1x500xi32, #tpu.memory_space<vmem>> -> memref<500xi32, #tpu.memory_space<vmem>>
    %dma_start3A_234 = arith.constant 0 : i32
    %dma_start3A_235 = arith.constant 0 : i32
    %dma_start3A_236 = tpu.memref_slice %arg11[%dma_start3A_234, %dma_start3A_235] : memref<10240x16xf32, #tpu.memory_space<vmem_shared>> -> memref<10240x16xf32, #tpu.memory_space<vmem_shared>>
    tpu.enqueue_indirect_dma source(%arg7 : memref<500x16xf32, #tpu.memory_space<vmem>>) target(%dma_start3A_236 : memref<10240x16xf32, #tpu.memory_space<vmem_shared>>) offsets(%dma_start3A_233 : memref<500xi32, #tpu.memory_space<vmem>>) semaphore(%arg13 : memref<!tpu.dma_semaphore, #tpu.memory_space<semaphore_mem>>) {add = true}
    %dma_start3A_237 = arith.constant 16 : i32
    %dma_start3A_238 = arith.constant 0 : i32
    %dma_start3A_239 = tpu.memref_slice %arg5[%dma_start3A_237, %dma_start3A_238] : memref<20x500xi32, #tpu.memory_space<vmem>> -> memref<1x500xi32, #tpu.memory_space<vmem>>
    %dma_start3A_240 = tpu.memref_squeeze %dma_start3A_239 : memref<1x500xi32, #tpu.memory_space<vmem>> -> memref<500xi32, #tpu.memory_space<vmem>>
    %dma_start3A_241 = arith.constant 0 : i32
    %dma_start3A_242 = arith.constant 0 : i32
    %dma_start3A_243 = tpu.memref_slice %arg10[%dma_start3A_241, %dma_start3A_242] : memref<10240x16xf32, #tpu.memory_space<vmem_shared>> -> memref<10240x16xf32, #tpu.memory_space<vmem_shared>>
    tpu.enqueue_indirect_dma source(%arg7 : memref<500x16xf32, #tpu.memory_space<vmem>>) target(%dma_start3A_243 : memref<10240x16xf32, #tpu.memory_space<vmem_shared>>) offsets(%dma_start3A_240 : memref<500xi32, #tpu.memory_space<vmem>>) semaphore(%arg12 : memref<!tpu.dma_semaphore, #tpu.memory_space<semaphore_mem>>) {add = true}
    %dma_start3A_244 = arith.constant 16 : i32
    %dma_start3A_245 = arith.constant 0 : i32
    %dma_start3A_246 = tpu.memref_slice %arg6[%dma_start3A_244, %dma_start3A_245] : memref<20x500xi32, #tpu.memory_space<vmem>> -> memref<1x500xi32, #tpu.memory_space<vmem>>
    %dma_start3A_247 = tpu.memref_squeeze %dma_start3A_246 : memref<1x500xi32, #tpu.memory_space<vmem>> -> memref<500xi32, #tpu.memory_space<vmem>>
    %dma_start3A_248 = arith.constant 0 : i32
    %dma_start3A_249 = arith.constant 0 : i32
    %dma_start3A_250 = tpu.memref_slice %arg11[%dma_start3A_248, %dma_start3A_249] : memref<10240x16xf32, #tpu.memory_space<vmem_shared>> -> memref<10240x16xf32, #tpu.memory_space<vmem_shared>>
    tpu.enqueue_indirect_dma source(%arg7 : memref<500x16xf32, #tpu.memory_space<vmem>>) target(%dma_start3A_250 : memref<10240x16xf32, #tpu.memory_space<vmem_shared>>) offsets(%dma_start3A_247 : memref<500xi32, #tpu.memory_space<vmem>>) semaphore(%arg13 : memref<!tpu.dma_semaphore, #tpu.memory_space<semaphore_mem>>) {add = true}
    %dma_start3A_251 = arith.constant 17 : i32
    %dma_start3A_252 = arith.constant 0 : i32
    %dma_start3A_253 = tpu.memref_slice %arg5[%dma_start3A_251, %dma_start3A_252] : memref<20x500xi32, #tpu.memory_space<vmem>> -> memref<1x500xi32, #tpu.memory_space<vmem>>
    %dma_start3A_254 = tpu.memref_squeeze %dma_start3A_253 : memref<1x500xi32, #tpu.memory_space<vmem>> -> memref<500xi32, #tpu.memory_space<vmem>>
    %dma_start3A_255 = arith.constant 0 : i32
    %dma_start3A_256 = arith.constant 0 : i32
    %dma_start3A_257 = tpu.memref_slice %arg10[%dma_start3A_255, %dma_start3A_256] : memref<10240x16xf32, #tpu.memory_space<vmem_shared>> -> memref<10240x16xf32, #tpu.memory_space<vmem_shared>>
    tpu.enqueue_indirect_dma source(%arg7 : memref<500x16xf32, #tpu.memory_space<vmem>>) target(%dma_start3A_257 : memref<10240x16xf32, #tpu.memory_space<vmem_shared>>) offsets(%dma_start3A_254 : memref<500xi32, #tpu.memory_space<vmem>>) semaphore(%arg12 : memref<!tpu.dma_semaphore, #tpu.memory_space<semaphore_mem>>) {add = true}
    %dma_start3A_258 = arith.constant 17 : i32
    %dma_start3A_259 = arith.constant 0 : i32
    %dma_start3A_260 = tpu.memref_slice %arg6[%dma_start3A_258, %dma_start3A_259] : memref<20x500xi32, #tpu.memory_space<vmem>> -> memref<1x500xi32, #tpu.memory_space<vmem>>
    %dma_start3A_261 = tpu.memref_squeeze %dma_start3A_260 : memref<1x500xi32, #tpu.memory_space<vmem>> -> memref<500xi32, #tpu.memory_space<vmem>>
    %dma_start3A_262 = arith.constant 0 : i32
    %dma_start3A_263 = arith.constant 0 : i32
    %dma_start3A_264 = tpu.memref_slice %arg11[%dma_start3A_262, %dma_start3A_263] : memref<10240x16xf32, #tpu.memory_space<vmem_shared>> -> memref<10240x16xf32, #tpu.memory_space<vmem_shared>>
    tpu.enqueue_indirect_dma source(%arg7 : memref<500x16xf32, #tpu.memory_space<vmem>>) target(%dma_start3A_264 : memref<10240x16xf32, #tpu.memory_space<vmem_shared>>) offsets(%dma_start3A_261 : memref<500xi32, #tpu.memory_space<vmem>>) semaphore(%arg13 : memref<!tpu.dma_semaphore, #tpu.memory_space<semaphore_mem>>) {add = true}
    %dma_start3A_265 = arith.constant 18 : i32
    %dma_start3A_266 = arith.constant 0 : i32
    %dma_start3A_267 = tpu.memref_slice %arg5[%dma_start3A_265, %dma_start3A_266] : memref<20x500xi32, #tpu.memory_space<vmem>> -> memref<1x500xi32, #tpu.memory_space<vmem>>
    %dma_start3A_268 = tpu.memref_squeeze %dma_start3A_267 : memref<1x500xi32, #tpu.memory_space<vmem>> -> memref<500xi32, #tpu.memory_space<vmem>>
    %dma_start3A_269 = arith.constant 0 : i32
    %dma_start3A_270 = arith.constant 0 : i32
    %dma_start3A_271 = tpu.memref_slice %arg10[%dma_start3A_269, %dma_start3A_270] : memref<10240x16xf32, #tpu.memory_space<vmem_shared>> -> memref<10240x16xf32, #tpu.memory_space<vmem_shared>>
    tpu.enqueue_indirect_dma source(%arg7 : memref<500x16xf32, #tpu.memory_space<vmem>>) target(%dma_start3A_271 : memref<10240x16xf32, #tpu.memory_space<vmem_shared>>) offsets(%dma_start3A_268 : memref<500xi32, #tpu.memory_space<vmem>>) semaphore(%arg12 : memref<!tpu.dma_semaphore, #tpu.memory_space<semaphore_mem>>) {add = true}
    %dma_start3A_272 = arith.constant 18 : i32
    %dma_start3A_273 = arith.constant 0 : i32
    %dma_start3A_274 = tpu.memref_slice %arg6[%dma_start3A_272, %dma_start3A_273] : memref<20x500xi32, #tpu.memory_space<vmem>> -> memref<1x500xi32, #tpu.memory_space<vmem>>
    %dma_start3A_275 = tpu.memref_squeeze %dma_start3A_274 : memref<1x500xi32, #tpu.memory_space<vmem>> -> memref<500xi32, #tpu.memory_space<vmem>>
    %dma_start3A_276 = arith.constant 0 : i32
    %dma_start3A_277 = arith.constant 0 : i32
    %dma_start3A_278 = tpu.memref_slice %arg11[%dma_start3A_276, %dma_start3A_277] : memref<10240x16xf32, #tpu.memory_space<vmem_shared>> -> memref<10240x16xf32, #tpu.memory_space<vmem_shared>>
    tpu.enqueue_indirect_dma source(%arg7 : memref<500x16xf32, #tpu.memory_space<vmem>>) target(%dma_start3A_278 : memref<10240x16xf32, #tpu.memory_space<vmem_shared>>) offsets(%dma_start3A_275 : memref<500xi32, #tpu.memory_space<vmem>>) semaphore(%arg13 : memref<!tpu.dma_semaphore, #tpu.memory_space<semaphore_mem>>) {add = true}
    %dma_start3A_279 = arith.constant 19 : i32
    %dma_start3A_280 = arith.constant 0 : i32
    %dma_start3A_281 = tpu.memref_slice %arg5[%dma_start3A_279, %dma_start3A_280] : memref<20x500xi32, #tpu.memory_space<vmem>> -> memref<1x500xi32, #tpu.memory_space<vmem>>
    %dma_start3A_282 = tpu.memref_squeeze %dma_start3A_281 : memref<1x500xi32, #tpu.memory_space<vmem>> -> memref<500xi32, #tpu.memory_space<vmem>>
    %dma_start3A_283 = arith.constant 0 : i32
    %dma_start3A_284 = arith.constant 0 : i32
    %dma_start3A_285 = tpu.memref_slice %arg10[%dma_start3A_283, %dma_start3A_284] : memref<10240x16xf32, #tpu.memory_space<vmem_shared>> -> memref<10240x16xf32, #tpu.memory_space<vmem_shared>>
    tpu.enqueue_indirect_dma source(%arg7 : memref<500x16xf32, #tpu.memory_space<vmem>>) target(%dma_start3A_285 : memref<10240x16xf32, #tpu.memory_space<vmem_shared>>) offsets(%dma_start3A_282 : memref<500xi32, #tpu.memory_space<vmem>>) semaphore(%arg12 : memref<!tpu.dma_semaphore, #tpu.memory_space<semaphore_mem>>) {add = true}
    %dma_start3A_286 = arith.constant 19 : i32
    %dma_start3A_287 = arith.constant 0 : i32
    %dma_start3A_288 = tpu.memref_slice %arg6[%dma_start3A_286, %dma_start3A_287] : memref<20x500xi32, #tpu.memory_space<vmem>> -> memref<1x500xi32, #tpu.memory_space<vmem>>
    %dma_start3A_289 = tpu.memref_squeeze %dma_start3A_288 : memref<1x500xi32, #tpu.memory_space<vmem>> -> memref<500xi32, #tpu.memory_space<vmem>>
    %dma_start3A_290 = arith.constant 0 : i32
    %dma_start3A_291 = arith.constant 0 : i32
    %dma_start3A_292 = tpu.memref_slice %arg11[%dma_start3A_290, %dma_start3A_291] : memref<10240x16xf32, #tpu.memory_space<vmem_shared>> -> memref<10240x16xf32, #tpu.memory_space<vmem_shared>>
    tpu.enqueue_indirect_dma source(%arg7 : memref<500x16xf32, #tpu.memory_space<vmem>>) target(%dma_start3A_292 : memref<10240x16xf32, #tpu.memory_space<vmem_shared>>) offsets(%dma_start3A_289 : memref<500xi32, #tpu.memory_space<vmem>>) semaphore(%arg13 : memref<!tpu.dma_semaphore, #tpu.memory_space<semaphore_mem>>) {add = true}
    %dma_wait3A = arith.constant 0 : i32
    %dma_wait3A_293 = arith.constant 0 : i32
    %dma_wait3A_294 = tpu.memref_slice %arg5[%dma_wait3A, %dma_wait3A_293] : memref<20x500xi32, #tpu.memory_space<vmem>> -> memref<1x500xi32, #tpu.memory_space<vmem>>
    %dma_wait3A_295 = tpu.memref_squeeze %dma_wait3A_294 : memref<1x500xi32, #tpu.memory_space<vmem>> -> memref<500xi32, #tpu.memory_space<vmem>>
    %dma_wait3A_296 = arith.constant 0 : i32
    %dma_wait3A_297 = arith.constant 0 : i32
    %dma_wait3A_298 = tpu.memref_slice %arg10[%dma_wait3A_296, %dma_wait3A_297] : memref<10240x16xf32, #tpu.memory_space<vmem_shared>> -> memref<10240x16xf32, #tpu.memory_space<vmem_shared>>
    tpu.wait_indirect_dma semaphore(%arg12 : memref<!tpu.dma_semaphore, #tpu.memory_space<semaphore_mem>>) src(%arg7 : memref<500x16xf32, #tpu.memory_space<vmem>>) dst(%dma_wait3A_298 : memref<10240x16xf32, #tpu.memory_space<vmem_shared>>)
    %dma_wait3A_299 = arith.constant 0 : i32
    %dma_wait3A_300 = arith.constant 0 : i32
    %dma_wait3A_301 = tpu.memref_slice %arg6[%dma_wait3A_299, %dma_wait3A_300] : memref<20x500xi32, #tpu.memory_space<vmem>> -> memref<1x500xi32, #tpu.memory_space<vmem>>
    %dma_wait3A_302 = tpu.memref_squeeze %dma_wait3A_301 : memref<1x500xi32, #tpu.memory_space<vmem>> -> memref<500xi32, #tpu.memory_space<vmem>>
    %dma_wait3A_303 = arith.constant 0 : i32
    %dma_wait3A_304 = arith.constant 0 : i32
    %dma_wait3A_305 = tpu.memref_slice %arg11[%dma_wait3A_303, %dma_wait3A_304] : memref<10240x16xf32, #tpu.memory_space<vmem_shared>> -> memref<10240x16xf32, #tpu.memory_space<vmem_shared>>
    tpu.wait_indirect_dma semaphore(%arg13 : memref<!tpu.dma_semaphore, #tpu.memory_space<semaphore_mem>>) src(%arg7 : memref<500x16xf32, #tpu.memory_space<vmem>>) dst(%dma_wait3A_305 : memref<10240x16xf32, #tpu.memory_space<vmem_shared>>)
    %dma_wait3A_306 = arith.constant 1 : i32
    %dma_wait3A_307 = arith.constant 0 : i32
    %dma_wait3A_308 = tpu.memref_slice %arg5[%dma_wait3A_306, %dma_wait3A_307] : memref<20x500xi32, #tpu.memory_space<vmem>> -> memref<1x500xi32, #tpu.memory_space<vmem>>
    %dma_wait3A_309 = tpu.memref_squeeze %dma_wait3A_308 : memref<1x500xi32, #tpu.memory_space<vmem>> -> memref<500xi32, #tpu.memory_space<vmem>>
    %dma_wait3A_310 = arith.constant 0 : i32
    %dma_wait3A_311 = arith.constant 0 : i32
    %dma_wait3A_312 = tpu.memref_slice %arg10[%dma_wait3A_310, %dma_wait3A_311] : memref<10240x16xf32, #tpu.memory_space<vmem_shared>> -> memref<10240x16xf32, #tpu.memory_space<vmem_shared>>
    tpu.wait_indirect_dma semaphore(%arg12 : memref<!tpu.dma_semaphore, #tpu.memory_space<semaphore_mem>>) src(%arg7 : memref<500x16xf32, #tpu.memory_space<vmem>>) dst(%dma_wait3A_312 : memref<10240x16xf32, #tpu.memory_space<vmem_shared>>)
    %dma_wait3A_313 = arith.constant 1 : i32
    %dma_wait3A_314 = arith.constant 0 : i32
    %dma_wait3A_315 = tpu.memref_slice %arg6[%dma_wait3A_313, %dma_wait3A_314] : memref<20x500xi32, #tpu.memory_space<vmem>> -> memref<1x500xi32, #tpu.memory_space<vmem>>
    %dma_wait3A_316 = tpu.memref_squeeze %dma_wait3A_315 : memref<1x500xi32, #tpu.memory_space<vmem>> -> memref<500xi32, #tpu.memory_space<vmem>>
    %dma_wait3A_317 = arith.constant 0 : i32
    %dma_wait3A_318 = arith.constant 0 : i32
    %dma_wait3A_319 = tpu.memref_slice %arg11[%dma_wait3A_317, %dma_wait3A_318] : memref<10240x16xf32, #tpu.memory_space<vmem_shared>> -> memref<10240x16xf32, #tpu.memory_space<vmem_shared>>
    tpu.wait_indirect_dma semaphore(%arg13 : memref<!tpu.dma_semaphore, #tpu.memory_space<semaphore_mem>>) src(%arg7 : memref<500x16xf32, #tpu.memory_space<vmem>>) dst(%dma_wait3A_319 : memref<10240x16xf32, #tpu.memory_space<vmem_shared>>)
    %dma_wait3A_320 = arith.constant 2 : i32
    %dma_wait3A_321 = arith.constant 0 : i32
    %dma_wait3A_322 = tpu.memref_slice %arg5[%dma_wait3A_320, %dma_wait3A_321] : memref<20x500xi32, #tpu.memory_space<vmem>> -> memref<1x500xi32, #tpu.memory_space<vmem>>
    %dma_wait3A_323 = tpu.memref_squeeze %dma_wait3A_322 : memref<1x500xi32, #tpu.memory_space<vmem>> -> memref<500xi32, #tpu.memory_space<vmem>>
    %dma_wait3A_324 = arith.constant 0 : i32
    %dma_wait3A_325 = arith.constant 0 : i32
    %dma_wait3A_326 = tpu.memref_slice %arg10[%dma_wait3A_324, %dma_wait3A_325] : memref<10240x16xf32, #tpu.memory_space<vmem_shared>> -> memref<10240x16xf32, #tpu.memory_space<vmem_shared>>
    tpu.wait_indirect_dma semaphore(%arg12 : memref<!tpu.dma_semaphore, #tpu.memory_space<semaphore_mem>>) src(%arg7 : memref<500x16xf32, #tpu.memory_space<vmem>>) dst(%dma_wait3A_326 : memref<10240x16xf32, #tpu.memory_space<vmem_shared>>)
    %dma_wait3A_327 = arith.constant 2 : i32
    %dma_wait3A_328 = arith.constant 0 : i32
    %dma_wait3A_329 = tpu.memref_slice %arg6[%dma_wait3A_327, %dma_wait3A_328] : memref<20x500xi32, #tpu.memory_space<vmem>> -> memref<1x500xi32, #tpu.memory_space<vmem>>
    %dma_wait3A_330 = tpu.memref_squeeze %dma_wait3A_329 : memref<1x500xi32, #tpu.memory_space<vmem>> -> memref<500xi32, #tpu.memory_space<vmem>>
    %dma_wait3A_331 = arith.constant 0 : i32
    %dma_wait3A_332 = arith.constant 0 : i32
    %dma_wait3A_333 = tpu.memref_slice %arg11[%dma_wait3A_331, %dma_wait3A_332] : memref<10240x16xf32, #tpu.memory_space<vmem_shared>> -> memref<10240x16xf32, #tpu.memory_space<vmem_shared>>
    tpu.wait_indirect_dma semaphore(%arg13 : memref<!tpu.dma_semaphore, #tpu.memory_space<semaphore_mem>>) src(%arg7 : memref<500x16xf32, #tpu.memory_space<vmem>>) dst(%dma_wait3A_333 : memref<10240x16xf32, #tpu.memory_space<vmem_shared>>)
    %dma_wait3A_334 = arith.constant 3 : i32
    %dma_wait3A_335 = arith.constant 0 : i32
    %dma_wait3A_336 = tpu.memref_slice %arg5[%dma_wait3A_334, %dma_wait3A_335] : memref<20x500xi32, #tpu.memory_space<vmem>> -> memref<1x500xi32, #tpu.memory_space<vmem>>
    %dma_wait3A_337 = tpu.memref_squeeze %dma_wait3A_336 : memref<1x500xi32, #tpu.memory_space<vmem>> -> memref<500xi32, #tpu.memory_space<vmem>>
    %dma_wait3A_338 = arith.constant 0 : i32
    %dma_wait3A_339 = arith.constant 0 : i32
    %dma_wait3A_340 = tpu.memref_slice %arg10[%dma_wait3A_338, %dma_wait3A_339] : memref<10240x16xf32, #tpu.memory_space<vmem_shared>> -> memref<10240x16xf32, #tpu.memory_space<vmem_shared>>
    tpu.wait_indirect_dma semaphore(%arg12 : memref<!tpu.dma_semaphore, #tpu.memory_space<semaphore_mem>>) src(%arg7 : memref<500x16xf32, #tpu.memory_space<vmem>>) dst(%dma_wait3A_340 : memref<10240x16xf32, #tpu.memory_space<vmem_shared>>)
    %dma_wait3A_341 = arith.constant 3 : i32
    %dma_wait3A_342 = arith.constant 0 : i32
    %dma_wait3A_343 = tpu.memref_slice %arg6[%dma_wait3A_341, %dma_wait3A_342] : memref<20x500xi32, #tpu.memory_space<vmem>> -> memref<1x500xi32, #tpu.memory_space<vmem>>
    %dma_wait3A_344 = tpu.memref_squeeze %dma_wait3A_343 : memref<1x500xi32, #tpu.memory_space<vmem>> -> memref<500xi32, #tpu.memory_space<vmem>>
    %dma_wait3A_345 = arith.constant 0 : i32
    %dma_wait3A_346 = arith.constant 0 : i32
    %dma_wait3A_347 = tpu.memref_slice %arg11[%dma_wait3A_345, %dma_wait3A_346] : memref<10240x16xf32, #tpu.memory_space<vmem_shared>> -> memref<10240x16xf32, #tpu.memory_space<vmem_shared>>
    tpu.wait_indirect_dma semaphore(%arg13 : memref<!tpu.dma_semaphore, #tpu.memory_space<semaphore_mem>>) src(%arg7 : memref<500x16xf32, #tpu.memory_space<vmem>>) dst(%dma_wait3A_347 : memref<10240x16xf32, #tpu.memory_space<vmem_shared>>)
    %dma_wait3A_348 = arith.constant 4 : i32
    %dma_wait3A_349 = arith.constant 0 : i32
    %dma_wait3A_350 = tpu.memref_slice %arg5[%dma_wait3A_348, %dma_wait3A_349] : memref<20x500xi32, #tpu.memory_space<vmem>> -> memref<1x500xi32, #tpu.memory_space<vmem>>
    %dma_wait3A_351 = tpu.memref_squeeze %dma_wait3A_350 : memref<1x500xi32, #tpu.memory_space<vmem>> -> memref<500xi32, #tpu.memory_space<vmem>>
    %dma_wait3A_352 = arith.constant 0 : i32
    %dma_wait3A_353 = arith.constant 0 : i32
    %dma_wait3A_354 = tpu.memref_slice %arg10[%dma_wait3A_352, %dma_wait3A_353] : memref<10240x16xf32, #tpu.memory_space<vmem_shared>> -> memref<10240x16xf32, #tpu.memory_space<vmem_shared>>
    tpu.wait_indirect_dma semaphore(%arg12 : memref<!tpu.dma_semaphore, #tpu.memory_space<semaphore_mem>>) src(%arg7 : memref<500x16xf32, #tpu.memory_space<vmem>>) dst(%dma_wait3A_354 : memref<10240x16xf32, #tpu.memory_space<vmem_shared>>)
    %dma_wait3A_355 = arith.constant 4 : i32
    %dma_wait3A_356 = arith.constant 0 : i32
    %dma_wait3A_357 = tpu.memref_slice %arg6[%dma_wait3A_355, %dma_wait3A_356] : memref<20x500xi32, #tpu.memory_space<vmem>> -> memref<1x500xi32, #tpu.memory_space<vmem>>
    %dma_wait3A_358 = tpu.memref_squeeze %dma_wait3A_357 : memref<1x500xi32, #tpu.memory_space<vmem>> -> memref<500xi32, #tpu.memory_space<vmem>>
    %dma_wait3A_359 = arith.constant 0 : i32
    %dma_wait3A_360 = arith.constant 0 : i32
    %dma_wait3A_361 = tpu.memref_slice %arg11[%dma_wait3A_359, %dma_wait3A_360] : memref<10240x16xf32, #tpu.memory_space<vmem_shared>> -> memref<10240x16xf32, #tpu.memory_space<vmem_shared>>
    tpu.wait_indirect_dma semaphore(%arg13 : memref<!tpu.dma_semaphore, #tpu.memory_space<semaphore_mem>>) src(%arg7 : memref<500x16xf32, #tpu.memory_space<vmem>>) dst(%dma_wait3A_361 : memref<10240x16xf32, #tpu.memory_space<vmem_shared>>)
    %dma_wait3A_362 = arith.constant 5 : i32
    %dma_wait3A_363 = arith.constant 0 : i32
    %dma_wait3A_364 = tpu.memref_slice %arg5[%dma_wait3A_362, %dma_wait3A_363] : memref<20x500xi32, #tpu.memory_space<vmem>> -> memref<1x500xi32, #tpu.memory_space<vmem>>
    %dma_wait3A_365 = tpu.memref_squeeze %dma_wait3A_364 : memref<1x500xi32, #tpu.memory_space<vmem>> -> memref<500xi32, #tpu.memory_space<vmem>>
    %dma_wait3A_366 = arith.constant 0 : i32
    %dma_wait3A_367 = arith.constant 0 : i32
    %dma_wait3A_368 = tpu.memref_slice %arg10[%dma_wait3A_366, %dma_wait3A_367] : memref<10240x16xf32, #tpu.memory_space<vmem_shared>> -> memref<10240x16xf32, #tpu.memory_space<vmem_shared>>
    tpu.wait_indirect_dma semaphore(%arg12 : memref<!tpu.dma_semaphore, #tpu.memory_space<semaphore_mem>>) src(%arg7 : memref<500x16xf32, #tpu.memory_space<vmem>>) dst(%dma_wait3A_368 : memref<10240x16xf32, #tpu.memory_space<vmem_shared>>)
    %dma_wait3A_369 = arith.constant 5 : i32
    %dma_wait3A_370 = arith.constant 0 : i32
    %dma_wait3A_371 = tpu.memref_slice %arg6[%dma_wait3A_369, %dma_wait3A_370] : memref<20x500xi32, #tpu.memory_space<vmem>> -> memref<1x500xi32, #tpu.memory_space<vmem>>
    %dma_wait3A_372 = tpu.memref_squeeze %dma_wait3A_371 : memref<1x500xi32, #tpu.memory_space<vmem>> -> memref<500xi32, #tpu.memory_space<vmem>>
    %dma_wait3A_373 = arith.constant 0 : i32
    %dma_wait3A_374 = arith.constant 0 : i32
    %dma_wait3A_375 = tpu.memref_slice %arg11[%dma_wait3A_373, %dma_wait3A_374] : memref<10240x16xf32, #tpu.memory_space<vmem_shared>> -> memref<10240x16xf32, #tpu.memory_space<vmem_shared>>
    tpu.wait_indirect_dma semaphore(%arg13 : memref<!tpu.dma_semaphore, #tpu.memory_space<semaphore_mem>>) src(%arg7 : memref<500x16xf32, #tpu.memory_space<vmem>>) dst(%dma_wait3A_375 : memref<10240x16xf32, #tpu.memory_space<vmem_shared>>)
    %dma_wait3A_376 = arith.constant 6 : i32
    %dma_wait3A_377 = arith.constant 0 : i32
    %dma_wait3A_378 = tpu.memref_slice %arg5[%dma_wait3A_376, %dma_wait3A_377] : memref<20x500xi32, #tpu.memory_space<vmem>> -> memref<1x500xi32, #tpu.memory_space<vmem>>
    %dma_wait3A_379 = tpu.memref_squeeze %dma_wait3A_378 : memref<1x500xi32, #tpu.memory_space<vmem>> -> memref<500xi32, #tpu.memory_space<vmem>>
    %dma_wait3A_380 = arith.constant 0 : i32
    %dma_wait3A_381 = arith.constant 0 : i32
    %dma_wait3A_382 = tpu.memref_slice %arg10[%dma_wait3A_380, %dma_wait3A_381] : memref<10240x16xf32, #tpu.memory_space<vmem_shared>> -> memref<10240x16xf32, #tpu.memory_space<vmem_shared>>
    tpu.wait_indirect_dma semaphore(%arg12 : memref<!tpu.dma_semaphore, #tpu.memory_space<semaphore_mem>>) src(%arg7 : memref<500x16xf32, #tpu.memory_space<vmem>>) dst(%dma_wait3A_382 : memref<10240x16xf32, #tpu.memory_space<vmem_shared>>)
    %dma_wait3A_383 = arith.constant 6 : i32
    %dma_wait3A_384 = arith.constant 0 : i32
    %dma_wait3A_385 = tpu.memref_slice %arg6[%dma_wait3A_383, %dma_wait3A_384] : memref<20x500xi32, #tpu.memory_space<vmem>> -> memref<1x500xi32, #tpu.memory_space<vmem>>
    %dma_wait3A_386 = tpu.memref_squeeze %dma_wait3A_385 : memref<1x500xi32, #tpu.memory_space<vmem>> -> memref<500xi32, #tpu.memory_space<vmem>>
    %dma_wait3A_387 = arith.constant 0 : i32
    %dma_wait3A_388 = arith.constant 0 : i32
    %dma_wait3A_389 = tpu.memref_slice %arg11[%dma_wait3A_387, %dma_wait3A_388] : memref<10240x16xf32, #tpu.memory_space<vmem_shared>> -> memref<10240x16xf32, #tpu.memory_space<vmem_shared>>
    tpu.wait_indirect_dma semaphore(%arg13 : memref<!tpu.dma_semaphore, #tpu.memory_space<semaphore_mem>>) src(%arg7 : memref<500x16xf32, #tpu.memory_space<vmem>>) dst(%dma_wait3A_389 : memref<10240x16xf32, #tpu.memory_space<vmem_shared>>)
    %dma_wait3A_390 = arith.constant 7 : i32
    %dma_wait3A_391 = arith.constant 0 : i32
    %dma_wait3A_392 = tpu.memref_slice %arg5[%dma_wait3A_390, %dma_wait3A_391] : memref<20x500xi32, #tpu.memory_space<vmem>> -> memref<1x500xi32, #tpu.memory_space<vmem>>
    %dma_wait3A_393 = tpu.memref_squeeze %dma_wait3A_392 : memref<1x500xi32, #tpu.memory_space<vmem>> -> memref<500xi32, #tpu.memory_space<vmem>>
    %dma_wait3A_394 = arith.constant 0 : i32
    %dma_wait3A_395 = arith.constant 0 : i32
    %dma_wait3A_396 = tpu.memref_slice %arg10[%dma_wait3A_394, %dma_wait3A_395] : memref<10240x16xf32, #tpu.memory_space<vmem_shared>> -> memref<10240x16xf32, #tpu.memory_space<vmem_shared>>
    tpu.wait_indirect_dma semaphore(%arg12 : memref<!tpu.dma_semaphore, #tpu.memory_space<semaphore_mem>>) src(%arg7 : memref<500x16xf32, #tpu.memory_space<vmem>>) dst(%dma_wait3A_396 : memref<10240x16xf32, #tpu.memory_space<vmem_shared>>)
    %dma_wait3A_397 = arith.constant 7 : i32
    %dma_wait3A_398 = arith.constant 0 : i32
    %dma_wait3A_399 = tpu.memref_slice %arg6[%dma_wait3A_397, %dma_wait3A_398] : memref<20x500xi32, #tpu.memory_space<vmem>> -> memref<1x500xi32, #tpu.memory_space<vmem>>
    %dma_wait3A_400 = tpu.memref_squeeze %dma_wait3A_399 : memref<1x500xi32, #tpu.memory_space<vmem>> -> memref<500xi32, #tpu.memory_space<vmem>>
    %dma_wait3A_401 = arith.constant 0 : i32
    %dma_wait3A_402 = arith.constant 0 : i32
    %dma_wait3A_403 = tpu.memref_slice %arg11[%dma_wait3A_401, %dma_wait3A_402] : memref<10240x16xf32, #tpu.memory_space<vmem_shared>> -> memref<10240x16xf32, #tpu.memory_space<vmem_shared>>
    tpu.wait_indirect_dma semaphore(%arg13 : memref<!tpu.dma_semaphore, #tpu.memory_space<semaphore_mem>>) src(%arg7 : memref<500x16xf32, #tpu.memory_space<vmem>>) dst(%dma_wait3A_403 : memref<10240x16xf32, #tpu.memory_space<vmem_shared>>)
    %dma_wait3A_404 = arith.constant 8 : i32
    %dma_wait3A_405 = arith.constant 0 : i32
    %dma_wait3A_406 = tpu.memref_slice %arg5[%dma_wait3A_404, %dma_wait3A_405] : memref<20x500xi32, #tpu.memory_space<vmem>> -> memref<1x500xi32, #tpu.memory_space<vmem>>
    %dma_wait3A_407 = tpu.memref_squeeze %dma_wait3A_406 : memref<1x500xi32, #tpu.memory_space<vmem>> -> memref<500xi32, #tpu.memory_space<vmem>>
    %dma_wait3A_408 = arith.constant 0 : i32
    %dma_wait3A_409 = arith.constant 0 : i32
    %dma_wait3A_410 = tpu.memref_slice %arg10[%dma_wait3A_408, %dma_wait3A_409] : memref<10240x16xf32, #tpu.memory_space<vmem_shared>> -> memref<10240x16xf32, #tpu.memory_space<vmem_shared>>
    tpu.wait_indirect_dma semaphore(%arg12 : memref<!tpu.dma_semaphore, #tpu.memory_space<semaphore_mem>>) src(%arg7 : memref<500x16xf32, #tpu.memory_space<vmem>>) dst(%dma_wait3A_410 : memref<10240x16xf32, #tpu.memory_space<vmem_shared>>)
    %dma_wait3A_411 = arith.constant 8 : i32
    %dma_wait3A_412 = arith.constant 0 : i32
    %dma_wait3A_413 = tpu.memref_slice %arg6[%dma_wait3A_411, %dma_wait3A_412] : memref<20x500xi32, #tpu.memory_space<vmem>> -> memref<1x500xi32, #tpu.memory_space<vmem>>
    %dma_wait3A_414 = tpu.memref_squeeze %dma_wait3A_413 : memref<1x500xi32, #tpu.memory_space<vmem>> -> memref<500xi32, #tpu.memory_space<vmem>>
    %dma_wait3A_415 = arith.constant 0 : i32
    %dma_wait3A_416 = arith.constant 0 : i32
    %dma_wait3A_417 = tpu.memref_slice %arg11[%dma_wait3A_415, %dma_wait3A_416] : memref<10240x16xf32, #tpu.memory_space<vmem_shared>> -> memref<10240x16xf32, #tpu.memory_space<vmem_shared>>
    tpu.wait_indirect_dma semaphore(%arg13 : memref<!tpu.dma_semaphore, #tpu.memory_space<semaphore_mem>>) src(%arg7 : memref<500x16xf32, #tpu.memory_space<vmem>>) dst(%dma_wait3A_417 : memref<10240x16xf32, #tpu.memory_space<vmem_shared>>)
    %dma_wait3A_418 = arith.constant 9 : i32
    %dma_wait3A_419 = arith.constant 0 : i32
    %dma_wait3A_420 = tpu.memref_slice %arg5[%dma_wait3A_418, %dma_wait3A_419] : memref<20x500xi32, #tpu.memory_space<vmem>> -> memref<1x500xi32, #tpu.memory_space<vmem>>
    %dma_wait3A_421 = tpu.memref_squeeze %dma_wait3A_420 : memref<1x500xi32, #tpu.memory_space<vmem>> -> memref<500xi32, #tpu.memory_space<vmem>>
    %dma_wait3A_422 = arith.constant 0 : i32
    %dma_wait3A_423 = arith.constant 0 : i32
    %dma_wait3A_424 = tpu.memref_slice %arg10[%dma_wait3A_422, %dma_wait3A_423] : memref<10240x16xf32, #tpu.memory_space<vmem_shared>> -> memref<10240x16xf32, #tpu.memory_space<vmem_shared>>
    tpu.wait_indirect_dma semaphore(%arg12 : memref<!tpu.dma_semaphore, #tpu.memory_space<semaphore_mem>>) src(%arg7 : memref<500x16xf32, #tpu.memory_space<vmem>>) dst(%dma_wait3A_424 : memref<10240x16xf32, #tpu.memory_space<vmem_shared>>)
    %dma_wait3A_425 = arith.constant 9 : i32
    %dma_wait3A_426 = arith.constant 0 : i32
    %dma_wait3A_427 = tpu.memref_slice %arg6[%dma_wait3A_425, %dma_wait3A_426] : memref<20x500xi32, #tpu.memory_space<vmem>> -> memref<1x500xi32, #tpu.memory_space<vmem>>
    %dma_wait3A_428 = tpu.memref_squeeze %dma_wait3A_427 : memref<1x500xi32, #tpu.memory_space<vmem>> -> memref<500xi32, #tpu.memory_space<vmem>>
    %dma_wait3A_429 = arith.constant 0 : i32
    %dma_wait3A_430 = arith.constant 0 : i32
    %dma_wait3A_431 = tpu.memref_slice %arg11[%dma_wait3A_429, %dma_wait3A_430] : memref<10240x16xf32, #tpu.memory_space<vmem_shared>> -> memref<10240x16xf32, #tpu.memory_space<vmem_shared>>
    tpu.wait_indirect_dma semaphore(%arg13 : memref<!tpu.dma_semaphore, #tpu.memory_space<semaphore_mem>>) src(%arg7 : memref<500x16xf32, #tpu.memory_space<vmem>>) dst(%dma_wait3A_431 : memref<10240x16xf32, #tpu.memory_space<vmem_shared>>)
    %dma_wait3A_432 = arith.constant 10 : i32
    %dma_wait3A_433 = arith.constant 0 : i32
    %dma_wait3A_434 = tpu.memref_slice %arg5[%dma_wait3A_432, %dma_wait3A_433] : memref<20x500xi32, #tpu.memory_space<vmem>> -> memref<1x500xi32, #tpu.memory_space<vmem>>
    %dma_wait3A_435 = tpu.memref_squeeze %dma_wait3A_434 : memref<1x500xi32, #tpu.memory_space<vmem>> -> memref<500xi32, #tpu.memory_space<vmem>>
    %dma_wait3A_436 = arith.constant 0 : i32
    %dma_wait3A_437 = arith.constant 0 : i32
    %dma_wait3A_438 = tpu.memref_slice %arg10[%dma_wait3A_436, %dma_wait3A_437] : memref<10240x16xf32, #tpu.memory_space<vmem_shared>> -> memref<10240x16xf32, #tpu.memory_space<vmem_shared>>
    tpu.wait_indirect_dma semaphore(%arg12 : memref<!tpu.dma_semaphore, #tpu.memory_space<semaphore_mem>>) src(%arg7 : memref<500x16xf32, #tpu.memory_space<vmem>>) dst(%dma_wait3A_438 : memref<10240x16xf32, #tpu.memory_space<vmem_shared>>)
    %dma_wait3A_439 = arith.constant 10 : i32
    %dma_wait3A_440 = arith.constant 0 : i32
    %dma_wait3A_441 = tpu.memref_slice %arg6[%dma_wait3A_439, %dma_wait3A_440] : memref<20x500xi32, #tpu.memory_space<vmem>> -> memref<1x500xi32, #tpu.memory_space<vmem>>
    %dma_wait3A_442 = tpu.memref_squeeze %dma_wait3A_441 : memref<1x500xi32, #tpu.memory_space<vmem>> -> memref<500xi32, #tpu.memory_space<vmem>>
    %dma_wait3A_443 = arith.constant 0 : i32
    %dma_wait3A_444 = arith.constant 0 : i32
    %dma_wait3A_445 = tpu.memref_slice %arg11[%dma_wait3A_443, %dma_wait3A_444] : memref<10240x16xf32, #tpu.memory_space<vmem_shared>> -> memref<10240x16xf32, #tpu.memory_space<vmem_shared>>
    tpu.wait_indirect_dma semaphore(%arg13 : memref<!tpu.dma_semaphore, #tpu.memory_space<semaphore_mem>>) src(%arg7 : memref<500x16xf32, #tpu.memory_space<vmem>>) dst(%dma_wait3A_445 : memref<10240x16xf32, #tpu.memory_space<vmem_shared>>)
    %dma_wait3A_446 = arith.constant 11 : i32
    %dma_wait3A_447 = arith.constant 0 : i32
    %dma_wait3A_448 = tpu.memref_slice %arg5[%dma_wait3A_446, %dma_wait3A_447] : memref<20x500xi32, #tpu.memory_space<vmem>> -> memref<1x500xi32, #tpu.memory_space<vmem>>
    %dma_wait3A_449 = tpu.memref_squeeze %dma_wait3A_448 : memref<1x500xi32, #tpu.memory_space<vmem>> -> memref<500xi32, #tpu.memory_space<vmem>>
    %dma_wait3A_450 = arith.constant 0 : i32
    %dma_wait3A_451 = arith.constant 0 : i32
    %dma_wait3A_452 = tpu.memref_slice %arg10[%dma_wait3A_450, %dma_wait3A_451] : memref<10240x16xf32, #tpu.memory_space<vmem_shared>> -> memref<10240x16xf32, #tpu.memory_space<vmem_shared>>
    tpu.wait_indirect_dma semaphore(%arg12 : memref<!tpu.dma_semaphore, #tpu.memory_space<semaphore_mem>>) src(%arg7 : memref<500x16xf32, #tpu.memory_space<vmem>>) dst(%dma_wait3A_452 : memref<10240x16xf32, #tpu.memory_space<vmem_shared>>)
    %dma_wait3A_453 = arith.constant 11 : i32
    %dma_wait3A_454 = arith.constant 0 : i32
    %dma_wait3A_455 = tpu.memref_slice %arg6[%dma_wait3A_453, %dma_wait3A_454] : memref<20x500xi32, #tpu.memory_space<vmem>> -> memref<1x500xi32, #tpu.memory_space<vmem>>
    %dma_wait3A_456 = tpu.memref_squeeze %dma_wait3A_455 : memref<1x500xi32, #tpu.memory_space<vmem>> -> memref<500xi32, #tpu.memory_space<vmem>>
    %dma_wait3A_457 = arith.constant 0 : i32
    %dma_wait3A_458 = arith.constant 0 : i32
    %dma_wait3A_459 = tpu.memref_slice %arg11[%dma_wait3A_457, %dma_wait3A_458] : memref<10240x16xf32, #tpu.memory_space<vmem_shared>> -> memref<10240x16xf32, #tpu.memory_space<vmem_shared>>
    tpu.wait_indirect_dma semaphore(%arg13 : memref<!tpu.dma_semaphore, #tpu.memory_space<semaphore_mem>>) src(%arg7 : memref<500x16xf32, #tpu.memory_space<vmem>>) dst(%dma_wait3A_459 : memref<10240x16xf32, #tpu.memory_space<vmem_shared>>)
    %dma_wait3A_460 = arith.constant 12 : i32
    %dma_wait3A_461 = arith.constant 0 : i32
    %dma_wait3A_462 = tpu.memref_slice %arg5[%dma_wait3A_460, %dma_wait3A_461] : memref<20x500xi32, #tpu.memory_space<vmem>> -> memref<1x500xi32, #tpu.memory_space<vmem>>
    %dma_wait3A_463 = tpu.memref_squeeze %dma_wait3A_462 : memref<1x500xi32, #tpu.memory_space<vmem>> -> memref<500xi32, #tpu.memory_space<vmem>>
    %dma_wait3A_464 = arith.constant 0 : i32
    %dma_wait3A_465 = arith.constant 0 : i32
    %dma_wait3A_466 = tpu.memref_slice %arg10[%dma_wait3A_464, %dma_wait3A_465] : memref<10240x16xf32, #tpu.memory_space<vmem_shared>> -> memref<10240x16xf32, #tpu.memory_space<vmem_shared>>
    tpu.wait_indirect_dma semaphore(%arg12 : memref<!tpu.dma_semaphore, #tpu.memory_space<semaphore_mem>>) src(%arg7 : memref<500x16xf32, #tpu.memory_space<vmem>>) dst(%dma_wait3A_466 : memref<10240x16xf32, #tpu.memory_space<vmem_shared>>)
    %dma_wait3A_467 = arith.constant 12 : i32
    %dma_wait3A_468 = arith.constant 0 : i32
    %dma_wait3A_469 = tpu.memref_slice %arg6[%dma_wait3A_467, %dma_wait3A_468] : memref<20x500xi32, #tpu.memory_space<vmem>> -> memref<1x500xi32, #tpu.memory_space<vmem>>
    %dma_wait3A_470 = tpu.memref_squeeze %dma_wait3A_469 : memref<1x500xi32, #tpu.memory_space<vmem>> -> memref<500xi32, #tpu.memory_space<vmem>>
    %dma_wait3A_471 = arith.constant 0 : i32
    %dma_wait3A_472 = arith.constant 0 : i32
    %dma_wait3A_473 = tpu.memref_slice %arg11[%dma_wait3A_471, %dma_wait3A_472] : memref<10240x16xf32, #tpu.memory_space<vmem_shared>> -> memref<10240x16xf32, #tpu.memory_space<vmem_shared>>
    tpu.wait_indirect_dma semaphore(%arg13 : memref<!tpu.dma_semaphore, #tpu.memory_space<semaphore_mem>>) src(%arg7 : memref<500x16xf32, #tpu.memory_space<vmem>>) dst(%dma_wait3A_473 : memref<10240x16xf32, #tpu.memory_space<vmem_shared>>)
    %dma_wait3A_474 = arith.constant 13 : i32
    %dma_wait3A_475 = arith.constant 0 : i32
    %dma_wait3A_476 = tpu.memref_slice %arg5[%dma_wait3A_474, %dma_wait3A_475] : memref<20x500xi32, #tpu.memory_space<vmem>> -> memref<1x500xi32, #tpu.memory_space<vmem>>
    %dma_wait3A_477 = tpu.memref_squeeze %dma_wait3A_476 : memref<1x500xi32, #tpu.memory_space<vmem>> -> memref<500xi32, #tpu.memory_space<vmem>>
    %dma_wait3A_478 = arith.constant 0 : i32
    %dma_wait3A_479 = arith.constant 0 : i32
    %dma_wait3A_480 = tpu.memref_slice %arg10[%dma_wait3A_478, %dma_wait3A_479] : memref<10240x16xf32, #tpu.memory_space<vmem_shared>> -> memref<10240x16xf32, #tpu.memory_space<vmem_shared>>
    tpu.wait_indirect_dma semaphore(%arg12 : memref<!tpu.dma_semaphore, #tpu.memory_space<semaphore_mem>>) src(%arg7 : memref<500x16xf32, #tpu.memory_space<vmem>>) dst(%dma_wait3A_480 : memref<10240x16xf32, #tpu.memory_space<vmem_shared>>)
    %dma_wait3A_481 = arith.constant 13 : i32
    %dma_wait3A_482 = arith.constant 0 : i32
    %dma_wait3A_483 = tpu.memref_slice %arg6[%dma_wait3A_481, %dma_wait3A_482] : memref<20x500xi32, #tpu.memory_space<vmem>> -> memref<1x500xi32, #tpu.memory_space<vmem>>
    %dma_wait3A_484 = tpu.memref_squeeze %dma_wait3A_483 : memref<1x500xi32, #tpu.memory_space<vmem>> -> memref<500xi32, #tpu.memory_space<vmem>>
    %dma_wait3A_485 = arith.constant 0 : i32
    %dma_wait3A_486 = arith.constant 0 : i32
    %dma_wait3A_487 = tpu.memref_slice %arg11[%dma_wait3A_485, %dma_wait3A_486] : memref<10240x16xf32, #tpu.memory_space<vmem_shared>> -> memref<10240x16xf32, #tpu.memory_space<vmem_shared>>
    tpu.wait_indirect_dma semaphore(%arg13 : memref<!tpu.dma_semaphore, #tpu.memory_space<semaphore_mem>>) src(%arg7 : memref<500x16xf32, #tpu.memory_space<vmem>>) dst(%dma_wait3A_487 : memref<10240x16xf32, #tpu.memory_space<vmem_shared>>)
    %dma_wait3A_488 = arith.constant 14 : i32
    %dma_wait3A_489 = arith.constant 0 : i32
    %dma_wait3A_490 = tpu.memref_slice %arg5[%dma_wait3A_488, %dma_wait3A_489] : memref<20x500xi32, #tpu.memory_space<vmem>> -> memref<1x500xi32, #tpu.memory_space<vmem>>
    %dma_wait3A_491 = tpu.memref_squeeze %dma_wait3A_490 : memref<1x500xi32, #tpu.memory_space<vmem>> -> memref<500xi32, #tpu.memory_space<vmem>>
    %dma_wait3A_492 = arith.constant 0 : i32
    %dma_wait3A_493 = arith.constant 0 : i32
    %dma_wait3A_494 = tpu.memref_slice %arg10[%dma_wait3A_492, %dma_wait3A_493] : memref<10240x16xf32, #tpu.memory_space<vmem_shared>> -> memref<10240x16xf32, #tpu.memory_space<vmem_shared>>
    tpu.wait_indirect_dma semaphore(%arg12 : memref<!tpu.dma_semaphore, #tpu.memory_space<semaphore_mem>>) src(%arg7 : memref<500x16xf32, #tpu.memory_space<vmem>>) dst(%dma_wait3A_494 : memref<10240x16xf32, #tpu.memory_space<vmem_shared>>)
    %dma_wait3A_495 = arith.constant 14 : i32
    %dma_wait3A_496 = arith.constant 0 : i32
    %dma_wait3A_497 = tpu.memref_slice %arg6[%dma_wait3A_495, %dma_wait3A_496] : memref<20x500xi32, #tpu.memory_space<vmem>> -> memref<1x500xi32, #tpu.memory_space<vmem>>
    %dma_wait3A_498 = tpu.memref_squeeze %dma_wait3A_497 : memref<1x500xi32, #tpu.memory_space<vmem>> -> memref<500xi32, #tpu.memory_space<vmem>>
    %dma_wait3A_499 = arith.constant 0 : i32
    %dma_wait3A_500 = arith.constant 0 : i32
    %dma_wait3A_501 = tpu.memref_slice %arg11[%dma_wait3A_499, %dma_wait3A_500] : memref<10240x16xf32, #tpu.memory_space<vmem_shared>> -> memref<10240x16xf32, #tpu.memory_space<vmem_shared>>
    tpu.wait_indirect_dma semaphore(%arg13 : memref<!tpu.dma_semaphore, #tpu.memory_space<semaphore_mem>>) src(%arg7 : memref<500x16xf32, #tpu.memory_space<vmem>>) dst(%dma_wait3A_501 : memref<10240x16xf32, #tpu.memory_space<vmem_shared>>)
    %dma_wait3A_502 = arith.constant 15 : i32
    %dma_wait3A_503 = arith.constant 0 : i32
    %dma_wait3A_504 = tpu.memref_slice %arg5[%dma_wait3A_502, %dma_wait3A_503] : memref<20x500xi32, #tpu.memory_space<vmem>> -> memref<1x500xi32, #tpu.memory_space<vmem>>
    %dma_wait3A_505 = tpu.memref_squeeze %dma_wait3A_504 : memref<1x500xi32, #tpu.memory_space<vmem>> -> memref<500xi32, #tpu.memory_space<vmem>>
    %dma_wait3A_506 = arith.constant 0 : i32
    %dma_wait3A_507 = arith.constant 0 : i32
    %dma_wait3A_508 = tpu.memref_slice %arg10[%dma_wait3A_506, %dma_wait3A_507] : memref<10240x16xf32, #tpu.memory_space<vmem_shared>> -> memref<10240x16xf32, #tpu.memory_space<vmem_shared>>
    tpu.wait_indirect_dma semaphore(%arg12 : memref<!tpu.dma_semaphore, #tpu.memory_space<semaphore_mem>>) src(%arg7 : memref<500x16xf32, #tpu.memory_space<vmem>>) dst(%dma_wait3A_508 : memref<10240x16xf32, #tpu.memory_space<vmem_shared>>)
    %dma_wait3A_509 = arith.constant 15 : i32
    %dma_wait3A_510 = arith.constant 0 : i32
    %dma_wait3A_511 = tpu.memref_slice %arg6[%dma_wait3A_509, %dma_wait3A_510] : memref<20x500xi32, #tpu.memory_space<vmem>> -> memref<1x500xi32, #tpu.memory_space<vmem>>
    %dma_wait3A_512 = tpu.memref_squeeze %dma_wait3A_511 : memref<1x500xi32, #tpu.memory_space<vmem>> -> memref<500xi32, #tpu.memory_space<vmem>>
    %dma_wait3A_513 = arith.constant 0 : i32
    %dma_wait3A_514 = arith.constant 0 : i32
    %dma_wait3A_515 = tpu.memref_slice %arg11[%dma_wait3A_513, %dma_wait3A_514] : memref<10240x16xf32, #tpu.memory_space<vmem_shared>> -> memref<10240x16xf32, #tpu.memory_space<vmem_shared>>
    tpu.wait_indirect_dma semaphore(%arg13 : memref<!tpu.dma_semaphore, #tpu.memory_space<semaphore_mem>>) src(%arg7 : memref<500x16xf32, #tpu.memory_space<vmem>>) dst(%dma_wait3A_515 : memref<10240x16xf32, #tpu.memory_space<vmem_shared>>)
    %dma_wait3A_516 = arith.constant 16 : i32
    %dma_wait3A_517 = arith.constant 0 : i32
    %dma_wait3A_518 = tpu.memref_slice %arg5[%dma_wait3A_516, %dma_wait3A_517] : memref<20x500xi32, #tpu.memory_space<vmem>> -> memref<1x500xi32, #tpu.memory_space<vmem>>
    %dma_wait3A_519 = tpu.memref_squeeze %dma_wait3A_518 : memref<1x500xi32, #tpu.memory_space<vmem>> -> memref<500xi32, #tpu.memory_space<vmem>>
    %dma_wait3A_520 = arith.constant 0 : i32
    %dma_wait3A_521 = arith.constant 0 : i32
    %dma_wait3A_522 = tpu.memref_slice %arg10[%dma_wait3A_520, %dma_wait3A_521] : memref<10240x16xf32, #tpu.memory_space<vmem_shared>> -> memref<10240x16xf32, #tpu.memory_space<vmem_shared>>
    tpu.wait_indirect_dma semaphore(%arg12 : memref<!tpu.dma_semaphore, #tpu.memory_space<semaphore_mem>>) src(%arg7 : memref<500x16xf32, #tpu.memory_space<vmem>>) dst(%dma_wait3A_522 : memref<10240x16xf32, #tpu.memory_space<vmem_shared>>)
    %dma_wait3A_523 = arith.constant 16 : i32
    %dma_wait3A_524 = arith.constant 0 : i32
    %dma_wait3A_525 = tpu.memref_slice %arg6[%dma_wait3A_523, %dma_wait3A_524] : memref<20x500xi32, #tpu.memory_space<vmem>> -> memref<1x500xi32, #tpu.memory_space<vmem>>
    %dma_wait3A_526 = tpu.memref_squeeze %dma_wait3A_525 : memref<1x500xi32, #tpu.memory_space<vmem>> -> memref<500xi32, #tpu.memory_space<vmem>>
    %dma_wait3A_527 = arith.constant 0 : i32
    %dma_wait3A_528 = arith.constant 0 : i32
    %dma_wait3A_529 = tpu.memref_slice %arg11[%dma_wait3A_527, %dma_wait3A_528] : memref<10240x16xf32, #tpu.memory_space<vmem_shared>> -> memref<10240x16xf32, #tpu.memory_space<vmem_shared>>
    tpu.wait_indirect_dma semaphore(%arg13 : memref<!tpu.dma_semaphore, #tpu.memory_space<semaphore_mem>>) src(%arg7 : memref<500x16xf32, #tpu.memory_space<vmem>>) dst(%dma_wait3A_529 : memref<10240x16xf32, #tpu.memory_space<vmem_shared>>)
    %dma_wait3A_530 = arith.constant 17 : i32
    %dma_wait3A_531 = arith.constant 0 : i32
    %dma_wait3A_532 = tpu.memref_slice %arg5[%dma_wait3A_530, %dma_wait3A_531] : memref<20x500xi32, #tpu.memory_space<vmem>> -> memref<1x500xi32, #tpu.memory_space<vmem>>
    %dma_wait3A_533 = tpu.memref_squeeze %dma_wait3A_532 : memref<1x500xi32, #tpu.memory_space<vmem>> -> memref<500xi32, #tpu.memory_space<vmem>>
    %dma_wait3A_534 = arith.constant 0 : i32
    %dma_wait3A_535 = arith.constant 0 : i32
    %dma_wait3A_536 = tpu.memref_slice %arg10[%dma_wait3A_534, %dma_wait3A_535] : memref<10240x16xf32, #tpu.memory_space<vmem_shared>> -> memref<10240x16xf32, #tpu.memory_space<vmem_shared>>
    tpu.wait_indirect_dma semaphore(%arg12 : memref<!tpu.dma_semaphore, #tpu.memory_space<semaphore_mem>>) src(%arg7 : memref<500x16xf32, #tpu.memory_space<vmem>>) dst(%dma_wait3A_536 : memref<10240x16xf32, #tpu.memory_space<vmem_shared>>)
    %dma_wait3A_537 = arith.constant 17 : i32
    %dma_wait3A_538 = arith.constant 0 : i32
    %dma_wait3A_539 = tpu.memref_slice %arg6[%dma_wait3A_537, %dma_wait3A_538] : memref<20x500xi32, #tpu.memory_space<vmem>> -> memref<1x500xi32, #tpu.memory_space<vmem>>
    %dma_wait3A_540 = tpu.memref_squeeze %dma_wait3A_539 : memref<1x500xi32, #tpu.memory_space<vmem>> -> memref<500xi32, #tpu.memory_space<vmem>>
    %dma_wait3A_541 = arith.constant 0 : i32
    %dma_wait3A_542 = arith.constant 0 : i32
    %dma_wait3A_543 = tpu.memref_slice %arg11[%dma_wait3A_541, %dma_wait3A_542] : memref<10240x16xf32, #tpu.memory_space<vmem_shared>> -> memref<10240x16xf32, #tpu.memory_space<vmem_shared>>
    tpu.wait_indirect_dma semaphore(%arg13 : memref<!tpu.dma_semaphore, #tpu.memory_space<semaphore_mem>>) src(%arg7 : memref<500x16xf32, #tpu.memory_space<vmem>>) dst(%dma_wait3A_543 : memref<10240x16xf32, #tpu.memory_space<vmem_shared>>)
    %dma_wait3A_544 = arith.constant 18 : i32
    %dma_wait3A_545 = arith.constant 0 : i32
    %dma_wait3A_546 = tpu.memref_slice %arg5[%dma_wait3A_544, %dma_wait3A_545] : memref<20x500xi32, #tpu.memory_space<vmem>> -> memref<1x500xi32, #tpu.memory_space<vmem>>
    %dma_wait3A_547 = tpu.memref_squeeze %dma_wait3A_546 : memref<1x500xi32, #tpu.memory_space<vmem>> -> memref<500xi32, #tpu.memory_space<vmem>>
    %dma_wait3A_548 = arith.constant 0 : i32
    %dma_wait3A_549 = arith.constant 0 : i32
    %dma_wait3A_550 = tpu.memref_slice %arg10[%dma_wait3A_548, %dma_wait3A_549] : memref<10240x16xf32, #tpu.memory_space<vmem_shared>> -> memref<10240x16xf32, #tpu.memory_space<vmem_shared>>
    tpu.wait_indirect_dma semaphore(%arg12 : memref<!tpu.dma_semaphore, #tpu.memory_space<semaphore_mem>>) src(%arg7 : memref<500x16xf32, #tpu.memory_space<vmem>>) dst(%dma_wait3A_550 : memref<10240x16xf32, #tpu.memory_space<vmem_shared>>)
    %dma_wait3A_551 = arith.constant 18 : i32
    %dma_wait3A_552 = arith.constant 0 : i32
    %dma_wait3A_553 = tpu.memref_slice %arg6[%dma_wait3A_551, %dma_wait3A_552] : memref<20x500xi32, #tpu.memory_space<vmem>> -> memref<1x500xi32, #tpu.memory_space<vmem>>
    %dma_wait3A_554 = tpu.memref_squeeze %dma_wait3A_553 : memref<1x500xi32, #tpu.memory_space<vmem>> -> memref<500xi32, #tpu.memory_space<vmem>>
    %dma_wait3A_555 = arith.constant 0 : i32
    %dma_wait3A_556 = arith.constant 0 : i32
    %dma_wait3A_557 = tpu.memref_slice %arg11[%dma_wait3A_555, %dma_wait3A_556] : memref<10240x16xf32, #tpu.memory_space<vmem_shared>> -> memref<10240x16xf32, #tpu.memory_space<vmem_shared>>
    tpu.wait_indirect_dma semaphore(%arg13 : memref<!tpu.dma_semaphore, #tpu.memory_space<semaphore_mem>>) src(%arg7 : memref<500x16xf32, #tpu.memory_space<vmem>>) dst(%dma_wait3A_557 : memref<10240x16xf32, #tpu.memory_space<vmem_shared>>)
    %dma_wait3A_558 = arith.constant 19 : i32
    %dma_wait3A_559 = arith.constant 0 : i32
    %dma_wait3A_560 = tpu.memref_slice %arg5[%dma_wait3A_558, %dma_wait3A_559] : memref<20x500xi32, #tpu.memory_space<vmem>> -> memref<1x500xi32, #tpu.memory_space<vmem>>
    %dma_wait3A_561 = tpu.memref_squeeze %dma_wait3A_560 : memref<1x500xi32, #tpu.memory_space<vmem>> -> memref<500xi32, #tpu.memory_space<vmem>>
    %dma_wait3A_562 = arith.constant 0 : i32
    %dma_wait3A_563 = arith.constant 0 : i32
    %dma_wait3A_564 = tpu.memref_slice %arg10[%dma_wait3A_562, %dma_wait3A_563] : memref<10240x16xf32, #tpu.memory_space<vmem_shared>> -> memref<10240x16xf32, #tpu.memory_space<vmem_shared>>
    tpu.wait_indirect_dma semaphore(%arg12 : memref<!tpu.dma_semaphore, #tpu.memory_space<semaphore_mem>>) src(%arg7 : memref<500x16xf32, #tpu.memory_space<vmem>>) dst(%dma_wait3A_564 : memref<10240x16xf32, #tpu.memory_space<vmem_shared>>)
    %dma_wait3A_565 = arith.constant 19 : i32
    %dma_wait3A_566 = arith.constant 0 : i32
    %dma_wait3A_567 = tpu.memref_slice %arg6[%dma_wait3A_565, %dma_wait3A_566] : memref<20x500xi32, #tpu.memory_space<vmem>> -> memref<1x500xi32, #tpu.memory_space<vmem>>
    %dma_wait3A_568 = tpu.memref_squeeze %dma_wait3A_567 : memref<1x500xi32, #tpu.memory_space<vmem>> -> memref<500xi32, #tpu.memory_space<vmem>>
    %dma_wait3A_569 = arith.constant 0 : i32
    %dma_wait3A_570 = arith.constant 0 : i32
    %dma_wait3A_571 = tpu.memref_slice %arg11[%dma_wait3A_569, %dma_wait3A_570] : memref<10240x16xf32, #tpu.memory_space<vmem_shared>> -> memref<10240x16xf32, #tpu.memory_space<vmem_shared>>
    tpu.wait_indirect_dma semaphore(%arg13 : memref<!tpu.dma_semaphore, #tpu.memory_space<semaphore_mem>>) src(%arg7 : memref<500x16xf32, #tpu.memory_space<vmem>>) dst(%dma_wait3A_571 : memref<10240x16xf32, #tpu.memory_space<vmem_shared>>)
    %barrier3A_572 = arith.constant 0 : index
    tpu.barrier barrier_id(%barrier3A_572)
    %mul3A_573 = arith.constant 640 : i32
    %mul3A_574 = arith.muli %arg1, %mul3A_573 : i32
    "tpu.region"() ({
      %run_scoped3A_595 = tpu.sem_alloc : memref<!tpu.dma_semaphore, #tpu.memory_space<semaphore_mem>>
      %dma_start3A_596 = arith.constant 0 : i32
      %dma_start3A_597 = tpu.memref_slice %arg10[%mul3A_574, %dma_start3A_596] : memref<10240x16xf32, #tpu.memory_space<vmem_shared>> -> memref<640x16xf32, #tpu.memory_space<vmem_shared>>
      %dma_start3A_598 = arith.constant 0 : i32
      %dma_start3A_599 = tpu.memref_slice %arg10[%mul3A_574, %dma_start3A_598] : memref<10240x16xf32, #tpu.memory_space<vmem_shared>> -> memref<640x16xf32, #tpu.memory_space<vmem_shared>>
      tpu.enqueue_dma source(%dma_start3A_599 : memref<640x16xf32, #tpu.memory_space<vmem_shared>>) target(%arg8 : memref<640x16xf32, #tpu.memory_space<vmem>>) target_semaphore(%run_scoped3A_595 : memref<!tpu.dma_semaphore, #tpu.memory_space<semaphore_mem>>)
      %dma_wait3A_600 = arith.constant 0 : i32
      %dma_wait3A_601 = tpu.memref_slice %arg10[%mul3A_574, %dma_wait3A_600] : memref<10240x16xf32, #tpu.memory_space<vmem_shared>> -> memref<640x16xf32, #tpu.memory_space<vmem_shared>>
      %dma_wait3A_602 = arith.constant 0 : i32
      %dma_wait3A_603 = tpu.memref_slice %arg10[%mul3A_574, %dma_wait3A_602] : memref<10240x16xf32, #tpu.memory_space<vmem_shared>> -> memref<640x16xf32, #tpu.memory_space<vmem_shared>>
      tpu.wait_dma2 semaphore(%run_scoped3A_595 : memref<!tpu.dma_semaphore, #tpu.memory_space<semaphore_mem>>) src(%dma_wait3A_603 : memref<640x16xf32, #tpu.memory_space<vmem_shared>>) dst(%arg8 : memref<640x16xf32, #tpu.memory_space<vmem>>)
      tpu.yield
    }) : () -> ()
    %scan3A_575 = arith.constant 0 : i32
    %scan3A_576 = arith.constant 0 : i32
    %scan3A_577 = arith.constant 640 : i32
    %scan3A_578 = arith.addi %scan3A_576, %scan3A_577 : i32
    %scan3A_579 = arith.constant 1 : i32
    %scan3A_580 = scf.for %scan3A_595 = %scan3A_576 to %scan3A_578 step %scan3A_579 iter_args(%scan3A_596 = %scan3A_575) -> (i32)  : i32 {
      %get3A = arith.index_cast %scan3A_595 : i32 to index
      %get3A_597 = arith.constant 0 : index
      %get3A_598 = tpu.vector_load %arg8[%get3A, %get3A_597] {strides = array<i32>} : memref<640x16xf32, #tpu.memory_space<vmem>>, vector<1x16xf32>,
      %get3A_599 = vector.shape_cast %get3A_598 : vector<1x16xf32> to vector<16xf32>
      %swap3A = arith.index_cast %scan3A_595 : i32 to index
      %swap3A_600 = arith.constant 0 : index
      %swap3A_601 = tpu.vector_load %arg9[%swap3A, %swap3A_600] {strides = array<i32>} : memref<640x32xf32, #tpu.memory_space<vmem>>, vector<1x16xf32>,
      %swap3A_602 = vector.shape_cast %swap3A_601 : vector<1x16xf32> to vector<16xf32>
      %swap3A_603 = vector.shape_cast %get3A_599 : vector<16xf32> to vector<1x16xf32>
      tpu.vector_store %arg9[%swap3A, %swap3A_600], %swap3A_603 {strides = array<i32>} : memref<640x32xf32, #tpu.memory_space<vmem>>, vector<1x16xf32>,
      %swap3A_604 = arith.index_cast %scan3A_595 : i32 to index
      %swap3A_605 = arith.constant 16 : index
      %swap3A_606 = tpu.vector_load %arg9[%swap3A_604, %swap3A_605] {strides = array<i32>} : memref<640x32xf32, #tpu.memory_space<vmem>>, vector<1x16xf32>,
      %swap3A_607 = vector.shape_cast %swap3A_606 : vector<1x16xf32> to vector<16xf32>
      %swap3A_608 = vector.shape_cast %get3A_599 : vector<16xf32> to vector<1x16xf32>
      tpu.vector_store %arg9[%swap3A_604, %swap3A_605], %swap3A_608 {strides = array<i32>} : memref<640x32xf32, #tpu.memory_space<vmem>>, vector<1x16xf32>,
      %scan3A_609 = arith.constant 0 : i32
      scf.yield %scan3A_609 : i32
    }
    %scan3A_581 = arith.constant 640 : i32
    %mul3A_582 = arith.constant 640 : i32
    %mul3A_583 = arith.muli %arg1, %mul3A_582 : i32
    "tpu.region"() ({
      %run_scoped3A_595 = tpu.sem_alloc : memref<!tpu.dma_semaphore, #tpu.memory_space<semaphore_mem>>
      %dma_start3A_596 = arith.constant 0 : i32
      %dma_start3A_597 = tpu.memref_slice %arg3[%arg0, %mul3A_583, %dma_start3A_596] : memref<2x10240x32xf32, #tpu.memory_space<hbm>> -> memref<1x640x32xf32, #tpu.memory_space<hbm>>
      %dma_start3A_598 = tpu.memref_squeeze %dma_start3A_597 : memref<1x640x32xf32, #tpu.memory_space<hbm>> -> memref<640x32xf32, #tpu.memory_space<hbm>>
      %dma_start3A_599 = arith.constant 0 : i32
      %dma_start3A_600 = tpu.memref_slice %arg3[%arg0, %mul3A_583, %dma_start3A_599] : memref<2x10240x32xf32, #tpu.memory_space<hbm>> -> memref<1x640x32xf32, #tpu.memory_space<hbm>>
      %dma_start3A_601 = tpu.memref_squeeze %dma_start3A_600 : memref<1x640x32xf32, #tpu.memory_space<hbm>> -> memref<640x32xf32, #tpu.memory_space<hbm>>
      tpu.enqueue_dma source(%arg9 : memref<640x32xf32, #tpu.memory_space<vmem>>) target(%dma_start3A_601 : memref<640x32xf32, #tpu.memory_space<hbm>>) target_semaphore(%run_scoped3A_595 : memref<!tpu.dma_semaphore, #tpu.memory_space<semaphore_mem>>)
      %dma_wait3A_602 = arith.constant 0 : i32
      %dma_wait3A_603 = tpu.memref_slice %arg3[%arg0, %mul3A_583, %dma_wait3A_602] : memref<2x10240x32xf32, #tpu.memory_space<hbm>> -> memref<1x640x32xf32, #tpu.memory_space<hbm>>
      %dma_wait3A_604 = tpu.memref_squeeze %dma_wait3A_603 : memref<1x640x32xf32, #tpu.memory_space<hbm>> -> memref<640x32xf32, #tpu.memory_space<hbm>>
      %dma_wait3A_605 = arith.constant 0 : i32
      %dma_wait3A_606 = tpu.memref_slice %arg3[%arg0, %mul3A_583, %dma_wait3A_605] : memref<2x10240x32xf32, #tpu.memory_space<hbm>> -> memref<1x640x32xf32, #tpu.memory_space<hbm>>
      %dma_wait3A_607 = tpu.memref_squeeze %dma_wait3A_606 : memref<1x640x32xf32, #tpu.memory_space<hbm>> -> memref<640x32xf32, #tpu.memory_space<hbm>>
      tpu.wait_dma2 semaphore(%run_scoped3A_595 : memref<!tpu.dma_semaphore, #tpu.memory_space<semaphore_mem>>) src(%arg9 : memref<640x32xf32, #tpu.memory_space<vmem>>) dst(%dma_wait3A_607 : memref<640x32xf32, #tpu.memory_space<hbm>>)
      tpu.yield
    }) : () -> ()
    %mul3A_584 = arith.constant 640 : i32
    %mul3A_585 = arith.muli %arg1, %mul3A_584 : i32
    "tpu.region"() ({
      %run_scoped3A_595 = tpu.sem_alloc : memref<!tpu.dma_semaphore, #tpu.memory_space<semaphore_mem>>
      %dma_start3A_596 = arith.constant 0 : i32
      %dma_start3A_597 = tpu.memref_slice %arg11[%mul3A_585, %dma_start3A_596] : memref<10240x16xf32, #tpu.memory_space<vmem_shared>> -> memref<640x16xf32, #tpu.memory_space<vmem_shared>>
      %dma_start3A_598 = arith.constant 0 : i32
      %dma_start3A_599 = tpu.memref_slice %arg11[%mul3A_585, %dma_start3A_598] : memref<10240x16xf32, #tpu.memory_space<vmem_shared>> -> memref<640x16xf32, #tpu.memory_space<vmem_shared>>
      tpu.enqueue_dma source(%dma_start3A_599 : memref<640x16xf32, #tpu.memory_space<vmem_shared>>) target(%arg8 : memref<640x16xf32, #tpu.memory_space<vmem>>) target_semaphore(%run_scoped3A_595 : memref<!tpu.dma_semaphore, #tpu.memory_space<semaphore_mem>>)
      %dma_wait3A_600 = arith.constant 0 : i32
      %dma_wait3A_601 = tpu.memref_slice %arg11[%mul3A_585, %dma_wait3A_600] : memref<10240x16xf32, #tpu.memory_space<vmem_shared>> -> memref<640x16xf32, #tpu.memory_space<vmem_shared>>
      %dma_wait3A_602 = arith.constant 0 : i32
      %dma_wait3A_603 = tpu.memref_slice %arg11[%mul3A_585, %dma_wait3A_602] : memref<10240x16xf32, #tpu.memory_space<vmem_shared>> -> memref<640x16xf32, #tpu.memory_space<vmem_shared>>
      tpu.wait_dma2 semaphore(%run_scoped3A_595 : memref<!tpu.dma_semaphore, #tpu.memory_space<semaphore_mem>>) src(%dma_wait3A_603 : memref<640x16xf32, #tpu.memory_space<vmem_shared>>) dst(%arg8 : memref<640x16xf32, #tpu.memory_space<vmem>>)
      tpu.yield
    }) : () -> ()
    %scan3A_586 = arith.constant 0 : i32
    %scan3A_587 = arith.constant 0 : i32
    %scan3A_588 = arith.constant 640 : i32
    %scan3A_589 = arith.addi %scan3A_587, %scan3A_588 : i32
    %scan3A_590 = arith.constant 1 : i32
    %scan3A_591 = scf.for %scan3A_595 = %scan3A_587 to %scan3A_589 step %scan3A_590 iter_args(%scan3A_596 = %scan3A_586) -> (i32)  : i32 {
      %get3A = arith.index_cast %scan3A_595 : i32 to index
      %get3A_597 = arith.constant 0 : index
      %get3A_598 = tpu.vector_load %arg8[%get3A, %get3A_597] {strides = array<i32>} : memref<640x16xf32, #tpu.memory_space<vmem>>, vector<1x16xf32>,
      %get3A_599 = vector.shape_cast %get3A_598 : vector<1x16xf32> to vector<16xf32>
      %swap3A = arith.index_cast %scan3A_595 : i32 to index
      %swap3A_600 = arith.constant 0 : index
      %swap3A_601 = tpu.vector_load %arg9[%swap3A, %swap3A_600] {strides = array<i32>} : memref<640x32xf32, #tpu.memory_space<vmem>>, vector<1x16xf32>,
      %swap3A_602 = vector.shape_cast %swap3A_601 : vector<1x16xf32> to vector<16xf32>
      %swap3A_603 = vector.shape_cast %get3A_599 : vector<16xf32> to vector<1x16xf32>
      tpu.vector_store %arg9[%swap3A, %swap3A_600], %swap3A_603 {strides = array<i32>} : memref<640x32xf32, #tpu.memory_space<vmem>>, vector<1x16xf32>,
      %swap3A_604 = arith.index_cast %scan3A_595 : i32 to index
      %swap3A_605 = arith.constant 16 : index
      %swap3A_606 = tpu.vector_load %arg9[%swap3A_604, %swap3A_605] {strides = array<i32>} : memref<640x32xf32, #tpu.memory_space<vmem>>, vector<1x16xf32>,
      %swap3A_607 = vector.shape_cast %swap3A_606 : vector<1x16xf32> to vector<16xf32>
      %swap3A_608 = vector.shape_cast %get3A_599 : vector<16xf32> to vector<1x16xf32>
      tpu.vector_store %arg9[%swap3A_604, %swap3A_605], %swap3A_608 {strides = array<i32>} : memref<640x32xf32, #tpu.memory_space<vmem>>, vector<1x16xf32>,
      %scan3A_609 = arith.constant 0 : i32
      scf.yield %scan3A_609 : i32
    }
    %scan3A_592 = arith.constant 640 : i32
    %mul3A_593 = arith.constant 640 : i32
    %mul3A_594 = arith.muli %arg1, %mul3A_593 : i32
    "tpu.region"() ({
      %run_scoped3A_595 = tpu.sem_alloc : memref<!tpu.dma_semaphore, #tpu.memory_space<semaphore_mem>>
      %dma_start3A_596 = arith.constant 0 : i32
      %dma_start3A_597 = tpu.memref_slice %arg4[%arg0, %mul3A_594, %dma_start3A_596] : memref<2x10240x32xf32, #tpu.memory_space<hbm>> -> memref<1x640x32xf32, #tpu.memory_space<hbm>>
      %dma_start3A_598 = tpu.memref_squeeze %dma_start3A_597 : memref<1x640x32xf32, #tpu.memory_space<hbm>> -> memref<640x32xf32, #tpu.memory_space<hbm>>
      %dma_start3A_599 = arith.constant 0 : i32
      %dma_start3A_600 = tpu.memref_slice %arg4[%arg0, %mul3A_594, %dma_start3A_599] : memref<2x10240x32xf32, #tpu.memory_space<hbm>> -> memref<1x640x32xf32, #tpu.memory_space<hbm>>
      %dma_start3A_601 = tpu.memref_squeeze %dma_start3A_600 : memref<1x640x32xf32, #tpu.memory_space<hbm>> -> memref<640x32xf32, #tpu.memory_space<hbm>>
      tpu.enqueue_dma source(%arg9 : memref<640x32xf32, #tpu.memory_space<vmem>>) target(%dma_start3A_601 : memref<640x32xf32, #tpu.memory_space<hbm>>) target_semaphore(%run_scoped3A_595 : memref<!tpu.dma_semaphore, #tpu.memory_space<semaphore_mem>>)
      %dma_wait3A_602 = arith.constant 0 : i32
      %dma_wait3A_603 = tpu.memref_slice %arg4[%arg0, %mul3A_594, %dma_wait3A_602] : memref<2x10240x32xf32, #tpu.memory_space<hbm>> -> memref<1x640x32xf32, #tpu.memory_space<hbm>>
      %dma_wait3A_604 = tpu.memref_squeeze %dma_wait3A_603 : memref<1x640x32xf32, #tpu.memory_space<hbm>> -> memref<640x32xf32, #tpu.memory_space<hbm>>
      %dma_wait3A_605 = arith.constant 0 : i32
      %dma_wait3A_606 = tpu.memref_slice %arg4[%arg0, %mul3A_594, %dma_wait3A_605] : memref<2x10240x32xf32, #tpu.memory_space<hbm>> -> memref<1x640x32xf32, #tpu.memory_space<hbm>>
      %dma_wait3A_607 = tpu.memref_squeeze %dma_wait3A_606 : memref<1x640x32xf32, #tpu.memory_space<hbm>> -> memref<640x32xf32, #tpu.memory_space<hbm>>
      tpu.wait_dma2 semaphore(%run_scoped3A_595 : memref<!tpu.dma_semaphore, #tpu.memory_space<semaphore_mem>>) src(%arg9 : memref<640x32xf32, #tpu.memory_space<vmem>>) dst(%dma_wait3A_607 : memref<640x32xf32, #tpu.memory_space<hbm>>)
      tpu.yield
    }) : () -> ()
    return
  }
}

#map = affine_map<(d0, d1) -> (0, 0)>
#map1 = affine_map<(d0, d1) -> (0, 0, 0)>
module attributes {stable_mosaic.version = 14 : i64} {
  func.func @k(%arg0: i32, %arg1: i32, %arg2: memref<10000x32xf32, #tpu.memory_space<hbm>>, %arg3: memref<2x640x500xi32, #tpu.memory_space<hbm>>, %arg4: memref<2x10240x32xf32, #tpu.memory_space<hbm>>, %arg5: memref<20x500xi32, #tpu.memory_space<vmem>>, %arg6: memref<20x500xi32, #tpu.memory_space<vmem>>, %arg7: memref<500x32xf32, #tpu.memory_space<vmem>>, %arg8: memref<500x32xf32, #tpu.memory_space<vmem>>, %arg9: memref<500x32xf32, #tpu.memory_space<vmem>>, %arg10: memref<10240x32xf32, #tpu.memory_space<vmem_shared>>, %arg11: memref<!tpu.dma_semaphore, #tpu.memory_space<semaphore_mem>>, %arg12: memref<!tpu.dma_semaphore, #tpu.memory_space<semaphore_mem>>) attributes {dimension_semantics = [#tpu.dimension_semantics<core_parallel>, #tpu.dimension_semantics<subcore_parallel>], iteration_bounds = array<i64: 2, 16>, scalar_prefetch = 0 : i64, scratch_operands = 8 : i64, tpu.core_type = #tpu.core_type<sc_vector_subcore>, window_params = [{transform_indices = #map}, {transform_indices = #map1}, {transform_indices = #map1}]} {
    %mul3A = arith.constant 2 : i32
    %mul3A_0 = arith.muli %arg1, %mul3A : i32
    %add3A = arith.addi %mul3A_0, %arg0 : i32
    %scan3A = arith.constant 0 : i32
    %scan3A_1 = arith.constant 0 : i32
    %scan3A_2 = arith.constant 640 : i32
    %scan3A_3 = arith.addi %scan3A_1, %scan3A_2 : i32
    %scan3A_4 = arith.constant 1 : i32
    %scan3A_5 = scf.for %scan3A_575 = %scan3A_1 to %scan3A_3 step %scan3A_4 iter_args(%scan3A_576 = %scan3A) -> (i32)  : i32 {
      %broadcast_in_dim3A = arith.constant 0.000000e+00 : f32
      %broadcast_in_dim3A_577 = vector.broadcast %broadcast_in_dim3A : f32 to vector<16xf32>
      %swap3A = arith.index_cast %scan3A_575 : i32 to index
      %swap3A_578 = arith.constant 0 : index
      %swap3A_579 = tpu.vector_load %arg7[%swap3A, %swap3A_578] {strides = array<i32>} : memref<500x32xf32, #tpu.memory_space<vmem>>, vector<1x16xf32>,
      %swap3A_580 = vector.shape_cast %swap3A_579 : vector<1x16xf32> to vector<16xf32>
      %swap3A_581 = vector.shape_cast %broadcast_in_dim3A_577 : vector<16xf32> to vector<1x16xf32>
      tpu.vector_store %arg7[%swap3A, %swap3A_578], %swap3A_581 {strides = array<i32>} : memref<500x32xf32, #tpu.memory_space<vmem>>, vector<1x16xf32>,
      %broadcast_in_dim3A_582 = arith.constant 0.000000e+00 : f32
      %broadcast_in_dim3A_583 = vector.broadcast %broadcast_in_dim3A_582 : f32 to vector<16xf32>
      %swap3A_584 = arith.index_cast %scan3A_575 : i32 to index
      %swap3A_585 = arith.constant 16 : index
      %swap3A_586 = tpu.vector_load %arg7[%swap3A_584, %swap3A_585] {strides = array<i32>} : memref<500x32xf32, #tpu.memory_space<vmem>>, vector<1x16xf32>,
      %swap3A_587 = vector.shape_cast %swap3A_586 : vector<1x16xf32> to vector<16xf32>
      %swap3A_588 = vector.shape_cast %broadcast_in_dim3A_583 : vector<16xf32> to vector<1x16xf32>
      tpu.vector_store %arg7[%swap3A_584, %swap3A_585], %swap3A_588 {strides = array<i32>} : memref<500x32xf32, #tpu.memory_space<vmem>>, vector<1x16xf32>,
      %scan3A_589 = arith.constant 0 : i32
      scf.yield %scan3A_589 : i32
    }
    %scan3A_6 = arith.constant 640 : i32
    %mul3A_7 = arith.constant 640 : i32
    %mul3A_8 = arith.muli %arg1, %mul3A_7 : i32
    "tpu.region"() ({
      %run_scoped3A_575 = tpu.sem_alloc : memref<!tpu.dma_semaphore, #tpu.memory_space<semaphore_mem>>
      %dma_start3A_576 = arith.constant 0 : i32
      %dma_start3A_577 = arith.constant 0 : i32
      %dma_start3A_578 = tpu.memref_slice %arg7[%dma_start3A_576, %dma_start3A_577] : memref<500x32xf32, #tpu.memory_space<vmem>> -> memref<640x32xf32, #tpu.memory_space<vmem>>
      %dma_start3A_579 = arith.constant 0 : i32
      %dma_start3A_580 = tpu.memref_slice %arg10[%mul3A_8, %dma_start3A_579] : memref<10240x32xf32, #tpu.memory_space<vmem_shared>> -> memref<640x32xf32, #tpu.memory_space<vmem_shared>>
      %dma_start3A_581 = arith.constant 0 : i32
      %dma_start3A_582 = tpu.memref_slice %arg10[%mul3A_8, %dma_start3A_581] : memref<10240x32xf32, #tpu.memory_space<vmem_shared>> -> memref<640x32xf32, #tpu.memory_space<vmem_shared>>
      %dma_start3A_583 = arith.constant 0 : i32
      %dma_start3A_584 = arith.constant 0 : i32
      %dma_start3A_585 = tpu.memref_slice %arg7[%dma_start3A_583, %dma_start3A_584] : memref<500x32xf32, #tpu.memory_space<vmem>> -> memref<640x32xf32, #tpu.memory_space<vmem>>
      tpu.enqueue_dma source(%dma_start3A_585 : memref<640x32xf32, #tpu.memory_space<vmem>>) target(%dma_start3A_582 : memref<640x32xf32, #tpu.memory_space<vmem_shared>>) target_semaphore(%run_scoped3A_575 : memref<!tpu.dma_semaphore, #tpu.memory_space<semaphore_mem>>)
      %dma_wait3A_586 = arith.constant 0 : i32
      %dma_wait3A_587 = arith.constant 0 : i32
      %dma_wait3A_588 = tpu.memref_slice %arg7[%dma_wait3A_586, %dma_wait3A_587] : memref<500x32xf32, #tpu.memory_space<vmem>> -> memref<640x32xf32, #tpu.memory_space<vmem>>
      %dma_wait3A_589 = arith.constant 0 : i32
      %dma_wait3A_590 = tpu.memref_slice %arg10[%mul3A_8, %dma_wait3A_589] : memref<10240x32xf32, #tpu.memory_space<vmem_shared>> -> memref<640x32xf32, #tpu.memory_space<vmem_shared>>
      %dma_wait3A_591 = arith.constant 0 : i32
      %dma_wait3A_592 = tpu.memref_slice %arg10[%mul3A_8, %dma_wait3A_591] : memref<10240x32xf32, #tpu.memory_space<vmem_shared>> -> memref<640x32xf32, #tpu.memory_space<vmem_shared>>
      %dma_wait3A_593 = arith.constant 0 : i32
      %dma_wait3A_594 = arith.constant 0 : i32
      %dma_wait3A_595 = tpu.memref_slice %arg7[%dma_wait3A_593, %dma_wait3A_594] : memref<500x32xf32, #tpu.memory_space<vmem>> -> memref<640x32xf32, #tpu.memory_space<vmem>>
      tpu.wait_dma2 semaphore(%run_scoped3A_575 : memref<!tpu.dma_semaphore, #tpu.memory_space<semaphore_mem>>) src(%dma_wait3A_595 : memref<640x32xf32, #tpu.memory_space<vmem>>) dst(%dma_wait3A_592 : memref<640x32xf32, #tpu.memory_space<vmem_shared>>)
      tpu.yield
    }) : () -> ()
    %mul3A_9 = arith.constant 20 : i32
    %mul3A_10 = arith.muli %add3A, %mul3A_9 : i32
    %run_scoped3A = arith.constant 0 : i32
    "tpu.region"() ({
      %run_scoped3A_575 = tpu.sem_alloc : memref<!tpu.dma_semaphore, #tpu.memory_space<semaphore_mem>>
      %dma_start3A_576 = arith.constant 0 : i32
      %dma_start3A_577 = tpu.memref_slice %arg3[%run_scoped3A, %mul3A_10, %dma_start3A_576] : memref<2x640x500xi32, #tpu.memory_space<hbm>> -> memref<1x20x500xi32, #tpu.memory_space<hbm>>
      %dma_start3A_578 = tpu.memref_squeeze %dma_start3A_577 : memref<1x20x500xi32, #tpu.memory_space<hbm>> -> memref<20x500xi32, #tpu.memory_space<hbm>>
      %dma_start3A_579 = arith.constant 0 : i32
      %dma_start3A_580 = tpu.memref_slice %arg3[%run_scoped3A, %mul3A_10, %dma_start3A_579] : memref<2x640x500xi32, #tpu.memory_space<hbm>> -> memref<1x20x500xi32, #tpu.memory_space<hbm>>
      %dma_start3A_581 = tpu.memref_squeeze %dma_start3A_580 : memref<1x20x500xi32, #tpu.memory_space<hbm>> -> memref<20x500xi32, #tpu.memory_space<hbm>>
      tpu.enqueue_dma source(%dma_start3A_581 : memref<20x500xi32, #tpu.memory_space<hbm>>) target(%arg5 : memref<20x500xi32, #tpu.memory_space<vmem>>) target_semaphore(%run_scoped3A_575 : memref<!tpu.dma_semaphore, #tpu.memory_space<semaphore_mem>>)
      %dma_wait3A_582 = arith.constant 0 : i32
      %dma_wait3A_583 = tpu.memref_slice %arg3[%run_scoped3A, %mul3A_10, %dma_wait3A_582] : memref<2x640x500xi32, #tpu.memory_space<hbm>> -> memref<1x20x500xi32, #tpu.memory_space<hbm>>
      %dma_wait3A_584 = tpu.memref_squeeze %dma_wait3A_583 : memref<1x20x500xi32, #tpu.memory_space<hbm>> -> memref<20x500xi32, #tpu.memory_space<hbm>>
      %dma_wait3A_585 = arith.constant 0 : i32
      %dma_wait3A_586 = tpu.memref_slice %arg3[%run_scoped3A, %mul3A_10, %dma_wait3A_585] : memref<2x640x500xi32, #tpu.memory_space<hbm>> -> memref<1x20x500xi32, #tpu.memory_space<hbm>>
      %dma_wait3A_587 = tpu.memref_squeeze %dma_wait3A_586 : memref<1x20x500xi32, #tpu.memory_space<hbm>> -> memref<20x500xi32, #tpu.memory_space<hbm>>
      tpu.wait_dma2 semaphore(%run_scoped3A_575 : memref<!tpu.dma_semaphore, #tpu.memory_space<semaphore_mem>>) src(%dma_wait3A_587 : memref<20x500xi32, #tpu.memory_space<hbm>>) dst(%arg5 : memref<20x500xi32, #tpu.memory_space<vmem>>)
      tpu.yield
    }) : () -> ()
    %run_scoped3A_11 = arith.constant 1 : i32
    "tpu.region"() ({
      %run_scoped3A_575 = tpu.sem_alloc : memref<!tpu.dma_semaphore, #tpu.memory_space<semaphore_mem>>
      %dma_start3A_576 = arith.constant 0 : i32
      %dma_start3A_577 = tpu.memref_slice %arg3[%run_scoped3A_11, %mul3A_10, %dma_start3A_576] : memref<2x640x500xi32, #tpu.memory_space<hbm>> -> memref<1x20x500xi32, #tpu.memory_space<hbm>>
      %dma_start3A_578 = tpu.memref_squeeze %dma_start3A_577 : memref<1x20x500xi32, #tpu.memory_space<hbm>> -> memref<20x500xi32, #tpu.memory_space<hbm>>
      %dma_start3A_579 = arith.constant 0 : i32
      %dma_start3A_580 = tpu.memref_slice %arg3[%run_scoped3A_11, %mul3A_10, %dma_start3A_579] : memref<2x640x500xi32, #tpu.memory_space<hbm>> -> memref<1x20x500xi32, #tpu.memory_space<hbm>>
      %dma_start3A_581 = tpu.memref_squeeze %dma_start3A_580 : memref<1x20x500xi32, #tpu.memory_space<hbm>> -> memref<20x500xi32, #tpu.memory_space<hbm>>
      tpu.enqueue_dma source(%dma_start3A_581 : memref<20x500xi32, #tpu.memory_space<hbm>>) target(%arg6 : memref<20x500xi32, #tpu.memory_space<vmem>>) target_semaphore(%run_scoped3A_575 : memref<!tpu.dma_semaphore, #tpu.memory_space<semaphore_mem>>)
      %dma_wait3A_582 = arith.constant 0 : i32
      %dma_wait3A_583 = tpu.memref_slice %arg3[%run_scoped3A_11, %mul3A_10, %dma_wait3A_582] : memref<2x640x500xi32, #tpu.memory_space<hbm>> -> memref<1x20x500xi32, #tpu.memory_space<hbm>>
      %dma_wait3A_584 = tpu.memref_squeeze %dma_wait3A_583 : memref<1x20x500xi32, #tpu.memory_space<hbm>> -> memref<20x500xi32, #tpu.memory_space<hbm>>
      %dma_wait3A_585 = arith.constant 0 : i32
      %dma_wait3A_586 = tpu.memref_slice %arg3[%run_scoped3A_11, %mul3A_10, %dma_wait3A_585] : memref<2x640x500xi32, #tpu.memory_space<hbm>> -> memref<1x20x500xi32, #tpu.memory_space<hbm>>
      %dma_wait3A_587 = tpu.memref_squeeze %dma_wait3A_586 : memref<1x20x500xi32, #tpu.memory_space<hbm>> -> memref<20x500xi32, #tpu.memory_space<hbm>>
      tpu.wait_dma2 semaphore(%run_scoped3A_575 : memref<!tpu.dma_semaphore, #tpu.memory_space<semaphore_mem>>) src(%dma_wait3A_587 : memref<20x500xi32, #tpu.memory_space<hbm>>) dst(%arg6 : memref<20x500xi32, #tpu.memory_space<vmem>>)
      tpu.yield
    }) : () -> ()
    %barrier3A = arith.constant 0 : index
    tpu.barrier barrier_id(%barrier3A)
    %dma_start3A = arith.constant 0 : i32
    %dma_start3A_12 = arith.constant 0 : i32
    %dma_start3A_13 = tpu.memref_slice %arg5[%dma_start3A, %dma_start3A_12] : memref<20x500xi32, #tpu.memory_space<vmem>> -> memref<1x500xi32, #tpu.memory_space<vmem>>
    %dma_start3A_14 = tpu.memref_squeeze %dma_start3A_13 : memref<1x500xi32, #tpu.memory_space<vmem>> -> memref<500xi32, #tpu.memory_space<vmem>>
    %dma_start3A_15 = arith.constant 0 : i32
    %dma_start3A_16 = arith.constant 0 : i32
    %dma_start3A_17 = tpu.memref_slice %arg2[%dma_start3A_15, %dma_start3A_16] : memref<10000x32xf32, #tpu.memory_space<hbm>> -> memref<10000x32xf32, #tpu.memory_space<hbm>>
    tpu.enqueue_indirect_dma source(%dma_start3A_17 : memref<10000x32xf32, #tpu.memory_space<hbm>>) target(%arg7 : memref<500x32xf32, #tpu.memory_space<vmem>>) offsets(%dma_start3A_14 : memref<500xi32, #tpu.memory_space<vmem>>) semaphore(%arg11 : memref<!tpu.dma_semaphore, #tpu.memory_space<semaphore_mem>>)
    %dma_start3A_18 = arith.constant 1 : i32
    %dma_start3A_19 = arith.constant 0 : i32
    %dma_start3A_20 = tpu.memref_slice %arg5[%dma_start3A_18, %dma_start3A_19] : memref<20x500xi32, #tpu.memory_space<vmem>> -> memref<1x500xi32, #tpu.memory_space<vmem>>
    %dma_start3A_21 = tpu.memref_squeeze %dma_start3A_20 : memref<1x500xi32, #tpu.memory_space<vmem>> -> memref<500xi32, #tpu.memory_space<vmem>>
    %dma_start3A_22 = arith.constant 0 : i32
    %dma_start3A_23 = arith.constant 0 : i32
    %dma_start3A_24 = tpu.memref_slice %arg2[%dma_start3A_22, %dma_start3A_23] : memref<10000x32xf32, #tpu.memory_space<hbm>> -> memref<10000x32xf32, #tpu.memory_space<hbm>>
    tpu.enqueue_indirect_dma source(%dma_start3A_24 : memref<10000x32xf32, #tpu.memory_space<hbm>>) target(%arg8 : memref<500x32xf32, #tpu.memory_space<vmem>>) offsets(%dma_start3A_21 : memref<500xi32, #tpu.memory_space<vmem>>) semaphore(%arg11 : memref<!tpu.dma_semaphore, #tpu.memory_space<semaphore_mem>>)
    %dma_wait3A = arith.constant 0 : i32
    %dma_wait3A_25 = arith.constant 0 : i32
    %dma_wait3A_26 = tpu.memref_slice %arg5[%dma_wait3A, %dma_wait3A_25] : memref<20x500xi32, #tpu.memory_space<vmem>> -> memref<1x500xi32, #tpu.memory_space<vmem>>
    %dma_wait3A_27 = tpu.memref_squeeze %dma_wait3A_26 : memref<1x500xi32, #tpu.memory_space<vmem>> -> memref<500xi32, #tpu.memory_space<vmem>>
    %dma_wait3A_28 = arith.constant 0 : i32
    %dma_wait3A_29 = arith.constant 0 : i32
    %dma_wait3A_30 = tpu.memref_slice %arg2[%dma_wait3A_28, %dma_wait3A_29] : memref<10000x32xf32, #tpu.memory_space<hbm>> -> memref<10000x32xf32, #tpu.memory_space<hbm>>
    tpu.wait_indirect_dma semaphore(%arg11 : memref<!tpu.dma_semaphore, #tpu.memory_space<semaphore_mem>>) src(%dma_wait3A_30 : memref<10000x32xf32, #tpu.memory_space<hbm>>) dst(%arg7 : memref<500x32xf32, #tpu.memory_space<vmem>>)
    %dma_start3A_31 = arith.constant 0 : i32
    %dma_start3A_32 = arith.constant 0 : i32
    %dma_start3A_33 = tpu.memref_slice %arg6[%dma_start3A_31, %dma_start3A_32] : memref<20x500xi32, #tpu.memory_space<vmem>> -> memref<1x500xi32, #tpu.memory_space<vmem>>
    %dma_start3A_34 = tpu.memref_squeeze %dma_start3A_33 : memref<1x500xi32, #tpu.memory_space<vmem>> -> memref<500xi32, #tpu.memory_space<vmem>>
    %dma_start3A_35 = arith.constant 0 : i32
    %dma_start3A_36 = arith.constant 0 : i32
    %dma_start3A_37 = tpu.memref_slice %arg10[%dma_start3A_35, %dma_start3A_36] : memref<10240x32xf32, #tpu.memory_space<vmem_shared>> -> memref<10240x32xf32, #tpu.memory_space<vmem_shared>>
    tpu.enqueue_indirect_dma source(%arg7 : memref<500x32xf32, #tpu.memory_space<vmem>>) target(%dma_start3A_37 : memref<10240x32xf32, #tpu.memory_space<vmem_shared>>) offsets(%dma_start3A_34 : memref<500xi32, #tpu.memory_space<vmem>>) semaphore(%arg12 : memref<!tpu.dma_semaphore, #tpu.memory_space<semaphore_mem>>) {add = true}
    %dma_start3A_38 = arith.constant 2 : i32
    %dma_start3A_39 = arith.constant 0 : i32
    %dma_start3A_40 = tpu.memref_slice %arg5[%dma_start3A_38, %dma_start3A_39] : memref<20x500xi32, #tpu.memory_space<vmem>> -> memref<1x500xi32, #tpu.memory_space<vmem>>
    %dma_start3A_41 = tpu.memref_squeeze %dma_start3A_40 : memref<1x500xi32, #tpu.memory_space<vmem>> -> memref<500xi32, #tpu.memory_space<vmem>>
    %dma_start3A_42 = arith.constant 0 : i32
    %dma_start3A_43 = arith.constant 0 : i32
    %dma_start3A_44 = tpu.memref_slice %arg2[%dma_start3A_42, %dma_start3A_43] : memref<10000x32xf32, #tpu.memory_space<hbm>> -> memref<10000x32xf32, #tpu.memory_space<hbm>>
    tpu.enqueue_indirect_dma source(%dma_start3A_44 : memref<10000x32xf32, #tpu.memory_space<hbm>>) target(%arg9 : memref<500x32xf32, #tpu.memory_space<vmem>>) offsets(%dma_start3A_41 : memref<500xi32, #tpu.memory_space<vmem>>) semaphore(%arg11 : memref<!tpu.dma_semaphore, #tpu.memory_space<semaphore_mem>>)
    %dma_wait3A_45 = arith.constant 1 : i32
    %dma_wait3A_46 = arith.constant 0 : i32
    %dma_wait3A_47 = tpu.memref_slice %arg5[%dma_wait3A_45, %dma_wait3A_46] : memref<20x500xi32, #tpu.memory_space<vmem>> -> memref<1x500xi32, #tpu.memory_space<vmem>>
    %dma_wait3A_48 = tpu.memref_squeeze %dma_wait3A_47 : memref<1x500xi32, #tpu.memory_space<vmem>> -> memref<500xi32, #tpu.memory_space<vmem>>
    %dma_wait3A_49 = arith.constant 0 : i32
    %dma_wait3A_50 = arith.constant 0 : i32
    %dma_wait3A_51 = tpu.memref_slice %arg2[%dma_wait3A_49, %dma_wait3A_50] : memref<10000x32xf32, #tpu.memory_space<hbm>> -> memref<10000x32xf32, #tpu.memory_space<hbm>>
    tpu.wait_indirect_dma semaphore(%arg11 : memref<!tpu.dma_semaphore, #tpu.memory_space<semaphore_mem>>) src(%dma_wait3A_51 : memref<10000x32xf32, #tpu.memory_space<hbm>>) dst(%arg8 : memref<500x32xf32, #tpu.memory_space<vmem>>)
    %dma_start3A_52 = arith.constant 1 : i32
    %dma_start3A_53 = arith.constant 0 : i32
    %dma_start3A_54 = tpu.memref_slice %arg6[%dma_start3A_52, %dma_start3A_53] : memref<20x500xi32, #tpu.memory_space<vmem>> -> memref<1x500xi32, #tpu.memory_space<vmem>>
    %dma_start3A_55 = tpu.memref_squeeze %dma_start3A_54 : memref<1x500xi32, #tpu.memory_space<vmem>> -> memref<500xi32, #tpu.memory_space<vmem>>
    %dma_start3A_56 = arith.constant 0 : i32
    %dma_start3A_57 = arith.constant 0 : i32
    %dma_start3A_58 = tpu.memref_slice %arg10[%dma_start3A_56, %dma_start3A_57] : memref<10240x32xf32, #tpu.memory_space<vmem_shared>> -> memref<10240x32xf32, #tpu.memory_space<vmem_shared>>
    tpu.enqueue_indirect_dma source(%arg8 : memref<500x32xf32, #tpu.memory_space<vmem>>) target(%dma_start3A_58 : memref<10240x32xf32, #tpu.memory_space<vmem_shared>>) offsets(%dma_start3A_55 : memref<500xi32, #tpu.memory_space<vmem>>) semaphore(%arg12 : memref<!tpu.dma_semaphore, #tpu.memory_space<semaphore_mem>>) {add = true}
    %dma_wait3A_59 = arith.constant 0 : i32
    %dma_wait3A_60 = arith.constant 0 : i32
    %dma_wait3A_61 = tpu.memref_slice %arg6[%dma_wait3A_59, %dma_wait3A_60] : memref<20x500xi32, #tpu.memory_space<vmem>> -> memref<1x500xi32, #tpu.memory_space<vmem>>
    %dma_wait3A_62 = tpu.memref_squeeze %dma_wait3A_61 : memref<1x500xi32, #tpu.memory_space<vmem>> -> memref<500xi32, #tpu.memory_space<vmem>>
    %dma_wait3A_63 = arith.constant 0 : i32
    %dma_wait3A_64 = arith.constant 0 : i32
    %dma_wait3A_65 = tpu.memref_slice %arg10[%dma_wait3A_63, %dma_wait3A_64] : memref<10240x32xf32, #tpu.memory_space<vmem_shared>> -> memref<10240x32xf32, #tpu.memory_space<vmem_shared>>
    tpu.wait_indirect_dma semaphore(%arg12 : memref<!tpu.dma_semaphore, #tpu.memory_space<semaphore_mem>>) src(%arg7 : memref<500x32xf32, #tpu.memory_space<vmem>>) dst(%dma_wait3A_65 : memref<10240x32xf32, #tpu.memory_space<vmem_shared>>)
    %dma_start3A_66 = arith.constant 3 : i32
    %dma_start3A_67 = arith.constant 0 : i32
    %dma_start3A_68 = tpu.memref_slice %arg5[%dma_start3A_66, %dma_start3A_67] : memref<20x500xi32, #tpu.memory_space<vmem>> -> memref<1x500xi32, #tpu.memory_space<vmem>>
    %dma_start3A_69 = tpu.memref_squeeze %dma_start3A_68 : memref<1x500xi32, #tpu.memory_space<vmem>> -> memref<500xi32, #tpu.memory_space<vmem>>
    %dma_start3A_70 = arith.constant 0 : i32
    %dma_start3A_71 = arith.constant 0 : i32
    %dma_start3A_72 = tpu.memref_slice %arg2[%dma_start3A_70, %dma_start3A_71] : memref<10000x32xf32, #tpu.memory_space<hbm>> -> memref<10000x32xf32, #tpu.memory_space<hbm>>
    tpu.enqueue_indirect_dma source(%dma_start3A_72 : memref<10000x32xf32, #tpu.memory_space<hbm>>) target(%arg7 : memref<500x32xf32, #tpu.memory_space<vmem>>) offsets(%dma_start3A_69 : memref<500xi32, #tpu.memory_space<vmem>>) semaphore(%arg11 : memref<!tpu.dma_semaphore, #tpu.memory_space<semaphore_mem>>)
    %dma_wait3A_73 = arith.constant 2 : i32
    %dma_wait3A_74 = arith.constant 0 : i32
    %dma_wait3A_75 = tpu.memref_slice %arg5[%dma_wait3A_73, %dma_wait3A_74] : memref<20x500xi32, #tpu.memory_space<vmem>> -> memref<1x500xi32, #tpu.memory_space<vmem>>
    %dma_wait3A_76 = tpu.memref_squeeze %dma_wait3A_75 : memref<1x500xi32, #tpu.memory_space<vmem>> -> memref<500xi32, #tpu.memory_space<vmem>>
    %dma_wait3A_77 = arith.constant 0 : i32
    %dma_wait3A_78 = arith.constant 0 : i32
    %dma_wait3A_79 = tpu.memref_slice %arg2[%dma_wait3A_77, %dma_wait3A_78] : memref<10000x32xf32, #tpu.memory_space<hbm>> -> memref<10000x32xf32, #tpu.memory_space<hbm>>
    tpu.wait_indirect_dma semaphore(%arg11 : memref<!tpu.dma_semaphore, #tpu.memory_space<semaphore_mem>>) src(%dma_wait3A_79 : memref<10000x32xf32, #tpu.memory_space<hbm>>) dst(%arg9 : memref<500x32xf32, #tpu.memory_space<vmem>>)
    %dma_start3A_80 = arith.constant 2 : i32
    %dma_start3A_81 = arith.constant 0 : i32
    %dma_start3A_82 = tpu.memref_slice %arg6[%dma_start3A_80, %dma_start3A_81] : memref<20x500xi32, #tpu.memory_space<vmem>> -> memref<1x500xi32, #tpu.memory_space<vmem>>
    %dma_start3A_83 = tpu.memref_squeeze %dma_start3A_82 : memref<1x500xi32, #tpu.memory_space<vmem>> -> memref<500xi32, #tpu.memory_space<vmem>>
    %dma_start3A_84 = arith.constant 0 : i32
    %dma_start3A_85 = arith.constant 0 : i32
    %dma_start3A_86 = tpu.memref_slice %arg10[%dma_start3A_84, %dma_start3A_85] : memref<10240x32xf32, #tpu.memory_space<vmem_shared>> -> memref<10240x32xf32, #tpu.memory_space<vmem_shared>>
    tpu.enqueue_indirect_dma source(%arg9 : memref<500x32xf32, #tpu.memory_space<vmem>>) target(%dma_start3A_86 : memref<10240x32xf32, #tpu.memory_space<vmem_shared>>) offsets(%dma_start3A_83 : memref<500xi32, #tpu.memory_space<vmem>>) semaphore(%arg12 : memref<!tpu.dma_semaphore, #tpu.memory_space<semaphore_mem>>) {add = true}
    %dma_wait3A_87 = arith.constant 1 : i32
    %dma_wait3A_88 = arith.constant 0 : i32
    %dma_wait3A_89 = tpu.memref_slice %arg6[%dma_wait3A_87, %dma_wait3A_88] : memref<20x500xi32, #tpu.memory_space<vmem>> -> memref<1x500xi32, #tpu.memory_space<vmem>>
    %dma_wait3A_90 = tpu.memref_squeeze %dma_wait3A_89 : memref<1x500xi32, #tpu.memory_space<vmem>> -> memref<500xi32, #tpu.memory_space<vmem>>
    %dma_wait3A_91 = arith.constant 0 : i32
    %dma_wait3A_92 = arith.constant 0 : i32
    %dma_wait3A_93 = tpu.memref_slice %arg10[%dma_wait3A_91, %dma_wait3A_92] : memref<10240x32xf32, #tpu.memory_space<vmem_shared>> -> memref<10240x32xf32, #tpu.memory_space<vmem_shared>>
    tpu.wait_indirect_dma semaphore(%arg12 : memref<!tpu.dma_semaphore, #tpu.memory_space<semaphore_mem>>) src(%arg8 : memref<500x32xf32, #tpu.memory_space<vmem>>) dst(%dma_wait3A_93 : memref<10240x32xf32, #tpu.memory_space<vmem_shared>>)
    %dma_start3A_94 = arith.constant 4 : i32
    %dma_start3A_95 = arith.constant 0 : i32
    %dma_start3A_96 = tpu.memref_slice %arg5[%dma_start3A_94, %dma_start3A_95] : memref<20x500xi32, #tpu.memory_space<vmem>> -> memref<1x500xi32, #tpu.memory_space<vmem>>
    %dma_start3A_97 = tpu.memref_squeeze %dma_start3A_96 : memref<1x500xi32, #tpu.memory_space<vmem>> -> memref<500xi32, #tpu.memory_space<vmem>>
    %dma_start3A_98 = arith.constant 0 : i32
    %dma_start3A_99 = arith.constant 0 : i32
    %dma_start3A_100 = tpu.memref_slice %arg2[%dma_start3A_98, %dma_start3A_99] : memref<10000x32xf32, #tpu.memory_space<hbm>> -> memref<10000x32xf32, #tpu.memory_space<hbm>>
    tpu.enqueue_indirect_dma source(%dma_start3A_100 : memref<10000x32xf32, #tpu.memory_space<hbm>>) target(%arg8 : memref<500x32xf32, #tpu.memory_space<vmem>>) offsets(%dma_start3A_97 : memref<500xi32, #tpu.memory_space<vmem>>) semaphore(%arg11 : memref<!tpu.dma_semaphore, #tpu.memory_space<semaphore_mem>>)
    %dma_wait3A_101 = arith.constant 3 : i32
    %dma_wait3A_102 = arith.constant 0 : i32
    %dma_wait3A_103 = tpu.memref_slice %arg5[%dma_wait3A_101, %dma_wait3A_102] : memref<20x500xi32, #tpu.memory_space<vmem>> -> memref<1x500xi32, #tpu.memory_space<vmem>>
    %dma_wait3A_104 = tpu.memref_squeeze %dma_wait3A_103 : memref<1x500xi32, #tpu.memory_space<vmem>> -> memref<500xi32, #tpu.memory_space<vmem>>
    %dma_wait3A_105 = arith.constant 0 : i32
    %dma_wait3A_106 = arith.constant 0 : i32
    %dma_wait3A_107 = tpu.memref_slice %arg2[%dma_wait3A_105, %dma_wait3A_106] : memref<10000x32xf32, #tpu.memory_space<hbm>> -> memref<10000x32xf32, #tpu.memory_space<hbm>>
    tpu.wait_indirect_dma semaphore(%arg11 : memref<!tpu.dma_semaphore, #tpu.memory_space<semaphore_mem>>) src(%dma_wait3A_107 : memref<10000x32xf32, #tpu.memory_space<hbm>>) dst(%arg7 : memref<500x32xf32, #tpu.memory_space<vmem>>)
    %dma_start3A_108 = arith.constant 3 : i32
    %dma_start3A_109 = arith.constant 0 : i32
    %dma_start3A_110 = tpu.memref_slice %arg6[%dma_start3A_108, %dma_start3A_109] : memref<20x500xi32, #tpu.memory_space<vmem>> -> memref<1x500xi32, #tpu.memory_space<vmem>>
    %dma_start3A_111 = tpu.memref_squeeze %dma_start3A_110 : memref<1x500xi32, #tpu.memory_space<vmem>> -> memref<500xi32, #tpu.memory_space<vmem>>
    %dma_start3A_112 = arith.constant 0 : i32
    %dma_start3A_113 = arith.constant 0 : i32
    %dma_start3A_114 = tpu.memref_slice %arg10[%dma_start3A_112, %dma_start3A_113] : memref<10240x32xf32, #tpu.memory_space<vmem_shared>> -> memref<10240x32xf32, #tpu.memory_space<vmem_shared>>
    tpu.enqueue_indirect_dma source(%arg7 : memref<500x32xf32, #tpu.memory_space<vmem>>) target(%dma_start3A_114 : memref<10240x32xf32, #tpu.memory_space<vmem_shared>>) offsets(%dma_start3A_111 : memref<500xi32, #tpu.memory_space<vmem>>) semaphore(%arg12 : memref<!tpu.dma_semaphore, #tpu.memory_space<semaphore_mem>>) {add = true}
    %dma_wait3A_115 = arith.constant 2 : i32
    %dma_wait3A_116 = arith.constant 0 : i32
    %dma_wait3A_117 = tpu.memref_slice %arg6[%dma_wait3A_115, %dma_wait3A_116] : memref<20x500xi32, #tpu.memory_space<vmem>> -> memref<1x500xi32, #tpu.memory_space<vmem>>
    %dma_wait3A_118 = tpu.memref_squeeze %dma_wait3A_117 : memref<1x500xi32, #tpu.memory_space<vmem>> -> memref<500xi32, #tpu.memory_space<vmem>>
    %dma_wait3A_119 = arith.constant 0 : i32
    %dma_wait3A_120 = arith.constant 0 : i32
    %dma_wait3A_121 = tpu.memref_slice %arg10[%dma_wait3A_119, %dma_wait3A_120] : memref<10240x32xf32, #tpu.memory_space<vmem_shared>> -> memref<10240x32xf32, #tpu.memory_space<vmem_shared>>
    tpu.wait_indirect_dma semaphore(%arg12 : memref<!tpu.dma_semaphore, #tpu.memory_space<semaphore_mem>>) src(%arg9 : memref<500x32xf32, #tpu.memory_space<vmem>>) dst(%dma_wait3A_121 : memref<10240x32xf32, #tpu.memory_space<vmem_shared>>)
    %dma_start3A_122 = arith.constant 5 : i32
    %dma_start3A_123 = arith.constant 0 : i32
    %dma_start3A_124 = tpu.memref_slice %arg5[%dma_start3A_122, %dma_start3A_123] : memref<20x500xi32, #tpu.memory_space<vmem>> -> memref<1x500xi32, #tpu.memory_space<vmem>>
    %dma_start3A_125 = tpu.memref_squeeze %dma_start3A_124 : memref<1x500xi32, #tpu.memory_space<vmem>> -> memref<500xi32, #tpu.memory_space<vmem>>
    %dma_start3A_126 = arith.constant 0 : i32
    %dma_start3A_127 = arith.constant 0 : i32
    %dma_start3A_128 = tpu.memref_slice %arg2[%dma_start3A_126, %dma_start3A_127] : memref<10000x32xf32, #tpu.memory_space<hbm>> -> memref<10000x32xf32, #tpu.memory_space<hbm>>
    tpu.enqueue_indirect_dma source(%dma_start3A_128 : memref<10000x32xf32, #tpu.memory_space<hbm>>) target(%arg9 : memref<500x32xf32, #tpu.memory_space<vmem>>) offsets(%dma_start3A_125 : memref<500xi32, #tpu.memory_space<vmem>>) semaphore(%arg11 : memref<!tpu.dma_semaphore, #tpu.memory_space<semaphore_mem>>)
    %dma_wait3A_129 = arith.constant 4 : i32
    %dma_wait3A_130 = arith.constant 0 : i32
    %dma_wait3A_131 = tpu.memref_slice %arg5[%dma_wait3A_129, %dma_wait3A_130] : memref<20x500xi32, #tpu.memory_space<vmem>> -> memref<1x500xi32, #tpu.memory_space<vmem>>
    %dma_wait3A_132 = tpu.memref_squeeze %dma_wait3A_131 : memref<1x500xi32, #tpu.memory_space<vmem>> -> memref<500xi32, #tpu.memory_space<vmem>>
    %dma_wait3A_133 = arith.constant 0 : i32
    %dma_wait3A_134 = arith.constant 0 : i32
    %dma_wait3A_135 = tpu.memref_slice %arg2[%dma_wait3A_133, %dma_wait3A_134] : memref<10000x32xf32, #tpu.memory_space<hbm>> -> memref<10000x32xf32, #tpu.memory_space<hbm>>
    tpu.wait_indirect_dma semaphore(%arg11 : memref<!tpu.dma_semaphore, #tpu.memory_space<semaphore_mem>>) src(%dma_wait3A_135 : memref<10000x32xf32, #tpu.memory_space<hbm>>) dst(%arg8 : memref<500x32xf32, #tpu.memory_space<vmem>>)
    %dma_start3A_136 = arith.constant 4 : i32
    %dma_start3A_137 = arith.constant 0 : i32
    %dma_start3A_138 = tpu.memref_slice %arg6[%dma_start3A_136, %dma_start3A_137] : memref<20x500xi32, #tpu.memory_space<vmem>> -> memref<1x500xi32, #tpu.memory_space<vmem>>
    %dma_start3A_139 = tpu.memref_squeeze %dma_start3A_138 : memref<1x500xi32, #tpu.memory_space<vmem>> -> memref<500xi32, #tpu.memory_space<vmem>>
    %dma_start3A_140 = arith.constant 0 : i32
    %dma_start3A_141 = arith.constant 0 : i32
    %dma_start3A_142 = tpu.memref_slice %arg10[%dma_start3A_140, %dma_start3A_141] : memref<10240x32xf32, #tpu.memory_space<vmem_shared>> -> memref<10240x32xf32, #tpu.memory_space<vmem_shared>>
    tpu.enqueue_indirect_dma source(%arg8 : memref<500x32xf32, #tpu.memory_space<vmem>>) target(%dma_start3A_142 : memref<10240x32xf32, #tpu.memory_space<vmem_shared>>) offsets(%dma_start3A_139 : memref<500xi32, #tpu.memory_space<vmem>>) semaphore(%arg12 : memref<!tpu.dma_semaphore, #tpu.memory_space<semaphore_mem>>) {add = true}
    %dma_wait3A_143 = arith.constant 3 : i32
    %dma_wait3A_144 = arith.constant 0 : i32
    %dma_wait3A_145 = tpu.memref_slice %arg6[%dma_wait3A_143, %dma_wait3A_144] : memref<20x500xi32, #tpu.memory_space<vmem>> -> memref<1x500xi32, #tpu.memory_space<vmem>>
    %dma_wait3A_146 = tpu.memref_squeeze %dma_wait3A_145 : memref<1x500xi32, #tpu.memory_space<vmem>> -> memref<500xi32, #tpu.memory_space<vmem>>
    %dma_wait3A_147 = arith.constant 0 : i32
    %dma_wait3A_148 = arith.constant 0 : i32
    %dma_wait3A_149 = tpu.memref_slice %arg10[%dma_wait3A_147, %dma_wait3A_148] : memref<10240x32xf32, #tpu.memory_space<vmem_shared>> -> memref<10240x32xf32, #tpu.memory_space<vmem_shared>>
    tpu.wait_indirect_dma semaphore(%arg12 : memref<!tpu.dma_semaphore, #tpu.memory_space<semaphore_mem>>) src(%arg7 : memref<500x32xf32, #tpu.memory_space<vmem>>) dst(%dma_wait3A_149 : memref<10240x32xf32, #tpu.memory_space<vmem_shared>>)
    %dma_start3A_150 = arith.constant 6 : i32
    %dma_start3A_151 = arith.constant 0 : i32
    %dma_start3A_152 = tpu.memref_slice %arg5[%dma_start3A_150, %dma_start3A_151] : memref<20x500xi32, #tpu.memory_space<vmem>> -> memref<1x500xi32, #tpu.memory_space<vmem>>
    %dma_start3A_153 = tpu.memref_squeeze %dma_start3A_152 : memref<1x500xi32, #tpu.memory_space<vmem>> -> memref<500xi32, #tpu.memory_space<vmem>>
    %dma_start3A_154 = arith.constant 0 : i32
    %dma_start3A_155 = arith.constant 0 : i32
    %dma_start3A_156 = tpu.memref_slice %arg2[%dma_start3A_154, %dma_start3A_155] : memref<10000x32xf32, #tpu.memory_space<hbm>> -> memref<10000x32xf32, #tpu.memory_space<hbm>>
    tpu.enqueue_indirect_dma source(%dma_start3A_156 : memref<10000x32xf32, #tpu.memory_space<hbm>>) target(%arg7 : memref<500x32xf32, #tpu.memory_space<vmem>>) offsets(%dma_start3A_153 : memref<500xi32, #tpu.memory_space<vmem>>) semaphore(%arg11 : memref<!tpu.dma_semaphore, #tpu.memory_space<semaphore_mem>>)
    %dma_wait3A_157 = arith.constant 5 : i32
    %dma_wait3A_158 = arith.constant 0 : i32
    %dma_wait3A_159 = tpu.memref_slice %arg5[%dma_wait3A_157, %dma_wait3A_158] : memref<20x500xi32, #tpu.memory_space<vmem>> -> memref<1x500xi32, #tpu.memory_space<vmem>>
    %dma_wait3A_160 = tpu.memref_squeeze %dma_wait3A_159 : memref<1x500xi32, #tpu.memory_space<vmem>> -> memref<500xi32, #tpu.memory_space<vmem>>
    %dma_wait3A_161 = arith.constant 0 : i32
    %dma_wait3A_162 = arith.constant 0 : i32
    %dma_wait3A_163 = tpu.memref_slice %arg2[%dma_wait3A_161, %dma_wait3A_162] : memref<10000x32xf32, #tpu.memory_space<hbm>> -> memref<10000x32xf32, #tpu.memory_space<hbm>>
    tpu.wait_indirect_dma semaphore(%arg11 : memref<!tpu.dma_semaphore, #tpu.memory_space<semaphore_mem>>) src(%dma_wait3A_163 : memref<10000x32xf32, #tpu.memory_space<hbm>>) dst(%arg9 : memref<500x32xf32, #tpu.memory_space<vmem>>)
    %dma_start3A_164 = arith.constant 5 : i32
    %dma_start3A_165 = arith.constant 0 : i32
    %dma_start3A_166 = tpu.memref_slice %arg6[%dma_start3A_164, %dma_start3A_165] : memref<20x500xi32, #tpu.memory_space<vmem>> -> memref<1x500xi32, #tpu.memory_space<vmem>>
    %dma_start3A_167 = tpu.memref_squeeze %dma_start3A_166 : memref<1x500xi32, #tpu.memory_space<vmem>> -> memref<500xi32, #tpu.memory_space<vmem>>
    %dma_start3A_168 = arith.constant 0 : i32
    %dma_start3A_169 = arith.constant 0 : i32
    %dma_start3A_170 = tpu.memref_slice %arg10[%dma_start3A_168, %dma_start3A_169] : memref<10240x32xf32, #tpu.memory_space<vmem_shared>> -> memref<10240x32xf32, #tpu.memory_space<vmem_shared>>
    tpu.enqueue_indirect_dma source(%arg9 : memref<500x32xf32, #tpu.memory_space<vmem>>) target(%dma_start3A_170 : memref<10240x32xf32, #tpu.memory_space<vmem_shared>>) offsets(%dma_start3A_167 : memref<500xi32, #tpu.memory_space<vmem>>) semaphore(%arg12 : memref<!tpu.dma_semaphore, #tpu.memory_space<semaphore_mem>>) {add = true}
    %dma_wait3A_171 = arith.constant 4 : i32
    %dma_wait3A_172 = arith.constant 0 : i32
    %dma_wait3A_173 = tpu.memref_slice %arg6[%dma_wait3A_171, %dma_wait3A_172] : memref<20x500xi32, #tpu.memory_space<vmem>> -> memref<1x500xi32, #tpu.memory_space<vmem>>
    %dma_wait3A_174 = tpu.memref_squeeze %dma_wait3A_173 : memref<1x500xi32, #tpu.memory_space<vmem>> -> memref<500xi32, #tpu.memory_space<vmem>>
    %dma_wait3A_175 = arith.constant 0 : i32
    %dma_wait3A_176 = arith.constant 0 : i32
    %dma_wait3A_177 = tpu.memref_slice %arg10[%dma_wait3A_175, %dma_wait3A_176] : memref<10240x32xf32, #tpu.memory_space<vmem_shared>> -> memref<10240x32xf32, #tpu.memory_space<vmem_shared>>
    tpu.wait_indirect_dma semaphore(%arg12 : memref<!tpu.dma_semaphore, #tpu.memory_space<semaphore_mem>>) src(%arg8 : memref<500x32xf32, #tpu.memory_space<vmem>>) dst(%dma_wait3A_177 : memref<10240x32xf32, #tpu.memory_space<vmem_shared>>)
    %dma_start3A_178 = arith.constant 7 : i32
    %dma_start3A_179 = arith.constant 0 : i32
    %dma_start3A_180 = tpu.memref_slice %arg5[%dma_start3A_178, %dma_start3A_179] : memref<20x500xi32, #tpu.memory_space<vmem>> -> memref<1x500xi32, #tpu.memory_space<vmem>>
    %dma_start3A_181 = tpu.memref_squeeze %dma_start3A_180 : memref<1x500xi32, #tpu.memory_space<vmem>> -> memref<500xi32, #tpu.memory_space<vmem>>
    %dma_start3A_182 = arith.constant 0 : i32
    %dma_start3A_183 = arith.constant 0 : i32
    %dma_start3A_184 = tpu.memref_slice %arg2[%dma_start3A_182, %dma_start3A_183] : memref<10000x32xf32, #tpu.memory_space<hbm>> -> memref<10000x32xf32, #tpu.memory_space<hbm>>
    tpu.enqueue_indirect_dma source(%dma_start3A_184 : memref<10000x32xf32, #tpu.memory_space<hbm>>) target(%arg8 : memref<500x32xf32, #tpu.memory_space<vmem>>) offsets(%dma_start3A_181 : memref<500xi32, #tpu.memory_space<vmem>>) semaphore(%arg11 : memref<!tpu.dma_semaphore, #tpu.memory_space<semaphore_mem>>)
    %dma_wait3A_185 = arith.constant 6 : i32
    %dma_wait3A_186 = arith.constant 0 : i32
    %dma_wait3A_187 = tpu.memref_slice %arg5[%dma_wait3A_185, %dma_wait3A_186] : memref<20x500xi32, #tpu.memory_space<vmem>> -> memref<1x500xi32, #tpu.memory_space<vmem>>
    %dma_wait3A_188 = tpu.memref_squeeze %dma_wait3A_187 : memref<1x500xi32, #tpu.memory_space<vmem>> -> memref<500xi32, #tpu.memory_space<vmem>>
    %dma_wait3A_189 = arith.constant 0 : i32
    %dma_wait3A_190 = arith.constant 0 : i32
    %dma_wait3A_191 = tpu.memref_slice %arg2[%dma_wait3A_189, %dma_wait3A_190] : memref<10000x32xf32, #tpu.memory_space<hbm>> -> memref<10000x32xf32, #tpu.memory_space<hbm>>
    tpu.wait_indirect_dma semaphore(%arg11 : memref<!tpu.dma_semaphore, #tpu.memory_space<semaphore_mem>>) src(%dma_wait3A_191 : memref<10000x32xf32, #tpu.memory_space<hbm>>) dst(%arg7 : memref<500x32xf32, #tpu.memory_space<vmem>>)
    %dma_start3A_192 = arith.constant 6 : i32
    %dma_start3A_193 = arith.constant 0 : i32
    %dma_start3A_194 = tpu.memref_slice %arg6[%dma_start3A_192, %dma_start3A_193] : memref<20x500xi32, #tpu.memory_space<vmem>> -> memref<1x500xi32, #tpu.memory_space<vmem>>
    %dma_start3A_195 = tpu.memref_squeeze %dma_start3A_194 : memref<1x500xi32, #tpu.memory_space<vmem>> -> memref<500xi32, #tpu.memory_space<vmem>>
    %dma_start3A_196 = arith.constant 0 : i32
    %dma_start3A_197 = arith.constant 0 : i32
    %dma_start3A_198 = tpu.memref_slice %arg10[%dma_start3A_196, %dma_start3A_197] : memref<10240x32xf32, #tpu.memory_space<vmem_shared>> -> memref<10240x32xf32, #tpu.memory_space<vmem_shared>>
    tpu.enqueue_indirect_dma source(%arg7 : memref<500x32xf32, #tpu.memory_space<vmem>>) target(%dma_start3A_198 : memref<10240x32xf32, #tpu.memory_space<vmem_shared>>) offsets(%dma_start3A_195 : memref<500xi32, #tpu.memory_space<vmem>>) semaphore(%arg12 : memref<!tpu.dma_semaphore, #tpu.memory_space<semaphore_mem>>) {add = true}
    %dma_wait3A_199 = arith.constant 5 : i32
    %dma_wait3A_200 = arith.constant 0 : i32
    %dma_wait3A_201 = tpu.memref_slice %arg6[%dma_wait3A_199, %dma_wait3A_200] : memref<20x500xi32, #tpu.memory_space<vmem>> -> memref<1x500xi32, #tpu.memory_space<vmem>>
    %dma_wait3A_202 = tpu.memref_squeeze %dma_wait3A_201 : memref<1x500xi32, #tpu.memory_space<vmem>> -> memref<500xi32, #tpu.memory_space<vmem>>
    %dma_wait3A_203 = arith.constant 0 : i32
    %dma_wait3A_204 = arith.constant 0 : i32
    %dma_wait3A_205 = tpu.memref_slice %arg10[%dma_wait3A_203, %dma_wait3A_204] : memref<10240x32xf32, #tpu.memory_space<vmem_shared>> -> memref<10240x32xf32, #tpu.memory_space<vmem_shared>>
    tpu.wait_indirect_dma semaphore(%arg12 : memref<!tpu.dma_semaphore, #tpu.memory_space<semaphore_mem>>) src(%arg9 : memref<500x32xf32, #tpu.memory_space<vmem>>) dst(%dma_wait3A_205 : memref<10240x32xf32, #tpu.memory_space<vmem_shared>>)
    %dma_start3A_206 = arith.constant 8 : i32
    %dma_start3A_207 = arith.constant 0 : i32
    %dma_start3A_208 = tpu.memref_slice %arg5[%dma_start3A_206, %dma_start3A_207] : memref<20x500xi32, #tpu.memory_space<vmem>> -> memref<1x500xi32, #tpu.memory_space<vmem>>
    %dma_start3A_209 = tpu.memref_squeeze %dma_start3A_208 : memref<1x500xi32, #tpu.memory_space<vmem>> -> memref<500xi32, #tpu.memory_space<vmem>>
    %dma_start3A_210 = arith.constant 0 : i32
    %dma_start3A_211 = arith.constant 0 : i32
    %dma_start3A_212 = tpu.memref_slice %arg2[%dma_start3A_210, %dma_start3A_211] : memref<10000x32xf32, #tpu.memory_space<hbm>> -> memref<10000x32xf32, #tpu.memory_space<hbm>>
    tpu.enqueue_indirect_dma source(%dma_start3A_212 : memref<10000x32xf32, #tpu.memory_space<hbm>>) target(%arg9 : memref<500x32xf32, #tpu.memory_space<vmem>>) offsets(%dma_start3A_209 : memref<500xi32, #tpu.memory_space<vmem>>) semaphore(%arg11 : memref<!tpu.dma_semaphore, #tpu.memory_space<semaphore_mem>>)
    %dma_wait3A_213 = arith.constant 7 : i32
    %dma_wait3A_214 = arith.constant 0 : i32
    %dma_wait3A_215 = tpu.memref_slice %arg5[%dma_wait3A_213, %dma_wait3A_214] : memref<20x500xi32, #tpu.memory_space<vmem>> -> memref<1x500xi32, #tpu.memory_space<vmem>>
    %dma_wait3A_216 = tpu.memref_squeeze %dma_wait3A_215 : memref<1x500xi32, #tpu.memory_space<vmem>> -> memref<500xi32, #tpu.memory_space<vmem>>
    %dma_wait3A_217 = arith.constant 0 : i32
    %dma_wait3A_218 = arith.constant 0 : i32
    %dma_wait3A_219 = tpu.memref_slice %arg2[%dma_wait3A_217, %dma_wait3A_218] : memref<10000x32xf32, #tpu.memory_space<hbm>> -> memref<10000x32xf32, #tpu.memory_space<hbm>>
    tpu.wait_indirect_dma semaphore(%arg11 : memref<!tpu.dma_semaphore, #tpu.memory_space<semaphore_mem>>) src(%dma_wait3A_219 : memref<10000x32xf32, #tpu.memory_space<hbm>>) dst(%arg8 : memref<500x32xf32, #tpu.memory_space<vmem>>)
    %dma_start3A_220 = arith.constant 7 : i32
    %dma_start3A_221 = arith.constant 0 : i32
    %dma_start3A_222 = tpu.memref_slice %arg6[%dma_start3A_220, %dma_start3A_221] : memref<20x500xi32, #tpu.memory_space<vmem>> -> memref<1x500xi32, #tpu.memory_space<vmem>>
    %dma_start3A_223 = tpu.memref_squeeze %dma_start3A_222 : memref<1x500xi32, #tpu.memory_space<vmem>> -> memref<500xi32, #tpu.memory_space<vmem>>
    %dma_start3A_224 = arith.constant 0 : i32
    %dma_start3A_225 = arith.constant 0 : i32
    %dma_start3A_226 = tpu.memref_slice %arg10[%dma_start3A_224, %dma_start3A_225] : memref<10240x32xf32, #tpu.memory_space<vmem_shared>> -> memref<10240x32xf32, #tpu.memory_space<vmem_shared>>
    tpu.enqueue_indirect_dma source(%arg8 : memref<500x32xf32, #tpu.memory_space<vmem>>) target(%dma_start3A_226 : memref<10240x32xf32, #tpu.memory_space<vmem_shared>>) offsets(%dma_start3A_223 : memref<500xi32, #tpu.memory_space<vmem>>) semaphore(%arg12 : memref<!tpu.dma_semaphore, #tpu.memory_space<semaphore_mem>>) {add = true}
    %dma_wait3A_227 = arith.constant 6 : i32
    %dma_wait3A_228 = arith.constant 0 : i32
    %dma_wait3A_229 = tpu.memref_slice %arg6[%dma_wait3A_227, %dma_wait3A_228] : memref<20x500xi32, #tpu.memory_space<vmem>> -> memref<1x500xi32, #tpu.memory_space<vmem>>
    %dma_wait3A_230 = tpu.memref_squeeze %dma_wait3A_229 : memref<1x500xi32, #tpu.memory_space<vmem>> -> memref<500xi32, #tpu.memory_space<vmem>>
    %dma_wait3A_231 = arith.constant 0 : i32
    %dma_wait3A_232 = arith.constant 0 : i32
    %dma_wait3A_233 = tpu.memref_slice %arg10[%dma_wait3A_231, %dma_wait3A_232] : memref<10240x32xf32, #tpu.memory_space<vmem_shared>> -> memref<10240x32xf32, #tpu.memory_space<vmem_shared>>
    tpu.wait_indirect_dma semaphore(%arg12 : memref<!tpu.dma_semaphore, #tpu.memory_space<semaphore_mem>>) src(%arg7 : memref<500x32xf32, #tpu.memory_space<vmem>>) dst(%dma_wait3A_233 : memref<10240x32xf32, #tpu.memory_space<vmem_shared>>)
    %dma_start3A_234 = arith.constant 9 : i32
    %dma_start3A_235 = arith.constant 0 : i32
    %dma_start3A_236 = tpu.memref_slice %arg5[%dma_start3A_234, %dma_start3A_235] : memref<20x500xi32, #tpu.memory_space<vmem>> -> memref<1x500xi32, #tpu.memory_space<vmem>>
    %dma_start3A_237 = tpu.memref_squeeze %dma_start3A_236 : memref<1x500xi32, #tpu.memory_space<vmem>> -> memref<500xi32, #tpu.memory_space<vmem>>
    %dma_start3A_238 = arith.constant 0 : i32
    %dma_start3A_239 = arith.constant 0 : i32
    %dma_start3A_240 = tpu.memref_slice %arg2[%dma_start3A_238, %dma_start3A_239] : memref<10000x32xf32, #tpu.memory_space<hbm>> -> memref<10000x32xf32, #tpu.memory_space<hbm>>
    tpu.enqueue_indirect_dma source(%dma_start3A_240 : memref<10000x32xf32, #tpu.memory_space<hbm>>) target(%arg7 : memref<500x32xf32, #tpu.memory_space<vmem>>) offsets(%dma_start3A_237 : memref<500xi32, #tpu.memory_space<vmem>>) semaphore(%arg11 : memref<!tpu.dma_semaphore, #tpu.memory_space<semaphore_mem>>)
    %dma_wait3A_241 = arith.constant 8 : i32
    %dma_wait3A_242 = arith.constant 0 : i32
    %dma_wait3A_243 = tpu.memref_slice %arg5[%dma_wait3A_241, %dma_wait3A_242] : memref<20x500xi32, #tpu.memory_space<vmem>> -> memref<1x500xi32, #tpu.memory_space<vmem>>
    %dma_wait3A_244 = tpu.memref_squeeze %dma_wait3A_243 : memref<1x500xi32, #tpu.memory_space<vmem>> -> memref<500xi32, #tpu.memory_space<vmem>>
    %dma_wait3A_245 = arith.constant 0 : i32
    %dma_wait3A_246 = arith.constant 0 : i32
    %dma_wait3A_247 = tpu.memref_slice %arg2[%dma_wait3A_245, %dma_wait3A_246] : memref<10000x32xf32, #tpu.memory_space<hbm>> -> memref<10000x32xf32, #tpu.memory_space<hbm>>
    tpu.wait_indirect_dma semaphore(%arg11 : memref<!tpu.dma_semaphore, #tpu.memory_space<semaphore_mem>>) src(%dma_wait3A_247 : memref<10000x32xf32, #tpu.memory_space<hbm>>) dst(%arg9 : memref<500x32xf32, #tpu.memory_space<vmem>>)
    %dma_start3A_248 = arith.constant 8 : i32
    %dma_start3A_249 = arith.constant 0 : i32
    %dma_start3A_250 = tpu.memref_slice %arg6[%dma_start3A_248, %dma_start3A_249] : memref<20x500xi32, #tpu.memory_space<vmem>> -> memref<1x500xi32, #tpu.memory_space<vmem>>
    %dma_start3A_251 = tpu.memref_squeeze %dma_start3A_250 : memref<1x500xi32, #tpu.memory_space<vmem>> -> memref<500xi32, #tpu.memory_space<vmem>>
    %dma_start3A_252 = arith.constant 0 : i32
    %dma_start3A_253 = arith.constant 0 : i32
    %dma_start3A_254 = tpu.memref_slice %arg10[%dma_start3A_252, %dma_start3A_253] : memref<10240x32xf32, #tpu.memory_space<vmem_shared>> -> memref<10240x32xf32, #tpu.memory_space<vmem_shared>>
    tpu.enqueue_indirect_dma source(%arg9 : memref<500x32xf32, #tpu.memory_space<vmem>>) target(%dma_start3A_254 : memref<10240x32xf32, #tpu.memory_space<vmem_shared>>) offsets(%dma_start3A_251 : memref<500xi32, #tpu.memory_space<vmem>>) semaphore(%arg12 : memref<!tpu.dma_semaphore, #tpu.memory_space<semaphore_mem>>) {add = true}
    %dma_wait3A_255 = arith.constant 7 : i32
    %dma_wait3A_256 = arith.constant 0 : i32
    %dma_wait3A_257 = tpu.memref_slice %arg6[%dma_wait3A_255, %dma_wait3A_256] : memref<20x500xi32, #tpu.memory_space<vmem>> -> memref<1x500xi32, #tpu.memory_space<vmem>>
    %dma_wait3A_258 = tpu.memref_squeeze %dma_wait3A_257 : memref<1x500xi32, #tpu.memory_space<vmem>> -> memref<500xi32, #tpu.memory_space<vmem>>
    %dma_wait3A_259 = arith.constant 0 : i32
    %dma_wait3A_260 = arith.constant 0 : i32
    %dma_wait3A_261 = tpu.memref_slice %arg10[%dma_wait3A_259, %dma_wait3A_260] : memref<10240x32xf32, #tpu.memory_space<vmem_shared>> -> memref<10240x32xf32, #tpu.memory_space<vmem_shared>>
    tpu.wait_indirect_dma semaphore(%arg12 : memref<!tpu.dma_semaphore, #tpu.memory_space<semaphore_mem>>) src(%arg8 : memref<500x32xf32, #tpu.memory_space<vmem>>) dst(%dma_wait3A_261 : memref<10240x32xf32, #tpu.memory_space<vmem_shared>>)
    %dma_start3A_262 = arith.constant 10 : i32
    %dma_start3A_263 = arith.constant 0 : i32
    %dma_start3A_264 = tpu.memref_slice %arg5[%dma_start3A_262, %dma_start3A_263] : memref<20x500xi32, #tpu.memory_space<vmem>> -> memref<1x500xi32, #tpu.memory_space<vmem>>
    %dma_start3A_265 = tpu.memref_squeeze %dma_start3A_264 : memref<1x500xi32, #tpu.memory_space<vmem>> -> memref<500xi32, #tpu.memory_space<vmem>>
    %dma_start3A_266 = arith.constant 0 : i32
    %dma_start3A_267 = arith.constant 0 : i32
    %dma_start3A_268 = tpu.memref_slice %arg2[%dma_start3A_266, %dma_start3A_267] : memref<10000x32xf32, #tpu.memory_space<hbm>> -> memref<10000x32xf32, #tpu.memory_space<hbm>>
    tpu.enqueue_indirect_dma source(%dma_start3A_268 : memref<10000x32xf32, #tpu.memory_space<hbm>>) target(%arg8 : memref<500x32xf32, #tpu.memory_space<vmem>>) offsets(%dma_start3A_265 : memref<500xi32, #tpu.memory_space<vmem>>) semaphore(%arg11 : memref<!tpu.dma_semaphore, #tpu.memory_space<semaphore_mem>>)
    %dma_wait3A_269 = arith.constant 9 : i32
    %dma_wait3A_270 = arith.constant 0 : i32
    %dma_wait3A_271 = tpu.memref_slice %arg5[%dma_wait3A_269, %dma_wait3A_270] : memref<20x500xi32, #tpu.memory_space<vmem>> -> memref<1x500xi32, #tpu.memory_space<vmem>>
    %dma_wait3A_272 = tpu.memref_squeeze %dma_wait3A_271 : memref<1x500xi32, #tpu.memory_space<vmem>> -> memref<500xi32, #tpu.memory_space<vmem>>
    %dma_wait3A_273 = arith.constant 0 : i32
    %dma_wait3A_274 = arith.constant 0 : i32
    %dma_wait3A_275 = tpu.memref_slice %arg2[%dma_wait3A_273, %dma_wait3A_274] : memref<10000x32xf32, #tpu.memory_space<hbm>> -> memref<10000x32xf32, #tpu.memory_space<hbm>>
    tpu.wait_indirect_dma semaphore(%arg11 : memref<!tpu.dma_semaphore, #tpu.memory_space<semaphore_mem>>) src(%dma_wait3A_275 : memref<10000x32xf32, #tpu.memory_space<hbm>>) dst(%arg7 : memref<500x32xf32, #tpu.memory_space<vmem>>)
    %dma_start3A_276 = arith.constant 9 : i32
    %dma_start3A_277 = arith.constant 0 : i32
    %dma_start3A_278 = tpu.memref_slice %arg6[%dma_start3A_276, %dma_start3A_277] : memref<20x500xi32, #tpu.memory_space<vmem>> -> memref<1x500xi32, #tpu.memory_space<vmem>>
    %dma_start3A_279 = tpu.memref_squeeze %dma_start3A_278 : memref<1x500xi32, #tpu.memory_space<vmem>> -> memref<500xi32, #tpu.memory_space<vmem>>
    %dma_start3A_280 = arith.constant 0 : i32
    %dma_start3A_281 = arith.constant 0 : i32
    %dma_start3A_282 = tpu.memref_slice %arg10[%dma_start3A_280, %dma_start3A_281] : memref<10240x32xf32, #tpu.memory_space<vmem_shared>> -> memref<10240x32xf32, #tpu.memory_space<vmem_shared>>
    tpu.enqueue_indirect_dma source(%arg7 : memref<500x32xf32, #tpu.memory_space<vmem>>) target(%dma_start3A_282 : memref<10240x32xf32, #tpu.memory_space<vmem_shared>>) offsets(%dma_start3A_279 : memref<500xi32, #tpu.memory_space<vmem>>) semaphore(%arg12 : memref<!tpu.dma_semaphore, #tpu.memory_space<semaphore_mem>>) {add = true}
    %dma_wait3A_283 = arith.constant 8 : i32
    %dma_wait3A_284 = arith.constant 0 : i32
    %dma_wait3A_285 = tpu.memref_slice %arg6[%dma_wait3A_283, %dma_wait3A_284] : memref<20x500xi32, #tpu.memory_space<vmem>> -> memref<1x500xi32, #tpu.memory_space<vmem>>
    %dma_wait3A_286 = tpu.memref_squeeze %dma_wait3A_285 : memref<1x500xi32, #tpu.memory_space<vmem>> -> memref<500xi32, #tpu.memory_space<vmem>>
    %dma_wait3A_287 = arith.constant 0 : i32
    %dma_wait3A_288 = arith.constant 0 : i32
    %dma_wait3A_289 = tpu.memref_slice %arg10[%dma_wait3A_287, %dma_wait3A_288] : memref<10240x32xf32, #tpu.memory_space<vmem_shared>> -> memref<10240x32xf32, #tpu.memory_space<vmem_shared>>
    tpu.wait_indirect_dma semaphore(%arg12 : memref<!tpu.dma_semaphore, #tpu.memory_space<semaphore_mem>>) src(%arg9 : memref<500x32xf32, #tpu.memory_space<vmem>>) dst(%dma_wait3A_289 : memref<10240x32xf32, #tpu.memory_space<vmem_shared>>)
    %dma_start3A_290 = arith.constant 11 : i32
    %dma_start3A_291 = arith.constant 0 : i32
    %dma_start3A_292 = tpu.memref_slice %arg5[%dma_start3A_290, %dma_start3A_291] : memref<20x500xi32, #tpu.memory_space<vmem>> -> memref<1x500xi32, #tpu.memory_space<vmem>>
    %dma_start3A_293 = tpu.memref_squeeze %dma_start3A_292 : memref<1x500xi32, #tpu.memory_space<vmem>> -> memref<500xi32, #tpu.memory_space<vmem>>
    %dma_start3A_294 = arith.constant 0 : i32
    %dma_start3A_295 = arith.constant 0 : i32
    %dma_start3A_296 = tpu.memref_slice %arg2[%dma_start3A_294, %dma_start3A_295] : memref<10000x32xf32, #tpu.memory_space<hbm>> -> memref<10000x32xf32, #tpu.memory_space<hbm>>
    tpu.enqueue_indirect_dma source(%dma_start3A_296 : memref<10000x32xf32, #tpu.memory_space<hbm>>) target(%arg9 : memref<500x32xf32, #tpu.memory_space<vmem>>) offsets(%dma_start3A_293 : memref<500xi32, #tpu.memory_space<vmem>>) semaphore(%arg11 : memref<!tpu.dma_semaphore, #tpu.memory_space<semaphore_mem>>)
    %dma_wait3A_297 = arith.constant 10 : i32
    %dma_wait3A_298 = arith.constant 0 : i32
    %dma_wait3A_299 = tpu.memref_slice %arg5[%dma_wait3A_297, %dma_wait3A_298] : memref<20x500xi32, #tpu.memory_space<vmem>> -> memref<1x500xi32, #tpu.memory_space<vmem>>
    %dma_wait3A_300 = tpu.memref_squeeze %dma_wait3A_299 : memref<1x500xi32, #tpu.memory_space<vmem>> -> memref<500xi32, #tpu.memory_space<vmem>>
    %dma_wait3A_301 = arith.constant 0 : i32
    %dma_wait3A_302 = arith.constant 0 : i32
    %dma_wait3A_303 = tpu.memref_slice %arg2[%dma_wait3A_301, %dma_wait3A_302] : memref<10000x32xf32, #tpu.memory_space<hbm>> -> memref<10000x32xf32, #tpu.memory_space<hbm>>
    tpu.wait_indirect_dma semaphore(%arg11 : memref<!tpu.dma_semaphore, #tpu.memory_space<semaphore_mem>>) src(%dma_wait3A_303 : memref<10000x32xf32, #tpu.memory_space<hbm>>) dst(%arg8 : memref<500x32xf32, #tpu.memory_space<vmem>>)
    %dma_start3A_304 = arith.constant 10 : i32
    %dma_start3A_305 = arith.constant 0 : i32
    %dma_start3A_306 = tpu.memref_slice %arg6[%dma_start3A_304, %dma_start3A_305] : memref<20x500xi32, #tpu.memory_space<vmem>> -> memref<1x500xi32, #tpu.memory_space<vmem>>
    %dma_start3A_307 = tpu.memref_squeeze %dma_start3A_306 : memref<1x500xi32, #tpu.memory_space<vmem>> -> memref<500xi32, #tpu.memory_space<vmem>>
    %dma_start3A_308 = arith.constant 0 : i32
    %dma_start3A_309 = arith.constant 0 : i32
    %dma_start3A_310 = tpu.memref_slice %arg10[%dma_start3A_308, %dma_start3A_309] : memref<10240x32xf32, #tpu.memory_space<vmem_shared>> -> memref<10240x32xf32, #tpu.memory_space<vmem_shared>>
    tpu.enqueue_indirect_dma source(%arg8 : memref<500x32xf32, #tpu.memory_space<vmem>>) target(%dma_start3A_310 : memref<10240x32xf32, #tpu.memory_space<vmem_shared>>) offsets(%dma_start3A_307 : memref<500xi32, #tpu.memory_space<vmem>>) semaphore(%arg12 : memref<!tpu.dma_semaphore, #tpu.memory_space<semaphore_mem>>) {add = true}
    %dma_wait3A_311 = arith.constant 9 : i32
    %dma_wait3A_312 = arith.constant 0 : i32
    %dma_wait3A_313 = tpu.memref_slice %arg6[%dma_wait3A_311, %dma_wait3A_312] : memref<20x500xi32, #tpu.memory_space<vmem>> -> memref<1x500xi32, #tpu.memory_space<vmem>>
    %dma_wait3A_314 = tpu.memref_squeeze %dma_wait3A_313 : memref<1x500xi32, #tpu.memory_space<vmem>> -> memref<500xi32, #tpu.memory_space<vmem>>
    %dma_wait3A_315 = arith.constant 0 : i32
    %dma_wait3A_316 = arith.constant 0 : i32
    %dma_wait3A_317 = tpu.memref_slice %arg10[%dma_wait3A_315, %dma_wait3A_316] : memref<10240x32xf32, #tpu.memory_space<vmem_shared>> -> memref<10240x32xf32, #tpu.memory_space<vmem_shared>>
    tpu.wait_indirect_dma semaphore(%arg12 : memref<!tpu.dma_semaphore, #tpu.memory_space<semaphore_mem>>) src(%arg7 : memref<500x32xf32, #tpu.memory_space<vmem>>) dst(%dma_wait3A_317 : memref<10240x32xf32, #tpu.memory_space<vmem_shared>>)
    %dma_start3A_318 = arith.constant 12 : i32
    %dma_start3A_319 = arith.constant 0 : i32
    %dma_start3A_320 = tpu.memref_slice %arg5[%dma_start3A_318, %dma_start3A_319] : memref<20x500xi32, #tpu.memory_space<vmem>> -> memref<1x500xi32, #tpu.memory_space<vmem>>
    %dma_start3A_321 = tpu.memref_squeeze %dma_start3A_320 : memref<1x500xi32, #tpu.memory_space<vmem>> -> memref<500xi32, #tpu.memory_space<vmem>>
    %dma_start3A_322 = arith.constant 0 : i32
    %dma_start3A_323 = arith.constant 0 : i32
    %dma_start3A_324 = tpu.memref_slice %arg2[%dma_start3A_322, %dma_start3A_323] : memref<10000x32xf32, #tpu.memory_space<hbm>> -> memref<10000x32xf32, #tpu.memory_space<hbm>>
    tpu.enqueue_indirect_dma source(%dma_start3A_324 : memref<10000x32xf32, #tpu.memory_space<hbm>>) target(%arg7 : memref<500x32xf32, #tpu.memory_space<vmem>>) offsets(%dma_start3A_321 : memref<500xi32, #tpu.memory_space<vmem>>) semaphore(%arg11 : memref<!tpu.dma_semaphore, #tpu.memory_space<semaphore_mem>>)
    %dma_wait3A_325 = arith.constant 11 : i32
    %dma_wait3A_326 = arith.constant 0 : i32
    %dma_wait3A_327 = tpu.memref_slice %arg5[%dma_wait3A_325, %dma_wait3A_326] : memref<20x500xi32, #tpu.memory_space<vmem>> -> memref<1x500xi32, #tpu.memory_space<vmem>>
    %dma_wait3A_328 = tpu.memref_squeeze %dma_wait3A_327 : memref<1x500xi32, #tpu.memory_space<vmem>> -> memref<500xi32, #tpu.memory_space<vmem>>
    %dma_wait3A_329 = arith.constant 0 : i32
    %dma_wait3A_330 = arith.constant 0 : i32
    %dma_wait3A_331 = tpu.memref_slice %arg2[%dma_wait3A_329, %dma_wait3A_330] : memref<10000x32xf32, #tpu.memory_space<hbm>> -> memref<10000x32xf32, #tpu.memory_space<hbm>>
    tpu.wait_indirect_dma semaphore(%arg11 : memref<!tpu.dma_semaphore, #tpu.memory_space<semaphore_mem>>) src(%dma_wait3A_331 : memref<10000x32xf32, #tpu.memory_space<hbm>>) dst(%arg9 : memref<500x32xf32, #tpu.memory_space<vmem>>)
    %dma_start3A_332 = arith.constant 11 : i32
    %dma_start3A_333 = arith.constant 0 : i32
    %dma_start3A_334 = tpu.memref_slice %arg6[%dma_start3A_332, %dma_start3A_333] : memref<20x500xi32, #tpu.memory_space<vmem>> -> memref<1x500xi32, #tpu.memory_space<vmem>>
    %dma_start3A_335 = tpu.memref_squeeze %dma_start3A_334 : memref<1x500xi32, #tpu.memory_space<vmem>> -> memref<500xi32, #tpu.memory_space<vmem>>
    %dma_start3A_336 = arith.constant 0 : i32
    %dma_start3A_337 = arith.constant 0 : i32
    %dma_start3A_338 = tpu.memref_slice %arg10[%dma_start3A_336, %dma_start3A_337] : memref<10240x32xf32, #tpu.memory_space<vmem_shared>> -> memref<10240x32xf32, #tpu.memory_space<vmem_shared>>
    tpu.enqueue_indirect_dma source(%arg9 : memref<500x32xf32, #tpu.memory_space<vmem>>) target(%dma_start3A_338 : memref<10240x32xf32, #tpu.memory_space<vmem_shared>>) offsets(%dma_start3A_335 : memref<500xi32, #tpu.memory_space<vmem>>) semaphore(%arg12 : memref<!tpu.dma_semaphore, #tpu.memory_space<semaphore_mem>>) {add = true}
    %dma_wait3A_339 = arith.constant 10 : i32
    %dma_wait3A_340 = arith.constant 0 : i32
    %dma_wait3A_341 = tpu.memref_slice %arg6[%dma_wait3A_339, %dma_wait3A_340] : memref<20x500xi32, #tpu.memory_space<vmem>> -> memref<1x500xi32, #tpu.memory_space<vmem>>
    %dma_wait3A_342 = tpu.memref_squeeze %dma_wait3A_341 : memref<1x500xi32, #tpu.memory_space<vmem>> -> memref<500xi32, #tpu.memory_space<vmem>>
    %dma_wait3A_343 = arith.constant 0 : i32
    %dma_wait3A_344 = arith.constant 0 : i32
    %dma_wait3A_345 = tpu.memref_slice %arg10[%dma_wait3A_343, %dma_wait3A_344] : memref<10240x32xf32, #tpu.memory_space<vmem_shared>> -> memref<10240x32xf32, #tpu.memory_space<vmem_shared>>
    tpu.wait_indirect_dma semaphore(%arg12 : memref<!tpu.dma_semaphore, #tpu.memory_space<semaphore_mem>>) src(%arg8 : memref<500x32xf32, #tpu.memory_space<vmem>>) dst(%dma_wait3A_345 : memref<10240x32xf32, #tpu.memory_space<vmem_shared>>)
    %dma_start3A_346 = arith.constant 13 : i32
    %dma_start3A_347 = arith.constant 0 : i32
    %dma_start3A_348 = tpu.memref_slice %arg5[%dma_start3A_346, %dma_start3A_347] : memref<20x500xi32, #tpu.memory_space<vmem>> -> memref<1x500xi32, #tpu.memory_space<vmem>>
    %dma_start3A_349 = tpu.memref_squeeze %dma_start3A_348 : memref<1x500xi32, #tpu.memory_space<vmem>> -> memref<500xi32, #tpu.memory_space<vmem>>
    %dma_start3A_350 = arith.constant 0 : i32
    %dma_start3A_351 = arith.constant 0 : i32
    %dma_start3A_352 = tpu.memref_slice %arg2[%dma_start3A_350, %dma_start3A_351] : memref<10000x32xf32, #tpu.memory_space<hbm>> -> memref<10000x32xf32, #tpu.memory_space<hbm>>
    tpu.enqueue_indirect_dma source(%dma_start3A_352 : memref<10000x32xf32, #tpu.memory_space<hbm>>) target(%arg8 : memref<500x32xf32, #tpu.memory_space<vmem>>) offsets(%dma_start3A_349 : memref<500xi32, #tpu.memory_space<vmem>>) semaphore(%arg11 : memref<!tpu.dma_semaphore, #tpu.memory_space<semaphore_mem>>)
    %dma_wait3A_353 = arith.constant 12 : i32
    %dma_wait3A_354 = arith.constant 0 : i32
    %dma_wait3A_355 = tpu.memref_slice %arg5[%dma_wait3A_353, %dma_wait3A_354] : memref<20x500xi32, #tpu.memory_space<vmem>> -> memref<1x500xi32, #tpu.memory_space<vmem>>
    %dma_wait3A_356 = tpu.memref_squeeze %dma_wait3A_355 : memref<1x500xi32, #tpu.memory_space<vmem>> -> memref<500xi32, #tpu.memory_space<vmem>>
    %dma_wait3A_357 = arith.constant 0 : i32
    %dma_wait3A_358 = arith.constant 0 : i32
    %dma_wait3A_359 = tpu.memref_slice %arg2[%dma_wait3A_357, %dma_wait3A_358] : memref<10000x32xf32, #tpu.memory_space<hbm>> -> memref<10000x32xf32, #tpu.memory_space<hbm>>
    tpu.wait_indirect_dma semaphore(%arg11 : memref<!tpu.dma_semaphore, #tpu.memory_space<semaphore_mem>>) src(%dma_wait3A_359 : memref<10000x32xf32, #tpu.memory_space<hbm>>) dst(%arg7 : memref<500x32xf32, #tpu.memory_space<vmem>>)
    %dma_start3A_360 = arith.constant 12 : i32
    %dma_start3A_361 = arith.constant 0 : i32
    %dma_start3A_362 = tpu.memref_slice %arg6[%dma_start3A_360, %dma_start3A_361] : memref<20x500xi32, #tpu.memory_space<vmem>> -> memref<1x500xi32, #tpu.memory_space<vmem>>
    %dma_start3A_363 = tpu.memref_squeeze %dma_start3A_362 : memref<1x500xi32, #tpu.memory_space<vmem>> -> memref<500xi32, #tpu.memory_space<vmem>>
    %dma_start3A_364 = arith.constant 0 : i32
    %dma_start3A_365 = arith.constant 0 : i32
    %dma_start3A_366 = tpu.memref_slice %arg10[%dma_start3A_364, %dma_start3A_365] : memref<10240x32xf32, #tpu.memory_space<vmem_shared>> -> memref<10240x32xf32, #tpu.memory_space<vmem_shared>>
    tpu.enqueue_indirect_dma source(%arg7 : memref<500x32xf32, #tpu.memory_space<vmem>>) target(%dma_start3A_366 : memref<10240x32xf32, #tpu.memory_space<vmem_shared>>) offsets(%dma_start3A_363 : memref<500xi32, #tpu.memory_space<vmem>>) semaphore(%arg12 : memref<!tpu.dma_semaphore, #tpu.memory_space<semaphore_mem>>) {add = true}
    %dma_wait3A_367 = arith.constant 11 : i32
    %dma_wait3A_368 = arith.constant 0 : i32
    %dma_wait3A_369 = tpu.memref_slice %arg6[%dma_wait3A_367, %dma_wait3A_368] : memref<20x500xi32, #tpu.memory_space<vmem>> -> memref<1x500xi32, #tpu.memory_space<vmem>>
    %dma_wait3A_370 = tpu.memref_squeeze %dma_wait3A_369 : memref<1x500xi32, #tpu.memory_space<vmem>> -> memref<500xi32, #tpu.memory_space<vmem>>
    %dma_wait3A_371 = arith.constant 0 : i32
    %dma_wait3A_372 = arith.constant 0 : i32
    %dma_wait3A_373 = tpu.memref_slice %arg10[%dma_wait3A_371, %dma_wait3A_372] : memref<10240x32xf32, #tpu.memory_space<vmem_shared>> -> memref<10240x32xf32, #tpu.memory_space<vmem_shared>>
    tpu.wait_indirect_dma semaphore(%arg12 : memref<!tpu.dma_semaphore, #tpu.memory_space<semaphore_mem>>) src(%arg9 : memref<500x32xf32, #tpu.memory_space<vmem>>) dst(%dma_wait3A_373 : memref<10240x32xf32, #tpu.memory_space<vmem_shared>>)
    %dma_start3A_374 = arith.constant 14 : i32
    %dma_start3A_375 = arith.constant 0 : i32
    %dma_start3A_376 = tpu.memref_slice %arg5[%dma_start3A_374, %dma_start3A_375] : memref<20x500xi32, #tpu.memory_space<vmem>> -> memref<1x500xi32, #tpu.memory_space<vmem>>
    %dma_start3A_377 = tpu.memref_squeeze %dma_start3A_376 : memref<1x500xi32, #tpu.memory_space<vmem>> -> memref<500xi32, #tpu.memory_space<vmem>>
    %dma_start3A_378 = arith.constant 0 : i32
    %dma_start3A_379 = arith.constant 0 : i32
    %dma_start3A_380 = tpu.memref_slice %arg2[%dma_start3A_378, %dma_start3A_379] : memref<10000x32xf32, #tpu.memory_space<hbm>> -> memref<10000x32xf32, #tpu.memory_space<hbm>>
    tpu.enqueue_indirect_dma source(%dma_start3A_380 : memref<10000x32xf32, #tpu.memory_space<hbm>>) target(%arg9 : memref<500x32xf32, #tpu.memory_space<vmem>>) offsets(%dma_start3A_377 : memref<500xi32, #tpu.memory_space<vmem>>) semaphore(%arg11 : memref<!tpu.dma_semaphore, #tpu.memory_space<semaphore_mem>>)
    %dma_wait3A_381 = arith.constant 13 : i32
    %dma_wait3A_382 = arith.constant 0 : i32
    %dma_wait3A_383 = tpu.memref_slice %arg5[%dma_wait3A_381, %dma_wait3A_382] : memref<20x500xi32, #tpu.memory_space<vmem>> -> memref<1x500xi32, #tpu.memory_space<vmem>>
    %dma_wait3A_384 = tpu.memref_squeeze %dma_wait3A_383 : memref<1x500xi32, #tpu.memory_space<vmem>> -> memref<500xi32, #tpu.memory_space<vmem>>
    %dma_wait3A_385 = arith.constant 0 : i32
    %dma_wait3A_386 = arith.constant 0 : i32
    %dma_wait3A_387 = tpu.memref_slice %arg2[%dma_wait3A_385, %dma_wait3A_386] : memref<10000x32xf32, #tpu.memory_space<hbm>> -> memref<10000x32xf32, #tpu.memory_space<hbm>>
    tpu.wait_indirect_dma semaphore(%arg11 : memref<!tpu.dma_semaphore, #tpu.memory_space<semaphore_mem>>) src(%dma_wait3A_387 : memref<10000x32xf32, #tpu.memory_space<hbm>>) dst(%arg8 : memref<500x32xf32, #tpu.memory_space<vmem>>)
    %dma_start3A_388 = arith.constant 13 : i32
    %dma_start3A_389 = arith.constant 0 : i32
    %dma_start3A_390 = tpu.memref_slice %arg6[%dma_start3A_388, %dma_start3A_389] : memref<20x500xi32, #tpu.memory_space<vmem>> -> memref<1x500xi32, #tpu.memory_space<vmem>>
    %dma_start3A_391 = tpu.memref_squeeze %dma_start3A_390 : memref<1x500xi32, #tpu.memory_space<vmem>> -> memref<500xi32, #tpu.memory_space<vmem>>
    %dma_start3A_392 = arith.constant 0 : i32
    %dma_start3A_393 = arith.constant 0 : i32
    %dma_start3A_394 = tpu.memref_slice %arg10[%dma_start3A_392, %dma_start3A_393] : memref<10240x32xf32, #tpu.memory_space<vmem_shared>> -> memref<10240x32xf32, #tpu.memory_space<vmem_shared>>
    tpu.enqueue_indirect_dma source(%arg8 : memref<500x32xf32, #tpu.memory_space<vmem>>) target(%dma_start3A_394 : memref<10240x32xf32, #tpu.memory_space<vmem_shared>>) offsets(%dma_start3A_391 : memref<500xi32, #tpu.memory_space<vmem>>) semaphore(%arg12 : memref<!tpu.dma_semaphore, #tpu.memory_space<semaphore_mem>>) {add = true}
    %dma_wait3A_395 = arith.constant 12 : i32
    %dma_wait3A_396 = arith.constant 0 : i32
    %dma_wait3A_397 = tpu.memref_slice %arg6[%dma_wait3A_395, %dma_wait3A_396] : memref<20x500xi32, #tpu.memory_space<vmem>> -> memref<1x500xi32, #tpu.memory_space<vmem>>
    %dma_wait3A_398 = tpu.memref_squeeze %dma_wait3A_397 : memref<1x500xi32, #tpu.memory_space<vmem>> -> memref<500xi32, #tpu.memory_space<vmem>>
    %dma_wait3A_399 = arith.constant 0 : i32
    %dma_wait3A_400 = arith.constant 0 : i32
    %dma_wait3A_401 = tpu.memref_slice %arg10[%dma_wait3A_399, %dma_wait3A_400] : memref<10240x32xf32, #tpu.memory_space<vmem_shared>> -> memref<10240x32xf32, #tpu.memory_space<vmem_shared>>
    tpu.wait_indirect_dma semaphore(%arg12 : memref<!tpu.dma_semaphore, #tpu.memory_space<semaphore_mem>>) src(%arg7 : memref<500x32xf32, #tpu.memory_space<vmem>>) dst(%dma_wait3A_401 : memref<10240x32xf32, #tpu.memory_space<vmem_shared>>)
    %dma_start3A_402 = arith.constant 15 : i32
    %dma_start3A_403 = arith.constant 0 : i32
    %dma_start3A_404 = tpu.memref_slice %arg5[%dma_start3A_402, %dma_start3A_403] : memref<20x500xi32, #tpu.memory_space<vmem>> -> memref<1x500xi32, #tpu.memory_space<vmem>>
    %dma_start3A_405 = tpu.memref_squeeze %dma_start3A_404 : memref<1x500xi32, #tpu.memory_space<vmem>> -> memref<500xi32, #tpu.memory_space<vmem>>
    %dma_start3A_406 = arith.constant 0 : i32
    %dma_start3A_407 = arith.constant 0 : i32
    %dma_start3A_408 = tpu.memref_slice %arg2[%dma_start3A_406, %dma_start3A_407] : memref<10000x32xf32, #tpu.memory_space<hbm>> -> memref<10000x32xf32, #tpu.memory_space<hbm>>
    tpu.enqueue_indirect_dma source(%dma_start3A_408 : memref<10000x32xf32, #tpu.memory_space<hbm>>) target(%arg7 : memref<500x32xf32, #tpu.memory_space<vmem>>) offsets(%dma_start3A_405 : memref<500xi32, #tpu.memory_space<vmem>>) semaphore(%arg11 : memref<!tpu.dma_semaphore, #tpu.memory_space<semaphore_mem>>)
    %dma_wait3A_409 = arith.constant 14 : i32
    %dma_wait3A_410 = arith.constant 0 : i32
    %dma_wait3A_411 = tpu.memref_slice %arg5[%dma_wait3A_409, %dma_wait3A_410] : memref<20x500xi32, #tpu.memory_space<vmem>> -> memref<1x500xi32, #tpu.memory_space<vmem>>
    %dma_wait3A_412 = tpu.memref_squeeze %dma_wait3A_411 : memref<1x500xi32, #tpu.memory_space<vmem>> -> memref<500xi32, #tpu.memory_space<vmem>>
    %dma_wait3A_413 = arith.constant 0 : i32
    %dma_wait3A_414 = arith.constant 0 : i32
    %dma_wait3A_415 = tpu.memref_slice %arg2[%dma_wait3A_413, %dma_wait3A_414] : memref<10000x32xf32, #tpu.memory_space<hbm>> -> memref<10000x32xf32, #tpu.memory_space<hbm>>
    tpu.wait_indirect_dma semaphore(%arg11 : memref<!tpu.dma_semaphore, #tpu.memory_space<semaphore_mem>>) src(%dma_wait3A_415 : memref<10000x32xf32, #tpu.memory_space<hbm>>) dst(%arg9 : memref<500x32xf32, #tpu.memory_space<vmem>>)
    %dma_start3A_416 = arith.constant 14 : i32
    %dma_start3A_417 = arith.constant 0 : i32
    %dma_start3A_418 = tpu.memref_slice %arg6[%dma_start3A_416, %dma_start3A_417] : memref<20x500xi32, #tpu.memory_space<vmem>> -> memref<1x500xi32, #tpu.memory_space<vmem>>
    %dma_start3A_419 = tpu.memref_squeeze %dma_start3A_418 : memref<1x500xi32, #tpu.memory_space<vmem>> -> memref<500xi32, #tpu.memory_space<vmem>>
    %dma_start3A_420 = arith.constant 0 : i32
    %dma_start3A_421 = arith.constant 0 : i32
    %dma_start3A_422 = tpu.memref_slice %arg10[%dma_start3A_420, %dma_start3A_421] : memref<10240x32xf32, #tpu.memory_space<vmem_shared>> -> memref<10240x32xf32, #tpu.memory_space<vmem_shared>>
    tpu.enqueue_indirect_dma source(%arg9 : memref<500x32xf32, #tpu.memory_space<vmem>>) target(%dma_start3A_422 : memref<10240x32xf32, #tpu.memory_space<vmem_shared>>) offsets(%dma_start3A_419 : memref<500xi32, #tpu.memory_space<vmem>>) semaphore(%arg12 : memref<!tpu.dma_semaphore, #tpu.memory_space<semaphore_mem>>) {add = true}
    %dma_wait3A_423 = arith.constant 13 : i32
    %dma_wait3A_424 = arith.constant 0 : i32
    %dma_wait3A_425 = tpu.memref_slice %arg6[%dma_wait3A_423, %dma_wait3A_424] : memref<20x500xi32, #tpu.memory_space<vmem>> -> memref<1x500xi32, #tpu.memory_space<vmem>>
    %dma_wait3A_426 = tpu.memref_squeeze %dma_wait3A_425 : memref<1x500xi32, #tpu.memory_space<vmem>> -> memref<500xi32, #tpu.memory_space<vmem>>
    %dma_wait3A_427 = arith.constant 0 : i32
    %dma_wait3A_428 = arith.constant 0 : i32
    %dma_wait3A_429 = tpu.memref_slice %arg10[%dma_wait3A_427, %dma_wait3A_428] : memref<10240x32xf32, #tpu.memory_space<vmem_shared>> -> memref<10240x32xf32, #tpu.memory_space<vmem_shared>>
    tpu.wait_indirect_dma semaphore(%arg12 : memref<!tpu.dma_semaphore, #tpu.memory_space<semaphore_mem>>) src(%arg8 : memref<500x32xf32, #tpu.memory_space<vmem>>) dst(%dma_wait3A_429 : memref<10240x32xf32, #tpu.memory_space<vmem_shared>>)
    %dma_start3A_430 = arith.constant 16 : i32
    %dma_start3A_431 = arith.constant 0 : i32
    %dma_start3A_432 = tpu.memref_slice %arg5[%dma_start3A_430, %dma_start3A_431] : memref<20x500xi32, #tpu.memory_space<vmem>> -> memref<1x500xi32, #tpu.memory_space<vmem>>
    %dma_start3A_433 = tpu.memref_squeeze %dma_start3A_432 : memref<1x500xi32, #tpu.memory_space<vmem>> -> memref<500xi32, #tpu.memory_space<vmem>>
    %dma_start3A_434 = arith.constant 0 : i32
    %dma_start3A_435 = arith.constant 0 : i32
    %dma_start3A_436 = tpu.memref_slice %arg2[%dma_start3A_434, %dma_start3A_435] : memref<10000x32xf32, #tpu.memory_space<hbm>> -> memref<10000x32xf32, #tpu.memory_space<hbm>>
    tpu.enqueue_indirect_dma source(%dma_start3A_436 : memref<10000x32xf32, #tpu.memory_space<hbm>>) target(%arg8 : memref<500x32xf32, #tpu.memory_space<vmem>>) offsets(%dma_start3A_433 : memref<500xi32, #tpu.memory_space<vmem>>) semaphore(%arg11 : memref<!tpu.dma_semaphore, #tpu.memory_space<semaphore_mem>>)
    %dma_wait3A_437 = arith.constant 15 : i32
    %dma_wait3A_438 = arith.constant 0 : i32
    %dma_wait3A_439 = tpu.memref_slice %arg5[%dma_wait3A_437, %dma_wait3A_438] : memref<20x500xi32, #tpu.memory_space<vmem>> -> memref<1x500xi32, #tpu.memory_space<vmem>>
    %dma_wait3A_440 = tpu.memref_squeeze %dma_wait3A_439 : memref<1x500xi32, #tpu.memory_space<vmem>> -> memref<500xi32, #tpu.memory_space<vmem>>
    %dma_wait3A_441 = arith.constant 0 : i32
    %dma_wait3A_442 = arith.constant 0 : i32
    %dma_wait3A_443 = tpu.memref_slice %arg2[%dma_wait3A_441, %dma_wait3A_442] : memref<10000x32xf32, #tpu.memory_space<hbm>> -> memref<10000x32xf32, #tpu.memory_space<hbm>>
    tpu.wait_indirect_dma semaphore(%arg11 : memref<!tpu.dma_semaphore, #tpu.memory_space<semaphore_mem>>) src(%dma_wait3A_443 : memref<10000x32xf32, #tpu.memory_space<hbm>>) dst(%arg7 : memref<500x32xf32, #tpu.memory_space<vmem>>)
    %dma_start3A_444 = arith.constant 15 : i32
    %dma_start3A_445 = arith.constant 0 : i32
    %dma_start3A_446 = tpu.memref_slice %arg6[%dma_start3A_444, %dma_start3A_445] : memref<20x500xi32, #tpu.memory_space<vmem>> -> memref<1x500xi32, #tpu.memory_space<vmem>>
    %dma_start3A_447 = tpu.memref_squeeze %dma_start3A_446 : memref<1x500xi32, #tpu.memory_space<vmem>> -> memref<500xi32, #tpu.memory_space<vmem>>
    %dma_start3A_448 = arith.constant 0 : i32
    %dma_start3A_449 = arith.constant 0 : i32
    %dma_start3A_450 = tpu.memref_slice %arg10[%dma_start3A_448, %dma_start3A_449] : memref<10240x32xf32, #tpu.memory_space<vmem_shared>> -> memref<10240x32xf32, #tpu.memory_space<vmem_shared>>
    tpu.enqueue_indirect_dma source(%arg7 : memref<500x32xf32, #tpu.memory_space<vmem>>) target(%dma_start3A_450 : memref<10240x32xf32, #tpu.memory_space<vmem_shared>>) offsets(%dma_start3A_447 : memref<500xi32, #tpu.memory_space<vmem>>) semaphore(%arg12 : memref<!tpu.dma_semaphore, #tpu.memory_space<semaphore_mem>>) {add = true}
    %dma_wait3A_451 = arith.constant 14 : i32
    %dma_wait3A_452 = arith.constant 0 : i32
    %dma_wait3A_453 = tpu.memref_slice %arg6[%dma_wait3A_451, %dma_wait3A_452] : memref<20x500xi32, #tpu.memory_space<vmem>> -> memref<1x500xi32, #tpu.memory_space<vmem>>
    %dma_wait3A_454 = tpu.memref_squeeze %dma_wait3A_453 : memref<1x500xi32, #tpu.memory_space<vmem>> -> memref<500xi32, #tpu.memory_space<vmem>>
    %dma_wait3A_455 = arith.constant 0 : i32
    %dma_wait3A_456 = arith.constant 0 : i32
    %dma_wait3A_457 = tpu.memref_slice %arg10[%dma_wait3A_455, %dma_wait3A_456] : memref<10240x32xf32, #tpu.memory_space<vmem_shared>> -> memref<10240x32xf32, #tpu.memory_space<vmem_shared>>
    tpu.wait_indirect_dma semaphore(%arg12 : memref<!tpu.dma_semaphore, #tpu.memory_space<semaphore_mem>>) src(%arg9 : memref<500x32xf32, #tpu.memory_space<vmem>>) dst(%dma_wait3A_457 : memref<10240x32xf32, #tpu.memory_space<vmem_shared>>)
    %dma_start3A_458 = arith.constant 17 : i32
    %dma_start3A_459 = arith.constant 0 : i32
    %dma_start3A_460 = tpu.memref_slice %arg5[%dma_start3A_458, %dma_start3A_459] : memref<20x500xi32, #tpu.memory_space<vmem>> -> memref<1x500xi32, #tpu.memory_space<vmem>>
    %dma_start3A_461 = tpu.memref_squeeze %dma_start3A_460 : memref<1x500xi32, #tpu.memory_space<vmem>> -> memref<500xi32, #tpu.memory_space<vmem>>
    %dma_start3A_462 = arith.constant 0 : i32
    %dma_start3A_463 = arith.constant 0 : i32
    %dma_start3A_464 = tpu.memref_slice %arg2[%dma_start3A_462, %dma_start3A_463] : memref<10000x32xf32, #tpu.memory_space<hbm>> -> memref<10000x32xf32, #tpu.memory_space<hbm>>
    tpu.enqueue_indirect_dma source(%dma_start3A_464 : memref<10000x32xf32, #tpu.memory_space<hbm>>) target(%arg9 : memref<500x32xf32, #tpu.memory_space<vmem>>) offsets(%dma_start3A_461 : memref<500xi32, #tpu.memory_space<vmem>>) semaphore(%arg11 : memref<!tpu.dma_semaphore, #tpu.memory_space<semaphore_mem>>)
    %dma_wait3A_465 = arith.constant 16 : i32
    %dma_wait3A_466 = arith.constant 0 : i32
    %dma_wait3A_467 = tpu.memref_slice %arg5[%dma_wait3A_465, %dma_wait3A_466] : memref<20x500xi32, #tpu.memory_space<vmem>> -> memref<1x500xi32, #tpu.memory_space<vmem>>
    %dma_wait3A_468 = tpu.memref_squeeze %dma_wait3A_467 : memref<1x500xi32, #tpu.memory_space<vmem>> -> memref<500xi32, #tpu.memory_space<vmem>>
    %dma_wait3A_469 = arith.constant 0 : i32
    %dma_wait3A_470 = arith.constant 0 : i32
    %dma_wait3A_471 = tpu.memref_slice %arg2[%dma_wait3A_469, %dma_wait3A_470] : memref<10000x32xf32, #tpu.memory_space<hbm>> -> memref<10000x32xf32, #tpu.memory_space<hbm>>
    tpu.wait_indirect_dma semaphore(%arg11 : memref<!tpu.dma_semaphore, #tpu.memory_space<semaphore_mem>>) src(%dma_wait3A_471 : memref<10000x32xf32, #tpu.memory_space<hbm>>) dst(%arg8 : memref<500x32xf32, #tpu.memory_space<vmem>>)
    %dma_start3A_472 = arith.constant 16 : i32
    %dma_start3A_473 = arith.constant 0 : i32
    %dma_start3A_474 = tpu.memref_slice %arg6[%dma_start3A_472, %dma_start3A_473] : memref<20x500xi32, #tpu.memory_space<vmem>> -> memref<1x500xi32, #tpu.memory_space<vmem>>
    %dma_start3A_475 = tpu.memref_squeeze %dma_start3A_474 : memref<1x500xi32, #tpu.memory_space<vmem>> -> memref<500xi32, #tpu.memory_space<vmem>>
    %dma_start3A_476 = arith.constant 0 : i32
    %dma_start3A_477 = arith.constant 0 : i32
    %dma_start3A_478 = tpu.memref_slice %arg10[%dma_start3A_476, %dma_start3A_477] : memref<10240x32xf32, #tpu.memory_space<vmem_shared>> -> memref<10240x32xf32, #tpu.memory_space<vmem_shared>>
    tpu.enqueue_indirect_dma source(%arg8 : memref<500x32xf32, #tpu.memory_space<vmem>>) target(%dma_start3A_478 : memref<10240x32xf32, #tpu.memory_space<vmem_shared>>) offsets(%dma_start3A_475 : memref<500xi32, #tpu.memory_space<vmem>>) semaphore(%arg12 : memref<!tpu.dma_semaphore, #tpu.memory_space<semaphore_mem>>) {add = true}
    %dma_wait3A_479 = arith.constant 15 : i32
    %dma_wait3A_480 = arith.constant 0 : i32
    %dma_wait3A_481 = tpu.memref_slice %arg6[%dma_wait3A_479, %dma_wait3A_480] : memref<20x500xi32, #tpu.memory_space<vmem>> -> memref<1x500xi32, #tpu.memory_space<vmem>>
    %dma_wait3A_482 = tpu.memref_squeeze %dma_wait3A_481 : memref<1x500xi32, #tpu.memory_space<vmem>> -> memref<500xi32, #tpu.memory_space<vmem>>
    %dma_wait3A_483 = arith.constant 0 : i32
    %dma_wait3A_484 = arith.constant 0 : i32
    %dma_wait3A_485 = tpu.memref_slice %arg10[%dma_wait3A_483, %dma_wait3A_484] : memref<10240x32xf32, #tpu.memory_space<vmem_shared>> -> memref<10240x32xf32, #tpu.memory_space<vmem_shared>>
    tpu.wait_indirect_dma semaphore(%arg12 : memref<!tpu.dma_semaphore, #tpu.memory_space<semaphore_mem>>) src(%arg7 : memref<500x32xf32, #tpu.memory_space<vmem>>) dst(%dma_wait3A_485 : memref<10240x32xf32, #tpu.memory_space<vmem_shared>>)
    %dma_start3A_486 = arith.constant 18 : i32
    %dma_start3A_487 = arith.constant 0 : i32
    %dma_start3A_488 = tpu.memref_slice %arg5[%dma_start3A_486, %dma_start3A_487] : memref<20x500xi32, #tpu.memory_space<vmem>> -> memref<1x500xi32, #tpu.memory_space<vmem>>
    %dma_start3A_489 = tpu.memref_squeeze %dma_start3A_488 : memref<1x500xi32, #tpu.memory_space<vmem>> -> memref<500xi32, #tpu.memory_space<vmem>>
    %dma_start3A_490 = arith.constant 0 : i32
    %dma_start3A_491 = arith.constant 0 : i32
    %dma_start3A_492 = tpu.memref_slice %arg2[%dma_start3A_490, %dma_start3A_491] : memref<10000x32xf32, #tpu.memory_space<hbm>> -> memref<10000x32xf32, #tpu.memory_space<hbm>>
    tpu.enqueue_indirect_dma source(%dma_start3A_492 : memref<10000x32xf32, #tpu.memory_space<hbm>>) target(%arg7 : memref<500x32xf32, #tpu.memory_space<vmem>>) offsets(%dma_start3A_489 : memref<500xi32, #tpu.memory_space<vmem>>) semaphore(%arg11 : memref<!tpu.dma_semaphore, #tpu.memory_space<semaphore_mem>>)
    %dma_wait3A_493 = arith.constant 17 : i32
    %dma_wait3A_494 = arith.constant 0 : i32
    %dma_wait3A_495 = tpu.memref_slice %arg5[%dma_wait3A_493, %dma_wait3A_494] : memref<20x500xi32, #tpu.memory_space<vmem>> -> memref<1x500xi32, #tpu.memory_space<vmem>>
    %dma_wait3A_496 = tpu.memref_squeeze %dma_wait3A_495 : memref<1x500xi32, #tpu.memory_space<vmem>> -> memref<500xi32, #tpu.memory_space<vmem>>
    %dma_wait3A_497 = arith.constant 0 : i32
    %dma_wait3A_498 = arith.constant 0 : i32
    %dma_wait3A_499 = tpu.memref_slice %arg2[%dma_wait3A_497, %dma_wait3A_498] : memref<10000x32xf32, #tpu.memory_space<hbm>> -> memref<10000x32xf32, #tpu.memory_space<hbm>>
    tpu.wait_indirect_dma semaphore(%arg11 : memref<!tpu.dma_semaphore, #tpu.memory_space<semaphore_mem>>) src(%dma_wait3A_499 : memref<10000x32xf32, #tpu.memory_space<hbm>>) dst(%arg9 : memref<500x32xf32, #tpu.memory_space<vmem>>)
    %dma_start3A_500 = arith.constant 17 : i32
    %dma_start3A_501 = arith.constant 0 : i32
    %dma_start3A_502 = tpu.memref_slice %arg6[%dma_start3A_500, %dma_start3A_501] : memref<20x500xi32, #tpu.memory_space<vmem>> -> memref<1x500xi32, #tpu.memory_space<vmem>>
    %dma_start3A_503 = tpu.memref_squeeze %dma_start3A_502 : memref<1x500xi32, #tpu.memory_space<vmem>> -> memref<500xi32, #tpu.memory_space<vmem>>
    %dma_start3A_504 = arith.constant 0 : i32
    %dma_start3A_505 = arith.constant 0 : i32
    %dma_start3A_506 = tpu.memref_slice %arg10[%dma_start3A_504, %dma_start3A_505] : memref<10240x32xf32, #tpu.memory_space<vmem_shared>> -> memref<10240x32xf32, #tpu.memory_space<vmem_shared>>
    tpu.enqueue_indirect_dma source(%arg9 : memref<500x32xf32, #tpu.memory_space<vmem>>) target(%dma_start3A_506 : memref<10240x32xf32, #tpu.memory_space<vmem_shared>>) offsets(%dma_start3A_503 : memref<500xi32, #tpu.memory_space<vmem>>) semaphore(%arg12 : memref<!tpu.dma_semaphore, #tpu.memory_space<semaphore_mem>>) {add = true}
    %dma_wait3A_507 = arith.constant 16 : i32
    %dma_wait3A_508 = arith.constant 0 : i32
    %dma_wait3A_509 = tpu.memref_slice %arg6[%dma_wait3A_507, %dma_wait3A_508] : memref<20x500xi32, #tpu.memory_space<vmem>> -> memref<1x500xi32, #tpu.memory_space<vmem>>
    %dma_wait3A_510 = tpu.memref_squeeze %dma_wait3A_509 : memref<1x500xi32, #tpu.memory_space<vmem>> -> memref<500xi32, #tpu.memory_space<vmem>>
    %dma_wait3A_511 = arith.constant 0 : i32
    %dma_wait3A_512 = arith.constant 0 : i32
    %dma_wait3A_513 = tpu.memref_slice %arg10[%dma_wait3A_511, %dma_wait3A_512] : memref<10240x32xf32, #tpu.memory_space<vmem_shared>> -> memref<10240x32xf32, #tpu.memory_space<vmem_shared>>
    tpu.wait_indirect_dma semaphore(%arg12 : memref<!tpu.dma_semaphore, #tpu.memory_space<semaphore_mem>>) src(%arg8 : memref<500x32xf32, #tpu.memory_space<vmem>>) dst(%dma_wait3A_513 : memref<10240x32xf32, #tpu.memory_space<vmem_shared>>)
    %dma_start3A_514 = arith.constant 19 : i32
    %dma_start3A_515 = arith.constant 0 : i32
    %dma_start3A_516 = tpu.memref_slice %arg5[%dma_start3A_514, %dma_start3A_515] : memref<20x500xi32, #tpu.memory_space<vmem>> -> memref<1x500xi32, #tpu.memory_space<vmem>>
    %dma_start3A_517 = tpu.memref_squeeze %dma_start3A_516 : memref<1x500xi32, #tpu.memory_space<vmem>> -> memref<500xi32, #tpu.memory_space<vmem>>
    %dma_start3A_518 = arith.constant 0 : i32
    %dma_start3A_519 = arith.constant 0 : i32
    %dma_start3A_520 = tpu.memref_slice %arg2[%dma_start3A_518, %dma_start3A_519] : memref<10000x32xf32, #tpu.memory_space<hbm>> -> memref<10000x32xf32, #tpu.memory_space<hbm>>
    tpu.enqueue_indirect_dma source(%dma_start3A_520 : memref<10000x32xf32, #tpu.memory_space<hbm>>) target(%arg8 : memref<500x32xf32, #tpu.memory_space<vmem>>) offsets(%dma_start3A_517 : memref<500xi32, #tpu.memory_space<vmem>>) semaphore(%arg11 : memref<!tpu.dma_semaphore, #tpu.memory_space<semaphore_mem>>)
    %dma_wait3A_521 = arith.constant 18 : i32
    %dma_wait3A_522 = arith.constant 0 : i32
    %dma_wait3A_523 = tpu.memref_slice %arg5[%dma_wait3A_521, %dma_wait3A_522] : memref<20x500xi32, #tpu.memory_space<vmem>> -> memref<1x500xi32, #tpu.memory_space<vmem>>
    %dma_wait3A_524 = tpu.memref_squeeze %dma_wait3A_523 : memref<1x500xi32, #tpu.memory_space<vmem>> -> memref<500xi32, #tpu.memory_space<vmem>>
    %dma_wait3A_525 = arith.constant 0 : i32
    %dma_wait3A_526 = arith.constant 0 : i32
    %dma_wait3A_527 = tpu.memref_slice %arg2[%dma_wait3A_525, %dma_wait3A_526] : memref<10000x32xf32, #tpu.memory_space<hbm>> -> memref<10000x32xf32, #tpu.memory_space<hbm>>
    tpu.wait_indirect_dma semaphore(%arg11 : memref<!tpu.dma_semaphore, #tpu.memory_space<semaphore_mem>>) src(%dma_wait3A_527 : memref<10000x32xf32, #tpu.memory_space<hbm>>) dst(%arg7 : memref<500x32xf32, #tpu.memory_space<vmem>>)
    %dma_start3A_528 = arith.constant 18 : i32
    %dma_start3A_529 = arith.constant 0 : i32
    %dma_start3A_530 = tpu.memref_slice %arg6[%dma_start3A_528, %dma_start3A_529] : memref<20x500xi32, #tpu.memory_space<vmem>> -> memref<1x500xi32, #tpu.memory_space<vmem>>
    %dma_start3A_531 = tpu.memref_squeeze %dma_start3A_530 : memref<1x500xi32, #tpu.memory_space<vmem>> -> memref<500xi32, #tpu.memory_space<vmem>>
    %dma_start3A_532 = arith.constant 0 : i32
    %dma_start3A_533 = arith.constant 0 : i32
    %dma_start3A_534 = tpu.memref_slice %arg10[%dma_start3A_532, %dma_start3A_533] : memref<10240x32xf32, #tpu.memory_space<vmem_shared>> -> memref<10240x32xf32, #tpu.memory_space<vmem_shared>>
    tpu.enqueue_indirect_dma source(%arg7 : memref<500x32xf32, #tpu.memory_space<vmem>>) target(%dma_start3A_534 : memref<10240x32xf32, #tpu.memory_space<vmem_shared>>) offsets(%dma_start3A_531 : memref<500xi32, #tpu.memory_space<vmem>>) semaphore(%arg12 : memref<!tpu.dma_semaphore, #tpu.memory_space<semaphore_mem>>) {add = true}
    %dma_wait3A_535 = arith.constant 19 : i32
    %dma_wait3A_536 = arith.constant 0 : i32
    %dma_wait3A_537 = tpu.memref_slice %arg5[%dma_wait3A_535, %dma_wait3A_536] : memref<20x500xi32, #tpu.memory_space<vmem>> -> memref<1x500xi32, #tpu.memory_space<vmem>>
    %dma_wait3A_538 = tpu.memref_squeeze %dma_wait3A_537 : memref<1x500xi32, #tpu.memory_space<vmem>> -> memref<500xi32, #tpu.memory_space<vmem>>
    %dma_wait3A_539 = arith.constant 0 : i32
    %dma_wait3A_540 = arith.constant 0 : i32
    %dma_wait3A_541 = tpu.memref_slice %arg2[%dma_wait3A_539, %dma_wait3A_540] : memref<10000x32xf32, #tpu.memory_space<hbm>> -> memref<10000x32xf32, #tpu.memory_space<hbm>>
    tpu.wait_indirect_dma semaphore(%arg11 : memref<!tpu.dma_semaphore, #tpu.memory_space<semaphore_mem>>) src(%dma_wait3A_541 : memref<10000x32xf32, #tpu.memory_space<hbm>>) dst(%arg8 : memref<500x32xf32, #tpu.memory_space<vmem>>)
    %dma_start3A_542 = arith.constant 19 : i32
    %dma_start3A_543 = arith.constant 0 : i32
    %dma_start3A_544 = tpu.memref_slice %arg6[%dma_start3A_542, %dma_start3A_543] : memref<20x500xi32, #tpu.memory_space<vmem>> -> memref<1x500xi32, #tpu.memory_space<vmem>>
    %dma_start3A_545 = tpu.memref_squeeze %dma_start3A_544 : memref<1x500xi32, #tpu.memory_space<vmem>> -> memref<500xi32, #tpu.memory_space<vmem>>
    %dma_start3A_546 = arith.constant 0 : i32
    %dma_start3A_547 = arith.constant 0 : i32
    %dma_start3A_548 = tpu.memref_slice %arg10[%dma_start3A_546, %dma_start3A_547] : memref<10240x32xf32, #tpu.memory_space<vmem_shared>> -> memref<10240x32xf32, #tpu.memory_space<vmem_shared>>
    tpu.enqueue_indirect_dma source(%arg8 : memref<500x32xf32, #tpu.memory_space<vmem>>) target(%dma_start3A_548 : memref<10240x32xf32, #tpu.memory_space<vmem_shared>>) offsets(%dma_start3A_545 : memref<500xi32, #tpu.memory_space<vmem>>) semaphore(%arg12 : memref<!tpu.dma_semaphore, #tpu.memory_space<semaphore_mem>>) {add = true}
    %dma_wait3A_549 = arith.constant 17 : i32
    %dma_wait3A_550 = arith.constant 0 : i32
    %dma_wait3A_551 = tpu.memref_slice %arg6[%dma_wait3A_549, %dma_wait3A_550] : memref<20x500xi32, #tpu.memory_space<vmem>> -> memref<1x500xi32, #tpu.memory_space<vmem>>
    %dma_wait3A_552 = tpu.memref_squeeze %dma_wait3A_551 : memref<1x500xi32, #tpu.memory_space<vmem>> -> memref<500xi32, #tpu.memory_space<vmem>>
    %dma_wait3A_553 = arith.constant 0 : i32
    %dma_wait3A_554 = arith.constant 0 : i32
    %dma_wait3A_555 = tpu.memref_slice %arg10[%dma_wait3A_553, %dma_wait3A_554] : memref<10240x32xf32, #tpu.memory_space<vmem_shared>> -> memref<10240x32xf32, #tpu.memory_space<vmem_shared>>
    tpu.wait_indirect_dma semaphore(%arg12 : memref<!tpu.dma_semaphore, #tpu.memory_space<semaphore_mem>>) src(%arg9 : memref<500x32xf32, #tpu.memory_space<vmem>>) dst(%dma_wait3A_555 : memref<10240x32xf32, #tpu.memory_space<vmem_shared>>)
    %dma_wait3A_556 = arith.constant 18 : i32
    %dma_wait3A_557 = arith.constant 0 : i32
    %dma_wait3A_558 = tpu.memref_slice %arg6[%dma_wait3A_556, %dma_wait3A_557] : memref<20x500xi32, #tpu.memory_space<vmem>> -> memref<1x500xi32, #tpu.memory_space<vmem>>
    %dma_wait3A_559 = tpu.memref_squeeze %dma_wait3A_558 : memref<1x500xi32, #tpu.memory_space<vmem>> -> memref<500xi32, #tpu.memory_space<vmem>>
    %dma_wait3A_560 = arith.constant 0 : i32
    %dma_wait3A_561 = arith.constant 0 : i32
    %dma_wait3A_562 = tpu.memref_slice %arg10[%dma_wait3A_560, %dma_wait3A_561] : memref<10240x32xf32, #tpu.memory_space<vmem_shared>> -> memref<10240x32xf32, #tpu.memory_space<vmem_shared>>
    tpu.wait_indirect_dma semaphore(%arg12 : memref<!tpu.dma_semaphore, #tpu.memory_space<semaphore_mem>>) src(%arg7 : memref<500x32xf32, #tpu.memory_space<vmem>>) dst(%dma_wait3A_562 : memref<10240x32xf32, #tpu.memory_space<vmem_shared>>)
    %dma_wait3A_563 = arith.constant 19 : i32
    %dma_wait3A_564 = arith.constant 0 : i32
    %dma_wait3A_565 = tpu.memref_slice %arg6[%dma_wait3A_563, %dma_wait3A_564] : memref<20x500xi32, #tpu.memory_space<vmem>> -> memref<1x500xi32, #tpu.memory_space<vmem>>
    %dma_wait3A_566 = tpu.memref_squeeze %dma_wait3A_565 : memref<1x500xi32, #tpu.memory_space<vmem>> -> memref<500xi32, #tpu.memory_space<vmem>>
    %dma_wait3A_567 = arith.constant 0 : i32
    %dma_wait3A_568 = arith.constant 0 : i32
    %dma_wait3A_569 = tpu.memref_slice %arg10[%dma_wait3A_567, %dma_wait3A_568] : memref<10240x32xf32, #tpu.memory_space<vmem_shared>> -> memref<10240x32xf32, #tpu.memory_space<vmem_shared>>
    tpu.wait_indirect_dma semaphore(%arg12 : memref<!tpu.dma_semaphore, #tpu.memory_space<semaphore_mem>>) src(%arg8 : memref<500x32xf32, #tpu.memory_space<vmem>>) dst(%dma_wait3A_569 : memref<10240x32xf32, #tpu.memory_space<vmem_shared>>)
    %barrier3A_570 = arith.constant 0 : index
    tpu.barrier barrier_id(%barrier3A_570)
    %mul3A_571 = arith.constant 640 : i32
    %mul3A_572 = arith.muli %arg1, %mul3A_571 : i32
    %mul3A_573 = arith.constant 640 : i32
    %mul3A_574 = arith.muli %arg1, %mul3A_573 : i32
    "tpu.region"() ({
      %run_scoped3A_575 = tpu.sem_alloc : memref<!tpu.dma_semaphore, #tpu.memory_space<semaphore_mem>>
      %dma_start3A_576 = arith.constant 0 : i32
      %dma_start3A_577 = tpu.memref_slice %arg4[%arg0, %mul3A_574, %dma_start3A_576] : memref<2x10240x32xf32, #tpu.memory_space<hbm>> -> memref<1x640x32xf32, #tpu.memory_space<hbm>>
      %dma_start3A_578 = tpu.memref_squeeze %dma_start3A_577 : memref<1x640x32xf32, #tpu.memory_space<hbm>> -> memref<640x32xf32, #tpu.memory_space<hbm>>
      %dma_start3A_579 = arith.constant 0 : i32
      %dma_start3A_580 = tpu.memref_slice %arg10[%mul3A_572, %dma_start3A_579] : memref<10240x32xf32, #tpu.memory_space<vmem_shared>> -> memref<640x32xf32, #tpu.memory_space<vmem_shared>>
      tpu.enqueue_dma source(%dma_start3A_580 : memref<640x32xf32, #tpu.memory_space<vmem_shared>>) target(%dma_start3A_578 : memref<640x32xf32, #tpu.memory_space<hbm>>) target_semaphore(%run_scoped3A_575 : memref<!tpu.dma_semaphore, #tpu.memory_space<semaphore_mem>>)
      %dma_wait3A_581 = arith.constant 0 : i32
      %dma_wait3A_582 = tpu.memref_slice %arg4[%arg0, %mul3A_574, %dma_wait3A_581] : memref<2x10240x32xf32, #tpu.memory_space<hbm>> -> memref<1x640x32xf32, #tpu.memory_space<hbm>>
      %dma_wait3A_583 = tpu.memref_squeeze %dma_wait3A_582 : memref<1x640x32xf32, #tpu.memory_space<hbm>> -> memref<640x32xf32, #tpu.memory_space<hbm>>
      %dma_wait3A_584 = arith.constant 0 : i32
      %dma_wait3A_585 = tpu.memref_slice %arg10[%mul3A_572, %dma_wait3A_584] : memref<10240x32xf32, #tpu.memory_space<vmem_shared>> -> memref<640x32xf32, #tpu.memory_space<vmem_shared>>
      tpu.wait_dma2 semaphore(%run_scoped3A_575 : memref<!tpu.dma_semaphore, #tpu.memory_space<semaphore_mem>>) src(%dma_wait3A_585 : memref<640x32xf32, #tpu.memory_space<vmem_shared>>) dst(%dma_wait3A_583 : memref<640x32xf32, #tpu.memory_space<hbm>>)
      tpu.yield
    }) : () -> ()
    return
  }
}

#map = affine_map<(d0, d1) -> (0, 0)>
#map1 = affine_map<(d0, d1) -> (0, 0, 0)>
module attributes {stable_mosaic.version = 14 : i64} {
  func.func @k(%arg0: i32, %arg1: i32, %arg2: memref<10000x32xf32, #tpu.memory_space<hbm>>, %arg3: memref<2x640x500xi32, #tpu.memory_space<hbm>>, %arg4: memref<2x10240x32xf32, #tpu.memory_space<hbm>>, %arg5: memref<20x500xi32, #tpu.memory_space<vmem>>, %arg6: memref<20x500xi32, #tpu.memory_space<vmem>>, %arg7: memref<500x32xf32, #tpu.memory_space<vmem>>, %arg8: memref<500x32xf32, #tpu.memory_space<vmem>>, %arg9: memref<500x32xf32, #tpu.memory_space<vmem>>, %arg10: memref<10240x32xf32, #tpu.memory_space<vmem_shared>>, %arg11: memref<!tpu.dma_semaphore, #tpu.memory_space<semaphore_mem>>, %arg12: memref<!tpu.dma_semaphore, #tpu.memory_space<semaphore_mem>>) attributes {dimension_semantics = [#tpu.dimension_semantics<core_parallel>, #tpu.dimension_semantics<subcore_parallel>], iteration_bounds = array<i64: 2, 16>, scalar_prefetch = 0 : i64, scratch_operands = 8 : i64, tpu.core_type = #tpu.core_type<sc_vector_subcore>, window_params = [{transform_indices = #map}, {transform_indices = #map1}, {transform_indices = #map1}]} {
    %mul3A = arith.constant 2 : i32
    %mul3A_0 = arith.muli %arg1, %mul3A : i32
    %add3A = arith.addi %mul3A_0, %arg0 : i32
    %scan3A = arith.constant 0 : i32
    %scan3A_1 = arith.constant 0 : i32
    %scan3A_2 = arith.constant 640 : i32
    %scan3A_3 = arith.addi %scan3A_1, %scan3A_2 : i32
    %scan3A_4 = arith.constant 1 : i32
    %scan3A_5 = scf.for %scan3A_575 = %scan3A_1 to %scan3A_3 step %scan3A_4 iter_args(%scan3A_576 = %scan3A) -> (i32)  : i32 {
      %broadcast_in_dim3A = arith.constant 0.000000e+00 : f32
      %broadcast_in_dim3A_577 = vector.broadcast %broadcast_in_dim3A : f32 to vector<16xf32>
      %swap3A = arith.index_cast %scan3A_575 : i32 to index
      %swap3A_578 = arith.constant 0 : index
      %swap3A_579 = tpu.vector_load %arg7[%swap3A, %swap3A_578] {strides = array<i32>} : memref<500x32xf32, #tpu.memory_space<vmem>>, vector<1x16xf32>,
      %swap3A_580 = vector.shape_cast %swap3A_579 : vector<1x16xf32> to vector<16xf32>
      %swap3A_581 = vector.shape_cast %broadcast_in_dim3A_577 : vector<16xf32> to vector<1x16xf32>
      tpu.vector_store %arg7[%swap3A, %swap3A_578], %swap3A_581 {strides = array<i32>} : memref<500x32xf32, #tpu.memory_space<vmem>>, vector<1x16xf32>,
      %broadcast_in_dim3A_582 = arith.constant 0.000000e+00 : f32
      %broadcast_in_dim3A_583 = vector.broadcast %broadcast_in_dim3A_582 : f32 to vector<16xf32>
      %swap3A_584 = arith.index_cast %scan3A_575 : i32 to index
      %swap3A_585 = arith.constant 16 : index
      %swap3A_586 = tpu.vector_load %arg7[%swap3A_584, %swap3A_585] {strides = array<i32>} : memref<500x32xf32, #tpu.memory_space<vmem>>, vector<1x16xf32>,
      %swap3A_587 = vector.shape_cast %swap3A_586 : vector<1x16xf32> to vector<16xf32>
      %swap3A_588 = vector.shape_cast %broadcast_in_dim3A_583 : vector<16xf32> to vector<1x16xf32>
      tpu.vector_store %arg7[%swap3A_584, %swap3A_585], %swap3A_588 {strides = array<i32>} : memref<500x32xf32, #tpu.memory_space<vmem>>, vector<1x16xf32>,
      %scan3A_589 = arith.constant 0 : i32
      scf.yield %scan3A_589 : i32
    }
    %scan3A_6 = arith.constant 640 : i32
    %mul3A_7 = arith.constant 640 : i32
    %mul3A_8 = arith.muli %arg1, %mul3A_7 : i32
    "tpu.region"() ({
      %run_scoped3A_575 = tpu.sem_alloc : memref<!tpu.dma_semaphore, #tpu.memory_space<semaphore_mem>>
      %dma_start3A_576 = arith.constant 0 : i32
      %dma_start3A_577 = arith.constant 0 : i32
      %dma_start3A_578 = tpu.memref_slice %arg7[%dma_start3A_576, %dma_start3A_577] : memref<500x32xf32, #tpu.memory_space<vmem>> -> memref<640x32xf32, #tpu.memory_space<vmem>>
      %dma_start3A_579 = arith.constant 0 : i32
      %dma_start3A_580 = tpu.memref_slice %arg10[%mul3A_8, %dma_start3A_579] : memref<10240x32xf32, #tpu.memory_space<vmem_shared>> -> memref<640x32xf32, #tpu.memory_space<vmem_shared>>
      %dma_start3A_581 = arith.constant 0 : i32
      %dma_start3A_582 = tpu.memref_slice %arg10[%mul3A_8, %dma_start3A_581] : memref<10240x32xf32, #tpu.memory_space<vmem_shared>> -> memref<640x32xf32, #tpu.memory_space<vmem_shared>>
      %dma_start3A_583 = arith.constant 0 : i32
      %dma_start3A_584 = arith.constant 0 : i32
      %dma_start3A_585 = tpu.memref_slice %arg7[%dma_start3A_583, %dma_start3A_584] : memref<500x32xf32, #tpu.memory_space<vmem>> -> memref<640x32xf32, #tpu.memory_space<vmem>>
      tpu.enqueue_dma source(%dma_start3A_585 : memref<640x32xf32, #tpu.memory_space<vmem>>) target(%dma_start3A_582 : memref<640x32xf32, #tpu.memory_space<vmem_shared>>) target_semaphore(%run_scoped3A_575 : memref<!tpu.dma_semaphore, #tpu.memory_space<semaphore_mem>>)
      %dma_wait3A_586 = arith.constant 0 : i32
      %dma_wait3A_587 = arith.constant 0 : i32
      %dma_wait3A_588 = tpu.memref_slice %arg7[%dma_wait3A_586, %dma_wait3A_587] : memref<500x32xf32, #tpu.memory_space<vmem>> -> memref<640x32xf32, #tpu.memory_space<vmem>>
      %dma_wait3A_589 = arith.constant 0 : i32
      %dma_wait3A_590 = tpu.memref_slice %arg10[%mul3A_8, %dma_wait3A_589] : memref<10240x32xf32, #tpu.memory_space<vmem_shared>> -> memref<640x32xf32, #tpu.memory_space<vmem_shared>>
      %dma_wait3A_591 = arith.constant 0 : i32
      %dma_wait3A_592 = tpu.memref_slice %arg10[%mul3A_8, %dma_wait3A_591] : memref<10240x32xf32, #tpu.memory_space<vmem_shared>> -> memref<640x32xf32, #tpu.memory_space<vmem_shared>>
      %dma_wait3A_593 = arith.constant 0 : i32
      %dma_wait3A_594 = arith.constant 0 : i32
      %dma_wait3A_595 = tpu.memref_slice %arg7[%dma_wait3A_593, %dma_wait3A_594] : memref<500x32xf32, #tpu.memory_space<vmem>> -> memref<640x32xf32, #tpu.memory_space<vmem>>
      tpu.wait_dma2 semaphore(%run_scoped3A_575 : memref<!tpu.dma_semaphore, #tpu.memory_space<semaphore_mem>>) src(%dma_wait3A_595 : memref<640x32xf32, #tpu.memory_space<vmem>>) dst(%dma_wait3A_592 : memref<640x32xf32, #tpu.memory_space<vmem_shared>>)
      tpu.yield
    }) : () -> ()
    %mul3A_9 = arith.constant 20 : i32
    %mul3A_10 = arith.muli %add3A, %mul3A_9 : i32
    %run_scoped3A = arith.constant 0 : i32
    "tpu.region"() ({
      %run_scoped3A_575 = tpu.sem_alloc : memref<!tpu.dma_semaphore, #tpu.memory_space<semaphore_mem>>
      %dma_start3A_576 = arith.constant 0 : i32
      %dma_start3A_577 = tpu.memref_slice %arg3[%run_scoped3A, %mul3A_10, %dma_start3A_576] : memref<2x640x500xi32, #tpu.memory_space<hbm>> -> memref<1x20x500xi32, #tpu.memory_space<hbm>>
      %dma_start3A_578 = tpu.memref_squeeze %dma_start3A_577 : memref<1x20x500xi32, #tpu.memory_space<hbm>> -> memref<20x500xi32, #tpu.memory_space<hbm>>
      %dma_start3A_579 = arith.constant 0 : i32
      %dma_start3A_580 = tpu.memref_slice %arg3[%run_scoped3A, %mul3A_10, %dma_start3A_579] : memref<2x640x500xi32, #tpu.memory_space<hbm>> -> memref<1x20x500xi32, #tpu.memory_space<hbm>>
      %dma_start3A_581 = tpu.memref_squeeze %dma_start3A_580 : memref<1x20x500xi32, #tpu.memory_space<hbm>> -> memref<20x500xi32, #tpu.memory_space<hbm>>
      tpu.enqueue_dma source(%dma_start3A_581 : memref<20x500xi32, #tpu.memory_space<hbm>>) target(%arg5 : memref<20x500xi32, #tpu.memory_space<vmem>>) target_semaphore(%run_scoped3A_575 : memref<!tpu.dma_semaphore, #tpu.memory_space<semaphore_mem>>)
      %dma_wait3A_582 = arith.constant 0 : i32
      %dma_wait3A_583 = tpu.memref_slice %arg3[%run_scoped3A, %mul3A_10, %dma_wait3A_582] : memref<2x640x500xi32, #tpu.memory_space<hbm>> -> memref<1x20x500xi32, #tpu.memory_space<hbm>>
      %dma_wait3A_584 = tpu.memref_squeeze %dma_wait3A_583 : memref<1x20x500xi32, #tpu.memory_space<hbm>> -> memref<20x500xi32, #tpu.memory_space<hbm>>
      %dma_wait3A_585 = arith.constant 0 : i32
      %dma_wait3A_586 = tpu.memref_slice %arg3[%run_scoped3A, %mul3A_10, %dma_wait3A_585] : memref<2x640x500xi32, #tpu.memory_space<hbm>> -> memref<1x20x500xi32, #tpu.memory_space<hbm>>
      %dma_wait3A_587 = tpu.memref_squeeze %dma_wait3A_586 : memref<1x20x500xi32, #tpu.memory_space<hbm>> -> memref<20x500xi32, #tpu.memory_space<hbm>>
      tpu.wait_dma2 semaphore(%run_scoped3A_575 : memref<!tpu.dma_semaphore, #tpu.memory_space<semaphore_mem>>) src(%dma_wait3A_587 : memref<20x500xi32, #tpu.memory_space<hbm>>) dst(%arg5 : memref<20x500xi32, #tpu.memory_space<vmem>>)
      tpu.yield
    }) : () -> ()
    %run_scoped3A_11 = arith.constant 1 : i32
    "tpu.region"() ({
      %run_scoped3A_575 = tpu.sem_alloc : memref<!tpu.dma_semaphore, #tpu.memory_space<semaphore_mem>>
      %dma_start3A_576 = arith.constant 0 : i32
      %dma_start3A_577 = tpu.memref_slice %arg3[%run_scoped3A_11, %mul3A_10, %dma_start3A_576] : memref<2x640x500xi32, #tpu.memory_space<hbm>> -> memref<1x20x500xi32, #tpu.memory_space<hbm>>
      %dma_start3A_578 = tpu.memref_squeeze %dma_start3A_577 : memref<1x20x500xi32, #tpu.memory_space<hbm>> -> memref<20x500xi32, #tpu.memory_space<hbm>>
      %dma_start3A_579 = arith.constant 0 : i32
      %dma_start3A_580 = tpu.memref_slice %arg3[%run_scoped3A_11, %mul3A_10, %dma_start3A_579] : memref<2x640x500xi32, #tpu.memory_space<hbm>> -> memref<1x20x500xi32, #tpu.memory_space<hbm>>
      %dma_start3A_581 = tpu.memref_squeeze %dma_start3A_580 : memref<1x20x500xi32, #tpu.memory_space<hbm>> -> memref<20x500xi32, #tpu.memory_space<hbm>>
      tpu.enqueue_dma source(%dma_start3A_581 : memref<20x500xi32, #tpu.memory_space<hbm>>) target(%arg6 : memref<20x500xi32, #tpu.memory_space<vmem>>) target_semaphore(%run_scoped3A_575 : memref<!tpu.dma_semaphore, #tpu.memory_space<semaphore_mem>>)
      %dma_wait3A_582 = arith.constant 0 : i32
      %dma_wait3A_583 = tpu.memref_slice %arg3[%run_scoped3A_11, %mul3A_10, %dma_wait3A_582] : memref<2x640x500xi32, #tpu.memory_space<hbm>> -> memref<1x20x500xi32, #tpu.memory_space<hbm>>
      %dma_wait3A_584 = tpu.memref_squeeze %dma_wait3A_583 : memref<1x20x500xi32, #tpu.memory_space<hbm>> -> memref<20x500xi32, #tpu.memory_space<hbm>>
      %dma_wait3A_585 = arith.constant 0 : i32
      %dma_wait3A_586 = tpu.memref_slice %arg3[%run_scoped3A_11, %mul3A_10, %dma_wait3A_585] : memref<2x640x500xi32, #tpu.memory_space<hbm>> -> memref<1x20x500xi32, #tpu.memory_space<hbm>>
      %dma_wait3A_587 = tpu.memref_squeeze %dma_wait3A_586 : memref<1x20x500xi32, #tpu.memory_space<hbm>> -> memref<20x500xi32, #tpu.memory_space<hbm>>
      tpu.wait_dma2 semaphore(%run_scoped3A_575 : memref<!tpu.dma_semaphore, #tpu.memory_space<semaphore_mem>>) src(%dma_wait3A_587 : memref<20x500xi32, #tpu.memory_space<hbm>>) dst(%arg6 : memref<20x500xi32, #tpu.memory_space<vmem>>)
      tpu.yield
    }) : () -> ()
    %barrier3A = arith.constant 0 : index
    tpu.barrier barrier_id(%barrier3A)
    %dma_start3A = arith.constant 0 : i32
    %dma_start3A_12 = arith.constant 0 : i32
    %dma_start3A_13 = tpu.memref_slice %arg5[%dma_start3A, %dma_start3A_12] : memref<20x500xi32, #tpu.memory_space<vmem>> -> memref<1x500xi32, #tpu.memory_space<vmem>>
    %dma_start3A_14 = tpu.memref_squeeze %dma_start3A_13 : memref<1x500xi32, #tpu.memory_space<vmem>> -> memref<500xi32, #tpu.memory_space<vmem>>
    %dma_start3A_15 = arith.constant 0 : i32
    %dma_start3A_16 = arith.constant 0 : i32
    %dma_start3A_17 = tpu.memref_slice %arg2[%dma_start3A_15, %dma_start3A_16] : memref<10000x32xf32, #tpu.memory_space<hbm>> -> memref<10000x32xf32, #tpu.memory_space<hbm>>
    tpu.enqueue_indirect_dma source(%dma_start3A_17 : memref<10000x32xf32, #tpu.memory_space<hbm>>) target(%arg7 : memref<500x32xf32, #tpu.memory_space<vmem>>) offsets(%dma_start3A_14 : memref<500xi32, #tpu.memory_space<vmem>>) semaphore(%arg11 : memref<!tpu.dma_semaphore, #tpu.memory_space<semaphore_mem>>)
    %dma_start3A_18 = arith.constant 1 : i32
    %dma_start3A_19 = arith.constant 0 : i32
    %dma_start3A_20 = tpu.memref_slice %arg5[%dma_start3A_18, %dma_start3A_19] : memref<20x500xi32, #tpu.memory_space<vmem>> -> memref<1x500xi32, #tpu.memory_space<vmem>>
    %dma_start3A_21 = tpu.memref_squeeze %dma_start3A_20 : memref<1x500xi32, #tpu.memory_space<vmem>> -> memref<500xi32, #tpu.memory_space<vmem>>
    %dma_start3A_22 = arith.constant 0 : i32
    %dma_start3A_23 = arith.constant 0 : i32
    %dma_start3A_24 = tpu.memref_slice %arg2[%dma_start3A_22, %dma_start3A_23] : memref<10000x32xf32, #tpu.memory_space<hbm>> -> memref<10000x32xf32, #tpu.memory_space<hbm>>
    tpu.enqueue_indirect_dma source(%dma_start3A_24 : memref<10000x32xf32, #tpu.memory_space<hbm>>) target(%arg8 : memref<500x32xf32, #tpu.memory_space<vmem>>) offsets(%dma_start3A_21 : memref<500xi32, #tpu.memory_space<vmem>>) semaphore(%arg11 : memref<!tpu.dma_semaphore, #tpu.memory_space<semaphore_mem>>)
    %dma_wait3A = arith.constant 0 : i32
    %dma_wait3A_25 = arith.constant 0 : i32
    %dma_wait3A_26 = tpu.memref_slice %arg5[%dma_wait3A, %dma_wait3A_25] : memref<20x500xi32, #tpu.memory_space<vmem>> -> memref<1x500xi32, #tpu.memory_space<vmem>>
    %dma_wait3A_27 = tpu.memref_squeeze %dma_wait3A_26 : memref<1x500xi32, #tpu.memory_space<vmem>> -> memref<500xi32, #tpu.memory_space<vmem>>
    %dma_wait3A_28 = arith.constant 0 : i32
    %dma_wait3A_29 = arith.constant 0 : i32
    %dma_wait3A_30 = tpu.memref_slice %arg2[%dma_wait3A_28, %dma_wait3A_29] : memref<10000x32xf32, #tpu.memory_space<hbm>> -> memref<10000x32xf32, #tpu.memory_space<hbm>>
    tpu.wait_indirect_dma semaphore(%arg11 : memref<!tpu.dma_semaphore, #tpu.memory_space<semaphore_mem>>) src(%dma_wait3A_30 : memref<10000x32xf32, #tpu.memory_space<hbm>>) dst(%arg7 : memref<500x32xf32, #tpu.memory_space<vmem>>)
    %dma_start3A_31 = arith.constant 0 : i32
    %dma_start3A_32 = arith.constant 0 : i32
    %dma_start3A_33 = tpu.memref_slice %arg6[%dma_start3A_31, %dma_start3A_32] : memref<20x500xi32, #tpu.memory_space<vmem>> -> memref<1x500xi32, #tpu.memory_space<vmem>>
    %dma_start3A_34 = tpu.memref_squeeze %dma_start3A_33 : memref<1x500xi32, #tpu.memory_space<vmem>> -> memref<500xi32, #tpu.memory_space<vmem>>
    %dma_start3A_35 = arith.constant 0 : i32
    %dma_start3A_36 = arith.constant 0 : i32
    %dma_start3A_37 = tpu.memref_slice %arg10[%dma_start3A_35, %dma_start3A_36] : memref<10240x32xf32, #tpu.memory_space<vmem_shared>> -> memref<10240x32xf32, #tpu.memory_space<vmem_shared>>
    tpu.enqueue_indirect_dma source(%arg7 : memref<500x32xf32, #tpu.memory_space<vmem>>) target(%dma_start3A_37 : memref<10240x32xf32, #tpu.memory_space<vmem_shared>>) offsets(%dma_start3A_34 : memref<500xi32, #tpu.memory_space<vmem>>) semaphore(%arg12 : memref<!tpu.dma_semaphore, #tpu.memory_space<semaphore_mem>>) {add = true}
    %dma_start3A_38 = arith.constant 2 : i32
    %dma_start3A_39 = arith.constant 0 : i32
    %dma_start3A_40 = tpu.memref_slice %arg5[%dma_start3A_38, %dma_start3A_39] : memref<20x500xi32, #tpu.memory_space<vmem>> -> memref<1x500xi32, #tpu.memory_space<vmem>>
    %dma_start3A_41 = tpu.memref_squeeze %dma_start3A_40 : memref<1x500xi32, #tpu.memory_space<vmem>> -> memref<500xi32, #tpu.memory_space<vmem>>
    %dma_start3A_42 = arith.constant 0 : i32
    %dma_start3A_43 = arith.constant 0 : i32
    %dma_start3A_44 = tpu.memref_slice %arg2[%dma_start3A_42, %dma_start3A_43] : memref<10000x32xf32, #tpu.memory_space<hbm>> -> memref<10000x32xf32, #tpu.memory_space<hbm>>
    tpu.enqueue_indirect_dma source(%dma_start3A_44 : memref<10000x32xf32, #tpu.memory_space<hbm>>) target(%arg9 : memref<500x32xf32, #tpu.memory_space<vmem>>) offsets(%dma_start3A_41 : memref<500xi32, #tpu.memory_space<vmem>>) semaphore(%arg11 : memref<!tpu.dma_semaphore, #tpu.memory_space<semaphore_mem>>)
    %dma_wait3A_45 = arith.constant 1 : i32
    %dma_wait3A_46 = arith.constant 0 : i32
    %dma_wait3A_47 = tpu.memref_slice %arg5[%dma_wait3A_45, %dma_wait3A_46] : memref<20x500xi32, #tpu.memory_space<vmem>> -> memref<1x500xi32, #tpu.memory_space<vmem>>
    %dma_wait3A_48 = tpu.memref_squeeze %dma_wait3A_47 : memref<1x500xi32, #tpu.memory_space<vmem>> -> memref<500xi32, #tpu.memory_space<vmem>>
    %dma_wait3A_49 = arith.constant 0 : i32
    %dma_wait3A_50 = arith.constant 0 : i32
    %dma_wait3A_51 = tpu.memref_slice %arg2[%dma_wait3A_49, %dma_wait3A_50] : memref<10000x32xf32, #tpu.memory_space<hbm>> -> memref<10000x32xf32, #tpu.memory_space<hbm>>
    tpu.wait_indirect_dma semaphore(%arg11 : memref<!tpu.dma_semaphore, #tpu.memory_space<semaphore_mem>>) src(%dma_wait3A_51 : memref<10000x32xf32, #tpu.memory_space<hbm>>) dst(%arg8 : memref<500x32xf32, #tpu.memory_space<vmem>>)
    %dma_start3A_52 = arith.constant 1 : i32
    %dma_start3A_53 = arith.constant 0 : i32
    %dma_start3A_54 = tpu.memref_slice %arg6[%dma_start3A_52, %dma_start3A_53] : memref<20x500xi32, #tpu.memory_space<vmem>> -> memref<1x500xi32, #tpu.memory_space<vmem>>
    %dma_start3A_55 = tpu.memref_squeeze %dma_start3A_54 : memref<1x500xi32, #tpu.memory_space<vmem>> -> memref<500xi32, #tpu.memory_space<vmem>>
    %dma_start3A_56 = arith.constant 0 : i32
    %dma_start3A_57 = arith.constant 0 : i32
    %dma_start3A_58 = tpu.memref_slice %arg10[%dma_start3A_56, %dma_start3A_57] : memref<10240x32xf32, #tpu.memory_space<vmem_shared>> -> memref<10240x32xf32, #tpu.memory_space<vmem_shared>>
    tpu.enqueue_indirect_dma source(%arg8 : memref<500x32xf32, #tpu.memory_space<vmem>>) target(%dma_start3A_58 : memref<10240x32xf32, #tpu.memory_space<vmem_shared>>) offsets(%dma_start3A_55 : memref<500xi32, #tpu.memory_space<vmem>>) semaphore(%arg12 : memref<!tpu.dma_semaphore, #tpu.memory_space<semaphore_mem>>) {add = true}
    %dma_wait3A_59 = arith.constant 0 : i32
    %dma_wait3A_60 = arith.constant 0 : i32
    %dma_wait3A_61 = tpu.memref_slice %arg6[%dma_wait3A_59, %dma_wait3A_60] : memref<20x500xi32, #tpu.memory_space<vmem>> -> memref<1x500xi32, #tpu.memory_space<vmem>>
    %dma_wait3A_62 = tpu.memref_squeeze %dma_wait3A_61 : memref<1x500xi32, #tpu.memory_space<vmem>> -> memref<500xi32, #tpu.memory_space<vmem>>
    %dma_wait3A_63 = arith.constant 0 : i32
    %dma_wait3A_64 = arith.constant 0 : i32
    %dma_wait3A_65 = tpu.memref_slice %arg10[%dma_wait3A_63, %dma_wait3A_64] : memref<10240x32xf32, #tpu.memory_space<vmem_shared>> -> memref<10240x32xf32, #tpu.memory_space<vmem_shared>>
    tpu.wait_indirect_dma semaphore(%arg12 : memref<!tpu.dma_semaphore, #tpu.memory_space<semaphore_mem>>) src(%arg7 : memref<500x32xf32, #tpu.memory_space<vmem>>) dst(%dma_wait3A_65 : memref<10240x32xf32, #tpu.memory_space<vmem_shared>>)
    %dma_start3A_66 = arith.constant 3 : i32
    %dma_start3A_67 = arith.constant 0 : i32
    %dma_start3A_68 = tpu.memref_slice %arg5[%dma_start3A_66, %dma_start3A_67] : memref<20x500xi32, #tpu.memory_space<vmem>> -> memref<1x500xi32, #tpu.memory_space<vmem>>
    %dma_start3A_69 = tpu.memref_squeeze %dma_start3A_68 : memref<1x500xi32, #tpu.memory_space<vmem>> -> memref<500xi32, #tpu.memory_space<vmem>>
    %dma_start3A_70 = arith.constant 0 : i32
    %dma_start3A_71 = arith.constant 0 : i32
    %dma_start3A_72 = tpu.memref_slice %arg2[%dma_start3A_70, %dma_start3A_71] : memref<10000x32xf32, #tpu.memory_space<hbm>> -> memref<10000x32xf32, #tpu.memory_space<hbm>>
    tpu.enqueue_indirect_dma source(%dma_start3A_72 : memref<10000x32xf32, #tpu.memory_space<hbm>>) target(%arg7 : memref<500x32xf32, #tpu.memory_space<vmem>>) offsets(%dma_start3A_69 : memref<500xi32, #tpu.memory_space<vmem>>) semaphore(%arg11 : memref<!tpu.dma_semaphore, #tpu.memory_space<semaphore_mem>>)
    %dma_wait3A_73 = arith.constant 2 : i32
    %dma_wait3A_74 = arith.constant 0 : i32
    %dma_wait3A_75 = tpu.memref_slice %arg5[%dma_wait3A_73, %dma_wait3A_74] : memref<20x500xi32, #tpu.memory_space<vmem>> -> memref<1x500xi32, #tpu.memory_space<vmem>>
    %dma_wait3A_76 = tpu.memref_squeeze %dma_wait3A_75 : memref<1x500xi32, #tpu.memory_space<vmem>> -> memref<500xi32, #tpu.memory_space<vmem>>
    %dma_wait3A_77 = arith.constant 0 : i32
    %dma_wait3A_78 = arith.constant 0 : i32
    %dma_wait3A_79 = tpu.memref_slice %arg2[%dma_wait3A_77, %dma_wait3A_78] : memref<10000x32xf32, #tpu.memory_space<hbm>> -> memref<10000x32xf32, #tpu.memory_space<hbm>>
    tpu.wait_indirect_dma semaphore(%arg11 : memref<!tpu.dma_semaphore, #tpu.memory_space<semaphore_mem>>) src(%dma_wait3A_79 : memref<10000x32xf32, #tpu.memory_space<hbm>>) dst(%arg9 : memref<500x32xf32, #tpu.memory_space<vmem>>)
    %dma_start3A_80 = arith.constant 2 : i32
    %dma_start3A_81 = arith.constant 0 : i32
    %dma_start3A_82 = tpu.memref_slice %arg6[%dma_start3A_80, %dma_start3A_81] : memref<20x500xi32, #tpu.memory_space<vmem>> -> memref<1x500xi32, #tpu.memory_space<vmem>>
    %dma_start3A_83 = tpu.memref_squeeze %dma_start3A_82 : memref<1x500xi32, #tpu.memory_space<vmem>> -> memref<500xi32, #tpu.memory_space<vmem>>
    %dma_start3A_84 = arith.constant 0 : i32
    %dma_start3A_85 = arith.constant 0 : i32
    %dma_start3A_86 = tpu.memref_slice %arg10[%dma_start3A_84, %dma_start3A_85] : memref<10240x32xf32, #tpu.memory_space<vmem_shared>> -> memref<10240x32xf32, #tpu.memory_space<vmem_shared>>
    tpu.enqueue_indirect_dma source(%arg9 : memref<500x32xf32, #tpu.memory_space<vmem>>) target(%dma_start3A_86 : memref<10240x32xf32, #tpu.memory_space<vmem_shared>>) offsets(%dma_start3A_83 : memref<500xi32, #tpu.memory_space<vmem>>) semaphore(%arg12 : memref<!tpu.dma_semaphore, #tpu.memory_space<semaphore_mem>>) {add = true}
    %dma_wait3A_87 = arith.constant 1 : i32
    %dma_wait3A_88 = arith.constant 0 : i32
    %dma_wait3A_89 = tpu.memref_slice %arg6[%dma_wait3A_87, %dma_wait3A_88] : memref<20x500xi32, #tpu.memory_space<vmem>> -> memref<1x500xi32, #tpu.memory_space<vmem>>
    %dma_wait3A_90 = tpu.memref_squeeze %dma_wait3A_89 : memref<1x500xi32, #tpu.memory_space<vmem>> -> memref<500xi32, #tpu.memory_space<vmem>>
    %dma_wait3A_91 = arith.constant 0 : i32
    %dma_wait3A_92 = arith.constant 0 : i32
    %dma_wait3A_93 = tpu.memref_slice %arg10[%dma_wait3A_91, %dma_wait3A_92] : memref<10240x32xf32, #tpu.memory_space<vmem_shared>> -> memref<10240x32xf32, #tpu.memory_space<vmem_shared>>
    tpu.wait_indirect_dma semaphore(%arg12 : memref<!tpu.dma_semaphore, #tpu.memory_space<semaphore_mem>>) src(%arg8 : memref<500x32xf32, #tpu.memory_space<vmem>>) dst(%dma_wait3A_93 : memref<10240x32xf32, #tpu.memory_space<vmem_shared>>)
    %dma_start3A_94 = arith.constant 4 : i32
    %dma_start3A_95 = arith.constant 0 : i32
    %dma_start3A_96 = tpu.memref_slice %arg5[%dma_start3A_94, %dma_start3A_95] : memref<20x500xi32, #tpu.memory_space<vmem>> -> memref<1x500xi32, #tpu.memory_space<vmem>>
    %dma_start3A_97 = tpu.memref_squeeze %dma_start3A_96 : memref<1x500xi32, #tpu.memory_space<vmem>> -> memref<500xi32, #tpu.memory_space<vmem>>
    %dma_start3A_98 = arith.constant 0 : i32
    %dma_start3A_99 = arith.constant 0 : i32
    %dma_start3A_100 = tpu.memref_slice %arg2[%dma_start3A_98, %dma_start3A_99] : memref<10000x32xf32, #tpu.memory_space<hbm>> -> memref<10000x32xf32, #tpu.memory_space<hbm>>
    tpu.enqueue_indirect_dma source(%dma_start3A_100 : memref<10000x32xf32, #tpu.memory_space<hbm>>) target(%arg8 : memref<500x32xf32, #tpu.memory_space<vmem>>) offsets(%dma_start3A_97 : memref<500xi32, #tpu.memory_space<vmem>>) semaphore(%arg11 : memref<!tpu.dma_semaphore, #tpu.memory_space<semaphore_mem>>)
    %dma_wait3A_101 = arith.constant 3 : i32
    %dma_wait3A_102 = arith.constant 0 : i32
    %dma_wait3A_103 = tpu.memref_slice %arg5[%dma_wait3A_101, %dma_wait3A_102] : memref<20x500xi32, #tpu.memory_space<vmem>> -> memref<1x500xi32, #tpu.memory_space<vmem>>
    %dma_wait3A_104 = tpu.memref_squeeze %dma_wait3A_103 : memref<1x500xi32, #tpu.memory_space<vmem>> -> memref<500xi32, #tpu.memory_space<vmem>>
    %dma_wait3A_105 = arith.constant 0 : i32
    %dma_wait3A_106 = arith.constant 0 : i32
    %dma_wait3A_107 = tpu.memref_slice %arg2[%dma_wait3A_105, %dma_wait3A_106] : memref<10000x32xf32, #tpu.memory_space<hbm>> -> memref<10000x32xf32, #tpu.memory_space<hbm>>
    tpu.wait_indirect_dma semaphore(%arg11 : memref<!tpu.dma_semaphore, #tpu.memory_space<semaphore_mem>>) src(%dma_wait3A_107 : memref<10000x32xf32, #tpu.memory_space<hbm>>) dst(%arg7 : memref<500x32xf32, #tpu.memory_space<vmem>>)
    %dma_start3A_108 = arith.constant 3 : i32
    %dma_start3A_109 = arith.constant 0 : i32
    %dma_start3A_110 = tpu.memref_slice %arg6[%dma_start3A_108, %dma_start3A_109] : memref<20x500xi32, #tpu.memory_space<vmem>> -> memref<1x500xi32, #tpu.memory_space<vmem>>
    %dma_start3A_111 = tpu.memref_squeeze %dma_start3A_110 : memref<1x500xi32, #tpu.memory_space<vmem>> -> memref<500xi32, #tpu.memory_space<vmem>>
    %dma_start3A_112 = arith.constant 0 : i32
    %dma_start3A_113 = arith.constant 0 : i32
    %dma_start3A_114 = tpu.memref_slice %arg10[%dma_start3A_112, %dma_start3A_113] : memref<10240x32xf32, #tpu.memory_space<vmem_shared>> -> memref<10240x32xf32, #tpu.memory_space<vmem_shared>>
    tpu.enqueue_indirect_dma source(%arg7 : memref<500x32xf32, #tpu.memory_space<vmem>>) target(%dma_start3A_114 : memref<10240x32xf32, #tpu.memory_space<vmem_shared>>) offsets(%dma_start3A_111 : memref<500xi32, #tpu.memory_space<vmem>>) semaphore(%arg12 : memref<!tpu.dma_semaphore, #tpu.memory_space<semaphore_mem>>) {add = true}
    %dma_wait3A_115 = arith.constant 2 : i32
    %dma_wait3A_116 = arith.constant 0 : i32
    %dma_wait3A_117 = tpu.memref_slice %arg6[%dma_wait3A_115, %dma_wait3A_116] : memref<20x500xi32, #tpu.memory_space<vmem>> -> memref<1x500xi32, #tpu.memory_space<vmem>>
    %dma_wait3A_118 = tpu.memref_squeeze %dma_wait3A_117 : memref<1x500xi32, #tpu.memory_space<vmem>> -> memref<500xi32, #tpu.memory_space<vmem>>
    %dma_wait3A_119 = arith.constant 0 : i32
    %dma_wait3A_120 = arith.constant 0 : i32
    %dma_wait3A_121 = tpu.memref_slice %arg10[%dma_wait3A_119, %dma_wait3A_120] : memref<10240x32xf32, #tpu.memory_space<vmem_shared>> -> memref<10240x32xf32, #tpu.memory_space<vmem_shared>>
    tpu.wait_indirect_dma semaphore(%arg12 : memref<!tpu.dma_semaphore, #tpu.memory_space<semaphore_mem>>) src(%arg9 : memref<500x32xf32, #tpu.memory_space<vmem>>) dst(%dma_wait3A_121 : memref<10240x32xf32, #tpu.memory_space<vmem_shared>>)
    %dma_start3A_122 = arith.constant 5 : i32
    %dma_start3A_123 = arith.constant 0 : i32
    %dma_start3A_124 = tpu.memref_slice %arg5[%dma_start3A_122, %dma_start3A_123] : memref<20x500xi32, #tpu.memory_space<vmem>> -> memref<1x500xi32, #tpu.memory_space<vmem>>
    %dma_start3A_125 = tpu.memref_squeeze %dma_start3A_124 : memref<1x500xi32, #tpu.memory_space<vmem>> -> memref<500xi32, #tpu.memory_space<vmem>>
    %dma_start3A_126 = arith.constant 0 : i32
    %dma_start3A_127 = arith.constant 0 : i32
    %dma_start3A_128 = tpu.memref_slice %arg2[%dma_start3A_126, %dma_start3A_127] : memref<10000x32xf32, #tpu.memory_space<hbm>> -> memref<10000x32xf32, #tpu.memory_space<hbm>>
    tpu.enqueue_indirect_dma source(%dma_start3A_128 : memref<10000x32xf32, #tpu.memory_space<hbm>>) target(%arg9 : memref<500x32xf32, #tpu.memory_space<vmem>>) offsets(%dma_start3A_125 : memref<500xi32, #tpu.memory_space<vmem>>) semaphore(%arg11 : memref<!tpu.dma_semaphore, #tpu.memory_space<semaphore_mem>>)
    %dma_wait3A_129 = arith.constant 4 : i32
    %dma_wait3A_130 = arith.constant 0 : i32
    %dma_wait3A_131 = tpu.memref_slice %arg5[%dma_wait3A_129, %dma_wait3A_130] : memref<20x500xi32, #tpu.memory_space<vmem>> -> memref<1x500xi32, #tpu.memory_space<vmem>>
    %dma_wait3A_132 = tpu.memref_squeeze %dma_wait3A_131 : memref<1x500xi32, #tpu.memory_space<vmem>> -> memref<500xi32, #tpu.memory_space<vmem>>
    %dma_wait3A_133 = arith.constant 0 : i32
    %dma_wait3A_134 = arith.constant 0 : i32
    %dma_wait3A_135 = tpu.memref_slice %arg2[%dma_wait3A_133, %dma_wait3A_134] : memref<10000x32xf32, #tpu.memory_space<hbm>> -> memref<10000x32xf32, #tpu.memory_space<hbm>>
    tpu.wait_indirect_dma semaphore(%arg11 : memref<!tpu.dma_semaphore, #tpu.memory_space<semaphore_mem>>) src(%dma_wait3A_135 : memref<10000x32xf32, #tpu.memory_space<hbm>>) dst(%arg8 : memref<500x32xf32, #tpu.memory_space<vmem>>)
    %dma_start3A_136 = arith.constant 4 : i32
    %dma_start3A_137 = arith.constant 0 : i32
    %dma_start3A_138 = tpu.memref_slice %arg6[%dma_start3A_136, %dma_start3A_137] : memref<20x500xi32, #tpu.memory_space<vmem>> -> memref<1x500xi32, #tpu.memory_space<vmem>>
    %dma_start3A_139 = tpu.memref_squeeze %dma_start3A_138 : memref<1x500xi32, #tpu.memory_space<vmem>> -> memref<500xi32, #tpu.memory_space<vmem>>
    %dma_start3A_140 = arith.constant 0 : i32
    %dma_start3A_141 = arith.constant 0 : i32
    %dma_start3A_142 = tpu.memref_slice %arg10[%dma_start3A_140, %dma_start3A_141] : memref<10240x32xf32, #tpu.memory_space<vmem_shared>> -> memref<10240x32xf32, #tpu.memory_space<vmem_shared>>
    tpu.enqueue_indirect_dma source(%arg8 : memref<500x32xf32, #tpu.memory_space<vmem>>) target(%dma_start3A_142 : memref<10240x32xf32, #tpu.memory_space<vmem_shared>>) offsets(%dma_start3A_139 : memref<500xi32, #tpu.memory_space<vmem>>) semaphore(%arg12 : memref<!tpu.dma_semaphore, #tpu.memory_space<semaphore_mem>>) {add = true}
    %dma_wait3A_143 = arith.constant 3 : i32
    %dma_wait3A_144 = arith.constant 0 : i32
    %dma_wait3A_145 = tpu.memref_slice %arg6[%dma_wait3A_143, %dma_wait3A_144] : memref<20x500xi32, #tpu.memory_space<vmem>> -> memref<1x500xi32, #tpu.memory_space<vmem>>
    %dma_wait3A_146 = tpu.memref_squeeze %dma_wait3A_145 : memref<1x500xi32, #tpu.memory_space<vmem>> -> memref<500xi32, #tpu.memory_space<vmem>>
    %dma_wait3A_147 = arith.constant 0 : i32
    %dma_wait3A_148 = arith.constant 0 : i32
    %dma_wait3A_149 = tpu.memref_slice %arg10[%dma_wait3A_147, %dma_wait3A_148] : memref<10240x32xf32, #tpu.memory_space<vmem_shared>> -> memref<10240x32xf32, #tpu.memory_space<vmem_shared>>
    tpu.wait_indirect_dma semaphore(%arg12 : memref<!tpu.dma_semaphore, #tpu.memory_space<semaphore_mem>>) src(%arg7 : memref<500x32xf32, #tpu.memory_space<vmem>>) dst(%dma_wait3A_149 : memref<10240x32xf32, #tpu.memory_space<vmem_shared>>)
    %dma_start3A_150 = arith.constant 6 : i32
    %dma_start3A_151 = arith.constant 0 : i32
    %dma_start3A_152 = tpu.memref_slice %arg5[%dma_start3A_150, %dma_start3A_151] : memref<20x500xi32, #tpu.memory_space<vmem>> -> memref<1x500xi32, #tpu.memory_space<vmem>>
    %dma_start3A_153 = tpu.memref_squeeze %dma_start3A_152 : memref<1x500xi32, #tpu.memory_space<vmem>> -> memref<500xi32, #tpu.memory_space<vmem>>
    %dma_start3A_154 = arith.constant 0 : i32
    %dma_start3A_155 = arith.constant 0 : i32
    %dma_start3A_156 = tpu.memref_slice %arg2[%dma_start3A_154, %dma_start3A_155] : memref<10000x32xf32, #tpu.memory_space<hbm>> -> memref<10000x32xf32, #tpu.memory_space<hbm>>
    tpu.enqueue_indirect_dma source(%dma_start3A_156 : memref<10000x32xf32, #tpu.memory_space<hbm>>) target(%arg7 : memref<500x32xf32, #tpu.memory_space<vmem>>) offsets(%dma_start3A_153 : memref<500xi32, #tpu.memory_space<vmem>>) semaphore(%arg11 : memref<!tpu.dma_semaphore, #tpu.memory_space<semaphore_mem>>)
    %dma_wait3A_157 = arith.constant 5 : i32
    %dma_wait3A_158 = arith.constant 0 : i32
    %dma_wait3A_159 = tpu.memref_slice %arg5[%dma_wait3A_157, %dma_wait3A_158] : memref<20x500xi32, #tpu.memory_space<vmem>> -> memref<1x500xi32, #tpu.memory_space<vmem>>
    %dma_wait3A_160 = tpu.memref_squeeze %dma_wait3A_159 : memref<1x500xi32, #tpu.memory_space<vmem>> -> memref<500xi32, #tpu.memory_space<vmem>>
    %dma_wait3A_161 = arith.constant 0 : i32
    %dma_wait3A_162 = arith.constant 0 : i32
    %dma_wait3A_163 = tpu.memref_slice %arg2[%dma_wait3A_161, %dma_wait3A_162] : memref<10000x32xf32, #tpu.memory_space<hbm>> -> memref<10000x32xf32, #tpu.memory_space<hbm>>
    tpu.wait_indirect_dma semaphore(%arg11 : memref<!tpu.dma_semaphore, #tpu.memory_space<semaphore_mem>>) src(%dma_wait3A_163 : memref<10000x32xf32, #tpu.memory_space<hbm>>) dst(%arg9 : memref<500x32xf32, #tpu.memory_space<vmem>>)
    %dma_start3A_164 = arith.constant 5 : i32
    %dma_start3A_165 = arith.constant 0 : i32
    %dma_start3A_166 = tpu.memref_slice %arg6[%dma_start3A_164, %dma_start3A_165] : memref<20x500xi32, #tpu.memory_space<vmem>> -> memref<1x500xi32, #tpu.memory_space<vmem>>
    %dma_start3A_167 = tpu.memref_squeeze %dma_start3A_166 : memref<1x500xi32, #tpu.memory_space<vmem>> -> memref<500xi32, #tpu.memory_space<vmem>>
    %dma_start3A_168 = arith.constant 0 : i32
    %dma_start3A_169 = arith.constant 0 : i32
    %dma_start3A_170 = tpu.memref_slice %arg10[%dma_start3A_168, %dma_start3A_169] : memref<10240x32xf32, #tpu.memory_space<vmem_shared>> -> memref<10240x32xf32, #tpu.memory_space<vmem_shared>>
    tpu.enqueue_indirect_dma source(%arg9 : memref<500x32xf32, #tpu.memory_space<vmem>>) target(%dma_start3A_170 : memref<10240x32xf32, #tpu.memory_space<vmem_shared>>) offsets(%dma_start3A_167 : memref<500xi32, #tpu.memory_space<vmem>>) semaphore(%arg12 : memref<!tpu.dma_semaphore, #tpu.memory_space<semaphore_mem>>) {add = true}
    %dma_wait3A_171 = arith.constant 4 : i32
    %dma_wait3A_172 = arith.constant 0 : i32
    %dma_wait3A_173 = tpu.memref_slice %arg6[%dma_wait3A_171, %dma_wait3A_172] : memref<20x500xi32, #tpu.memory_space<vmem>> -> memref<1x500xi32, #tpu.memory_space<vmem>>
    %dma_wait3A_174 = tpu.memref_squeeze %dma_wait3A_173 : memref<1x500xi32, #tpu.memory_space<vmem>> -> memref<500xi32, #tpu.memory_space<vmem>>
    %dma_wait3A_175 = arith.constant 0 : i32
    %dma_wait3A_176 = arith.constant 0 : i32
    %dma_wait3A_177 = tpu.memref_slice %arg10[%dma_wait3A_175, %dma_wait3A_176] : memref<10240x32xf32, #tpu.memory_space<vmem_shared>> -> memref<10240x32xf32, #tpu.memory_space<vmem_shared>>
    tpu.wait_indirect_dma semaphore(%arg12 : memref<!tpu.dma_semaphore, #tpu.memory_space<semaphore_mem>>) src(%arg8 : memref<500x32xf32, #tpu.memory_space<vmem>>) dst(%dma_wait3A_177 : memref<10240x32xf32, #tpu.memory_space<vmem_shared>>)
    %dma_start3A_178 = arith.constant 7 : i32
    %dma_start3A_179 = arith.constant 0 : i32
    %dma_start3A_180 = tpu.memref_slice %arg5[%dma_start3A_178, %dma_start3A_179] : memref<20x500xi32, #tpu.memory_space<vmem>> -> memref<1x500xi32, #tpu.memory_space<vmem>>
    %dma_start3A_181 = tpu.memref_squeeze %dma_start3A_180 : memref<1x500xi32, #tpu.memory_space<vmem>> -> memref<500xi32, #tpu.memory_space<vmem>>
    %dma_start3A_182 = arith.constant 0 : i32
    %dma_start3A_183 = arith.constant 0 : i32
    %dma_start3A_184 = tpu.memref_slice %arg2[%dma_start3A_182, %dma_start3A_183] : memref<10000x32xf32, #tpu.memory_space<hbm>> -> memref<10000x32xf32, #tpu.memory_space<hbm>>
    tpu.enqueue_indirect_dma source(%dma_start3A_184 : memref<10000x32xf32, #tpu.memory_space<hbm>>) target(%arg8 : memref<500x32xf32, #tpu.memory_space<vmem>>) offsets(%dma_start3A_181 : memref<500xi32, #tpu.memory_space<vmem>>) semaphore(%arg11 : memref<!tpu.dma_semaphore, #tpu.memory_space<semaphore_mem>>)
    %dma_wait3A_185 = arith.constant 6 : i32
    %dma_wait3A_186 = arith.constant 0 : i32
    %dma_wait3A_187 = tpu.memref_slice %arg5[%dma_wait3A_185, %dma_wait3A_186] : memref<20x500xi32, #tpu.memory_space<vmem>> -> memref<1x500xi32, #tpu.memory_space<vmem>>
    %dma_wait3A_188 = tpu.memref_squeeze %dma_wait3A_187 : memref<1x500xi32, #tpu.memory_space<vmem>> -> memref<500xi32, #tpu.memory_space<vmem>>
    %dma_wait3A_189 = arith.constant 0 : i32
    %dma_wait3A_190 = arith.constant 0 : i32
    %dma_wait3A_191 = tpu.memref_slice %arg2[%dma_wait3A_189, %dma_wait3A_190] : memref<10000x32xf32, #tpu.memory_space<hbm>> -> memref<10000x32xf32, #tpu.memory_space<hbm>>
    tpu.wait_indirect_dma semaphore(%arg11 : memref<!tpu.dma_semaphore, #tpu.memory_space<semaphore_mem>>) src(%dma_wait3A_191 : memref<10000x32xf32, #tpu.memory_space<hbm>>) dst(%arg7 : memref<500x32xf32, #tpu.memory_space<vmem>>)
    %dma_start3A_192 = arith.constant 6 : i32
    %dma_start3A_193 = arith.constant 0 : i32
    %dma_start3A_194 = tpu.memref_slice %arg6[%dma_start3A_192, %dma_start3A_193] : memref<20x500xi32, #tpu.memory_space<vmem>> -> memref<1x500xi32, #tpu.memory_space<vmem>>
    %dma_start3A_195 = tpu.memref_squeeze %dma_start3A_194 : memref<1x500xi32, #tpu.memory_space<vmem>> -> memref<500xi32, #tpu.memory_space<vmem>>
    %dma_start3A_196 = arith.constant 0 : i32
    %dma_start3A_197 = arith.constant 0 : i32
    %dma_start3A_198 = tpu.memref_slice %arg10[%dma_start3A_196, %dma_start3A_197] : memref<10240x32xf32, #tpu.memory_space<vmem_shared>> -> memref<10240x32xf32, #tpu.memory_space<vmem_shared>>
    tpu.enqueue_indirect_dma source(%arg7 : memref<500x32xf32, #tpu.memory_space<vmem>>) target(%dma_start3A_198 : memref<10240x32xf32, #tpu.memory_space<vmem_shared>>) offsets(%dma_start3A_195 : memref<500xi32, #tpu.memory_space<vmem>>) semaphore(%arg12 : memref<!tpu.dma_semaphore, #tpu.memory_space<semaphore_mem>>) {add = true}
    %dma_wait3A_199 = arith.constant 5 : i32
    %dma_wait3A_200 = arith.constant 0 : i32
    %dma_wait3A_201 = tpu.memref_slice %arg6[%dma_wait3A_199, %dma_wait3A_200] : memref<20x500xi32, #tpu.memory_space<vmem>> -> memref<1x500xi32, #tpu.memory_space<vmem>>
    %dma_wait3A_202 = tpu.memref_squeeze %dma_wait3A_201 : memref<1x500xi32, #tpu.memory_space<vmem>> -> memref<500xi32, #tpu.memory_space<vmem>>
    %dma_wait3A_203 = arith.constant 0 : i32
    %dma_wait3A_204 = arith.constant 0 : i32
    %dma_wait3A_205 = tpu.memref_slice %arg10[%dma_wait3A_203, %dma_wait3A_204] : memref<10240x32xf32, #tpu.memory_space<vmem_shared>> -> memref<10240x32xf32, #tpu.memory_space<vmem_shared>>
    tpu.wait_indirect_dma semaphore(%arg12 : memref<!tpu.dma_semaphore, #tpu.memory_space<semaphore_mem>>) src(%arg9 : memref<500x32xf32, #tpu.memory_space<vmem>>) dst(%dma_wait3A_205 : memref<10240x32xf32, #tpu.memory_space<vmem_shared>>)
    %dma_start3A_206 = arith.constant 8 : i32
    %dma_start3A_207 = arith.constant 0 : i32
    %dma_start3A_208 = tpu.memref_slice %arg5[%dma_start3A_206, %dma_start3A_207] : memref<20x500xi32, #tpu.memory_space<vmem>> -> memref<1x500xi32, #tpu.memory_space<vmem>>
    %dma_start3A_209 = tpu.memref_squeeze %dma_start3A_208 : memref<1x500xi32, #tpu.memory_space<vmem>> -> memref<500xi32, #tpu.memory_space<vmem>>
    %dma_start3A_210 = arith.constant 0 : i32
    %dma_start3A_211 = arith.constant 0 : i32
    %dma_start3A_212 = tpu.memref_slice %arg2[%dma_start3A_210, %dma_start3A_211] : memref<10000x32xf32, #tpu.memory_space<hbm>> -> memref<10000x32xf32, #tpu.memory_space<hbm>>
    tpu.enqueue_indirect_dma source(%dma_start3A_212 : memref<10000x32xf32, #tpu.memory_space<hbm>>) target(%arg9 : memref<500x32xf32, #tpu.memory_space<vmem>>) offsets(%dma_start3A_209 : memref<500xi32, #tpu.memory_space<vmem>>) semaphore(%arg11 : memref<!tpu.dma_semaphore, #tpu.memory_space<semaphore_mem>>)
    %dma_wait3A_213 = arith.constant 7 : i32
    %dma_wait3A_214 = arith.constant 0 : i32
    %dma_wait3A_215 = tpu.memref_slice %arg5[%dma_wait3A_213, %dma_wait3A_214] : memref<20x500xi32, #tpu.memory_space<vmem>> -> memref<1x500xi32, #tpu.memory_space<vmem>>
    %dma_wait3A_216 = tpu.memref_squeeze %dma_wait3A_215 : memref<1x500xi32, #tpu.memory_space<vmem>> -> memref<500xi32, #tpu.memory_space<vmem>>
    %dma_wait3A_217 = arith.constant 0 : i32
    %dma_wait3A_218 = arith.constant 0 : i32
    %dma_wait3A_219 = tpu.memref_slice %arg2[%dma_wait3A_217, %dma_wait3A_218] : memref<10000x32xf32, #tpu.memory_space<hbm>> -> memref<10000x32xf32, #tpu.memory_space<hbm>>
    tpu.wait_indirect_dma semaphore(%arg11 : memref<!tpu.dma_semaphore, #tpu.memory_space<semaphore_mem>>) src(%dma_wait3A_219 : memref<10000x32xf32, #tpu.memory_space<hbm>>) dst(%arg8 : memref<500x32xf32, #tpu.memory_space<vmem>>)
    %dma_start3A_220 = arith.constant 7 : i32
    %dma_start3A_221 = arith.constant 0 : i32
    %dma_start3A_222 = tpu.memref_slice %arg6[%dma_start3A_220, %dma_start3A_221] : memref<20x500xi32, #tpu.memory_space<vmem>> -> memref<1x500xi32, #tpu.memory_space<vmem>>
    %dma_start3A_223 = tpu.memref_squeeze %dma_start3A_222 : memref<1x500xi32, #tpu.memory_space<vmem>> -> memref<500xi32, #tpu.memory_space<vmem>>
    %dma_start3A_224 = arith.constant 0 : i32
    %dma_start3A_225 = arith.constant 0 : i32
    %dma_start3A_226 = tpu.memref_slice %arg10[%dma_start3A_224, %dma_start3A_225] : memref<10240x32xf32, #tpu.memory_space<vmem_shared>> -> memref<10240x32xf32, #tpu.memory_space<vmem_shared>>
    tpu.enqueue_indirect_dma source(%arg8 : memref<500x32xf32, #tpu.memory_space<vmem>>) target(%dma_start3A_226 : memref<10240x32xf32, #tpu.memory_space<vmem_shared>>) offsets(%dma_start3A_223 : memref<500xi32, #tpu.memory_space<vmem>>) semaphore(%arg12 : memref<!tpu.dma_semaphore, #tpu.memory_space<semaphore_mem>>) {add = true}
    %dma_wait3A_227 = arith.constant 6 : i32
    %dma_wait3A_228 = arith.constant 0 : i32
    %dma_wait3A_229 = tpu.memref_slice %arg6[%dma_wait3A_227, %dma_wait3A_228] : memref<20x500xi32, #tpu.memory_space<vmem>> -> memref<1x500xi32, #tpu.memory_space<vmem>>
    %dma_wait3A_230 = tpu.memref_squeeze %dma_wait3A_229 : memref<1x500xi32, #tpu.memory_space<vmem>> -> memref<500xi32, #tpu.memory_space<vmem>>
    %dma_wait3A_231 = arith.constant 0 : i32
    %dma_wait3A_232 = arith.constant 0 : i32
    %dma_wait3A_233 = tpu.memref_slice %arg10[%dma_wait3A_231, %dma_wait3A_232] : memref<10240x32xf32, #tpu.memory_space<vmem_shared>> -> memref<10240x32xf32, #tpu.memory_space<vmem_shared>>
    tpu.wait_indirect_dma semaphore(%arg12 : memref<!tpu.dma_semaphore, #tpu.memory_space<semaphore_mem>>) src(%arg7 : memref<500x32xf32, #tpu.memory_space<vmem>>) dst(%dma_wait3A_233 : memref<10240x32xf32, #tpu.memory_space<vmem_shared>>)
    %dma_start3A_234 = arith.constant 9 : i32
    %dma_start3A_235 = arith.constant 0 : i32
    %dma_start3A_236 = tpu.memref_slice %arg5[%dma_start3A_234, %dma_start3A_235] : memref<20x500xi32, #tpu.memory_space<vmem>> -> memref<1x500xi32, #tpu.memory_space<vmem>>
    %dma_start3A_237 = tpu.memref_squeeze %dma_start3A_236 : memref<1x500xi32, #tpu.memory_space<vmem>> -> memref<500xi32, #tpu.memory_space<vmem>>
    %dma_start3A_238 = arith.constant 0 : i32
    %dma_start3A_239 = arith.constant 0 : i32
    %dma_start3A_240 = tpu.memref_slice %arg2[%dma_start3A_238, %dma_start3A_239] : memref<10000x32xf32, #tpu.memory_space<hbm>> -> memref<10000x32xf32, #tpu.memory_space<hbm>>
    tpu.enqueue_indirect_dma source(%dma_start3A_240 : memref<10000x32xf32, #tpu.memory_space<hbm>>) target(%arg7 : memref<500x32xf32, #tpu.memory_space<vmem>>) offsets(%dma_start3A_237 : memref<500xi32, #tpu.memory_space<vmem>>) semaphore(%arg11 : memref<!tpu.dma_semaphore, #tpu.memory_space<semaphore_mem>>)
    %dma_wait3A_241 = arith.constant 8 : i32
    %dma_wait3A_242 = arith.constant 0 : i32
    %dma_wait3A_243 = tpu.memref_slice %arg5[%dma_wait3A_241, %dma_wait3A_242] : memref<20x500xi32, #tpu.memory_space<vmem>> -> memref<1x500xi32, #tpu.memory_space<vmem>>
    %dma_wait3A_244 = tpu.memref_squeeze %dma_wait3A_243 : memref<1x500xi32, #tpu.memory_space<vmem>> -> memref<500xi32, #tpu.memory_space<vmem>>
    %dma_wait3A_245 = arith.constant 0 : i32
    %dma_wait3A_246 = arith.constant 0 : i32
    %dma_wait3A_247 = tpu.memref_slice %arg2[%dma_wait3A_245, %dma_wait3A_246] : memref<10000x32xf32, #tpu.memory_space<hbm>> -> memref<10000x32xf32, #tpu.memory_space<hbm>>
    tpu.wait_indirect_dma semaphore(%arg11 : memref<!tpu.dma_semaphore, #tpu.memory_space<semaphore_mem>>) src(%dma_wait3A_247 : memref<10000x32xf32, #tpu.memory_space<hbm>>) dst(%arg9 : memref<500x32xf32, #tpu.memory_space<vmem>>)
    %dma_start3A_248 = arith.constant 8 : i32
    %dma_start3A_249 = arith.constant 0 : i32
    %dma_start3A_250 = tpu.memref_slice %arg6[%dma_start3A_248, %dma_start3A_249] : memref<20x500xi32, #tpu.memory_space<vmem>> -> memref<1x500xi32, #tpu.memory_space<vmem>>
    %dma_start3A_251 = tpu.memref_squeeze %dma_start3A_250 : memref<1x500xi32, #tpu.memory_space<vmem>> -> memref<500xi32, #tpu.memory_space<vmem>>
    %dma_start3A_252 = arith.constant 0 : i32
    %dma_start3A_253 = arith.constant 0 : i32
    %dma_start3A_254 = tpu.memref_slice %arg10[%dma_start3A_252, %dma_start3A_253] : memref<10240x32xf32, #tpu.memory_space<vmem_shared>> -> memref<10240x32xf32, #tpu.memory_space<vmem_shared>>
    tpu.enqueue_indirect_dma source(%arg9 : memref<500x32xf32, #tpu.memory_space<vmem>>) target(%dma_start3A_254 : memref<10240x32xf32, #tpu.memory_space<vmem_shared>>) offsets(%dma_start3A_251 : memref<500xi32, #tpu.memory_space<vmem>>) semaphore(%arg12 : memref<!tpu.dma_semaphore, #tpu.memory_space<semaphore_mem>>) {add = true}
    %dma_wait3A_255 = arith.constant 7 : i32
    %dma_wait3A_256 = arith.constant 0 : i32
    %dma_wait3A_257 = tpu.memref_slice %arg6[%dma_wait3A_255, %dma_wait3A_256] : memref<20x500xi32, #tpu.memory_space<vmem>> -> memref<1x500xi32, #tpu.memory_space<vmem>>
    %dma_wait3A_258 = tpu.memref_squeeze %dma_wait3A_257 : memref<1x500xi32, #tpu.memory_space<vmem>> -> memref<500xi32, #tpu.memory_space<vmem>>
    %dma_wait3A_259 = arith.constant 0 : i32
    %dma_wait3A_260 = arith.constant 0 : i32
    %dma_wait3A_261 = tpu.memref_slice %arg10[%dma_wait3A_259, %dma_wait3A_260] : memref<10240x32xf32, #tpu.memory_space<vmem_shared>> -> memref<10240x32xf32, #tpu.memory_space<vmem_shared>>
    tpu.wait_indirect_dma semaphore(%arg12 : memref<!tpu.dma_semaphore, #tpu.memory_space<semaphore_mem>>) src(%arg8 : memref<500x32xf32, #tpu.memory_space<vmem>>) dst(%dma_wait3A_261 : memref<10240x32xf32, #tpu.memory_space<vmem_shared>>)
    %dma_start3A_262 = arith.constant 10 : i32
    %dma_start3A_263 = arith.constant 0 : i32
    %dma_start3A_264 = tpu.memref_slice %arg5[%dma_start3A_262, %dma_start3A_263] : memref<20x500xi32, #tpu.memory_space<vmem>> -> memref<1x500xi32, #tpu.memory_space<vmem>>
    %dma_start3A_265 = tpu.memref_squeeze %dma_start3A_264 : memref<1x500xi32, #tpu.memory_space<vmem>> -> memref<500xi32, #tpu.memory_space<vmem>>
    %dma_start3A_266 = arith.constant 0 : i32
    %dma_start3A_267 = arith.constant 0 : i32
    %dma_start3A_268 = tpu.memref_slice %arg2[%dma_start3A_266, %dma_start3A_267] : memref<10000x32xf32, #tpu.memory_space<hbm>> -> memref<10000x32xf32, #tpu.memory_space<hbm>>
    tpu.enqueue_indirect_dma source(%dma_start3A_268 : memref<10000x32xf32, #tpu.memory_space<hbm>>) target(%arg8 : memref<500x32xf32, #tpu.memory_space<vmem>>) offsets(%dma_start3A_265 : memref<500xi32, #tpu.memory_space<vmem>>) semaphore(%arg11 : memref<!tpu.dma_semaphore, #tpu.memory_space<semaphore_mem>>)
    %dma_wait3A_269 = arith.constant 9 : i32
    %dma_wait3A_270 = arith.constant 0 : i32
    %dma_wait3A_271 = tpu.memref_slice %arg5[%dma_wait3A_269, %dma_wait3A_270] : memref<20x500xi32, #tpu.memory_space<vmem>> -> memref<1x500xi32, #tpu.memory_space<vmem>>
    %dma_wait3A_272 = tpu.memref_squeeze %dma_wait3A_271 : memref<1x500xi32, #tpu.memory_space<vmem>> -> memref<500xi32, #tpu.memory_space<vmem>>
    %dma_wait3A_273 = arith.constant 0 : i32
    %dma_wait3A_274 = arith.constant 0 : i32
    %dma_wait3A_275 = tpu.memref_slice %arg2[%dma_wait3A_273, %dma_wait3A_274] : memref<10000x32xf32, #tpu.memory_space<hbm>> -> memref<10000x32xf32, #tpu.memory_space<hbm>>
    tpu.wait_indirect_dma semaphore(%arg11 : memref<!tpu.dma_semaphore, #tpu.memory_space<semaphore_mem>>) src(%dma_wait3A_275 : memref<10000x32xf32, #tpu.memory_space<hbm>>) dst(%arg7 : memref<500x32xf32, #tpu.memory_space<vmem>>)
    %dma_start3A_276 = arith.constant 9 : i32
    %dma_start3A_277 = arith.constant 0 : i32
    %dma_start3A_278 = tpu.memref_slice %arg6[%dma_start3A_276, %dma_start3A_277] : memref<20x500xi32, #tpu.memory_space<vmem>> -> memref<1x500xi32, #tpu.memory_space<vmem>>
    %dma_start3A_279 = tpu.memref_squeeze %dma_start3A_278 : memref<1x500xi32, #tpu.memory_space<vmem>> -> memref<500xi32, #tpu.memory_space<vmem>>
    %dma_start3A_280 = arith.constant 0 : i32
    %dma_start3A_281 = arith.constant 0 : i32
    %dma_start3A_282 = tpu.memref_slice %arg10[%dma_start3A_280, %dma_start3A_281] : memref<10240x32xf32, #tpu.memory_space<vmem_shared>> -> memref<10240x32xf32, #tpu.memory_space<vmem_shared>>
    tpu.enqueue_indirect_dma source(%arg7 : memref<500x32xf32, #tpu.memory_space<vmem>>) target(%dma_start3A_282 : memref<10240x32xf32, #tpu.memory_space<vmem_shared>>) offsets(%dma_start3A_279 : memref<500xi32, #tpu.memory_space<vmem>>) semaphore(%arg12 : memref<!tpu.dma_semaphore, #tpu.memory_space<semaphore_mem>>) {add = true}
    %dma_wait3A_283 = arith.constant 8 : i32
    %dma_wait3A_284 = arith.constant 0 : i32
    %dma_wait3A_285 = tpu.memref_slice %arg6[%dma_wait3A_283, %dma_wait3A_284] : memref<20x500xi32, #tpu.memory_space<vmem>> -> memref<1x500xi32, #tpu.memory_space<vmem>>
    %dma_wait3A_286 = tpu.memref_squeeze %dma_wait3A_285 : memref<1x500xi32, #tpu.memory_space<vmem>> -> memref<500xi32, #tpu.memory_space<vmem>>
    %dma_wait3A_287 = arith.constant 0 : i32
    %dma_wait3A_288 = arith.constant 0 : i32
    %dma_wait3A_289 = tpu.memref_slice %arg10[%dma_wait3A_287, %dma_wait3A_288] : memref<10240x32xf32, #tpu.memory_space<vmem_shared>> -> memref<10240x32xf32, #tpu.memory_space<vmem_shared>>
    tpu.wait_indirect_dma semaphore(%arg12 : memref<!tpu.dma_semaphore, #tpu.memory_space<semaphore_mem>>) src(%arg9 : memref<500x32xf32, #tpu.memory_space<vmem>>) dst(%dma_wait3A_289 : memref<10240x32xf32, #tpu.memory_space<vmem_shared>>)
    %dma_start3A_290 = arith.constant 11 : i32
    %dma_start3A_291 = arith.constant 0 : i32
    %dma_start3A_292 = tpu.memref_slice %arg5[%dma_start3A_290, %dma_start3A_291] : memref<20x500xi32, #tpu.memory_space<vmem>> -> memref<1x500xi32, #tpu.memory_space<vmem>>
    %dma_start3A_293 = tpu.memref_squeeze %dma_start3A_292 : memref<1x500xi32, #tpu.memory_space<vmem>> -> memref<500xi32, #tpu.memory_space<vmem>>
    %dma_start3A_294 = arith.constant 0 : i32
    %dma_start3A_295 = arith.constant 0 : i32
    %dma_start3A_296 = tpu.memref_slice %arg2[%dma_start3A_294, %dma_start3A_295] : memref<10000x32xf32, #tpu.memory_space<hbm>> -> memref<10000x32xf32, #tpu.memory_space<hbm>>
    tpu.enqueue_indirect_dma source(%dma_start3A_296 : memref<10000x32xf32, #tpu.memory_space<hbm>>) target(%arg9 : memref<500x32xf32, #tpu.memory_space<vmem>>) offsets(%dma_start3A_293 : memref<500xi32, #tpu.memory_space<vmem>>) semaphore(%arg11 : memref<!tpu.dma_semaphore, #tpu.memory_space<semaphore_mem>>)
    %dma_wait3A_297 = arith.constant 10 : i32
    %dma_wait3A_298 = arith.constant 0 : i32
    %dma_wait3A_299 = tpu.memref_slice %arg5[%dma_wait3A_297, %dma_wait3A_298] : memref<20x500xi32, #tpu.memory_space<vmem>> -> memref<1x500xi32, #tpu.memory_space<vmem>>
    %dma_wait3A_300 = tpu.memref_squeeze %dma_wait3A_299 : memref<1x500xi32, #tpu.memory_space<vmem>> -> memref<500xi32, #tpu.memory_space<vmem>>
    %dma_wait3A_301 = arith.constant 0 : i32
    %dma_wait3A_302 = arith.constant 0 : i32
    %dma_wait3A_303 = tpu.memref_slice %arg2[%dma_wait3A_301, %dma_wait3A_302] : memref<10000x32xf32, #tpu.memory_space<hbm>> -> memref<10000x32xf32, #tpu.memory_space<hbm>>
    tpu.wait_indirect_dma semaphore(%arg11 : memref<!tpu.dma_semaphore, #tpu.memory_space<semaphore_mem>>) src(%dma_wait3A_303 : memref<10000x32xf32, #tpu.memory_space<hbm>>) dst(%arg8 : memref<500x32xf32, #tpu.memory_space<vmem>>)
    %dma_start3A_304 = arith.constant 10 : i32
    %dma_start3A_305 = arith.constant 0 : i32
    %dma_start3A_306 = tpu.memref_slice %arg6[%dma_start3A_304, %dma_start3A_305] : memref<20x500xi32, #tpu.memory_space<vmem>> -> memref<1x500xi32, #tpu.memory_space<vmem>>
    %dma_start3A_307 = tpu.memref_squeeze %dma_start3A_306 : memref<1x500xi32, #tpu.memory_space<vmem>> -> memref<500xi32, #tpu.memory_space<vmem>>
    %dma_start3A_308 = arith.constant 0 : i32
    %dma_start3A_309 = arith.constant 0 : i32
    %dma_start3A_310 = tpu.memref_slice %arg10[%dma_start3A_308, %dma_start3A_309] : memref<10240x32xf32, #tpu.memory_space<vmem_shared>> -> memref<10240x32xf32, #tpu.memory_space<vmem_shared>>
    tpu.enqueue_indirect_dma source(%arg8 : memref<500x32xf32, #tpu.memory_space<vmem>>) target(%dma_start3A_310 : memref<10240x32xf32, #tpu.memory_space<vmem_shared>>) offsets(%dma_start3A_307 : memref<500xi32, #tpu.memory_space<vmem>>) semaphore(%arg12 : memref<!tpu.dma_semaphore, #tpu.memory_space<semaphore_mem>>) {add = true}
    %dma_wait3A_311 = arith.constant 9 : i32
    %dma_wait3A_312 = arith.constant 0 : i32
    %dma_wait3A_313 = tpu.memref_slice %arg6[%dma_wait3A_311, %dma_wait3A_312] : memref<20x500xi32, #tpu.memory_space<vmem>> -> memref<1x500xi32, #tpu.memory_space<vmem>>
    %dma_wait3A_314 = tpu.memref_squeeze %dma_wait3A_313 : memref<1x500xi32, #tpu.memory_space<vmem>> -> memref<500xi32, #tpu.memory_space<vmem>>
    %dma_wait3A_315 = arith.constant 0 : i32
    %dma_wait3A_316 = arith.constant 0 : i32
    %dma_wait3A_317 = tpu.memref_slice %arg10[%dma_wait3A_315, %dma_wait3A_316] : memref<10240x32xf32, #tpu.memory_space<vmem_shared>> -> memref<10240x32xf32, #tpu.memory_space<vmem_shared>>
    tpu.wait_indirect_dma semaphore(%arg12 : memref<!tpu.dma_semaphore, #tpu.memory_space<semaphore_mem>>) src(%arg7 : memref<500x32xf32, #tpu.memory_space<vmem>>) dst(%dma_wait3A_317 : memref<10240x32xf32, #tpu.memory_space<vmem_shared>>)
    %dma_start3A_318 = arith.constant 12 : i32
    %dma_start3A_319 = arith.constant 0 : i32
    %dma_start3A_320 = tpu.memref_slice %arg5[%dma_start3A_318, %dma_start3A_319] : memref<20x500xi32, #tpu.memory_space<vmem>> -> memref<1x500xi32, #tpu.memory_space<vmem>>
    %dma_start3A_321 = tpu.memref_squeeze %dma_start3A_320 : memref<1x500xi32, #tpu.memory_space<vmem>> -> memref<500xi32, #tpu.memory_space<vmem>>
    %dma_start3A_322 = arith.constant 0 : i32
    %dma_start3A_323 = arith.constant 0 : i32
    %dma_start3A_324 = tpu.memref_slice %arg2[%dma_start3A_322, %dma_start3A_323] : memref<10000x32xf32, #tpu.memory_space<hbm>> -> memref<10000x32xf32, #tpu.memory_space<hbm>>
    tpu.enqueue_indirect_dma source(%dma_start3A_324 : memref<10000x32xf32, #tpu.memory_space<hbm>>) target(%arg7 : memref<500x32xf32, #tpu.memory_space<vmem>>) offsets(%dma_start3A_321 : memref<500xi32, #tpu.memory_space<vmem>>) semaphore(%arg11 : memref<!tpu.dma_semaphore, #tpu.memory_space<semaphore_mem>>)
    %dma_wait3A_325 = arith.constant 11 : i32
    %dma_wait3A_326 = arith.constant 0 : i32
    %dma_wait3A_327 = tpu.memref_slice %arg5[%dma_wait3A_325, %dma_wait3A_326] : memref<20x500xi32, #tpu.memory_space<vmem>> -> memref<1x500xi32, #tpu.memory_space<vmem>>
    %dma_wait3A_328 = tpu.memref_squeeze %dma_wait3A_327 : memref<1x500xi32, #tpu.memory_space<vmem>> -> memref<500xi32, #tpu.memory_space<vmem>>
    %dma_wait3A_329 = arith.constant 0 : i32
    %dma_wait3A_330 = arith.constant 0 : i32
    %dma_wait3A_331 = tpu.memref_slice %arg2[%dma_wait3A_329, %dma_wait3A_330] : memref<10000x32xf32, #tpu.memory_space<hbm>> -> memref<10000x32xf32, #tpu.memory_space<hbm>>
    tpu.wait_indirect_dma semaphore(%arg11 : memref<!tpu.dma_semaphore, #tpu.memory_space<semaphore_mem>>) src(%dma_wait3A_331 : memref<10000x32xf32, #tpu.memory_space<hbm>>) dst(%arg9 : memref<500x32xf32, #tpu.memory_space<vmem>>)
    %dma_start3A_332 = arith.constant 11 : i32
    %dma_start3A_333 = arith.constant 0 : i32
    %dma_start3A_334 = tpu.memref_slice %arg6[%dma_start3A_332, %dma_start3A_333] : memref<20x500xi32, #tpu.memory_space<vmem>> -> memref<1x500xi32, #tpu.memory_space<vmem>>
    %dma_start3A_335 = tpu.memref_squeeze %dma_start3A_334 : memref<1x500xi32, #tpu.memory_space<vmem>> -> memref<500xi32, #tpu.memory_space<vmem>>
    %dma_start3A_336 = arith.constant 0 : i32
    %dma_start3A_337 = arith.constant 0 : i32
    %dma_start3A_338 = tpu.memref_slice %arg10[%dma_start3A_336, %dma_start3A_337] : memref<10240x32xf32, #tpu.memory_space<vmem_shared>> -> memref<10240x32xf32, #tpu.memory_space<vmem_shared>>
    tpu.enqueue_indirect_dma source(%arg9 : memref<500x32xf32, #tpu.memory_space<vmem>>) target(%dma_start3A_338 : memref<10240x32xf32, #tpu.memory_space<vmem_shared>>) offsets(%dma_start3A_335 : memref<500xi32, #tpu.memory_space<vmem>>) semaphore(%arg12 : memref<!tpu.dma_semaphore, #tpu.memory_space<semaphore_mem>>) {add = true}
    %dma_wait3A_339 = arith.constant 10 : i32
    %dma_wait3A_340 = arith.constant 0 : i32
    %dma_wait3A_341 = tpu.memref_slice %arg6[%dma_wait3A_339, %dma_wait3A_340] : memref<20x500xi32, #tpu.memory_space<vmem>> -> memref<1x500xi32, #tpu.memory_space<vmem>>
    %dma_wait3A_342 = tpu.memref_squeeze %dma_wait3A_341 : memref<1x500xi32, #tpu.memory_space<vmem>> -> memref<500xi32, #tpu.memory_space<vmem>>
    %dma_wait3A_343 = arith.constant 0 : i32
    %dma_wait3A_344 = arith.constant 0 : i32
    %dma_wait3A_345 = tpu.memref_slice %arg10[%dma_wait3A_343, %dma_wait3A_344] : memref<10240x32xf32, #tpu.memory_space<vmem_shared>> -> memref<10240x32xf32, #tpu.memory_space<vmem_shared>>
    tpu.wait_indirect_dma semaphore(%arg12 : memref<!tpu.dma_semaphore, #tpu.memory_space<semaphore_mem>>) src(%arg8 : memref<500x32xf32, #tpu.memory_space<vmem>>) dst(%dma_wait3A_345 : memref<10240x32xf32, #tpu.memory_space<vmem_shared>>)
    %dma_start3A_346 = arith.constant 13 : i32
    %dma_start3A_347 = arith.constant 0 : i32
    %dma_start3A_348 = tpu.memref_slice %arg5[%dma_start3A_346, %dma_start3A_347] : memref<20x500xi32, #tpu.memory_space<vmem>> -> memref<1x500xi32, #tpu.memory_space<vmem>>
    %dma_start3A_349 = tpu.memref_squeeze %dma_start3A_348 : memref<1x500xi32, #tpu.memory_space<vmem>> -> memref<500xi32, #tpu.memory_space<vmem>>
    %dma_start3A_350 = arith.constant 0 : i32
    %dma_start3A_351 = arith.constant 0 : i32
    %dma_start3A_352 = tpu.memref_slice %arg2[%dma_start3A_350, %dma_start3A_351] : memref<10000x32xf32, #tpu.memory_space<hbm>> -> memref<10000x32xf32, #tpu.memory_space<hbm>>
    tpu.enqueue_indirect_dma source(%dma_start3A_352 : memref<10000x32xf32, #tpu.memory_space<hbm>>) target(%arg8 : memref<500x32xf32, #tpu.memory_space<vmem>>) offsets(%dma_start3A_349 : memref<500xi32, #tpu.memory_space<vmem>>) semaphore(%arg11 : memref<!tpu.dma_semaphore, #tpu.memory_space<semaphore_mem>>)
    %dma_wait3A_353 = arith.constant 12 : i32
    %dma_wait3A_354 = arith.constant 0 : i32
    %dma_wait3A_355 = tpu.memref_slice %arg5[%dma_wait3A_353, %dma_wait3A_354] : memref<20x500xi32, #tpu.memory_space<vmem>> -> memref<1x500xi32, #tpu.memory_space<vmem>>
    %dma_wait3A_356 = tpu.memref_squeeze %dma_wait3A_355 : memref<1x500xi32, #tpu.memory_space<vmem>> -> memref<500xi32, #tpu.memory_space<vmem>>
    %dma_wait3A_357 = arith.constant 0 : i32
    %dma_wait3A_358 = arith.constant 0 : i32
    %dma_wait3A_359 = tpu.memref_slice %arg2[%dma_wait3A_357, %dma_wait3A_358] : memref<10000x32xf32, #tpu.memory_space<hbm>> -> memref<10000x32xf32, #tpu.memory_space<hbm>>
    tpu.wait_indirect_dma semaphore(%arg11 : memref<!tpu.dma_semaphore, #tpu.memory_space<semaphore_mem>>) src(%dma_wait3A_359 : memref<10000x32xf32, #tpu.memory_space<hbm>>) dst(%arg7 : memref<500x32xf32, #tpu.memory_space<vmem>>)
    %dma_start3A_360 = arith.constant 12 : i32
    %dma_start3A_361 = arith.constant 0 : i32
    %dma_start3A_362 = tpu.memref_slice %arg6[%dma_start3A_360, %dma_start3A_361] : memref<20x500xi32, #tpu.memory_space<vmem>> -> memref<1x500xi32, #tpu.memory_space<vmem>>
    %dma_start3A_363 = tpu.memref_squeeze %dma_start3A_362 : memref<1x500xi32, #tpu.memory_space<vmem>> -> memref<500xi32, #tpu.memory_space<vmem>>
    %dma_start3A_364 = arith.constant 0 : i32
    %dma_start3A_365 = arith.constant 0 : i32
    %dma_start3A_366 = tpu.memref_slice %arg10[%dma_start3A_364, %dma_start3A_365] : memref<10240x32xf32, #tpu.memory_space<vmem_shared>> -> memref<10240x32xf32, #tpu.memory_space<vmem_shared>>
    tpu.enqueue_indirect_dma source(%arg7 : memref<500x32xf32, #tpu.memory_space<vmem>>) target(%dma_start3A_366 : memref<10240x32xf32, #tpu.memory_space<vmem_shared>>) offsets(%dma_start3A_363 : memref<500xi32, #tpu.memory_space<vmem>>) semaphore(%arg12 : memref<!tpu.dma_semaphore, #tpu.memory_space<semaphore_mem>>) {add = true}
    %dma_wait3A_367 = arith.constant 11 : i32
    %dma_wait3A_368 = arith.constant 0 : i32
    %dma_wait3A_369 = tpu.memref_slice %arg6[%dma_wait3A_367, %dma_wait3A_368] : memref<20x500xi32, #tpu.memory_space<vmem>> -> memref<1x500xi32, #tpu.memory_space<vmem>>
    %dma_wait3A_370 = tpu.memref_squeeze %dma_wait3A_369 : memref<1x500xi32, #tpu.memory_space<vmem>> -> memref<500xi32, #tpu.memory_space<vmem>>
    %dma_wait3A_371 = arith.constant 0 : i32
    %dma_wait3A_372 = arith.constant 0 : i32
    %dma_wait3A_373 = tpu.memref_slice %arg10[%dma_wait3A_371, %dma_wait3A_372] : memref<10240x32xf32, #tpu.memory_space<vmem_shared>> -> memref<10240x32xf32, #tpu.memory_space<vmem_shared>>
    tpu.wait_indirect_dma semaphore(%arg12 : memref<!tpu.dma_semaphore, #tpu.memory_space<semaphore_mem>>) src(%arg9 : memref<500x32xf32, #tpu.memory_space<vmem>>) dst(%dma_wait3A_373 : memref<10240x32xf32, #tpu.memory_space<vmem_shared>>)
    %dma_start3A_374 = arith.constant 14 : i32
    %dma_start3A_375 = arith.constant 0 : i32
    %dma_start3A_376 = tpu.memref_slice %arg5[%dma_start3A_374, %dma_start3A_375] : memref<20x500xi32, #tpu.memory_space<vmem>> -> memref<1x500xi32, #tpu.memory_space<vmem>>
    %dma_start3A_377 = tpu.memref_squeeze %dma_start3A_376 : memref<1x500xi32, #tpu.memory_space<vmem>> -> memref<500xi32, #tpu.memory_space<vmem>>
    %dma_start3A_378 = arith.constant 0 : i32
    %dma_start3A_379 = arith.constant 0 : i32
    %dma_start3A_380 = tpu.memref_slice %arg2[%dma_start3A_378, %dma_start3A_379] : memref<10000x32xf32, #tpu.memory_space<hbm>> -> memref<10000x32xf32, #tpu.memory_space<hbm>>
    tpu.enqueue_indirect_dma source(%dma_start3A_380 : memref<10000x32xf32, #tpu.memory_space<hbm>>) target(%arg9 : memref<500x32xf32, #tpu.memory_space<vmem>>) offsets(%dma_start3A_377 : memref<500xi32, #tpu.memory_space<vmem>>) semaphore(%arg11 : memref<!tpu.dma_semaphore, #tpu.memory_space<semaphore_mem>>)
    %dma_wait3A_381 = arith.constant 13 : i32
    %dma_wait3A_382 = arith.constant 0 : i32
    %dma_wait3A_383 = tpu.memref_slice %arg5[%dma_wait3A_381, %dma_wait3A_382] : memref<20x500xi32, #tpu.memory_space<vmem>> -> memref<1x500xi32, #tpu.memory_space<vmem>>
    %dma_wait3A_384 = tpu.memref_squeeze %dma_wait3A_383 : memref<1x500xi32, #tpu.memory_space<vmem>> -> memref<500xi32, #tpu.memory_space<vmem>>
    %dma_wait3A_385 = arith.constant 0 : i32
    %dma_wait3A_386 = arith.constant 0 : i32
    %dma_wait3A_387 = tpu.memref_slice %arg2[%dma_wait3A_385, %dma_wait3A_386] : memref<10000x32xf32, #tpu.memory_space<hbm>> -> memref<10000x32xf32, #tpu.memory_space<hbm>>
    tpu.wait_indirect_dma semaphore(%arg11 : memref<!tpu.dma_semaphore, #tpu.memory_space<semaphore_mem>>) src(%dma_wait3A_387 : memref<10000x32xf32, #tpu.memory_space<hbm>>) dst(%arg8 : memref<500x32xf32, #tpu.memory_space<vmem>>)
    %dma_start3A_388 = arith.constant 13 : i32
    %dma_start3A_389 = arith.constant 0 : i32
    %dma_start3A_390 = tpu.memref_slice %arg6[%dma_start3A_388, %dma_start3A_389] : memref<20x500xi32, #tpu.memory_space<vmem>> -> memref<1x500xi32, #tpu.memory_space<vmem>>
    %dma_start3A_391 = tpu.memref_squeeze %dma_start3A_390 : memref<1x500xi32, #tpu.memory_space<vmem>> -> memref<500xi32, #tpu.memory_space<vmem>>
    %dma_start3A_392 = arith.constant 0 : i32
    %dma_start3A_393 = arith.constant 0 : i32
    %dma_start3A_394 = tpu.memref_slice %arg10[%dma_start3A_392, %dma_start3A_393] : memref<10240x32xf32, #tpu.memory_space<vmem_shared>> -> memref<10240x32xf32, #tpu.memory_space<vmem_shared>>
    tpu.enqueue_indirect_dma source(%arg8 : memref<500x32xf32, #tpu.memory_space<vmem>>) target(%dma_start3A_394 : memref<10240x32xf32, #tpu.memory_space<vmem_shared>>) offsets(%dma_start3A_391 : memref<500xi32, #tpu.memory_space<vmem>>) semaphore(%arg12 : memref<!tpu.dma_semaphore, #tpu.memory_space<semaphore_mem>>) {add = true}
    %dma_wait3A_395 = arith.constant 12 : i32
    %dma_wait3A_396 = arith.constant 0 : i32
    %dma_wait3A_397 = tpu.memref_slice %arg6[%dma_wait3A_395, %dma_wait3A_396] : memref<20x500xi32, #tpu.memory_space<vmem>> -> memref<1x500xi32, #tpu.memory_space<vmem>>
    %dma_wait3A_398 = tpu.memref_squeeze %dma_wait3A_397 : memref<1x500xi32, #tpu.memory_space<vmem>> -> memref<500xi32, #tpu.memory_space<vmem>>
    %dma_wait3A_399 = arith.constant 0 : i32
    %dma_wait3A_400 = arith.constant 0 : i32
    %dma_wait3A_401 = tpu.memref_slice %arg10[%dma_wait3A_399, %dma_wait3A_400] : memref<10240x32xf32, #tpu.memory_space<vmem_shared>> -> memref<10240x32xf32, #tpu.memory_space<vmem_shared>>
    tpu.wait_indirect_dma semaphore(%arg12 : memref<!tpu.dma_semaphore, #tpu.memory_space<semaphore_mem>>) src(%arg7 : memref<500x32xf32, #tpu.memory_space<vmem>>) dst(%dma_wait3A_401 : memref<10240x32xf32, #tpu.memory_space<vmem_shared>>)
    %dma_start3A_402 = arith.constant 15 : i32
    %dma_start3A_403 = arith.constant 0 : i32
    %dma_start3A_404 = tpu.memref_slice %arg5[%dma_start3A_402, %dma_start3A_403] : memref<20x500xi32, #tpu.memory_space<vmem>> -> memref<1x500xi32, #tpu.memory_space<vmem>>
    %dma_start3A_405 = tpu.memref_squeeze %dma_start3A_404 : memref<1x500xi32, #tpu.memory_space<vmem>> -> memref<500xi32, #tpu.memory_space<vmem>>
    %dma_start3A_406 = arith.constant 0 : i32
    %dma_start3A_407 = arith.constant 0 : i32
    %dma_start3A_408 = tpu.memref_slice %arg2[%dma_start3A_406, %dma_start3A_407] : memref<10000x32xf32, #tpu.memory_space<hbm>> -> memref<10000x32xf32, #tpu.memory_space<hbm>>
    tpu.enqueue_indirect_dma source(%dma_start3A_408 : memref<10000x32xf32, #tpu.memory_space<hbm>>) target(%arg7 : memref<500x32xf32, #tpu.memory_space<vmem>>) offsets(%dma_start3A_405 : memref<500xi32, #tpu.memory_space<vmem>>) semaphore(%arg11 : memref<!tpu.dma_semaphore, #tpu.memory_space<semaphore_mem>>)
    %dma_wait3A_409 = arith.constant 14 : i32
    %dma_wait3A_410 = arith.constant 0 : i32
    %dma_wait3A_411 = tpu.memref_slice %arg5[%dma_wait3A_409, %dma_wait3A_410] : memref<20x500xi32, #tpu.memory_space<vmem>> -> memref<1x500xi32, #tpu.memory_space<vmem>>
    %dma_wait3A_412 = tpu.memref_squeeze %dma_wait3A_411 : memref<1x500xi32, #tpu.memory_space<vmem>> -> memref<500xi32, #tpu.memory_space<vmem>>
    %dma_wait3A_413 = arith.constant 0 : i32
    %dma_wait3A_414 = arith.constant 0 : i32
    %dma_wait3A_415 = tpu.memref_slice %arg2[%dma_wait3A_413, %dma_wait3A_414] : memref<10000x32xf32, #tpu.memory_space<hbm>> -> memref<10000x32xf32, #tpu.memory_space<hbm>>
    tpu.wait_indirect_dma semaphore(%arg11 : memref<!tpu.dma_semaphore, #tpu.memory_space<semaphore_mem>>) src(%dma_wait3A_415 : memref<10000x32xf32, #tpu.memory_space<hbm>>) dst(%arg9 : memref<500x32xf32, #tpu.memory_space<vmem>>)
    %dma_start3A_416 = arith.constant 14 : i32
    %dma_start3A_417 = arith.constant 0 : i32
    %dma_start3A_418 = tpu.memref_slice %arg6[%dma_start3A_416, %dma_start3A_417] : memref<20x500xi32, #tpu.memory_space<vmem>> -> memref<1x500xi32, #tpu.memory_space<vmem>>
    %dma_start3A_419 = tpu.memref_squeeze %dma_start3A_418 : memref<1x500xi32, #tpu.memory_space<vmem>> -> memref<500xi32, #tpu.memory_space<vmem>>
    %dma_start3A_420 = arith.constant 0 : i32
    %dma_start3A_421 = arith.constant 0 : i32
    %dma_start3A_422 = tpu.memref_slice %arg10[%dma_start3A_420, %dma_start3A_421] : memref<10240x32xf32, #tpu.memory_space<vmem_shared>> -> memref<10240x32xf32, #tpu.memory_space<vmem_shared>>
    tpu.enqueue_indirect_dma source(%arg9 : memref<500x32xf32, #tpu.memory_space<vmem>>) target(%dma_start3A_422 : memref<10240x32xf32, #tpu.memory_space<vmem_shared>>) offsets(%dma_start3A_419 : memref<500xi32, #tpu.memory_space<vmem>>) semaphore(%arg12 : memref<!tpu.dma_semaphore, #tpu.memory_space<semaphore_mem>>) {add = true}
    %dma_wait3A_423 = arith.constant 13 : i32
    %dma_wait3A_424 = arith.constant 0 : i32
    %dma_wait3A_425 = tpu.memref_slice %arg6[%dma_wait3A_423, %dma_wait3A_424] : memref<20x500xi32, #tpu.memory_space<vmem>> -> memref<1x500xi32, #tpu.memory_space<vmem>>
    %dma_wait3A_426 = tpu.memref_squeeze %dma_wait3A_425 : memref<1x500xi32, #tpu.memory_space<vmem>> -> memref<500xi32, #tpu.memory_space<vmem>>
    %dma_wait3A_427 = arith.constant 0 : i32
    %dma_wait3A_428 = arith.constant 0 : i32
    %dma_wait3A_429 = tpu.memref_slice %arg10[%dma_wait3A_427, %dma_wait3A_428] : memref<10240x32xf32, #tpu.memory_space<vmem_shared>> -> memref<10240x32xf32, #tpu.memory_space<vmem_shared>>
    tpu.wait_indirect_dma semaphore(%arg12 : memref<!tpu.dma_semaphore, #tpu.memory_space<semaphore_mem>>) src(%arg8 : memref<500x32xf32, #tpu.memory_space<vmem>>) dst(%dma_wait3A_429 : memref<10240x32xf32, #tpu.memory_space<vmem_shared>>)
    %dma_start3A_430 = arith.constant 16 : i32
    %dma_start3A_431 = arith.constant 0 : i32
    %dma_start3A_432 = tpu.memref_slice %arg5[%dma_start3A_430, %dma_start3A_431] : memref<20x500xi32, #tpu.memory_space<vmem>> -> memref<1x500xi32, #tpu.memory_space<vmem>>
    %dma_start3A_433 = tpu.memref_squeeze %dma_start3A_432 : memref<1x500xi32, #tpu.memory_space<vmem>> -> memref<500xi32, #tpu.memory_space<vmem>>
    %dma_start3A_434 = arith.constant 0 : i32
    %dma_start3A_435 = arith.constant 0 : i32
    %dma_start3A_436 = tpu.memref_slice %arg2[%dma_start3A_434, %dma_start3A_435] : memref<10000x32xf32, #tpu.memory_space<hbm>> -> memref<10000x32xf32, #tpu.memory_space<hbm>>
    tpu.enqueue_indirect_dma source(%dma_start3A_436 : memref<10000x32xf32, #tpu.memory_space<hbm>>) target(%arg8 : memref<500x32xf32, #tpu.memory_space<vmem>>) offsets(%dma_start3A_433 : memref<500xi32, #tpu.memory_space<vmem>>) semaphore(%arg11 : memref<!tpu.dma_semaphore, #tpu.memory_space<semaphore_mem>>)
    %dma_wait3A_437 = arith.constant 15 : i32
    %dma_wait3A_438 = arith.constant 0 : i32
    %dma_wait3A_439 = tpu.memref_slice %arg5[%dma_wait3A_437, %dma_wait3A_438] : memref<20x500xi32, #tpu.memory_space<vmem>> -> memref<1x500xi32, #tpu.memory_space<vmem>>
    %dma_wait3A_440 = tpu.memref_squeeze %dma_wait3A_439 : memref<1x500xi32, #tpu.memory_space<vmem>> -> memref<500xi32, #tpu.memory_space<vmem>>
    %dma_wait3A_441 = arith.constant 0 : i32
    %dma_wait3A_442 = arith.constant 0 : i32
    %dma_wait3A_443 = tpu.memref_slice %arg2[%dma_wait3A_441, %dma_wait3A_442] : memref<10000x32xf32, #tpu.memory_space<hbm>> -> memref<10000x32xf32, #tpu.memory_space<hbm>>
    tpu.wait_indirect_dma semaphore(%arg11 : memref<!tpu.dma_semaphore, #tpu.memory_space<semaphore_mem>>) src(%dma_wait3A_443 : memref<10000x32xf32, #tpu.memory_space<hbm>>) dst(%arg7 : memref<500x32xf32, #tpu.memory_space<vmem>>)
    %dma_start3A_444 = arith.constant 15 : i32
    %dma_start3A_445 = arith.constant 0 : i32
    %dma_start3A_446 = tpu.memref_slice %arg6[%dma_start3A_444, %dma_start3A_445] : memref<20x500xi32, #tpu.memory_space<vmem>> -> memref<1x500xi32, #tpu.memory_space<vmem>>
    %dma_start3A_447 = tpu.memref_squeeze %dma_start3A_446 : memref<1x500xi32, #tpu.memory_space<vmem>> -> memref<500xi32, #tpu.memory_space<vmem>>
    %dma_start3A_448 = arith.constant 0 : i32
    %dma_start3A_449 = arith.constant 0 : i32
    %dma_start3A_450 = tpu.memref_slice %arg10[%dma_start3A_448, %dma_start3A_449] : memref<10240x32xf32, #tpu.memory_space<vmem_shared>> -> memref<10240x32xf32, #tpu.memory_space<vmem_shared>>
    tpu.enqueue_indirect_dma source(%arg7 : memref<500x32xf32, #tpu.memory_space<vmem>>) target(%dma_start3A_450 : memref<10240x32xf32, #tpu.memory_space<vmem_shared>>) offsets(%dma_start3A_447 : memref<500xi32, #tpu.memory_space<vmem>>) semaphore(%arg12 : memref<!tpu.dma_semaphore, #tpu.memory_space<semaphore_mem>>) {add = true}
    %dma_wait3A_451 = arith.constant 14 : i32
    %dma_wait3A_452 = arith.constant 0 : i32
    %dma_wait3A_453 = tpu.memref_slice %arg6[%dma_wait3A_451, %dma_wait3A_452] : memref<20x500xi32, #tpu.memory_space<vmem>> -> memref<1x500xi32, #tpu.memory_space<vmem>>
    %dma_wait3A_454 = tpu.memref_squeeze %dma_wait3A_453 : memref<1x500xi32, #tpu.memory_space<vmem>> -> memref<500xi32, #tpu.memory_space<vmem>>
    %dma_wait3A_455 = arith.constant 0 : i32
    %dma_wait3A_456 = arith.constant 0 : i32
    %dma_wait3A_457 = tpu.memref_slice %arg10[%dma_wait3A_455, %dma_wait3A_456] : memref<10240x32xf32, #tpu.memory_space<vmem_shared>> -> memref<10240x32xf32, #tpu.memory_space<vmem_shared>>
    tpu.wait_indirect_dma semaphore(%arg12 : memref<!tpu.dma_semaphore, #tpu.memory_space<semaphore_mem>>) src(%arg9 : memref<500x32xf32, #tpu.memory_space<vmem>>) dst(%dma_wait3A_457 : memref<10240x32xf32, #tpu.memory_space<vmem_shared>>)
    %dma_start3A_458 = arith.constant 17 : i32
    %dma_start3A_459 = arith.constant 0 : i32
    %dma_start3A_460 = tpu.memref_slice %arg5[%dma_start3A_458, %dma_start3A_459] : memref<20x500xi32, #tpu.memory_space<vmem>> -> memref<1x500xi32, #tpu.memory_space<vmem>>
    %dma_start3A_461 = tpu.memref_squeeze %dma_start3A_460 : memref<1x500xi32, #tpu.memory_space<vmem>> -> memref<500xi32, #tpu.memory_space<vmem>>
    %dma_start3A_462 = arith.constant 0 : i32
    %dma_start3A_463 = arith.constant 0 : i32
    %dma_start3A_464 = tpu.memref_slice %arg2[%dma_start3A_462, %dma_start3A_463] : memref<10000x32xf32, #tpu.memory_space<hbm>> -> memref<10000x32xf32, #tpu.memory_space<hbm>>
    tpu.enqueue_indirect_dma source(%dma_start3A_464 : memref<10000x32xf32, #tpu.memory_space<hbm>>) target(%arg9 : memref<500x32xf32, #tpu.memory_space<vmem>>) offsets(%dma_start3A_461 : memref<500xi32, #tpu.memory_space<vmem>>) semaphore(%arg11 : memref<!tpu.dma_semaphore, #tpu.memory_space<semaphore_mem>>)
    %dma_wait3A_465 = arith.constant 16 : i32
    %dma_wait3A_466 = arith.constant 0 : i32
    %dma_wait3A_467 = tpu.memref_slice %arg5[%dma_wait3A_465, %dma_wait3A_466] : memref<20x500xi32, #tpu.memory_space<vmem>> -> memref<1x500xi32, #tpu.memory_space<vmem>>
    %dma_wait3A_468 = tpu.memref_squeeze %dma_wait3A_467 : memref<1x500xi32, #tpu.memory_space<vmem>> -> memref<500xi32, #tpu.memory_space<vmem>>
    %dma_wait3A_469 = arith.constant 0 : i32
    %dma_wait3A_470 = arith.constant 0 : i32
    %dma_wait3A_471 = tpu.memref_slice %arg2[%dma_wait3A_469, %dma_wait3A_470] : memref<10000x32xf32, #tpu.memory_space<hbm>> -> memref<10000x32xf32, #tpu.memory_space<hbm>>
    tpu.wait_indirect_dma semaphore(%arg11 : memref<!tpu.dma_semaphore, #tpu.memory_space<semaphore_mem>>) src(%dma_wait3A_471 : memref<10000x32xf32, #tpu.memory_space<hbm>>) dst(%arg8 : memref<500x32xf32, #tpu.memory_space<vmem>>)
    %dma_start3A_472 = arith.constant 16 : i32
    %dma_start3A_473 = arith.constant 0 : i32
    %dma_start3A_474 = tpu.memref_slice %arg6[%dma_start3A_472, %dma_start3A_473] : memref<20x500xi32, #tpu.memory_space<vmem>> -> memref<1x500xi32, #tpu.memory_space<vmem>>
    %dma_start3A_475 = tpu.memref_squeeze %dma_start3A_474 : memref<1x500xi32, #tpu.memory_space<vmem>> -> memref<500xi32, #tpu.memory_space<vmem>>
    %dma_start3A_476 = arith.constant 0 : i32
    %dma_start3A_477 = arith.constant 0 : i32
    %dma_start3A_478 = tpu.memref_slice %arg10[%dma_start3A_476, %dma_start3A_477] : memref<10240x32xf32, #tpu.memory_space<vmem_shared>> -> memref<10240x32xf32, #tpu.memory_space<vmem_shared>>
    tpu.enqueue_indirect_dma source(%arg8 : memref<500x32xf32, #tpu.memory_space<vmem>>) target(%dma_start3A_478 : memref<10240x32xf32, #tpu.memory_space<vmem_shared>>) offsets(%dma_start3A_475 : memref<500xi32, #tpu.memory_space<vmem>>) semaphore(%arg12 : memref<!tpu.dma_semaphore, #tpu.memory_space<semaphore_mem>>) {add = true}
    %dma_wait3A_479 = arith.constant 15 : i32
    %dma_wait3A_480 = arith.constant 0 : i32
    %dma_wait3A_481 = tpu.memref_slice %arg6[%dma_wait3A_479, %dma_wait3A_480] : memref<20x500xi32, #tpu.memory_space<vmem>> -> memref<1x500xi32, #tpu.memory_space<vmem>>
    %dma_wait3A_482 = tpu.memref_squeeze %dma_wait3A_481 : memref<1x500xi32, #tpu.memory_space<vmem>> -> memref<500xi32, #tpu.memory_space<vmem>>
    %dma_wait3A_483 = arith.constant 0 : i32
    %dma_wait3A_484 = arith.constant 0 : i32
    %dma_wait3A_485 = tpu.memref_slice %arg10[%dma_wait3A_483, %dma_wait3A_484] : memref<10240x32xf32, #tpu.memory_space<vmem_shared>> -> memref<10240x32xf32, #tpu.memory_space<vmem_shared>>
    tpu.wait_indirect_dma semaphore(%arg12 : memref<!tpu.dma_semaphore, #tpu.memory_space<semaphore_mem>>) src(%arg7 : memref<500x32xf32, #tpu.memory_space<vmem>>) dst(%dma_wait3A_485 : memref<10240x32xf32, #tpu.memory_space<vmem_shared>>)
    %dma_start3A_486 = arith.constant 18 : i32
    %dma_start3A_487 = arith.constant 0 : i32
    %dma_start3A_488 = tpu.memref_slice %arg5[%dma_start3A_486, %dma_start3A_487] : memref<20x500xi32, #tpu.memory_space<vmem>> -> memref<1x500xi32, #tpu.memory_space<vmem>>
    %dma_start3A_489 = tpu.memref_squeeze %dma_start3A_488 : memref<1x500xi32, #tpu.memory_space<vmem>> -> memref<500xi32, #tpu.memory_space<vmem>>
    %dma_start3A_490 = arith.constant 0 : i32
    %dma_start3A_491 = arith.constant 0 : i32
    %dma_start3A_492 = tpu.memref_slice %arg2[%dma_start3A_490, %dma_start3A_491] : memref<10000x32xf32, #tpu.memory_space<hbm>> -> memref<10000x32xf32, #tpu.memory_space<hbm>>
    tpu.enqueue_indirect_dma source(%dma_start3A_492 : memref<10000x32xf32, #tpu.memory_space<hbm>>) target(%arg7 : memref<500x32xf32, #tpu.memory_space<vmem>>) offsets(%dma_start3A_489 : memref<500xi32, #tpu.memory_space<vmem>>) semaphore(%arg11 : memref<!tpu.dma_semaphore, #tpu.memory_space<semaphore_mem>>)
    %dma_wait3A_493 = arith.constant 17 : i32
    %dma_wait3A_494 = arith.constant 0 : i32
    %dma_wait3A_495 = tpu.memref_slice %arg5[%dma_wait3A_493, %dma_wait3A_494] : memref<20x500xi32, #tpu.memory_space<vmem>> -> memref<1x500xi32, #tpu.memory_space<vmem>>
    %dma_wait3A_496 = tpu.memref_squeeze %dma_wait3A_495 : memref<1x500xi32, #tpu.memory_space<vmem>> -> memref<500xi32, #tpu.memory_space<vmem>>
    %dma_wait3A_497 = arith.constant 0 : i32
    %dma_wait3A_498 = arith.constant 0 : i32
    %dma_wait3A_499 = tpu.memref_slice %arg2[%dma_wait3A_497, %dma_wait3A_498] : memref<10000x32xf32, #tpu.memory_space<hbm>> -> memref<10000x32xf32, #tpu.memory_space<hbm>>
    tpu.wait_indirect_dma semaphore(%arg11 : memref<!tpu.dma_semaphore, #tpu.memory_space<semaphore_mem>>) src(%dma_wait3A_499 : memref<10000x32xf32, #tpu.memory_space<hbm>>) dst(%arg9 : memref<500x32xf32, #tpu.memory_space<vmem>>)
    %dma_start3A_500 = arith.constant 17 : i32
    %dma_start3A_501 = arith.constant 0 : i32
    %dma_start3A_502 = tpu.memref_slice %arg6[%dma_start3A_500, %dma_start3A_501] : memref<20x500xi32, #tpu.memory_space<vmem>> -> memref<1x500xi32, #tpu.memory_space<vmem>>
    %dma_start3A_503 = tpu.memref_squeeze %dma_start3A_502 : memref<1x500xi32, #tpu.memory_space<vmem>> -> memref<500xi32, #tpu.memory_space<vmem>>
    %dma_start3A_504 = arith.constant 0 : i32
    %dma_start3A_505 = arith.constant 0 : i32
    %dma_start3A_506 = tpu.memref_slice %arg10[%dma_start3A_504, %dma_start3A_505] : memref<10240x32xf32, #tpu.memory_space<vmem_shared>> -> memref<10240x32xf32, #tpu.memory_space<vmem_shared>>
    tpu.enqueue_indirect_dma source(%arg9 : memref<500x32xf32, #tpu.memory_space<vmem>>) target(%dma_start3A_506 : memref<10240x32xf32, #tpu.memory_space<vmem_shared>>) offsets(%dma_start3A_503 : memref<500xi32, #tpu.memory_space<vmem>>) semaphore(%arg12 : memref<!tpu.dma_semaphore, #tpu.memory_space<semaphore_mem>>) {add = true}
    %dma_wait3A_507 = arith.constant 16 : i32
    %dma_wait3A_508 = arith.constant 0 : i32
    %dma_wait3A_509 = tpu.memref_slice %arg6[%dma_wait3A_507, %dma_wait3A_508] : memref<20x500xi32, #tpu.memory_space<vmem>> -> memref<1x500xi32, #tpu.memory_space<vmem>>
    %dma_wait3A_510 = tpu.memref_squeeze %dma_wait3A_509 : memref<1x500xi32, #tpu.memory_space<vmem>> -> memref<500xi32, #tpu.memory_space<vmem>>
    %dma_wait3A_511 = arith.constant 0 : i32
    %dma_wait3A_512 = arith.constant 0 : i32
    %dma_wait3A_513 = tpu.memref_slice %arg10[%dma_wait3A_511, %dma_wait3A_512] : memref<10240x32xf32, #tpu.memory_space<vmem_shared>> -> memref<10240x32xf32, #tpu.memory_space<vmem_shared>>
    tpu.wait_indirect_dma semaphore(%arg12 : memref<!tpu.dma_semaphore, #tpu.memory_space<semaphore_mem>>) src(%arg8 : memref<500x32xf32, #tpu.memory_space<vmem>>) dst(%dma_wait3A_513 : memref<10240x32xf32, #tpu.memory_space<vmem_shared>>)
    %dma_start3A_514 = arith.constant 19 : i32
    %dma_start3A_515 = arith.constant 0 : i32
    %dma_start3A_516 = tpu.memref_slice %arg5[%dma_start3A_514, %dma_start3A_515] : memref<20x500xi32, #tpu.memory_space<vmem>> -> memref<1x500xi32, #tpu.memory_space<vmem>>
    %dma_start3A_517 = tpu.memref_squeeze %dma_start3A_516 : memref<1x500xi32, #tpu.memory_space<vmem>> -> memref<500xi32, #tpu.memory_space<vmem>>
    %dma_start3A_518 = arith.constant 0 : i32
    %dma_start3A_519 = arith.constant 0 : i32
    %dma_start3A_520 = tpu.memref_slice %arg2[%dma_start3A_518, %dma_start3A_519] : memref<10000x32xf32, #tpu.memory_space<hbm>> -> memref<10000x32xf32, #tpu.memory_space<hbm>>
    tpu.enqueue_indirect_dma source(%dma_start3A_520 : memref<10000x32xf32, #tpu.memory_space<hbm>>) target(%arg8 : memref<500x32xf32, #tpu.memory_space<vmem>>) offsets(%dma_start3A_517 : memref<500xi32, #tpu.memory_space<vmem>>) semaphore(%arg11 : memref<!tpu.dma_semaphore, #tpu.memory_space<semaphore_mem>>)
    %dma_wait3A_521 = arith.constant 18 : i32
    %dma_wait3A_522 = arith.constant 0 : i32
    %dma_wait3A_523 = tpu.memref_slice %arg5[%dma_wait3A_521, %dma_wait3A_522] : memref<20x500xi32, #tpu.memory_space<vmem>> -> memref<1x500xi32, #tpu.memory_space<vmem>>
    %dma_wait3A_524 = tpu.memref_squeeze %dma_wait3A_523 : memref<1x500xi32, #tpu.memory_space<vmem>> -> memref<500xi32, #tpu.memory_space<vmem>>
    %dma_wait3A_525 = arith.constant 0 : i32
    %dma_wait3A_526 = arith.constant 0 : i32
    %dma_wait3A_527 = tpu.memref_slice %arg2[%dma_wait3A_525, %dma_wait3A_526] : memref<10000x32xf32, #tpu.memory_space<hbm>> -> memref<10000x32xf32, #tpu.memory_space<hbm>>
    tpu.wait_indirect_dma semaphore(%arg11 : memref<!tpu.dma_semaphore, #tpu.memory_space<semaphore_mem>>) src(%dma_wait3A_527 : memref<10000x32xf32, #tpu.memory_space<hbm>>) dst(%arg7 : memref<500x32xf32, #tpu.memory_space<vmem>>)
    %dma_start3A_528 = arith.constant 18 : i32
    %dma_start3A_529 = arith.constant 0 : i32
    %dma_start3A_530 = tpu.memref_slice %arg6[%dma_start3A_528, %dma_start3A_529] : memref<20x500xi32, #tpu.memory_space<vmem>> -> memref<1x500xi32, #tpu.memory_space<vmem>>
    %dma_start3A_531 = tpu.memref_squeeze %dma_start3A_530 : memref<1x500xi32, #tpu.memory_space<vmem>> -> memref<500xi32, #tpu.memory_space<vmem>>
    %dma_start3A_532 = arith.constant 0 : i32
    %dma_start3A_533 = arith.constant 0 : i32
    %dma_start3A_534 = tpu.memref_slice %arg10[%dma_start3A_532, %dma_start3A_533] : memref<10240x32xf32, #tpu.memory_space<vmem_shared>> -> memref<10240x32xf32, #tpu.memory_space<vmem_shared>>
    tpu.enqueue_indirect_dma source(%arg7 : memref<500x32xf32, #tpu.memory_space<vmem>>) target(%dma_start3A_534 : memref<10240x32xf32, #tpu.memory_space<vmem_shared>>) offsets(%dma_start3A_531 : memref<500xi32, #tpu.memory_space<vmem>>) semaphore(%arg12 : memref<!tpu.dma_semaphore, #tpu.memory_space<semaphore_mem>>) {add = true}
    %dma_wait3A_535 = arith.constant 19 : i32
    %dma_wait3A_536 = arith.constant 0 : i32
    %dma_wait3A_537 = tpu.memref_slice %arg5[%dma_wait3A_535, %dma_wait3A_536] : memref<20x500xi32, #tpu.memory_space<vmem>> -> memref<1x500xi32, #tpu.memory_space<vmem>>
    %dma_wait3A_538 = tpu.memref_squeeze %dma_wait3A_537 : memref<1x500xi32, #tpu.memory_space<vmem>> -> memref<500xi32, #tpu.memory_space<vmem>>
    %dma_wait3A_539 = arith.constant 0 : i32
    %dma_wait3A_540 = arith.constant 0 : i32
    %dma_wait3A_541 = tpu.memref_slice %arg2[%dma_wait3A_539, %dma_wait3A_540] : memref<10000x32xf32, #tpu.memory_space<hbm>> -> memref<10000x32xf32, #tpu.memory_space<hbm>>
    tpu.wait_indirect_dma semaphore(%arg11 : memref<!tpu.dma_semaphore, #tpu.memory_space<semaphore_mem>>) src(%dma_wait3A_541 : memref<10000x32xf32, #tpu.memory_space<hbm>>) dst(%arg8 : memref<500x32xf32, #tpu.memory_space<vmem>>)
    %dma_start3A_542 = arith.constant 19 : i32
    %dma_start3A_543 = arith.constant 0 : i32
    %dma_start3A_544 = tpu.memref_slice %arg6[%dma_start3A_542, %dma_start3A_543] : memref<20x500xi32, #tpu.memory_space<vmem>> -> memref<1x500xi32, #tpu.memory_space<vmem>>
    %dma_start3A_545 = tpu.memref_squeeze %dma_start3A_544 : memref<1x500xi32, #tpu.memory_space<vmem>> -> memref<500xi32, #tpu.memory_space<vmem>>
    %dma_start3A_546 = arith.constant 0 : i32
    %dma_start3A_547 = arith.constant 0 : i32
    %dma_start3A_548 = tpu.memref_slice %arg10[%dma_start3A_546, %dma_start3A_547] : memref<10240x32xf32, #tpu.memory_space<vmem_shared>> -> memref<10240x32xf32, #tpu.memory_space<vmem_shared>>
    tpu.enqueue_indirect_dma source(%arg8 : memref<500x32xf32, #tpu.memory_space<vmem>>) target(%dma_start3A_548 : memref<10240x32xf32, #tpu.memory_space<vmem_shared>>) offsets(%dma_start3A_545 : memref<500xi32, #tpu.memory_space<vmem>>) semaphore(%arg12 : memref<!tpu.dma_semaphore, #tpu.memory_space<semaphore_mem>>) {add = true}
    %dma_wait3A_549 = arith.constant 17 : i32
    %dma_wait3A_550 = arith.constant 0 : i32
    %dma_wait3A_551 = tpu.memref_slice %arg6[%dma_wait3A_549, %dma_wait3A_550] : memref<20x500xi32, #tpu.memory_space<vmem>> -> memref<1x500xi32, #tpu.memory_space<vmem>>
    %dma_wait3A_552 = tpu.memref_squeeze %dma_wait3A_551 : memref<1x500xi32, #tpu.memory_space<vmem>> -> memref<500xi32, #tpu.memory_space<vmem>>
    %dma_wait3A_553 = arith.constant 0 : i32
    %dma_wait3A_554 = arith.constant 0 : i32
    %dma_wait3A_555 = tpu.memref_slice %arg10[%dma_wait3A_553, %dma_wait3A_554] : memref<10240x32xf32, #tpu.memory_space<vmem_shared>> -> memref<10240x32xf32, #tpu.memory_space<vmem_shared>>
    tpu.wait_indirect_dma semaphore(%arg12 : memref<!tpu.dma_semaphore, #tpu.memory_space<semaphore_mem>>) src(%arg9 : memref<500x32xf32, #tpu.memory_space<vmem>>) dst(%dma_wait3A_555 : memref<10240x32xf32, #tpu.memory_space<vmem_shared>>)
    %dma_wait3A_556 = arith.constant 18 : i32
    %dma_wait3A_557 = arith.constant 0 : i32
    %dma_wait3A_558 = tpu.memref_slice %arg6[%dma_wait3A_556, %dma_wait3A_557] : memref<20x500xi32, #tpu.memory_space<vmem>> -> memref<1x500xi32, #tpu.memory_space<vmem>>
    %dma_wait3A_559 = tpu.memref_squeeze %dma_wait3A_558 : memref<1x500xi32, #tpu.memory_space<vmem>> -> memref<500xi32, #tpu.memory_space<vmem>>
    %dma_wait3A_560 = arith.constant 0 : i32
    %dma_wait3A_561 = arith.constant 0 : i32
    %dma_wait3A_562 = tpu.memref_slice %arg10[%dma_wait3A_560, %dma_wait3A_561] : memref<10240x32xf32, #tpu.memory_space<vmem_shared>> -> memref<10240x32xf32, #tpu.memory_space<vmem_shared>>
    tpu.wait_indirect_dma semaphore(%arg12 : memref<!tpu.dma_semaphore, #tpu.memory_space<semaphore_mem>>) src(%arg7 : memref<500x32xf32, #tpu.memory_space<vmem>>) dst(%dma_wait3A_562 : memref<10240x32xf32, #tpu.memory_space<vmem_shared>>)
    %dma_wait3A_563 = arith.constant 19 : i32
    %dma_wait3A_564 = arith.constant 0 : i32
    %dma_wait3A_565 = tpu.memref_slice %arg6[%dma_wait3A_563, %dma_wait3A_564] : memref<20x500xi32, #tpu.memory_space<vmem>> -> memref<1x500xi32, #tpu.memory_space<vmem>>
    %dma_wait3A_566 = tpu.memref_squeeze %dma_wait3A_565 : memref<1x500xi32, #tpu.memory_space<vmem>> -> memref<500xi32, #tpu.memory_space<vmem>>
    %dma_wait3A_567 = arith.constant 0 : i32
    %dma_wait3A_568 = arith.constant 0 : i32
    %dma_wait3A_569 = tpu.memref_slice %arg10[%dma_wait3A_567, %dma_wait3A_568] : memref<10240x32xf32, #tpu.memory_space<vmem_shared>> -> memref<10240x32xf32, #tpu.memory_space<vmem_shared>>
    tpu.wait_indirect_dma semaphore(%arg12 : memref<!tpu.dma_semaphore, #tpu.memory_space<semaphore_mem>>) src(%arg8 : memref<500x32xf32, #tpu.memory_space<vmem>>) dst(%dma_wait3A_569 : memref<10240x32xf32, #tpu.memory_space<vmem_shared>>)
    %barrier3A_570 = arith.constant 0 : index
    tpu.barrier barrier_id(%barrier3A_570)
    %mul3A_571 = arith.constant 640 : i32
    %mul3A_572 = arith.muli %arg1, %mul3A_571 : i32
    %mul3A_573 = arith.constant 640 : i32
    %mul3A_574 = arith.muli %arg1, %mul3A_573 : i32
    "tpu.region"() ({
      %run_scoped3A_575 = tpu.sem_alloc : memref<!tpu.dma_semaphore, #tpu.memory_space<semaphore_mem>>
      %dma_start3A_576 = arith.constant 0 : i32
      %dma_start3A_577 = tpu.memref_slice %arg4[%arg0, %mul3A_574, %dma_start3A_576] : memref<2x10240x32xf32, #tpu.memory_space<hbm>> -> memref<1x640x32xf32, #tpu.memory_space<hbm>>
      %dma_start3A_578 = tpu.memref_squeeze %dma_start3A_577 : memref<1x640x32xf32, #tpu.memory_space<hbm>> -> memref<640x32xf32, #tpu.memory_space<hbm>>
      %dma_start3A_579 = arith.constant 0 : i32
      %dma_start3A_580 = tpu.memref_slice %arg10[%mul3A_572, %dma_start3A_579] : memref<10240x32xf32, #tpu.memory_space<vmem_shared>> -> memref<640x32xf32, #tpu.memory_space<vmem_shared>>
      tpu.enqueue_dma source(%dma_start3A_580 : memref<640x32xf32, #tpu.memory_space<vmem_shared>>) target(%dma_start3A_578 : memref<640x32xf32, #tpu.memory_space<hbm>>) target_semaphore(%run_scoped3A_575 : memref<!tpu.dma_semaphore, #tpu.memory_space<semaphore_mem>>)
      %dma_wait3A_581 = arith.constant 0 : i32
      %dma_wait3A_582 = tpu.memref_slice %arg4[%arg0, %mul3A_574, %dma_wait3A_581] : memref<2x10240x32xf32, #tpu.memory_space<hbm>> -> memref<1x640x32xf32, #tpu.memory_space<hbm>>
      %dma_wait3A_583 = tpu.memref_squeeze %dma_wait3A_582 : memref<1x640x32xf32, #tpu.memory_space<hbm>> -> memref<640x32xf32, #tpu.memory_space<hbm>>
      %dma_wait3A_584 = arith.constant 0 : i32
      %dma_wait3A_585 = tpu.memref_slice %arg10[%mul3A_572, %dma_wait3A_584] : memref<10240x32xf32, #tpu.memory_space<vmem_shared>> -> memref<640x32xf32, #tpu.memory_space<vmem_shared>>
      tpu.wait_dma2 semaphore(%run_scoped3A_575 : memref<!tpu.dma_semaphore, #tpu.memory_space<semaphore_mem>>) src(%dma_wait3A_585 : memref<640x32xf32, #tpu.memory_space<vmem_shared>>) dst(%dma_wait3A_583 : memref<640x32xf32, #tpu.memory_space<hbm>>)
      tpu.yield
    }) : () -> ()
    return
  }
}

#map = affine_map<(d0, d1) -> (0, 0)>
#map1 = affine_map<(d0, d1) -> (0, 0, 0)>
module attributes {stable_mosaic.version = 14 : i64} {
  func.func @k(%arg0: i32, %arg1: i32, %arg2: memref<10000x32xf32, #tpu.memory_space<hbm>>, %arg3: memref<2x640x500xi32, #tpu.memory_space<hbm>>, %arg4: memref<2x10240x32xf32, #tpu.memory_space<hbm>>, %arg5: memref<20x500xi32, #tpu.memory_space<vmem>>, %arg6: memref<20x500xi32, #tpu.memory_space<vmem>>, %arg7: memref<500x32xf32, #tpu.memory_space<vmem>>, %arg8: memref<500x32xf32, #tpu.memory_space<vmem>>, %arg9: memref<500x32xf32, #tpu.memory_space<vmem>>, %arg10: memref<10240x32xf32, #tpu.memory_space<vmem_shared>>, %arg11: memref<!tpu.dma_semaphore, #tpu.memory_space<semaphore_mem>>, %arg12: memref<!tpu.dma_semaphore, #tpu.memory_space<semaphore_mem>>) attributes {dimension_semantics = [#tpu.dimension_semantics<core_parallel>, #tpu.dimension_semantics<subcore_parallel>], iteration_bounds = array<i64: 2, 16>, scalar_prefetch = 0 : i64, scratch_operands = 8 : i64, tpu.core_type = #tpu.core_type<sc_vector_subcore>, window_params = [{transform_indices = #map}, {transform_indices = #map1}, {transform_indices = #map1}]} {
    %mul3A = arith.constant 2 : i32
    %mul3A_0 = arith.muli %arg1, %mul3A : i32
    %add3A = arith.addi %mul3A_0, %arg0 : i32
    %scan3A = arith.constant 0 : i32
    %scan3A_1 = arith.constant 0 : i32
    %scan3A_2 = arith.constant 640 : i32
    %scan3A_3 = arith.addi %scan3A_1, %scan3A_2 : i32
    %scan3A_4 = arith.constant 1 : i32
    %scan3A_5 = scf.for %scan3A_575 = %scan3A_1 to %scan3A_3 step %scan3A_4 iter_args(%scan3A_576 = %scan3A) -> (i32)  : i32 {
      %broadcast_in_dim3A = arith.constant 0.000000e+00 : f32
      %broadcast_in_dim3A_577 = vector.broadcast %broadcast_in_dim3A : f32 to vector<16xf32>
      %swap3A = arith.index_cast %scan3A_575 : i32 to index
      %swap3A_578 = arith.constant 0 : index
      %swap3A_579 = tpu.vector_load %arg7[%swap3A, %swap3A_578] {strides = array<i32>} : memref<500x32xf32, #tpu.memory_space<vmem>>, vector<1x16xf32>,
      %swap3A_580 = vector.shape_cast %swap3A_579 : vector<1x16xf32> to vector<16xf32>
      %swap3A_581 = vector.shape_cast %broadcast_in_dim3A_577 : vector<16xf32> to vector<1x16xf32>
      tpu.vector_store %arg7[%swap3A, %swap3A_578], %swap3A_581 {strides = array<i32>} : memref<500x32xf32, #tpu.memory_space<vmem>>, vector<1x16xf32>,
      %broadcast_in_dim3A_582 = arith.constant 0.000000e+00 : f32
      %broadcast_in_dim3A_583 = vector.broadcast %broadcast_in_dim3A_582 : f32 to vector<16xf32>
      %swap3A_584 = arith.index_cast %scan3A_575 : i32 to index
      %swap3A_585 = arith.constant 16 : index
      %swap3A_586 = tpu.vector_load %arg7[%swap3A_584, %swap3A_585] {strides = array<i32>} : memref<500x32xf32, #tpu.memory_space<vmem>>, vector<1x16xf32>,
      %swap3A_587 = vector.shape_cast %swap3A_586 : vector<1x16xf32> to vector<16xf32>
      %swap3A_588 = vector.shape_cast %broadcast_in_dim3A_583 : vector<16xf32> to vector<1x16xf32>
      tpu.vector_store %arg7[%swap3A_584, %swap3A_585], %swap3A_588 {strides = array<i32>} : memref<500x32xf32, #tpu.memory_space<vmem>>, vector<1x16xf32>,
      %scan3A_589 = arith.constant 0 : i32
      scf.yield %scan3A_589 : i32
    }
    %scan3A_6 = arith.constant 640 : i32
    %mul3A_7 = arith.constant 640 : i32
    %mul3A_8 = arith.muli %arg1, %mul3A_7 : i32
    "tpu.region"() ({
      %run_scoped3A_575 = tpu.sem_alloc : memref<!tpu.dma_semaphore, #tpu.memory_space<semaphore_mem>>
      %dma_start3A_576 = arith.constant 0 : i32
      %dma_start3A_577 = arith.constant 0 : i32
      %dma_start3A_578 = tpu.memref_slice %arg7[%dma_start3A_576, %dma_start3A_577] : memref<500x32xf32, #tpu.memory_space<vmem>> -> memref<640x32xf32, #tpu.memory_space<vmem>>
      %dma_start3A_579 = arith.constant 0 : i32
      %dma_start3A_580 = tpu.memref_slice %arg10[%mul3A_8, %dma_start3A_579] : memref<10240x32xf32, #tpu.memory_space<vmem_shared>> -> memref<640x32xf32, #tpu.memory_space<vmem_shared>>
      %dma_start3A_581 = arith.constant 0 : i32
      %dma_start3A_582 = tpu.memref_slice %arg10[%mul3A_8, %dma_start3A_581] : memref<10240x32xf32, #tpu.memory_space<vmem_shared>> -> memref<640x32xf32, #tpu.memory_space<vmem_shared>>
      %dma_start3A_583 = arith.constant 0 : i32
      %dma_start3A_584 = arith.constant 0 : i32
      %dma_start3A_585 = tpu.memref_slice %arg7[%dma_start3A_583, %dma_start3A_584] : memref<500x32xf32, #tpu.memory_space<vmem>> -> memref<640x32xf32, #tpu.memory_space<vmem>>
      tpu.enqueue_dma source(%dma_start3A_585 : memref<640x32xf32, #tpu.memory_space<vmem>>) target(%dma_start3A_582 : memref<640x32xf32, #tpu.memory_space<vmem_shared>>) target_semaphore(%run_scoped3A_575 : memref<!tpu.dma_semaphore, #tpu.memory_space<semaphore_mem>>)
      %dma_wait3A_586 = arith.constant 0 : i32
      %dma_wait3A_587 = arith.constant 0 : i32
      %dma_wait3A_588 = tpu.memref_slice %arg7[%dma_wait3A_586, %dma_wait3A_587] : memref<500x32xf32, #tpu.memory_space<vmem>> -> memref<640x32xf32, #tpu.memory_space<vmem>>
      %dma_wait3A_589 = arith.constant 0 : i32
      %dma_wait3A_590 = tpu.memref_slice %arg10[%mul3A_8, %dma_wait3A_589] : memref<10240x32xf32, #tpu.memory_space<vmem_shared>> -> memref<640x32xf32, #tpu.memory_space<vmem_shared>>
      %dma_wait3A_591 = arith.constant 0 : i32
      %dma_wait3A_592 = tpu.memref_slice %arg10[%mul3A_8, %dma_wait3A_591] : memref<10240x32xf32, #tpu.memory_space<vmem_shared>> -> memref<640x32xf32, #tpu.memory_space<vmem_shared>>
      %dma_wait3A_593 = arith.constant 0 : i32
      %dma_wait3A_594 = arith.constant 0 : i32
      %dma_wait3A_595 = tpu.memref_slice %arg7[%dma_wait3A_593, %dma_wait3A_594] : memref<500x32xf32, #tpu.memory_space<vmem>> -> memref<640x32xf32, #tpu.memory_space<vmem>>
      tpu.wait_dma2 semaphore(%run_scoped3A_575 : memref<!tpu.dma_semaphore, #tpu.memory_space<semaphore_mem>>) src(%dma_wait3A_595 : memref<640x32xf32, #tpu.memory_space<vmem>>) dst(%dma_wait3A_592 : memref<640x32xf32, #tpu.memory_space<vmem_shared>>)
      tpu.yield
    }) : () -> ()
    %mul3A_9 = arith.constant 20 : i32
    %mul3A_10 = arith.muli %add3A, %mul3A_9 : i32
    %run_scoped3A = arith.constant 0 : i32
    "tpu.region"() ({
      %run_scoped3A_575 = tpu.sem_alloc : memref<!tpu.dma_semaphore, #tpu.memory_space<semaphore_mem>>
      %dma_start3A_576 = arith.constant 0 : i32
      %dma_start3A_577 = tpu.memref_slice %arg3[%run_scoped3A, %mul3A_10, %dma_start3A_576] : memref<2x640x500xi32, #tpu.memory_space<hbm>> -> memref<1x20x500xi32, #tpu.memory_space<hbm>>
      %dma_start3A_578 = tpu.memref_squeeze %dma_start3A_577 : memref<1x20x500xi32, #tpu.memory_space<hbm>> -> memref<20x500xi32, #tpu.memory_space<hbm>>
      %dma_start3A_579 = arith.constant 0 : i32
      %dma_start3A_580 = tpu.memref_slice %arg3[%run_scoped3A, %mul3A_10, %dma_start3A_579] : memref<2x640x500xi32, #tpu.memory_space<hbm>> -> memref<1x20x500xi32, #tpu.memory_space<hbm>>
      %dma_start3A_581 = tpu.memref_squeeze %dma_start3A_580 : memref<1x20x500xi32, #tpu.memory_space<hbm>> -> memref<20x500xi32, #tpu.memory_space<hbm>>
      tpu.enqueue_dma source(%dma_start3A_581 : memref<20x500xi32, #tpu.memory_space<hbm>>) target(%arg5 : memref<20x500xi32, #tpu.memory_space<vmem>>) target_semaphore(%run_scoped3A_575 : memref<!tpu.dma_semaphore, #tpu.memory_space<semaphore_mem>>)
      %dma_wait3A_582 = arith.constant 0 : i32
      %dma_wait3A_583 = tpu.memref_slice %arg3[%run_scoped3A, %mul3A_10, %dma_wait3A_582] : memref<2x640x500xi32, #tpu.memory_space<hbm>> -> memref<1x20x500xi32, #tpu.memory_space<hbm>>
      %dma_wait3A_584 = tpu.memref_squeeze %dma_wait3A_583 : memref<1x20x500xi32, #tpu.memory_space<hbm>> -> memref<20x500xi32, #tpu.memory_space<hbm>>
      %dma_wait3A_585 = arith.constant 0 : i32
      %dma_wait3A_586 = tpu.memref_slice %arg3[%run_scoped3A, %mul3A_10, %dma_wait3A_585] : memref<2x640x500xi32, #tpu.memory_space<hbm>> -> memref<1x20x500xi32, #tpu.memory_space<hbm>>
      %dma_wait3A_587 = tpu.memref_squeeze %dma_wait3A_586 : memref<1x20x500xi32, #tpu.memory_space<hbm>> -> memref<20x500xi32, #tpu.memory_space<hbm>>
      tpu.wait_dma2 semaphore(%run_scoped3A_575 : memref<!tpu.dma_semaphore, #tpu.memory_space<semaphore_mem>>) src(%dma_wait3A_587 : memref<20x500xi32, #tpu.memory_space<hbm>>) dst(%arg5 : memref<20x500xi32, #tpu.memory_space<vmem>>)
      tpu.yield
    }) : () -> ()
    %run_scoped3A_11 = arith.constant 1 : i32
    "tpu.region"() ({
      %run_scoped3A_575 = tpu.sem_alloc : memref<!tpu.dma_semaphore, #tpu.memory_space<semaphore_mem>>
      %dma_start3A_576 = arith.constant 0 : i32
      %dma_start3A_577 = tpu.memref_slice %arg3[%run_scoped3A_11, %mul3A_10, %dma_start3A_576] : memref<2x640x500xi32, #tpu.memory_space<hbm>> -> memref<1x20x500xi32, #tpu.memory_space<hbm>>
      %dma_start3A_578 = tpu.memref_squeeze %dma_start3A_577 : memref<1x20x500xi32, #tpu.memory_space<hbm>> -> memref<20x500xi32, #tpu.memory_space<hbm>>
      %dma_start3A_579 = arith.constant 0 : i32
      %dma_start3A_580 = tpu.memref_slice %arg3[%run_scoped3A_11, %mul3A_10, %dma_start3A_579] : memref<2x640x500xi32, #tpu.memory_space<hbm>> -> memref<1x20x500xi32, #tpu.memory_space<hbm>>
      %dma_start3A_581 = tpu.memref_squeeze %dma_start3A_580 : memref<1x20x500xi32, #tpu.memory_space<hbm>> -> memref<20x500xi32, #tpu.memory_space<hbm>>
      tpu.enqueue_dma source(%dma_start3A_581 : memref<20x500xi32, #tpu.memory_space<hbm>>) target(%arg6 : memref<20x500xi32, #tpu.memory_space<vmem>>) target_semaphore(%run_scoped3A_575 : memref<!tpu.dma_semaphore, #tpu.memory_space<semaphore_mem>>)
      %dma_wait3A_582 = arith.constant 0 : i32
      %dma_wait3A_583 = tpu.memref_slice %arg3[%run_scoped3A_11, %mul3A_10, %dma_wait3A_582] : memref<2x640x500xi32, #tpu.memory_space<hbm>> -> memref<1x20x500xi32, #tpu.memory_space<hbm>>
      %dma_wait3A_584 = tpu.memref_squeeze %dma_wait3A_583 : memref<1x20x500xi32, #tpu.memory_space<hbm>> -> memref<20x500xi32, #tpu.memory_space<hbm>>
      %dma_wait3A_585 = arith.constant 0 : i32
      %dma_wait3A_586 = tpu.memref_slice %arg3[%run_scoped3A_11, %mul3A_10, %dma_wait3A_585] : memref<2x640x500xi32, #tpu.memory_space<hbm>> -> memref<1x20x500xi32, #tpu.memory_space<hbm>>
      %dma_wait3A_587 = tpu.memref_squeeze %dma_wait3A_586 : memref<1x20x500xi32, #tpu.memory_space<hbm>> -> memref<20x500xi32, #tpu.memory_space<hbm>>
      tpu.wait_dma2 semaphore(%run_scoped3A_575 : memref<!tpu.dma_semaphore, #tpu.memory_space<semaphore_mem>>) src(%dma_wait3A_587 : memref<20x500xi32, #tpu.memory_space<hbm>>) dst(%arg6 : memref<20x500xi32, #tpu.memory_space<vmem>>)
      tpu.yield
    }) : () -> ()
    %barrier3A = arith.constant 0 : index
    tpu.barrier barrier_id(%barrier3A)
    %dma_start3A = arith.constant 0 : i32
    %dma_start3A_12 = arith.constant 0 : i32
    %dma_start3A_13 = tpu.memref_slice %arg5[%dma_start3A, %dma_start3A_12] : memref<20x500xi32, #tpu.memory_space<vmem>> -> memref<1x500xi32, #tpu.memory_space<vmem>>
    %dma_start3A_14 = tpu.memref_squeeze %dma_start3A_13 : memref<1x500xi32, #tpu.memory_space<vmem>> -> memref<500xi32, #tpu.memory_space<vmem>>
    %dma_start3A_15 = arith.constant 0 : i32
    %dma_start3A_16 = arith.constant 0 : i32
    %dma_start3A_17 = tpu.memref_slice %arg2[%dma_start3A_15, %dma_start3A_16] : memref<10000x32xf32, #tpu.memory_space<hbm>> -> memref<10000x32xf32, #tpu.memory_space<hbm>>
    tpu.enqueue_indirect_dma source(%dma_start3A_17 : memref<10000x32xf32, #tpu.memory_space<hbm>>) target(%arg7 : memref<500x32xf32, #tpu.memory_space<vmem>>) offsets(%dma_start3A_14 : memref<500xi32, #tpu.memory_space<vmem>>) semaphore(%arg11 : memref<!tpu.dma_semaphore, #tpu.memory_space<semaphore_mem>>)
    %dma_start3A_18 = arith.constant 1 : i32
    %dma_start3A_19 = arith.constant 0 : i32
    %dma_start3A_20 = tpu.memref_slice %arg5[%dma_start3A_18, %dma_start3A_19] : memref<20x500xi32, #tpu.memory_space<vmem>> -> memref<1x500xi32, #tpu.memory_space<vmem>>
    %dma_start3A_21 = tpu.memref_squeeze %dma_start3A_20 : memref<1x500xi32, #tpu.memory_space<vmem>> -> memref<500xi32, #tpu.memory_space<vmem>>
    %dma_start3A_22 = arith.constant 0 : i32
    %dma_start3A_23 = arith.constant 0 : i32
    %dma_start3A_24 = tpu.memref_slice %arg2[%dma_start3A_22, %dma_start3A_23] : memref<10000x32xf32, #tpu.memory_space<hbm>> -> memref<10000x32xf32, #tpu.memory_space<hbm>>
    tpu.enqueue_indirect_dma source(%dma_start3A_24 : memref<10000x32xf32, #tpu.memory_space<hbm>>) target(%arg8 : memref<500x32xf32, #tpu.memory_space<vmem>>) offsets(%dma_start3A_21 : memref<500xi32, #tpu.memory_space<vmem>>) semaphore(%arg11 : memref<!tpu.dma_semaphore, #tpu.memory_space<semaphore_mem>>)
    %dma_wait3A = arith.constant 0 : i32
    %dma_wait3A_25 = arith.constant 0 : i32
    %dma_wait3A_26 = tpu.memref_slice %arg5[%dma_wait3A, %dma_wait3A_25] : memref<20x500xi32, #tpu.memory_space<vmem>> -> memref<1x500xi32, #tpu.memory_space<vmem>>
    %dma_wait3A_27 = tpu.memref_squeeze %dma_wait3A_26 : memref<1x500xi32, #tpu.memory_space<vmem>> -> memref<500xi32, #tpu.memory_space<vmem>>
    %dma_wait3A_28 = arith.constant 0 : i32
    %dma_wait3A_29 = arith.constant 0 : i32
    %dma_wait3A_30 = tpu.memref_slice %arg2[%dma_wait3A_28, %dma_wait3A_29] : memref<10000x32xf32, #tpu.memory_space<hbm>> -> memref<10000x32xf32, #tpu.memory_space<hbm>>
    tpu.wait_indirect_dma semaphore(%arg11 : memref<!tpu.dma_semaphore, #tpu.memory_space<semaphore_mem>>) src(%dma_wait3A_30 : memref<10000x32xf32, #tpu.memory_space<hbm>>) dst(%arg7 : memref<500x32xf32, #tpu.memory_space<vmem>>)
    %dma_start3A_31 = arith.constant 0 : i32
    %dma_start3A_32 = arith.constant 0 : i32
    %dma_start3A_33 = tpu.memref_slice %arg6[%dma_start3A_31, %dma_start3A_32] : memref<20x500xi32, #tpu.memory_space<vmem>> -> memref<1x500xi32, #tpu.memory_space<vmem>>
    %dma_start3A_34 = tpu.memref_squeeze %dma_start3A_33 : memref<1x500xi32, #tpu.memory_space<vmem>> -> memref<500xi32, #tpu.memory_space<vmem>>
    %dma_start3A_35 = arith.constant 0 : i32
    %dma_start3A_36 = arith.constant 0 : i32
    %dma_start3A_37 = tpu.memref_slice %arg10[%dma_start3A_35, %dma_start3A_36] : memref<10240x32xf32, #tpu.memory_space<vmem_shared>> -> memref<10240x32xf32, #tpu.memory_space<vmem_shared>>
    tpu.enqueue_indirect_dma source(%arg7 : memref<500x32xf32, #tpu.memory_space<vmem>>) target(%dma_start3A_37 : memref<10240x32xf32, #tpu.memory_space<vmem_shared>>) offsets(%dma_start3A_34 : memref<500xi32, #tpu.memory_space<vmem>>) semaphore(%arg12 : memref<!tpu.dma_semaphore, #tpu.memory_space<semaphore_mem>>) {add = true}
    %dma_start3A_38 = arith.constant 2 : i32
    %dma_start3A_39 = arith.constant 0 : i32
    %dma_start3A_40 = tpu.memref_slice %arg5[%dma_start3A_38, %dma_start3A_39] : memref<20x500xi32, #tpu.memory_space<vmem>> -> memref<1x500xi32, #tpu.memory_space<vmem>>
    %dma_start3A_41 = tpu.memref_squeeze %dma_start3A_40 : memref<1x500xi32, #tpu.memory_space<vmem>> -> memref<500xi32, #tpu.memory_space<vmem>>
    %dma_start3A_42 = arith.constant 0 : i32
    %dma_start3A_43 = arith.constant 0 : i32
    %dma_start3A_44 = tpu.memref_slice %arg2[%dma_start3A_42, %dma_start3A_43] : memref<10000x32xf32, #tpu.memory_space<hbm>> -> memref<10000x32xf32, #tpu.memory_space<hbm>>
    tpu.enqueue_indirect_dma source(%dma_start3A_44 : memref<10000x32xf32, #tpu.memory_space<hbm>>) target(%arg9 : memref<500x32xf32, #tpu.memory_space<vmem>>) offsets(%dma_start3A_41 : memref<500xi32, #tpu.memory_space<vmem>>) semaphore(%arg11 : memref<!tpu.dma_semaphore, #tpu.memory_space<semaphore_mem>>)
    %dma_wait3A_45 = arith.constant 1 : i32
    %dma_wait3A_46 = arith.constant 0 : i32
    %dma_wait3A_47 = tpu.memref_slice %arg5[%dma_wait3A_45, %dma_wait3A_46] : memref<20x500xi32, #tpu.memory_space<vmem>> -> memref<1x500xi32, #tpu.memory_space<vmem>>
    %dma_wait3A_48 = tpu.memref_squeeze %dma_wait3A_47 : memref<1x500xi32, #tpu.memory_space<vmem>> -> memref<500xi32, #tpu.memory_space<vmem>>
    %dma_wait3A_49 = arith.constant 0 : i32
    %dma_wait3A_50 = arith.constant 0 : i32
    %dma_wait3A_51 = tpu.memref_slice %arg2[%dma_wait3A_49, %dma_wait3A_50] : memref<10000x32xf32, #tpu.memory_space<hbm>> -> memref<10000x32xf32, #tpu.memory_space<hbm>>
    tpu.wait_indirect_dma semaphore(%arg11 : memref<!tpu.dma_semaphore, #tpu.memory_space<semaphore_mem>>) src(%dma_wait3A_51 : memref<10000x32xf32, #tpu.memory_space<hbm>>) dst(%arg8 : memref<500x32xf32, #tpu.memory_space<vmem>>)
    %dma_start3A_52 = arith.constant 1 : i32
    %dma_start3A_53 = arith.constant 0 : i32
    %dma_start3A_54 = tpu.memref_slice %arg6[%dma_start3A_52, %dma_start3A_53] : memref<20x500xi32, #tpu.memory_space<vmem>> -> memref<1x500xi32, #tpu.memory_space<vmem>>
    %dma_start3A_55 = tpu.memref_squeeze %dma_start3A_54 : memref<1x500xi32, #tpu.memory_space<vmem>> -> memref<500xi32, #tpu.memory_space<vmem>>
    %dma_start3A_56 = arith.constant 0 : i32
    %dma_start3A_57 = arith.constant 0 : i32
    %dma_start3A_58 = tpu.memref_slice %arg10[%dma_start3A_56, %dma_start3A_57] : memref<10240x32xf32, #tpu.memory_space<vmem_shared>> -> memref<10240x32xf32, #tpu.memory_space<vmem_shared>>
    tpu.enqueue_indirect_dma source(%arg8 : memref<500x32xf32, #tpu.memory_space<vmem>>) target(%dma_start3A_58 : memref<10240x32xf32, #tpu.memory_space<vmem_shared>>) offsets(%dma_start3A_55 : memref<500xi32, #tpu.memory_space<vmem>>) semaphore(%arg12 : memref<!tpu.dma_semaphore, #tpu.memory_space<semaphore_mem>>) {add = true}
    %dma_wait3A_59 = arith.constant 0 : i32
    %dma_wait3A_60 = arith.constant 0 : i32
    %dma_wait3A_61 = tpu.memref_slice %arg6[%dma_wait3A_59, %dma_wait3A_60] : memref<20x500xi32, #tpu.memory_space<vmem>> -> memref<1x500xi32, #tpu.memory_space<vmem>>
    %dma_wait3A_62 = tpu.memref_squeeze %dma_wait3A_61 : memref<1x500xi32, #tpu.memory_space<vmem>> -> memref<500xi32, #tpu.memory_space<vmem>>
    %dma_wait3A_63 = arith.constant 0 : i32
    %dma_wait3A_64 = arith.constant 0 : i32
    %dma_wait3A_65 = tpu.memref_slice %arg10[%dma_wait3A_63, %dma_wait3A_64] : memref<10240x32xf32, #tpu.memory_space<vmem_shared>> -> memref<10240x32xf32, #tpu.memory_space<vmem_shared>>
    tpu.wait_indirect_dma semaphore(%arg12 : memref<!tpu.dma_semaphore, #tpu.memory_space<semaphore_mem>>) src(%arg7 : memref<500x32xf32, #tpu.memory_space<vmem>>) dst(%dma_wait3A_65 : memref<10240x32xf32, #tpu.memory_space<vmem_shared>>)
    %dma_start3A_66 = arith.constant 3 : i32
    %dma_start3A_67 = arith.constant 0 : i32
    %dma_start3A_68 = tpu.memref_slice %arg5[%dma_start3A_66, %dma_start3A_67] : memref<20x500xi32, #tpu.memory_space<vmem>> -> memref<1x500xi32, #tpu.memory_space<vmem>>
    %dma_start3A_69 = tpu.memref_squeeze %dma_start3A_68 : memref<1x500xi32, #tpu.memory_space<vmem>> -> memref<500xi32, #tpu.memory_space<vmem>>
    %dma_start3A_70 = arith.constant 0 : i32
    %dma_start3A_71 = arith.constant 0 : i32
    %dma_start3A_72 = tpu.memref_slice %arg2[%dma_start3A_70, %dma_start3A_71] : memref<10000x32xf32, #tpu.memory_space<hbm>> -> memref<10000x32xf32, #tpu.memory_space<hbm>>
    tpu.enqueue_indirect_dma source(%dma_start3A_72 : memref<10000x32xf32, #tpu.memory_space<hbm>>) target(%arg7 : memref<500x32xf32, #tpu.memory_space<vmem>>) offsets(%dma_start3A_69 : memref<500xi32, #tpu.memory_space<vmem>>) semaphore(%arg11 : memref<!tpu.dma_semaphore, #tpu.memory_space<semaphore_mem>>)
    %dma_wait3A_73 = arith.constant 2 : i32
    %dma_wait3A_74 = arith.constant 0 : i32
    %dma_wait3A_75 = tpu.memref_slice %arg5[%dma_wait3A_73, %dma_wait3A_74] : memref<20x500xi32, #tpu.memory_space<vmem>> -> memref<1x500xi32, #tpu.memory_space<vmem>>
    %dma_wait3A_76 = tpu.memref_squeeze %dma_wait3A_75 : memref<1x500xi32, #tpu.memory_space<vmem>> -> memref<500xi32, #tpu.memory_space<vmem>>
    %dma_wait3A_77 = arith.constant 0 : i32
    %dma_wait3A_78 = arith.constant 0 : i32
    %dma_wait3A_79 = tpu.memref_slice %arg2[%dma_wait3A_77, %dma_wait3A_78] : memref<10000x32xf32, #tpu.memory_space<hbm>> -> memref<10000x32xf32, #tpu.memory_space<hbm>>
    tpu.wait_indirect_dma semaphore(%arg11 : memref<!tpu.dma_semaphore, #tpu.memory_space<semaphore_mem>>) src(%dma_wait3A_79 : memref<10000x32xf32, #tpu.memory_space<hbm>>) dst(%arg9 : memref<500x32xf32, #tpu.memory_space<vmem>>)
    %dma_start3A_80 = arith.constant 2 : i32
    %dma_start3A_81 = arith.constant 0 : i32
    %dma_start3A_82 = tpu.memref_slice %arg6[%dma_start3A_80, %dma_start3A_81] : memref<20x500xi32, #tpu.memory_space<vmem>> -> memref<1x500xi32, #tpu.memory_space<vmem>>
    %dma_start3A_83 = tpu.memref_squeeze %dma_start3A_82 : memref<1x500xi32, #tpu.memory_space<vmem>> -> memref<500xi32, #tpu.memory_space<vmem>>
    %dma_start3A_84 = arith.constant 0 : i32
    %dma_start3A_85 = arith.constant 0 : i32
    %dma_start3A_86 = tpu.memref_slice %arg10[%dma_start3A_84, %dma_start3A_85] : memref<10240x32xf32, #tpu.memory_space<vmem_shared>> -> memref<10240x32xf32, #tpu.memory_space<vmem_shared>>
    tpu.enqueue_indirect_dma source(%arg9 : memref<500x32xf32, #tpu.memory_space<vmem>>) target(%dma_start3A_86 : memref<10240x32xf32, #tpu.memory_space<vmem_shared>>) offsets(%dma_start3A_83 : memref<500xi32, #tpu.memory_space<vmem>>) semaphore(%arg12 : memref<!tpu.dma_semaphore, #tpu.memory_space<semaphore_mem>>) {add = true}
    %dma_wait3A_87 = arith.constant 1 : i32
    %dma_wait3A_88 = arith.constant 0 : i32
    %dma_wait3A_89 = tpu.memref_slice %arg6[%dma_wait3A_87, %dma_wait3A_88] : memref<20x500xi32, #tpu.memory_space<vmem>> -> memref<1x500xi32, #tpu.memory_space<vmem>>
    %dma_wait3A_90 = tpu.memref_squeeze %dma_wait3A_89 : memref<1x500xi32, #tpu.memory_space<vmem>> -> memref<500xi32, #tpu.memory_space<vmem>>
    %dma_wait3A_91 = arith.constant 0 : i32
    %dma_wait3A_92 = arith.constant 0 : i32
    %dma_wait3A_93 = tpu.memref_slice %arg10[%dma_wait3A_91, %dma_wait3A_92] : memref<10240x32xf32, #tpu.memory_space<vmem_shared>> -> memref<10240x32xf32, #tpu.memory_space<vmem_shared>>
    tpu.wait_indirect_dma semaphore(%arg12 : memref<!tpu.dma_semaphore, #tpu.memory_space<semaphore_mem>>) src(%arg8 : memref<500x32xf32, #tpu.memory_space<vmem>>) dst(%dma_wait3A_93 : memref<10240x32xf32, #tpu.memory_space<vmem_shared>>)
    %dma_start3A_94 = arith.constant 4 : i32
    %dma_start3A_95 = arith.constant 0 : i32
    %dma_start3A_96 = tpu.memref_slice %arg5[%dma_start3A_94, %dma_start3A_95] : memref<20x500xi32, #tpu.memory_space<vmem>> -> memref<1x500xi32, #tpu.memory_space<vmem>>
    %dma_start3A_97 = tpu.memref_squeeze %dma_start3A_96 : memref<1x500xi32, #tpu.memory_space<vmem>> -> memref<500xi32, #tpu.memory_space<vmem>>
    %dma_start3A_98 = arith.constant 0 : i32
    %dma_start3A_99 = arith.constant 0 : i32
    %dma_start3A_100 = tpu.memref_slice %arg2[%dma_start3A_98, %dma_start3A_99] : memref<10000x32xf32, #tpu.memory_space<hbm>> -> memref<10000x32xf32, #tpu.memory_space<hbm>>
    tpu.enqueue_indirect_dma source(%dma_start3A_100 : memref<10000x32xf32, #tpu.memory_space<hbm>>) target(%arg8 : memref<500x32xf32, #tpu.memory_space<vmem>>) offsets(%dma_start3A_97 : memref<500xi32, #tpu.memory_space<vmem>>) semaphore(%arg11 : memref<!tpu.dma_semaphore, #tpu.memory_space<semaphore_mem>>)
    %dma_wait3A_101 = arith.constant 3 : i32
    %dma_wait3A_102 = arith.constant 0 : i32
    %dma_wait3A_103 = tpu.memref_slice %arg5[%dma_wait3A_101, %dma_wait3A_102] : memref<20x500xi32, #tpu.memory_space<vmem>> -> memref<1x500xi32, #tpu.memory_space<vmem>>
    %dma_wait3A_104 = tpu.memref_squeeze %dma_wait3A_103 : memref<1x500xi32, #tpu.memory_space<vmem>> -> memref<500xi32, #tpu.memory_space<vmem>>
    %dma_wait3A_105 = arith.constant 0 : i32
    %dma_wait3A_106 = arith.constant 0 : i32
    %dma_wait3A_107 = tpu.memref_slice %arg2[%dma_wait3A_105, %dma_wait3A_106] : memref<10000x32xf32, #tpu.memory_space<hbm>> -> memref<10000x32xf32, #tpu.memory_space<hbm>>
    tpu.wait_indirect_dma semaphore(%arg11 : memref<!tpu.dma_semaphore, #tpu.memory_space<semaphore_mem>>) src(%dma_wait3A_107 : memref<10000x32xf32, #tpu.memory_space<hbm>>) dst(%arg7 : memref<500x32xf32, #tpu.memory_space<vmem>>)
    %dma_start3A_108 = arith.constant 3 : i32
    %dma_start3A_109 = arith.constant 0 : i32
    %dma_start3A_110 = tpu.memref_slice %arg6[%dma_start3A_108, %dma_start3A_109] : memref<20x500xi32, #tpu.memory_space<vmem>> -> memref<1x500xi32, #tpu.memory_space<vmem>>
    %dma_start3A_111 = tpu.memref_squeeze %dma_start3A_110 : memref<1x500xi32, #tpu.memory_space<vmem>> -> memref<500xi32, #tpu.memory_space<vmem>>
    %dma_start3A_112 = arith.constant 0 : i32
    %dma_start3A_113 = arith.constant 0 : i32
    %dma_start3A_114 = tpu.memref_slice %arg10[%dma_start3A_112, %dma_start3A_113] : memref<10240x32xf32, #tpu.memory_space<vmem_shared>> -> memref<10240x32xf32, #tpu.memory_space<vmem_shared>>
    tpu.enqueue_indirect_dma source(%arg7 : memref<500x32xf32, #tpu.memory_space<vmem>>) target(%dma_start3A_114 : memref<10240x32xf32, #tpu.memory_space<vmem_shared>>) offsets(%dma_start3A_111 : memref<500xi32, #tpu.memory_space<vmem>>) semaphore(%arg12 : memref<!tpu.dma_semaphore, #tpu.memory_space<semaphore_mem>>) {add = true}
    %dma_wait3A_115 = arith.constant 2 : i32
    %dma_wait3A_116 = arith.constant 0 : i32
    %dma_wait3A_117 = tpu.memref_slice %arg6[%dma_wait3A_115, %dma_wait3A_116] : memref<20x500xi32, #tpu.memory_space<vmem>> -> memref<1x500xi32, #tpu.memory_space<vmem>>
    %dma_wait3A_118 = tpu.memref_squeeze %dma_wait3A_117 : memref<1x500xi32, #tpu.memory_space<vmem>> -> memref<500xi32, #tpu.memory_space<vmem>>
    %dma_wait3A_119 = arith.constant 0 : i32
    %dma_wait3A_120 = arith.constant 0 : i32
    %dma_wait3A_121 = tpu.memref_slice %arg10[%dma_wait3A_119, %dma_wait3A_120] : memref<10240x32xf32, #tpu.memory_space<vmem_shared>> -> memref<10240x32xf32, #tpu.memory_space<vmem_shared>>
    tpu.wait_indirect_dma semaphore(%arg12 : memref<!tpu.dma_semaphore, #tpu.memory_space<semaphore_mem>>) src(%arg9 : memref<500x32xf32, #tpu.memory_space<vmem>>) dst(%dma_wait3A_121 : memref<10240x32xf32, #tpu.memory_space<vmem_shared>>)
    %dma_start3A_122 = arith.constant 5 : i32
    %dma_start3A_123 = arith.constant 0 : i32
    %dma_start3A_124 = tpu.memref_slice %arg5[%dma_start3A_122, %dma_start3A_123] : memref<20x500xi32, #tpu.memory_space<vmem>> -> memref<1x500xi32, #tpu.memory_space<vmem>>
    %dma_start3A_125 = tpu.memref_squeeze %dma_start3A_124 : memref<1x500xi32, #tpu.memory_space<vmem>> -> memref<500xi32, #tpu.memory_space<vmem>>
    %dma_start3A_126 = arith.constant 0 : i32
    %dma_start3A_127 = arith.constant 0 : i32
    %dma_start3A_128 = tpu.memref_slice %arg2[%dma_start3A_126, %dma_start3A_127] : memref<10000x32xf32, #tpu.memory_space<hbm>> -> memref<10000x32xf32, #tpu.memory_space<hbm>>
    tpu.enqueue_indirect_dma source(%dma_start3A_128 : memref<10000x32xf32, #tpu.memory_space<hbm>>) target(%arg9 : memref<500x32xf32, #tpu.memory_space<vmem>>) offsets(%dma_start3A_125 : memref<500xi32, #tpu.memory_space<vmem>>) semaphore(%arg11 : memref<!tpu.dma_semaphore, #tpu.memory_space<semaphore_mem>>)
    %dma_wait3A_129 = arith.constant 4 : i32
    %dma_wait3A_130 = arith.constant 0 : i32
    %dma_wait3A_131 = tpu.memref_slice %arg5[%dma_wait3A_129, %dma_wait3A_130] : memref<20x500xi32, #tpu.memory_space<vmem>> -> memref<1x500xi32, #tpu.memory_space<vmem>>
    %dma_wait3A_132 = tpu.memref_squeeze %dma_wait3A_131 : memref<1x500xi32, #tpu.memory_space<vmem>> -> memref<500xi32, #tpu.memory_space<vmem>>
    %dma_wait3A_133 = arith.constant 0 : i32
    %dma_wait3A_134 = arith.constant 0 : i32
    %dma_wait3A_135 = tpu.memref_slice %arg2[%dma_wait3A_133, %dma_wait3A_134] : memref<10000x32xf32, #tpu.memory_space<hbm>> -> memref<10000x32xf32, #tpu.memory_space<hbm>>
    tpu.wait_indirect_dma semaphore(%arg11 : memref<!tpu.dma_semaphore, #tpu.memory_space<semaphore_mem>>) src(%dma_wait3A_135 : memref<10000x32xf32, #tpu.memory_space<hbm>>) dst(%arg8 : memref<500x32xf32, #tpu.memory_space<vmem>>)
    %dma_start3A_136 = arith.constant 4 : i32
    %dma_start3A_137 = arith.constant 0 : i32
    %dma_start3A_138 = tpu.memref_slice %arg6[%dma_start3A_136, %dma_start3A_137] : memref<20x500xi32, #tpu.memory_space<vmem>> -> memref<1x500xi32, #tpu.memory_space<vmem>>
    %dma_start3A_139 = tpu.memref_squeeze %dma_start3A_138 : memref<1x500xi32, #tpu.memory_space<vmem>> -> memref<500xi32, #tpu.memory_space<vmem>>
    %dma_start3A_140 = arith.constant 0 : i32
    %dma_start3A_141 = arith.constant 0 : i32
    %dma_start3A_142 = tpu.memref_slice %arg10[%dma_start3A_140, %dma_start3A_141] : memref<10240x32xf32, #tpu.memory_space<vmem_shared>> -> memref<10240x32xf32, #tpu.memory_space<vmem_shared>>
    tpu.enqueue_indirect_dma source(%arg8 : memref<500x32xf32, #tpu.memory_space<vmem>>) target(%dma_start3A_142 : memref<10240x32xf32, #tpu.memory_space<vmem_shared>>) offsets(%dma_start3A_139 : memref<500xi32, #tpu.memory_space<vmem>>) semaphore(%arg12 : memref<!tpu.dma_semaphore, #tpu.memory_space<semaphore_mem>>) {add = true}
    %dma_wait3A_143 = arith.constant 3 : i32
    %dma_wait3A_144 = arith.constant 0 : i32
    %dma_wait3A_145 = tpu.memref_slice %arg6[%dma_wait3A_143, %dma_wait3A_144] : memref<20x500xi32, #tpu.memory_space<vmem>> -> memref<1x500xi32, #tpu.memory_space<vmem>>
    %dma_wait3A_146 = tpu.memref_squeeze %dma_wait3A_145 : memref<1x500xi32, #tpu.memory_space<vmem>> -> memref<500xi32, #tpu.memory_space<vmem>>
    %dma_wait3A_147 = arith.constant 0 : i32
    %dma_wait3A_148 = arith.constant 0 : i32
    %dma_wait3A_149 = tpu.memref_slice %arg10[%dma_wait3A_147, %dma_wait3A_148] : memref<10240x32xf32, #tpu.memory_space<vmem_shared>> -> memref<10240x32xf32, #tpu.memory_space<vmem_shared>>
    tpu.wait_indirect_dma semaphore(%arg12 : memref<!tpu.dma_semaphore, #tpu.memory_space<semaphore_mem>>) src(%arg7 : memref<500x32xf32, #tpu.memory_space<vmem>>) dst(%dma_wait3A_149 : memref<10240x32xf32, #tpu.memory_space<vmem_shared>>)
    %dma_start3A_150 = arith.constant 6 : i32
    %dma_start3A_151 = arith.constant 0 : i32
    %dma_start3A_152 = tpu.memref_slice %arg5[%dma_start3A_150, %dma_start3A_151] : memref<20x500xi32, #tpu.memory_space<vmem>> -> memref<1x500xi32, #tpu.memory_space<vmem>>
    %dma_start3A_153 = tpu.memref_squeeze %dma_start3A_152 : memref<1x500xi32, #tpu.memory_space<vmem>> -> memref<500xi32, #tpu.memory_space<vmem>>
    %dma_start3A_154 = arith.constant 0 : i32
    %dma_start3A_155 = arith.constant 0 : i32
    %dma_start3A_156 = tpu.memref_slice %arg2[%dma_start3A_154, %dma_start3A_155] : memref<10000x32xf32, #tpu.memory_space<hbm>> -> memref<10000x32xf32, #tpu.memory_space<hbm>>
    tpu.enqueue_indirect_dma source(%dma_start3A_156 : memref<10000x32xf32, #tpu.memory_space<hbm>>) target(%arg7 : memref<500x32xf32, #tpu.memory_space<vmem>>) offsets(%dma_start3A_153 : memref<500xi32, #tpu.memory_space<vmem>>) semaphore(%arg11 : memref<!tpu.dma_semaphore, #tpu.memory_space<semaphore_mem>>)
    %dma_wait3A_157 = arith.constant 5 : i32
    %dma_wait3A_158 = arith.constant 0 : i32
    %dma_wait3A_159 = tpu.memref_slice %arg5[%dma_wait3A_157, %dma_wait3A_158] : memref<20x500xi32, #tpu.memory_space<vmem>> -> memref<1x500xi32, #tpu.memory_space<vmem>>
    %dma_wait3A_160 = tpu.memref_squeeze %dma_wait3A_159 : memref<1x500xi32, #tpu.memory_space<vmem>> -> memref<500xi32, #tpu.memory_space<vmem>>
    %dma_wait3A_161 = arith.constant 0 : i32
    %dma_wait3A_162 = arith.constant 0 : i32
    %dma_wait3A_163 = tpu.memref_slice %arg2[%dma_wait3A_161, %dma_wait3A_162] : memref<10000x32xf32, #tpu.memory_space<hbm>> -> memref<10000x32xf32, #tpu.memory_space<hbm>>
    tpu.wait_indirect_dma semaphore(%arg11 : memref<!tpu.dma_semaphore, #tpu.memory_space<semaphore_mem>>) src(%dma_wait3A_163 : memref<10000x32xf32, #tpu.memory_space<hbm>>) dst(%arg9 : memref<500x32xf32, #tpu.memory_space<vmem>>)
    %dma_start3A_164 = arith.constant 5 : i32
    %dma_start3A_165 = arith.constant 0 : i32
    %dma_start3A_166 = tpu.memref_slice %arg6[%dma_start3A_164, %dma_start3A_165] : memref<20x500xi32, #tpu.memory_space<vmem>> -> memref<1x500xi32, #tpu.memory_space<vmem>>
    %dma_start3A_167 = tpu.memref_squeeze %dma_start3A_166 : memref<1x500xi32, #tpu.memory_space<vmem>> -> memref<500xi32, #tpu.memory_space<vmem>>
    %dma_start3A_168 = arith.constant 0 : i32
    %dma_start3A_169 = arith.constant 0 : i32
    %dma_start3A_170 = tpu.memref_slice %arg10[%dma_start3A_168, %dma_start3A_169] : memref<10240x32xf32, #tpu.memory_space<vmem_shared>> -> memref<10240x32xf32, #tpu.memory_space<vmem_shared>>
    tpu.enqueue_indirect_dma source(%arg9 : memref<500x32xf32, #tpu.memory_space<vmem>>) target(%dma_start3A_170 : memref<10240x32xf32, #tpu.memory_space<vmem_shared>>) offsets(%dma_start3A_167 : memref<500xi32, #tpu.memory_space<vmem>>) semaphore(%arg12 : memref<!tpu.dma_semaphore, #tpu.memory_space<semaphore_mem>>) {add = true}
    %dma_wait3A_171 = arith.constant 4 : i32
    %dma_wait3A_172 = arith.constant 0 : i32
    %dma_wait3A_173 = tpu.memref_slice %arg6[%dma_wait3A_171, %dma_wait3A_172] : memref<20x500xi32, #tpu.memory_space<vmem>> -> memref<1x500xi32, #tpu.memory_space<vmem>>
    %dma_wait3A_174 = tpu.memref_squeeze %dma_wait3A_173 : memref<1x500xi32, #tpu.memory_space<vmem>> -> memref<500xi32, #tpu.memory_space<vmem>>
    %dma_wait3A_175 = arith.constant 0 : i32
    %dma_wait3A_176 = arith.constant 0 : i32
    %dma_wait3A_177 = tpu.memref_slice %arg10[%dma_wait3A_175, %dma_wait3A_176] : memref<10240x32xf32, #tpu.memory_space<vmem_shared>> -> memref<10240x32xf32, #tpu.memory_space<vmem_shared>>
    tpu.wait_indirect_dma semaphore(%arg12 : memref<!tpu.dma_semaphore, #tpu.memory_space<semaphore_mem>>) src(%arg8 : memref<500x32xf32, #tpu.memory_space<vmem>>) dst(%dma_wait3A_177 : memref<10240x32xf32, #tpu.memory_space<vmem_shared>>)
    %dma_start3A_178 = arith.constant 7 : i32
    %dma_start3A_179 = arith.constant 0 : i32
    %dma_start3A_180 = tpu.memref_slice %arg5[%dma_start3A_178, %dma_start3A_179] : memref<20x500xi32, #tpu.memory_space<vmem>> -> memref<1x500xi32, #tpu.memory_space<vmem>>
    %dma_start3A_181 = tpu.memref_squeeze %dma_start3A_180 : memref<1x500xi32, #tpu.memory_space<vmem>> -> memref<500xi32, #tpu.memory_space<vmem>>
    %dma_start3A_182 = arith.constant 0 : i32
    %dma_start3A_183 = arith.constant 0 : i32
    %dma_start3A_184 = tpu.memref_slice %arg2[%dma_start3A_182, %dma_start3A_183] : memref<10000x32xf32, #tpu.memory_space<hbm>> -> memref<10000x32xf32, #tpu.memory_space<hbm>>
    tpu.enqueue_indirect_dma source(%dma_start3A_184 : memref<10000x32xf32, #tpu.memory_space<hbm>>) target(%arg8 : memref<500x32xf32, #tpu.memory_space<vmem>>) offsets(%dma_start3A_181 : memref<500xi32, #tpu.memory_space<vmem>>) semaphore(%arg11 : memref<!tpu.dma_semaphore, #tpu.memory_space<semaphore_mem>>)
    %dma_wait3A_185 = arith.constant 6 : i32
    %dma_wait3A_186 = arith.constant 0 : i32
    %dma_wait3A_187 = tpu.memref_slice %arg5[%dma_wait3A_185, %dma_wait3A_186] : memref<20x500xi32, #tpu.memory_space<vmem>> -> memref<1x500xi32, #tpu.memory_space<vmem>>
    %dma_wait3A_188 = tpu.memref_squeeze %dma_wait3A_187 : memref<1x500xi32, #tpu.memory_space<vmem>> -> memref<500xi32, #tpu.memory_space<vmem>>
    %dma_wait3A_189 = arith.constant 0 : i32
    %dma_wait3A_190 = arith.constant 0 : i32
    %dma_wait3A_191 = tpu.memref_slice %arg2[%dma_wait3A_189, %dma_wait3A_190] : memref<10000x32xf32, #tpu.memory_space<hbm>> -> memref<10000x32xf32, #tpu.memory_space<hbm>>
    tpu.wait_indirect_dma semaphore(%arg11 : memref<!tpu.dma_semaphore, #tpu.memory_space<semaphore_mem>>) src(%dma_wait3A_191 : memref<10000x32xf32, #tpu.memory_space<hbm>>) dst(%arg7 : memref<500x32xf32, #tpu.memory_space<vmem>>)
    %dma_start3A_192 = arith.constant 6 : i32
    %dma_start3A_193 = arith.constant 0 : i32
    %dma_start3A_194 = tpu.memref_slice %arg6[%dma_start3A_192, %dma_start3A_193] : memref<20x500xi32, #tpu.memory_space<vmem>> -> memref<1x500xi32, #tpu.memory_space<vmem>>
    %dma_start3A_195 = tpu.memref_squeeze %dma_start3A_194 : memref<1x500xi32, #tpu.memory_space<vmem>> -> memref<500xi32, #tpu.memory_space<vmem>>
    %dma_start3A_196 = arith.constant 0 : i32
    %dma_start3A_197 = arith.constant 0 : i32
    %dma_start3A_198 = tpu.memref_slice %arg10[%dma_start3A_196, %dma_start3A_197] : memref<10240x32xf32, #tpu.memory_space<vmem_shared>> -> memref<10240x32xf32, #tpu.memory_space<vmem_shared>>
    tpu.enqueue_indirect_dma source(%arg7 : memref<500x32xf32, #tpu.memory_space<vmem>>) target(%dma_start3A_198 : memref<10240x32xf32, #tpu.memory_space<vmem_shared>>) offsets(%dma_start3A_195 : memref<500xi32, #tpu.memory_space<vmem>>) semaphore(%arg12 : memref<!tpu.dma_semaphore, #tpu.memory_space<semaphore_mem>>) {add = true}
    %dma_wait3A_199 = arith.constant 5 : i32
    %dma_wait3A_200 = arith.constant 0 : i32
    %dma_wait3A_201 = tpu.memref_slice %arg6[%dma_wait3A_199, %dma_wait3A_200] : memref<20x500xi32, #tpu.memory_space<vmem>> -> memref<1x500xi32, #tpu.memory_space<vmem>>
    %dma_wait3A_202 = tpu.memref_squeeze %dma_wait3A_201 : memref<1x500xi32, #tpu.memory_space<vmem>> -> memref<500xi32, #tpu.memory_space<vmem>>
    %dma_wait3A_203 = arith.constant 0 : i32
    %dma_wait3A_204 = arith.constant 0 : i32
    %dma_wait3A_205 = tpu.memref_slice %arg10[%dma_wait3A_203, %dma_wait3A_204] : memref<10240x32xf32, #tpu.memory_space<vmem_shared>> -> memref<10240x32xf32, #tpu.memory_space<vmem_shared>>
    tpu.wait_indirect_dma semaphore(%arg12 : memref<!tpu.dma_semaphore, #tpu.memory_space<semaphore_mem>>) src(%arg9 : memref<500x32xf32, #tpu.memory_space<vmem>>) dst(%dma_wait3A_205 : memref<10240x32xf32, #tpu.memory_space<vmem_shared>>)
    %dma_start3A_206 = arith.constant 8 : i32
    %dma_start3A_207 = arith.constant 0 : i32
    %dma_start3A_208 = tpu.memref_slice %arg5[%dma_start3A_206, %dma_start3A_207] : memref<20x500xi32, #tpu.memory_space<vmem>> -> memref<1x500xi32, #tpu.memory_space<vmem>>
    %dma_start3A_209 = tpu.memref_squeeze %dma_start3A_208 : memref<1x500xi32, #tpu.memory_space<vmem>> -> memref<500xi32, #tpu.memory_space<vmem>>
    %dma_start3A_210 = arith.constant 0 : i32
    %dma_start3A_211 = arith.constant 0 : i32
    %dma_start3A_212 = tpu.memref_slice %arg2[%dma_start3A_210, %dma_start3A_211] : memref<10000x32xf32, #tpu.memory_space<hbm>> -> memref<10000x32xf32, #tpu.memory_space<hbm>>
    tpu.enqueue_indirect_dma source(%dma_start3A_212 : memref<10000x32xf32, #tpu.memory_space<hbm>>) target(%arg9 : memref<500x32xf32, #tpu.memory_space<vmem>>) offsets(%dma_start3A_209 : memref<500xi32, #tpu.memory_space<vmem>>) semaphore(%arg11 : memref<!tpu.dma_semaphore, #tpu.memory_space<semaphore_mem>>)
    %dma_wait3A_213 = arith.constant 7 : i32
    %dma_wait3A_214 = arith.constant 0 : i32
    %dma_wait3A_215 = tpu.memref_slice %arg5[%dma_wait3A_213, %dma_wait3A_214] : memref<20x500xi32, #tpu.memory_space<vmem>> -> memref<1x500xi32, #tpu.memory_space<vmem>>
    %dma_wait3A_216 = tpu.memref_squeeze %dma_wait3A_215 : memref<1x500xi32, #tpu.memory_space<vmem>> -> memref<500xi32, #tpu.memory_space<vmem>>
    %dma_wait3A_217 = arith.constant 0 : i32
    %dma_wait3A_218 = arith.constant 0 : i32
    %dma_wait3A_219 = tpu.memref_slice %arg2[%dma_wait3A_217, %dma_wait3A_218] : memref<10000x32xf32, #tpu.memory_space<hbm>> -> memref<10000x32xf32, #tpu.memory_space<hbm>>
    tpu.wait_indirect_dma semaphore(%arg11 : memref<!tpu.dma_semaphore, #tpu.memory_space<semaphore_mem>>) src(%dma_wait3A_219 : memref<10000x32xf32, #tpu.memory_space<hbm>>) dst(%arg8 : memref<500x32xf32, #tpu.memory_space<vmem>>)
    %dma_start3A_220 = arith.constant 7 : i32
    %dma_start3A_221 = arith.constant 0 : i32
    %dma_start3A_222 = tpu.memref_slice %arg6[%dma_start3A_220, %dma_start3A_221] : memref<20x500xi32, #tpu.memory_space<vmem>> -> memref<1x500xi32, #tpu.memory_space<vmem>>
    %dma_start3A_223 = tpu.memref_squeeze %dma_start3A_222 : memref<1x500xi32, #tpu.memory_space<vmem>> -> memref<500xi32, #tpu.memory_space<vmem>>
    %dma_start3A_224 = arith.constant 0 : i32
    %dma_start3A_225 = arith.constant 0 : i32
    %dma_start3A_226 = tpu.memref_slice %arg10[%dma_start3A_224, %dma_start3A_225] : memref<10240x32xf32, #tpu.memory_space<vmem_shared>> -> memref<10240x32xf32, #tpu.memory_space<vmem_shared>>
    tpu.enqueue_indirect_dma source(%arg8 : memref<500x32xf32, #tpu.memory_space<vmem>>) target(%dma_start3A_226 : memref<10240x32xf32, #tpu.memory_space<vmem_shared>>) offsets(%dma_start3A_223 : memref<500xi32, #tpu.memory_space<vmem>>) semaphore(%arg12 : memref<!tpu.dma_semaphore, #tpu.memory_space<semaphore_mem>>) {add = true}
    %dma_wait3A_227 = arith.constant 6 : i32
    %dma_wait3A_228 = arith.constant 0 : i32
    %dma_wait3A_229 = tpu.memref_slice %arg6[%dma_wait3A_227, %dma_wait3A_228] : memref<20x500xi32, #tpu.memory_space<vmem>> -> memref<1x500xi32, #tpu.memory_space<vmem>>
    %dma_wait3A_230 = tpu.memref_squeeze %dma_wait3A_229 : memref<1x500xi32, #tpu.memory_space<vmem>> -> memref<500xi32, #tpu.memory_space<vmem>>
    %dma_wait3A_231 = arith.constant 0 : i32
    %dma_wait3A_232 = arith.constant 0 : i32
    %dma_wait3A_233 = tpu.memref_slice %arg10[%dma_wait3A_231, %dma_wait3A_232] : memref<10240x32xf32, #tpu.memory_space<vmem_shared>> -> memref<10240x32xf32, #tpu.memory_space<vmem_shared>>
    tpu.wait_indirect_dma semaphore(%arg12 : memref<!tpu.dma_semaphore, #tpu.memory_space<semaphore_mem>>) src(%arg7 : memref<500x32xf32, #tpu.memory_space<vmem>>) dst(%dma_wait3A_233 : memref<10240x32xf32, #tpu.memory_space<vmem_shared>>)
    %dma_start3A_234 = arith.constant 9 : i32
    %dma_start3A_235 = arith.constant 0 : i32
    %dma_start3A_236 = tpu.memref_slice %arg5[%dma_start3A_234, %dma_start3A_235] : memref<20x500xi32, #tpu.memory_space<vmem>> -> memref<1x500xi32, #tpu.memory_space<vmem>>
    %dma_start3A_237 = tpu.memref_squeeze %dma_start3A_236 : memref<1x500xi32, #tpu.memory_space<vmem>> -> memref<500xi32, #tpu.memory_space<vmem>>
    %dma_start3A_238 = arith.constant 0 : i32
    %dma_start3A_239 = arith.constant 0 : i32
    %dma_start3A_240 = tpu.memref_slice %arg2[%dma_start3A_238, %dma_start3A_239] : memref<10000x32xf32, #tpu.memory_space<hbm>> -> memref<10000x32xf32, #tpu.memory_space<hbm>>
    tpu.enqueue_indirect_dma source(%dma_start3A_240 : memref<10000x32xf32, #tpu.memory_space<hbm>>) target(%arg7 : memref<500x32xf32, #tpu.memory_space<vmem>>) offsets(%dma_start3A_237 : memref<500xi32, #tpu.memory_space<vmem>>) semaphore(%arg11 : memref<!tpu.dma_semaphore, #tpu.memory_space<semaphore_mem>>)
    %dma_wait3A_241 = arith.constant 8 : i32
    %dma_wait3A_242 = arith.constant 0 : i32
    %dma_wait3A_243 = tpu.memref_slice %arg5[%dma_wait3A_241, %dma_wait3A_242] : memref<20x500xi32, #tpu.memory_space<vmem>> -> memref<1x500xi32, #tpu.memory_space<vmem>>
    %dma_wait3A_244 = tpu.memref_squeeze %dma_wait3A_243 : memref<1x500xi32, #tpu.memory_space<vmem>> -> memref<500xi32, #tpu.memory_space<vmem>>
    %dma_wait3A_245 = arith.constant 0 : i32
    %dma_wait3A_246 = arith.constant 0 : i32
    %dma_wait3A_247 = tpu.memref_slice %arg2[%dma_wait3A_245, %dma_wait3A_246] : memref<10000x32xf32, #tpu.memory_space<hbm>> -> memref<10000x32xf32, #tpu.memory_space<hbm>>
    tpu.wait_indirect_dma semaphore(%arg11 : memref<!tpu.dma_semaphore, #tpu.memory_space<semaphore_mem>>) src(%dma_wait3A_247 : memref<10000x32xf32, #tpu.memory_space<hbm>>) dst(%arg9 : memref<500x32xf32, #tpu.memory_space<vmem>>)
    %dma_start3A_248 = arith.constant 8 : i32
    %dma_start3A_249 = arith.constant 0 : i32
    %dma_start3A_250 = tpu.memref_slice %arg6[%dma_start3A_248, %dma_start3A_249] : memref<20x500xi32, #tpu.memory_space<vmem>> -> memref<1x500xi32, #tpu.memory_space<vmem>>
    %dma_start3A_251 = tpu.memref_squeeze %dma_start3A_250 : memref<1x500xi32, #tpu.memory_space<vmem>> -> memref<500xi32, #tpu.memory_space<vmem>>
    %dma_start3A_252 = arith.constant 0 : i32
    %dma_start3A_253 = arith.constant 0 : i32
    %dma_start3A_254 = tpu.memref_slice %arg10[%dma_start3A_252, %dma_start3A_253] : memref<10240x32xf32, #tpu.memory_space<vmem_shared>> -> memref<10240x32xf32, #tpu.memory_space<vmem_shared>>
    tpu.enqueue_indirect_dma source(%arg9 : memref<500x32xf32, #tpu.memory_space<vmem>>) target(%dma_start3A_254 : memref<10240x32xf32, #tpu.memory_space<vmem_shared>>) offsets(%dma_start3A_251 : memref<500xi32, #tpu.memory_space<vmem>>) semaphore(%arg12 : memref<!tpu.dma_semaphore, #tpu.memory_space<semaphore_mem>>) {add = true}
    %dma_wait3A_255 = arith.constant 7 : i32
    %dma_wait3A_256 = arith.constant 0 : i32
    %dma_wait3A_257 = tpu.memref_slice %arg6[%dma_wait3A_255, %dma_wait3A_256] : memref<20x500xi32, #tpu.memory_space<vmem>> -> memref<1x500xi32, #tpu.memory_space<vmem>>
    %dma_wait3A_258 = tpu.memref_squeeze %dma_wait3A_257 : memref<1x500xi32, #tpu.memory_space<vmem>> -> memref<500xi32, #tpu.memory_space<vmem>>
    %dma_wait3A_259 = arith.constant 0 : i32
    %dma_wait3A_260 = arith.constant 0 : i32
    %dma_wait3A_261 = tpu.memref_slice %arg10[%dma_wait3A_259, %dma_wait3A_260] : memref<10240x32xf32, #tpu.memory_space<vmem_shared>> -> memref<10240x32xf32, #tpu.memory_space<vmem_shared>>
    tpu.wait_indirect_dma semaphore(%arg12 : memref<!tpu.dma_semaphore, #tpu.memory_space<semaphore_mem>>) src(%arg8 : memref<500x32xf32, #tpu.memory_space<vmem>>) dst(%dma_wait3A_261 : memref<10240x32xf32, #tpu.memory_space<vmem_shared>>)
    %dma_start3A_262 = arith.constant 10 : i32
    %dma_start3A_263 = arith.constant 0 : i32
    %dma_start3A_264 = tpu.memref_slice %arg5[%dma_start3A_262, %dma_start3A_263] : memref<20x500xi32, #tpu.memory_space<vmem>> -> memref<1x500xi32, #tpu.memory_space<vmem>>
    %dma_start3A_265 = tpu.memref_squeeze %dma_start3A_264 : memref<1x500xi32, #tpu.memory_space<vmem>> -> memref<500xi32, #tpu.memory_space<vmem>>
    %dma_start3A_266 = arith.constant 0 : i32
    %dma_start3A_267 = arith.constant 0 : i32
    %dma_start3A_268 = tpu.memref_slice %arg2[%dma_start3A_266, %dma_start3A_267] : memref<10000x32xf32, #tpu.memory_space<hbm>> -> memref<10000x32xf32, #tpu.memory_space<hbm>>
    tpu.enqueue_indirect_dma source(%dma_start3A_268 : memref<10000x32xf32, #tpu.memory_space<hbm>>) target(%arg8 : memref<500x32xf32, #tpu.memory_space<vmem>>) offsets(%dma_start3A_265 : memref<500xi32, #tpu.memory_space<vmem>>) semaphore(%arg11 : memref<!tpu.dma_semaphore, #tpu.memory_space<semaphore_mem>>)
    %dma_wait3A_269 = arith.constant 9 : i32
    %dma_wait3A_270 = arith.constant 0 : i32
    %dma_wait3A_271 = tpu.memref_slice %arg5[%dma_wait3A_269, %dma_wait3A_270] : memref<20x500xi32, #tpu.memory_space<vmem>> -> memref<1x500xi32, #tpu.memory_space<vmem>>
    %dma_wait3A_272 = tpu.memref_squeeze %dma_wait3A_271 : memref<1x500xi32, #tpu.memory_space<vmem>> -> memref<500xi32, #tpu.memory_space<vmem>>
    %dma_wait3A_273 = arith.constant 0 : i32
    %dma_wait3A_274 = arith.constant 0 : i32
    %dma_wait3A_275 = tpu.memref_slice %arg2[%dma_wait3A_273, %dma_wait3A_274] : memref<10000x32xf32, #tpu.memory_space<hbm>> -> memref<10000x32xf32, #tpu.memory_space<hbm>>
    tpu.wait_indirect_dma semaphore(%arg11 : memref<!tpu.dma_semaphore, #tpu.memory_space<semaphore_mem>>) src(%dma_wait3A_275 : memref<10000x32xf32, #tpu.memory_space<hbm>>) dst(%arg7 : memref<500x32xf32, #tpu.memory_space<vmem>>)
    %dma_start3A_276 = arith.constant 9 : i32
    %dma_start3A_277 = arith.constant 0 : i32
    %dma_start3A_278 = tpu.memref_slice %arg6[%dma_start3A_276, %dma_start3A_277] : memref<20x500xi32, #tpu.memory_space<vmem>> -> memref<1x500xi32, #tpu.memory_space<vmem>>
    %dma_start3A_279 = tpu.memref_squeeze %dma_start3A_278 : memref<1x500xi32, #tpu.memory_space<vmem>> -> memref<500xi32, #tpu.memory_space<vmem>>
    %dma_start3A_280 = arith.constant 0 : i32
    %dma_start3A_281 = arith.constant 0 : i32
    %dma_start3A_282 = tpu.memref_slice %arg10[%dma_start3A_280, %dma_start3A_281] : memref<10240x32xf32, #tpu.memory_space<vmem_shared>> -> memref<10240x32xf32, #tpu.memory_space<vmem_shared>>
    tpu.enqueue_indirect_dma source(%arg7 : memref<500x32xf32, #tpu.memory_space<vmem>>) target(%dma_start3A_282 : memref<10240x32xf32, #tpu.memory_space<vmem_shared>>) offsets(%dma_start3A_279 : memref<500xi32, #tpu.memory_space<vmem>>) semaphore(%arg12 : memref<!tpu.dma_semaphore, #tpu.memory_space<semaphore_mem>>) {add = true}
    %dma_wait3A_283 = arith.constant 8 : i32
    %dma_wait3A_284 = arith.constant 0 : i32
    %dma_wait3A_285 = tpu.memref_slice %arg6[%dma_wait3A_283, %dma_wait3A_284] : memref<20x500xi32, #tpu.memory_space<vmem>> -> memref<1x500xi32, #tpu.memory_space<vmem>>
    %dma_wait3A_286 = tpu.memref_squeeze %dma_wait3A_285 : memref<1x500xi32, #tpu.memory_space<vmem>> -> memref<500xi32, #tpu.memory_space<vmem>>
    %dma_wait3A_287 = arith.constant 0 : i32
    %dma_wait3A_288 = arith.constant 0 : i32
    %dma_wait3A_289 = tpu.memref_slice %arg10[%dma_wait3A_287, %dma_wait3A_288] : memref<10240x32xf32, #tpu.memory_space<vmem_shared>> -> memref<10240x32xf32, #tpu.memory_space<vmem_shared>>
    tpu.wait_indirect_dma semaphore(%arg12 : memref<!tpu.dma_semaphore, #tpu.memory_space<semaphore_mem>>) src(%arg9 : memref<500x32xf32, #tpu.memory_space<vmem>>) dst(%dma_wait3A_289 : memref<10240x32xf32, #tpu.memory_space<vmem_shared>>)
    %dma_start3A_290 = arith.constant 11 : i32
    %dma_start3A_291 = arith.constant 0 : i32
    %dma_start3A_292 = tpu.memref_slice %arg5[%dma_start3A_290, %dma_start3A_291] : memref<20x500xi32, #tpu.memory_space<vmem>> -> memref<1x500xi32, #tpu.memory_space<vmem>>
    %dma_start3A_293 = tpu.memref_squeeze %dma_start3A_292 : memref<1x500xi32, #tpu.memory_space<vmem>> -> memref<500xi32, #tpu.memory_space<vmem>>
    %dma_start3A_294 = arith.constant 0 : i32
    %dma_start3A_295 = arith.constant 0 : i32
    %dma_start3A_296 = tpu.memref_slice %arg2[%dma_start3A_294, %dma_start3A_295] : memref<10000x32xf32, #tpu.memory_space<hbm>> -> memref<10000x32xf32, #tpu.memory_space<hbm>>
    tpu.enqueue_indirect_dma source(%dma_start3A_296 : memref<10000x32xf32, #tpu.memory_space<hbm>>) target(%arg9 : memref<500x32xf32, #tpu.memory_space<vmem>>) offsets(%dma_start3A_293 : memref<500xi32, #tpu.memory_space<vmem>>) semaphore(%arg11 : memref<!tpu.dma_semaphore, #tpu.memory_space<semaphore_mem>>)
    %dma_wait3A_297 = arith.constant 10 : i32
    %dma_wait3A_298 = arith.constant 0 : i32
    %dma_wait3A_299 = tpu.memref_slice %arg5[%dma_wait3A_297, %dma_wait3A_298] : memref<20x500xi32, #tpu.memory_space<vmem>> -> memref<1x500xi32, #tpu.memory_space<vmem>>
    %dma_wait3A_300 = tpu.memref_squeeze %dma_wait3A_299 : memref<1x500xi32, #tpu.memory_space<vmem>> -> memref<500xi32, #tpu.memory_space<vmem>>
    %dma_wait3A_301 = arith.constant 0 : i32
    %dma_wait3A_302 = arith.constant 0 : i32
    %dma_wait3A_303 = tpu.memref_slice %arg2[%dma_wait3A_301, %dma_wait3A_302] : memref<10000x32xf32, #tpu.memory_space<hbm>> -> memref<10000x32xf32, #tpu.memory_space<hbm>>
    tpu.wait_indirect_dma semaphore(%arg11 : memref<!tpu.dma_semaphore, #tpu.memory_space<semaphore_mem>>) src(%dma_wait3A_303 : memref<10000x32xf32, #tpu.memory_space<hbm>>) dst(%arg8 : memref<500x32xf32, #tpu.memory_space<vmem>>)
    %dma_start3A_304 = arith.constant 10 : i32
    %dma_start3A_305 = arith.constant 0 : i32
    %dma_start3A_306 = tpu.memref_slice %arg6[%dma_start3A_304, %dma_start3A_305] : memref<20x500xi32, #tpu.memory_space<vmem>> -> memref<1x500xi32, #tpu.memory_space<vmem>>
    %dma_start3A_307 = tpu.memref_squeeze %dma_start3A_306 : memref<1x500xi32, #tpu.memory_space<vmem>> -> memref<500xi32, #tpu.memory_space<vmem>>
    %dma_start3A_308 = arith.constant 0 : i32
    %dma_start3A_309 = arith.constant 0 : i32
    %dma_start3A_310 = tpu.memref_slice %arg10[%dma_start3A_308, %dma_start3A_309] : memref<10240x32xf32, #tpu.memory_space<vmem_shared>> -> memref<10240x32xf32, #tpu.memory_space<vmem_shared>>
    tpu.enqueue_indirect_dma source(%arg8 : memref<500x32xf32, #tpu.memory_space<vmem>>) target(%dma_start3A_310 : memref<10240x32xf32, #tpu.memory_space<vmem_shared>>) offsets(%dma_start3A_307 : memref<500xi32, #tpu.memory_space<vmem>>) semaphore(%arg12 : memref<!tpu.dma_semaphore, #tpu.memory_space<semaphore_mem>>) {add = true}
    %dma_wait3A_311 = arith.constant 9 : i32
    %dma_wait3A_312 = arith.constant 0 : i32
    %dma_wait3A_313 = tpu.memref_slice %arg6[%dma_wait3A_311, %dma_wait3A_312] : memref<20x500xi32, #tpu.memory_space<vmem>> -> memref<1x500xi32, #tpu.memory_space<vmem>>
    %dma_wait3A_314 = tpu.memref_squeeze %dma_wait3A_313 : memref<1x500xi32, #tpu.memory_space<vmem>> -> memref<500xi32, #tpu.memory_space<vmem>>
    %dma_wait3A_315 = arith.constant 0 : i32
    %dma_wait3A_316 = arith.constant 0 : i32
    %dma_wait3A_317 = tpu.memref_slice %arg10[%dma_wait3A_315, %dma_wait3A_316] : memref<10240x32xf32, #tpu.memory_space<vmem_shared>> -> memref<10240x32xf32, #tpu.memory_space<vmem_shared>>
    tpu.wait_indirect_dma semaphore(%arg12 : memref<!tpu.dma_semaphore, #tpu.memory_space<semaphore_mem>>) src(%arg7 : memref<500x32xf32, #tpu.memory_space<vmem>>) dst(%dma_wait3A_317 : memref<10240x32xf32, #tpu.memory_space<vmem_shared>>)
    %dma_start3A_318 = arith.constant 12 : i32
    %dma_start3A_319 = arith.constant 0 : i32
    %dma_start3A_320 = tpu.memref_slice %arg5[%dma_start3A_318, %dma_start3A_319] : memref<20x500xi32, #tpu.memory_space<vmem>> -> memref<1x500xi32, #tpu.memory_space<vmem>>
    %dma_start3A_321 = tpu.memref_squeeze %dma_start3A_320 : memref<1x500xi32, #tpu.memory_space<vmem>> -> memref<500xi32, #tpu.memory_space<vmem>>
    %dma_start3A_322 = arith.constant 0 : i32
    %dma_start3A_323 = arith.constant 0 : i32
    %dma_start3A_324 = tpu.memref_slice %arg2[%dma_start3A_322, %dma_start3A_323] : memref<10000x32xf32, #tpu.memory_space<hbm>> -> memref<10000x32xf32, #tpu.memory_space<hbm>>
    tpu.enqueue_indirect_dma source(%dma_start3A_324 : memref<10000x32xf32, #tpu.memory_space<hbm>>) target(%arg7 : memref<500x32xf32, #tpu.memory_space<vmem>>) offsets(%dma_start3A_321 : memref<500xi32, #tpu.memory_space<vmem>>) semaphore(%arg11 : memref<!tpu.dma_semaphore, #tpu.memory_space<semaphore_mem>>)
    %dma_wait3A_325 = arith.constant 11 : i32
    %dma_wait3A_326 = arith.constant 0 : i32
    %dma_wait3A_327 = tpu.memref_slice %arg5[%dma_wait3A_325, %dma_wait3A_326] : memref<20x500xi32, #tpu.memory_space<vmem>> -> memref<1x500xi32, #tpu.memory_space<vmem>>
    %dma_wait3A_328 = tpu.memref_squeeze %dma_wait3A_327 : memref<1x500xi32, #tpu.memory_space<vmem>> -> memref<500xi32, #tpu.memory_space<vmem>>
    %dma_wait3A_329 = arith.constant 0 : i32
    %dma_wait3A_330 = arith.constant 0 : i32
    %dma_wait3A_331 = tpu.memref_slice %arg2[%dma_wait3A_329, %dma_wait3A_330] : memref<10000x32xf32, #tpu.memory_space<hbm>> -> memref<10000x32xf32, #tpu.memory_space<hbm>>
    tpu.wait_indirect_dma semaphore(%arg11 : memref<!tpu.dma_semaphore, #tpu.memory_space<semaphore_mem>>) src(%dma_wait3A_331 : memref<10000x32xf32, #tpu.memory_space<hbm>>) dst(%arg9 : memref<500x32xf32, #tpu.memory_space<vmem>>)
    %dma_start3A_332 = arith.constant 11 : i32
    %dma_start3A_333 = arith.constant 0 : i32
    %dma_start3A_334 = tpu.memref_slice %arg6[%dma_start3A_332, %dma_start3A_333] : memref<20x500xi32, #tpu.memory_space<vmem>> -> memref<1x500xi32, #tpu.memory_space<vmem>>
    %dma_start3A_335 = tpu.memref_squeeze %dma_start3A_334 : memref<1x500xi32, #tpu.memory_space<vmem>> -> memref<500xi32, #tpu.memory_space<vmem>>
    %dma_start3A_336 = arith.constant 0 : i32
    %dma_start3A_337 = arith.constant 0 : i32
    %dma_start3A_338 = tpu.memref_slice %arg10[%dma_start3A_336, %dma_start3A_337] : memref<10240x32xf32, #tpu.memory_space<vmem_shared>> -> memref<10240x32xf32, #tpu.memory_space<vmem_shared>>
    tpu.enqueue_indirect_dma source(%arg9 : memref<500x32xf32, #tpu.memory_space<vmem>>) target(%dma_start3A_338 : memref<10240x32xf32, #tpu.memory_space<vmem_shared>>) offsets(%dma_start3A_335 : memref<500xi32, #tpu.memory_space<vmem>>) semaphore(%arg12 : memref<!tpu.dma_semaphore, #tpu.memory_space<semaphore_mem>>) {add = true}
    %dma_wait3A_339 = arith.constant 10 : i32
    %dma_wait3A_340 = arith.constant 0 : i32
    %dma_wait3A_341 = tpu.memref_slice %arg6[%dma_wait3A_339, %dma_wait3A_340] : memref<20x500xi32, #tpu.memory_space<vmem>> -> memref<1x500xi32, #tpu.memory_space<vmem>>
    %dma_wait3A_342 = tpu.memref_squeeze %dma_wait3A_341 : memref<1x500xi32, #tpu.memory_space<vmem>> -> memref<500xi32, #tpu.memory_space<vmem>>
    %dma_wait3A_343 = arith.constant 0 : i32
    %dma_wait3A_344 = arith.constant 0 : i32
    %dma_wait3A_345 = tpu.memref_slice %arg10[%dma_wait3A_343, %dma_wait3A_344] : memref<10240x32xf32, #tpu.memory_space<vmem_shared>> -> memref<10240x32xf32, #tpu.memory_space<vmem_shared>>
    tpu.wait_indirect_dma semaphore(%arg12 : memref<!tpu.dma_semaphore, #tpu.memory_space<semaphore_mem>>) src(%arg8 : memref<500x32xf32, #tpu.memory_space<vmem>>) dst(%dma_wait3A_345 : memref<10240x32xf32, #tpu.memory_space<vmem_shared>>)
    %dma_start3A_346 = arith.constant 13 : i32
    %dma_start3A_347 = arith.constant 0 : i32
    %dma_start3A_348 = tpu.memref_slice %arg5[%dma_start3A_346, %dma_start3A_347] : memref<20x500xi32, #tpu.memory_space<vmem>> -> memref<1x500xi32, #tpu.memory_space<vmem>>
    %dma_start3A_349 = tpu.memref_squeeze %dma_start3A_348 : memref<1x500xi32, #tpu.memory_space<vmem>> -> memref<500xi32, #tpu.memory_space<vmem>>
    %dma_start3A_350 = arith.constant 0 : i32
    %dma_start3A_351 = arith.constant 0 : i32
    %dma_start3A_352 = tpu.memref_slice %arg2[%dma_start3A_350, %dma_start3A_351] : memref<10000x32xf32, #tpu.memory_space<hbm>> -> memref<10000x32xf32, #tpu.memory_space<hbm>>
    tpu.enqueue_indirect_dma source(%dma_start3A_352 : memref<10000x32xf32, #tpu.memory_space<hbm>>) target(%arg8 : memref<500x32xf32, #tpu.memory_space<vmem>>) offsets(%dma_start3A_349 : memref<500xi32, #tpu.memory_space<vmem>>) semaphore(%arg11 : memref<!tpu.dma_semaphore, #tpu.memory_space<semaphore_mem>>)
    %dma_wait3A_353 = arith.constant 12 : i32
    %dma_wait3A_354 = arith.constant 0 : i32
    %dma_wait3A_355 = tpu.memref_slice %arg5[%dma_wait3A_353, %dma_wait3A_354] : memref<20x500xi32, #tpu.memory_space<vmem>> -> memref<1x500xi32, #tpu.memory_space<vmem>>
    %dma_wait3A_356 = tpu.memref_squeeze %dma_wait3A_355 : memref<1x500xi32, #tpu.memory_space<vmem>> -> memref<500xi32, #tpu.memory_space<vmem>>
    %dma_wait3A_357 = arith.constant 0 : i32
    %dma_wait3A_358 = arith.constant 0 : i32
    %dma_wait3A_359 = tpu.memref_slice %arg2[%dma_wait3A_357, %dma_wait3A_358] : memref<10000x32xf32, #tpu.memory_space<hbm>> -> memref<10000x32xf32, #tpu.memory_space<hbm>>
    tpu.wait_indirect_dma semaphore(%arg11 : memref<!tpu.dma_semaphore, #tpu.memory_space<semaphore_mem>>) src(%dma_wait3A_359 : memref<10000x32xf32, #tpu.memory_space<hbm>>) dst(%arg7 : memref<500x32xf32, #tpu.memory_space<vmem>>)
    %dma_start3A_360 = arith.constant 12 : i32
    %dma_start3A_361 = arith.constant 0 : i32
    %dma_start3A_362 = tpu.memref_slice %arg6[%dma_start3A_360, %dma_start3A_361] : memref<20x500xi32, #tpu.memory_space<vmem>> -> memref<1x500xi32, #tpu.memory_space<vmem>>
    %dma_start3A_363 = tpu.memref_squeeze %dma_start3A_362 : memref<1x500xi32, #tpu.memory_space<vmem>> -> memref<500xi32, #tpu.memory_space<vmem>>
    %dma_start3A_364 = arith.constant 0 : i32
    %dma_start3A_365 = arith.constant 0 : i32
    %dma_start3A_366 = tpu.memref_slice %arg10[%dma_start3A_364, %dma_start3A_365] : memref<10240x32xf32, #tpu.memory_space<vmem_shared>> -> memref<10240x32xf32, #tpu.memory_space<vmem_shared>>
    tpu.enqueue_indirect_dma source(%arg7 : memref<500x32xf32, #tpu.memory_space<vmem>>) target(%dma_start3A_366 : memref<10240x32xf32, #tpu.memory_space<vmem_shared>>) offsets(%dma_start3A_363 : memref<500xi32, #tpu.memory_space<vmem>>) semaphore(%arg12 : memref<!tpu.dma_semaphore, #tpu.memory_space<semaphore_mem>>) {add = true}
    %dma_wait3A_367 = arith.constant 11 : i32
    %dma_wait3A_368 = arith.constant 0 : i32
    %dma_wait3A_369 = tpu.memref_slice %arg6[%dma_wait3A_367, %dma_wait3A_368] : memref<20x500xi32, #tpu.memory_space<vmem>> -> memref<1x500xi32, #tpu.memory_space<vmem>>
    %dma_wait3A_370 = tpu.memref_squeeze %dma_wait3A_369 : memref<1x500xi32, #tpu.memory_space<vmem>> -> memref<500xi32, #tpu.memory_space<vmem>>
    %dma_wait3A_371 = arith.constant 0 : i32
    %dma_wait3A_372 = arith.constant 0 : i32
    %dma_wait3A_373 = tpu.memref_slice %arg10[%dma_wait3A_371, %dma_wait3A_372] : memref<10240x32xf32, #tpu.memory_space<vmem_shared>> -> memref<10240x32xf32, #tpu.memory_space<vmem_shared>>
    tpu.wait_indirect_dma semaphore(%arg12 : memref<!tpu.dma_semaphore, #tpu.memory_space<semaphore_mem>>) src(%arg9 : memref<500x32xf32, #tpu.memory_space<vmem>>) dst(%dma_wait3A_373 : memref<10240x32xf32, #tpu.memory_space<vmem_shared>>)
    %dma_start3A_374 = arith.constant 14 : i32
    %dma_start3A_375 = arith.constant 0 : i32
    %dma_start3A_376 = tpu.memref_slice %arg5[%dma_start3A_374, %dma_start3A_375] : memref<20x500xi32, #tpu.memory_space<vmem>> -> memref<1x500xi32, #tpu.memory_space<vmem>>
    %dma_start3A_377 = tpu.memref_squeeze %dma_start3A_376 : memref<1x500xi32, #tpu.memory_space<vmem>> -> memref<500xi32, #tpu.memory_space<vmem>>
    %dma_start3A_378 = arith.constant 0 : i32
    %dma_start3A_379 = arith.constant 0 : i32
    %dma_start3A_380 = tpu.memref_slice %arg2[%dma_start3A_378, %dma_start3A_379] : memref<10000x32xf32, #tpu.memory_space<hbm>> -> memref<10000x32xf32, #tpu.memory_space<hbm>>
    tpu.enqueue_indirect_dma source(%dma_start3A_380 : memref<10000x32xf32, #tpu.memory_space<hbm>>) target(%arg9 : memref<500x32xf32, #tpu.memory_space<vmem>>) offsets(%dma_start3A_377 : memref<500xi32, #tpu.memory_space<vmem>>) semaphore(%arg11 : memref<!tpu.dma_semaphore, #tpu.memory_space<semaphore_mem>>)
    %dma_wait3A_381 = arith.constant 13 : i32
    %dma_wait3A_382 = arith.constant 0 : i32
    %dma_wait3A_383 = tpu.memref_slice %arg5[%dma_wait3A_381, %dma_wait3A_382] : memref<20x500xi32, #tpu.memory_space<vmem>> -> memref<1x500xi32, #tpu.memory_space<vmem>>
    %dma_wait3A_384 = tpu.memref_squeeze %dma_wait3A_383 : memref<1x500xi32, #tpu.memory_space<vmem>> -> memref<500xi32, #tpu.memory_space<vmem>>
    %dma_wait3A_385 = arith.constant 0 : i32
    %dma_wait3A_386 = arith.constant 0 : i32
    %dma_wait3A_387 = tpu.memref_slice %arg2[%dma_wait3A_385, %dma_wait3A_386] : memref<10000x32xf32, #tpu.memory_space<hbm>> -> memref<10000x32xf32, #tpu.memory_space<hbm>>
    tpu.wait_indirect_dma semaphore(%arg11 : memref<!tpu.dma_semaphore, #tpu.memory_space<semaphore_mem>>) src(%dma_wait3A_387 : memref<10000x32xf32, #tpu.memory_space<hbm>>) dst(%arg8 : memref<500x32xf32, #tpu.memory_space<vmem>>)
    %dma_start3A_388 = arith.constant 13 : i32
    %dma_start3A_389 = arith.constant 0 : i32
    %dma_start3A_390 = tpu.memref_slice %arg6[%dma_start3A_388, %dma_start3A_389] : memref<20x500xi32, #tpu.memory_space<vmem>> -> memref<1x500xi32, #tpu.memory_space<vmem>>
    %dma_start3A_391 = tpu.memref_squeeze %dma_start3A_390 : memref<1x500xi32, #tpu.memory_space<vmem>> -> memref<500xi32, #tpu.memory_space<vmem>>
    %dma_start3A_392 = arith.constant 0 : i32
    %dma_start3A_393 = arith.constant 0 : i32
    %dma_start3A_394 = tpu.memref_slice %arg10[%dma_start3A_392, %dma_start3A_393] : memref<10240x32xf32, #tpu.memory_space<vmem_shared>> -> memref<10240x32xf32, #tpu.memory_space<vmem_shared>>
    tpu.enqueue_indirect_dma source(%arg8 : memref<500x32xf32, #tpu.memory_space<vmem>>) target(%dma_start3A_394 : memref<10240x32xf32, #tpu.memory_space<vmem_shared>>) offsets(%dma_start3A_391 : memref<500xi32, #tpu.memory_space<vmem>>) semaphore(%arg12 : memref<!tpu.dma_semaphore, #tpu.memory_space<semaphore_mem>>) {add = true}
    %dma_wait3A_395 = arith.constant 12 : i32
    %dma_wait3A_396 = arith.constant 0 : i32
    %dma_wait3A_397 = tpu.memref_slice %arg6[%dma_wait3A_395, %dma_wait3A_396] : memref<20x500xi32, #tpu.memory_space<vmem>> -> memref<1x500xi32, #tpu.memory_space<vmem>>
    %dma_wait3A_398 = tpu.memref_squeeze %dma_wait3A_397 : memref<1x500xi32, #tpu.memory_space<vmem>> -> memref<500xi32, #tpu.memory_space<vmem>>
    %dma_wait3A_399 = arith.constant 0 : i32
    %dma_wait3A_400 = arith.constant 0 : i32
    %dma_wait3A_401 = tpu.memref_slice %arg10[%dma_wait3A_399, %dma_wait3A_400] : memref<10240x32xf32, #tpu.memory_space<vmem_shared>> -> memref<10240x32xf32, #tpu.memory_space<vmem_shared>>
    tpu.wait_indirect_dma semaphore(%arg12 : memref<!tpu.dma_semaphore, #tpu.memory_space<semaphore_mem>>) src(%arg7 : memref<500x32xf32, #tpu.memory_space<vmem>>) dst(%dma_wait3A_401 : memref<10240x32xf32, #tpu.memory_space<vmem_shared>>)
    %dma_start3A_402 = arith.constant 15 : i32
    %dma_start3A_403 = arith.constant 0 : i32
    %dma_start3A_404 = tpu.memref_slice %arg5[%dma_start3A_402, %dma_start3A_403] : memref<20x500xi32, #tpu.memory_space<vmem>> -> memref<1x500xi32, #tpu.memory_space<vmem>>
    %dma_start3A_405 = tpu.memref_squeeze %dma_start3A_404 : memref<1x500xi32, #tpu.memory_space<vmem>> -> memref<500xi32, #tpu.memory_space<vmem>>
    %dma_start3A_406 = arith.constant 0 : i32
    %dma_start3A_407 = arith.constant 0 : i32
    %dma_start3A_408 = tpu.memref_slice %arg2[%dma_start3A_406, %dma_start3A_407] : memref<10000x32xf32, #tpu.memory_space<hbm>> -> memref<10000x32xf32, #tpu.memory_space<hbm>>
    tpu.enqueue_indirect_dma source(%dma_start3A_408 : memref<10000x32xf32, #tpu.memory_space<hbm>>) target(%arg7 : memref<500x32xf32, #tpu.memory_space<vmem>>) offsets(%dma_start3A_405 : memref<500xi32, #tpu.memory_space<vmem>>) semaphore(%arg11 : memref<!tpu.dma_semaphore, #tpu.memory_space<semaphore_mem>>)
    %dma_wait3A_409 = arith.constant 14 : i32
    %dma_wait3A_410 = arith.constant 0 : i32
    %dma_wait3A_411 = tpu.memref_slice %arg5[%dma_wait3A_409, %dma_wait3A_410] : memref<20x500xi32, #tpu.memory_space<vmem>> -> memref<1x500xi32, #tpu.memory_space<vmem>>
    %dma_wait3A_412 = tpu.memref_squeeze %dma_wait3A_411 : memref<1x500xi32, #tpu.memory_space<vmem>> -> memref<500xi32, #tpu.memory_space<vmem>>
    %dma_wait3A_413 = arith.constant 0 : i32
    %dma_wait3A_414 = arith.constant 0 : i32
    %dma_wait3A_415 = tpu.memref_slice %arg2[%dma_wait3A_413, %dma_wait3A_414] : memref<10000x32xf32, #tpu.memory_space<hbm>> -> memref<10000x32xf32, #tpu.memory_space<hbm>>
    tpu.wait_indirect_dma semaphore(%arg11 : memref<!tpu.dma_semaphore, #tpu.memory_space<semaphore_mem>>) src(%dma_wait3A_415 : memref<10000x32xf32, #tpu.memory_space<hbm>>) dst(%arg9 : memref<500x32xf32, #tpu.memory_space<vmem>>)
    %dma_start3A_416 = arith.constant 14 : i32
    %dma_start3A_417 = arith.constant 0 : i32
    %dma_start3A_418 = tpu.memref_slice %arg6[%dma_start3A_416, %dma_start3A_417] : memref<20x500xi32, #tpu.memory_space<vmem>> -> memref<1x500xi32, #tpu.memory_space<vmem>>
    %dma_start3A_419 = tpu.memref_squeeze %dma_start3A_418 : memref<1x500xi32, #tpu.memory_space<vmem>> -> memref<500xi32, #tpu.memory_space<vmem>>
    %dma_start3A_420 = arith.constant 0 : i32
    %dma_start3A_421 = arith.constant 0 : i32
    %dma_start3A_422 = tpu.memref_slice %arg10[%dma_start3A_420, %dma_start3A_421] : memref<10240x32xf32, #tpu.memory_space<vmem_shared>> -> memref<10240x32xf32, #tpu.memory_space<vmem_shared>>
    tpu.enqueue_indirect_dma source(%arg9 : memref<500x32xf32, #tpu.memory_space<vmem>>) target(%dma_start3A_422 : memref<10240x32xf32, #tpu.memory_space<vmem_shared>>) offsets(%dma_start3A_419 : memref<500xi32, #tpu.memory_space<vmem>>) semaphore(%arg12 : memref<!tpu.dma_semaphore, #tpu.memory_space<semaphore_mem>>) {add = true}
    %dma_wait3A_423 = arith.constant 13 : i32
    %dma_wait3A_424 = arith.constant 0 : i32
    %dma_wait3A_425 = tpu.memref_slice %arg6[%dma_wait3A_423, %dma_wait3A_424] : memref<20x500xi32, #tpu.memory_space<vmem>> -> memref<1x500xi32, #tpu.memory_space<vmem>>
    %dma_wait3A_426 = tpu.memref_squeeze %dma_wait3A_425 : memref<1x500xi32, #tpu.memory_space<vmem>> -> memref<500xi32, #tpu.memory_space<vmem>>
    %dma_wait3A_427 = arith.constant 0 : i32
    %dma_wait3A_428 = arith.constant 0 : i32
    %dma_wait3A_429 = tpu.memref_slice %arg10[%dma_wait3A_427, %dma_wait3A_428] : memref<10240x32xf32, #tpu.memory_space<vmem_shared>> -> memref<10240x32xf32, #tpu.memory_space<vmem_shared>>
    tpu.wait_indirect_dma semaphore(%arg12 : memref<!tpu.dma_semaphore, #tpu.memory_space<semaphore_mem>>) src(%arg8 : memref<500x32xf32, #tpu.memory_space<vmem>>) dst(%dma_wait3A_429 : memref<10240x32xf32, #tpu.memory_space<vmem_shared>>)
    %dma_start3A_430 = arith.constant 16 : i32
    %dma_start3A_431 = arith.constant 0 : i32
    %dma_start3A_432 = tpu.memref_slice %arg5[%dma_start3A_430, %dma_start3A_431] : memref<20x500xi32, #tpu.memory_space<vmem>> -> memref<1x500xi32, #tpu.memory_space<vmem>>
    %dma_start3A_433 = tpu.memref_squeeze %dma_start3A_432 : memref<1x500xi32, #tpu.memory_space<vmem>> -> memref<500xi32, #tpu.memory_space<vmem>>
    %dma_start3A_434 = arith.constant 0 : i32
    %dma_start3A_435 = arith.constant 0 : i32
    %dma_start3A_436 = tpu.memref_slice %arg2[%dma_start3A_434, %dma_start3A_435] : memref<10000x32xf32, #tpu.memory_space<hbm>> -> memref<10000x32xf32, #tpu.memory_space<hbm>>
    tpu.enqueue_indirect_dma source(%dma_start3A_436 : memref<10000x32xf32, #tpu.memory_space<hbm>>) target(%arg8 : memref<500x32xf32, #tpu.memory_space<vmem>>) offsets(%dma_start3A_433 : memref<500xi32, #tpu.memory_space<vmem>>) semaphore(%arg11 : memref<!tpu.dma_semaphore, #tpu.memory_space<semaphore_mem>>)
    %dma_wait3A_437 = arith.constant 15 : i32
    %dma_wait3A_438 = arith.constant 0 : i32
    %dma_wait3A_439 = tpu.memref_slice %arg5[%dma_wait3A_437, %dma_wait3A_438] : memref<20x500xi32, #tpu.memory_space<vmem>> -> memref<1x500xi32, #tpu.memory_space<vmem>>
    %dma_wait3A_440 = tpu.memref_squeeze %dma_wait3A_439 : memref<1x500xi32, #tpu.memory_space<vmem>> -> memref<500xi32, #tpu.memory_space<vmem>>
    %dma_wait3A_441 = arith.constant 0 : i32
    %dma_wait3A_442 = arith.constant 0 : i32
    %dma_wait3A_443 = tpu.memref_slice %arg2[%dma_wait3A_441, %dma_wait3A_442] : memref<10000x32xf32, #tpu.memory_space<hbm>> -> memref<10000x32xf32, #tpu.memory_space<hbm>>
    tpu.wait_indirect_dma semaphore(%arg11 : memref<!tpu.dma_semaphore, #tpu.memory_space<semaphore_mem>>) src(%dma_wait3A_443 : memref<10000x32xf32, #tpu.memory_space<hbm>>) dst(%arg7 : memref<500x32xf32, #tpu.memory_space<vmem>>)
    %dma_start3A_444 = arith.constant 15 : i32
    %dma_start3A_445 = arith.constant 0 : i32
    %dma_start3A_446 = tpu.memref_slice %arg6[%dma_start3A_444, %dma_start3A_445] : memref<20x500xi32, #tpu.memory_space<vmem>> -> memref<1x500xi32, #tpu.memory_space<vmem>>
    %dma_start3A_447 = tpu.memref_squeeze %dma_start3A_446 : memref<1x500xi32, #tpu.memory_space<vmem>> -> memref<500xi32, #tpu.memory_space<vmem>>
    %dma_start3A_448 = arith.constant 0 : i32
    %dma_start3A_449 = arith.constant 0 : i32
    %dma_start3A_450 = tpu.memref_slice %arg10[%dma_start3A_448, %dma_start3A_449] : memref<10240x32xf32, #tpu.memory_space<vmem_shared>> -> memref<10240x32xf32, #tpu.memory_space<vmem_shared>>
    tpu.enqueue_indirect_dma source(%arg7 : memref<500x32xf32, #tpu.memory_space<vmem>>) target(%dma_start3A_450 : memref<10240x32xf32, #tpu.memory_space<vmem_shared>>) offsets(%dma_start3A_447 : memref<500xi32, #tpu.memory_space<vmem>>) semaphore(%arg12 : memref<!tpu.dma_semaphore, #tpu.memory_space<semaphore_mem>>) {add = true}
    %dma_wait3A_451 = arith.constant 14 : i32
    %dma_wait3A_452 = arith.constant 0 : i32
    %dma_wait3A_453 = tpu.memref_slice %arg6[%dma_wait3A_451, %dma_wait3A_452] : memref<20x500xi32, #tpu.memory_space<vmem>> -> memref<1x500xi32, #tpu.memory_space<vmem>>
    %dma_wait3A_454 = tpu.memref_squeeze %dma_wait3A_453 : memref<1x500xi32, #tpu.memory_space<vmem>> -> memref<500xi32, #tpu.memory_space<vmem>>
    %dma_wait3A_455 = arith.constant 0 : i32
    %dma_wait3A_456 = arith.constant 0 : i32
    %dma_wait3A_457 = tpu.memref_slice %arg10[%dma_wait3A_455, %dma_wait3A_456] : memref<10240x32xf32, #tpu.memory_space<vmem_shared>> -> memref<10240x32xf32, #tpu.memory_space<vmem_shared>>
    tpu.wait_indirect_dma semaphore(%arg12 : memref<!tpu.dma_semaphore, #tpu.memory_space<semaphore_mem>>) src(%arg9 : memref<500x32xf32, #tpu.memory_space<vmem>>) dst(%dma_wait3A_457 : memref<10240x32xf32, #tpu.memory_space<vmem_shared>>)
    %dma_start3A_458 = arith.constant 17 : i32
    %dma_start3A_459 = arith.constant 0 : i32
    %dma_start3A_460 = tpu.memref_slice %arg5[%dma_start3A_458, %dma_start3A_459] : memref<20x500xi32, #tpu.memory_space<vmem>> -> memref<1x500xi32, #tpu.memory_space<vmem>>
    %dma_start3A_461 = tpu.memref_squeeze %dma_start3A_460 : memref<1x500xi32, #tpu.memory_space<vmem>> -> memref<500xi32, #tpu.memory_space<vmem>>
    %dma_start3A_462 = arith.constant 0 : i32
    %dma_start3A_463 = arith.constant 0 : i32
    %dma_start3A_464 = tpu.memref_slice %arg2[%dma_start3A_462, %dma_start3A_463] : memref<10000x32xf32, #tpu.memory_space<hbm>> -> memref<10000x32xf32, #tpu.memory_space<hbm>>
    tpu.enqueue_indirect_dma source(%dma_start3A_464 : memref<10000x32xf32, #tpu.memory_space<hbm>>) target(%arg9 : memref<500x32xf32, #tpu.memory_space<vmem>>) offsets(%dma_start3A_461 : memref<500xi32, #tpu.memory_space<vmem>>) semaphore(%arg11 : memref<!tpu.dma_semaphore, #tpu.memory_space<semaphore_mem>>)
    %dma_wait3A_465 = arith.constant 16 : i32
    %dma_wait3A_466 = arith.constant 0 : i32
    %dma_wait3A_467 = tpu.memref_slice %arg5[%dma_wait3A_465, %dma_wait3A_466] : memref<20x500xi32, #tpu.memory_space<vmem>> -> memref<1x500xi32, #tpu.memory_space<vmem>>
    %dma_wait3A_468 = tpu.memref_squeeze %dma_wait3A_467 : memref<1x500xi32, #tpu.memory_space<vmem>> -> memref<500xi32, #tpu.memory_space<vmem>>
    %dma_wait3A_469 = arith.constant 0 : i32
    %dma_wait3A_470 = arith.constant 0 : i32
    %dma_wait3A_471 = tpu.memref_slice %arg2[%dma_wait3A_469, %dma_wait3A_470] : memref<10000x32xf32, #tpu.memory_space<hbm>> -> memref<10000x32xf32, #tpu.memory_space<hbm>>
    tpu.wait_indirect_dma semaphore(%arg11 : memref<!tpu.dma_semaphore, #tpu.memory_space<semaphore_mem>>) src(%dma_wait3A_471 : memref<10000x32xf32, #tpu.memory_space<hbm>>) dst(%arg8 : memref<500x32xf32, #tpu.memory_space<vmem>>)
    %dma_start3A_472 = arith.constant 16 : i32
    %dma_start3A_473 = arith.constant 0 : i32
    %dma_start3A_474 = tpu.memref_slice %arg6[%dma_start3A_472, %dma_start3A_473] : memref<20x500xi32, #tpu.memory_space<vmem>> -> memref<1x500xi32, #tpu.memory_space<vmem>>
    %dma_start3A_475 = tpu.memref_squeeze %dma_start3A_474 : memref<1x500xi32, #tpu.memory_space<vmem>> -> memref<500xi32, #tpu.memory_space<vmem>>
    %dma_start3A_476 = arith.constant 0 : i32
    %dma_start3A_477 = arith.constant 0 : i32
    %dma_start3A_478 = tpu.memref_slice %arg10[%dma_start3A_476, %dma_start3A_477] : memref<10240x32xf32, #tpu.memory_space<vmem_shared>> -> memref<10240x32xf32, #tpu.memory_space<vmem_shared>>
    tpu.enqueue_indirect_dma source(%arg8 : memref<500x32xf32, #tpu.memory_space<vmem>>) target(%dma_start3A_478 : memref<10240x32xf32, #tpu.memory_space<vmem_shared>>) offsets(%dma_start3A_475 : memref<500xi32, #tpu.memory_space<vmem>>) semaphore(%arg12 : memref<!tpu.dma_semaphore, #tpu.memory_space<semaphore_mem>>) {add = true}
    %dma_wait3A_479 = arith.constant 15 : i32
    %dma_wait3A_480 = arith.constant 0 : i32
    %dma_wait3A_481 = tpu.memref_slice %arg6[%dma_wait3A_479, %dma_wait3A_480] : memref<20x500xi32, #tpu.memory_space<vmem>> -> memref<1x500xi32, #tpu.memory_space<vmem>>
    %dma_wait3A_482 = tpu.memref_squeeze %dma_wait3A_481 : memref<1x500xi32, #tpu.memory_space<vmem>> -> memref<500xi32, #tpu.memory_space<vmem>>
    %dma_wait3A_483 = arith.constant 0 : i32
    %dma_wait3A_484 = arith.constant 0 : i32
    %dma_wait3A_485 = tpu.memref_slice %arg10[%dma_wait3A_483, %dma_wait3A_484] : memref<10240x32xf32, #tpu.memory_space<vmem_shared>> -> memref<10240x32xf32, #tpu.memory_space<vmem_shared>>
    tpu.wait_indirect_dma semaphore(%arg12 : memref<!tpu.dma_semaphore, #tpu.memory_space<semaphore_mem>>) src(%arg7 : memref<500x32xf32, #tpu.memory_space<vmem>>) dst(%dma_wait3A_485 : memref<10240x32xf32, #tpu.memory_space<vmem_shared>>)
    %dma_start3A_486 = arith.constant 18 : i32
    %dma_start3A_487 = arith.constant 0 : i32
    %dma_start3A_488 = tpu.memref_slice %arg5[%dma_start3A_486, %dma_start3A_487] : memref<20x500xi32, #tpu.memory_space<vmem>> -> memref<1x500xi32, #tpu.memory_space<vmem>>
    %dma_start3A_489 = tpu.memref_squeeze %dma_start3A_488 : memref<1x500xi32, #tpu.memory_space<vmem>> -> memref<500xi32, #tpu.memory_space<vmem>>
    %dma_start3A_490 = arith.constant 0 : i32
    %dma_start3A_491 = arith.constant 0 : i32
    %dma_start3A_492 = tpu.memref_slice %arg2[%dma_start3A_490, %dma_start3A_491] : memref<10000x32xf32, #tpu.memory_space<hbm>> -> memref<10000x32xf32, #tpu.memory_space<hbm>>
    tpu.enqueue_indirect_dma source(%dma_start3A_492 : memref<10000x32xf32, #tpu.memory_space<hbm>>) target(%arg7 : memref<500x32xf32, #tpu.memory_space<vmem>>) offsets(%dma_start3A_489 : memref<500xi32, #tpu.memory_space<vmem>>) semaphore(%arg11 : memref<!tpu.dma_semaphore, #tpu.memory_space<semaphore_mem>>)
    %dma_wait3A_493 = arith.constant 17 : i32
    %dma_wait3A_494 = arith.constant 0 : i32
    %dma_wait3A_495 = tpu.memref_slice %arg5[%dma_wait3A_493, %dma_wait3A_494] : memref<20x500xi32, #tpu.memory_space<vmem>> -> memref<1x500xi32, #tpu.memory_space<vmem>>
    %dma_wait3A_496 = tpu.memref_squeeze %dma_wait3A_495 : memref<1x500xi32, #tpu.memory_space<vmem>> -> memref<500xi32, #tpu.memory_space<vmem>>
    %dma_wait3A_497 = arith.constant 0 : i32
    %dma_wait3A_498 = arith.constant 0 : i32
    %dma_wait3A_499 = tpu.memref_slice %arg2[%dma_wait3A_497, %dma_wait3A_498] : memref<10000x32xf32, #tpu.memory_space<hbm>> -> memref<10000x32xf32, #tpu.memory_space<hbm>>
    tpu.wait_indirect_dma semaphore(%arg11 : memref<!tpu.dma_semaphore, #tpu.memory_space<semaphore_mem>>) src(%dma_wait3A_499 : memref<10000x32xf32, #tpu.memory_space<hbm>>) dst(%arg9 : memref<500x32xf32, #tpu.memory_space<vmem>>)
    %dma_start3A_500 = arith.constant 17 : i32
    %dma_start3A_501 = arith.constant 0 : i32
    %dma_start3A_502 = tpu.memref_slice %arg6[%dma_start3A_500, %dma_start3A_501] : memref<20x500xi32, #tpu.memory_space<vmem>> -> memref<1x500xi32, #tpu.memory_space<vmem>>
    %dma_start3A_503 = tpu.memref_squeeze %dma_start3A_502 : memref<1x500xi32, #tpu.memory_space<vmem>> -> memref<500xi32, #tpu.memory_space<vmem>>
    %dma_start3A_504 = arith.constant 0 : i32
    %dma_start3A_505 = arith.constant 0 : i32
    %dma_start3A_506 = tpu.memref_slice %arg10[%dma_start3A_504, %dma_start3A_505] : memref<10240x32xf32, #tpu.memory_space<vmem_shared>> -> memref<10240x32xf32, #tpu.memory_space<vmem_shared>>
    tpu.enqueue_indirect_dma source(%arg9 : memref<500x32xf32, #tpu.memory_space<vmem>>) target(%dma_start3A_506 : memref<10240x32xf32, #tpu.memory_space<vmem_shared>>) offsets(%dma_start3A_503 : memref<500xi32, #tpu.memory_space<vmem>>) semaphore(%arg12 : memref<!tpu.dma_semaphore, #tpu.memory_space<semaphore_mem>>) {add = true}
    %dma_wait3A_507 = arith.constant 16 : i32
    %dma_wait3A_508 = arith.constant 0 : i32
    %dma_wait3A_509 = tpu.memref_slice %arg6[%dma_wait3A_507, %dma_wait3A_508] : memref<20x500xi32, #tpu.memory_space<vmem>> -> memref<1x500xi32, #tpu.memory_space<vmem>>
    %dma_wait3A_510 = tpu.memref_squeeze %dma_wait3A_509 : memref<1x500xi32, #tpu.memory_space<vmem>> -> memref<500xi32, #tpu.memory_space<vmem>>
    %dma_wait3A_511 = arith.constant 0 : i32
    %dma_wait3A_512 = arith.constant 0 : i32
    %dma_wait3A_513 = tpu.memref_slice %arg10[%dma_wait3A_511, %dma_wait3A_512] : memref<10240x32xf32, #tpu.memory_space<vmem_shared>> -> memref<10240x32xf32, #tpu.memory_space<vmem_shared>>
    tpu.wait_indirect_dma semaphore(%arg12 : memref<!tpu.dma_semaphore, #tpu.memory_space<semaphore_mem>>) src(%arg8 : memref<500x32xf32, #tpu.memory_space<vmem>>) dst(%dma_wait3A_513 : memref<10240x32xf32, #tpu.memory_space<vmem_shared>>)
    %dma_start3A_514 = arith.constant 19 : i32
    %dma_start3A_515 = arith.constant 0 : i32
    %dma_start3A_516 = tpu.memref_slice %arg5[%dma_start3A_514, %dma_start3A_515] : memref<20x500xi32, #tpu.memory_space<vmem>> -> memref<1x500xi32, #tpu.memory_space<vmem>>
    %dma_start3A_517 = tpu.memref_squeeze %dma_start3A_516 : memref<1x500xi32, #tpu.memory_space<vmem>> -> memref<500xi32, #tpu.memory_space<vmem>>
    %dma_start3A_518 = arith.constant 0 : i32
    %dma_start3A_519 = arith.constant 0 : i32
    %dma_start3A_520 = tpu.memref_slice %arg2[%dma_start3A_518, %dma_start3A_519] : memref<10000x32xf32, #tpu.memory_space<hbm>> -> memref<10000x32xf32, #tpu.memory_space<hbm>>
    tpu.enqueue_indirect_dma source(%dma_start3A_520 : memref<10000x32xf32, #tpu.memory_space<hbm>>) target(%arg8 : memref<500x32xf32, #tpu.memory_space<vmem>>) offsets(%dma_start3A_517 : memref<500xi32, #tpu.memory_space<vmem>>) semaphore(%arg11 : memref<!tpu.dma_semaphore, #tpu.memory_space<semaphore_mem>>)
    %dma_wait3A_521 = arith.constant 18 : i32
    %dma_wait3A_522 = arith.constant 0 : i32
    %dma_wait3A_523 = tpu.memref_slice %arg5[%dma_wait3A_521, %dma_wait3A_522] : memref<20x500xi32, #tpu.memory_space<vmem>> -> memref<1x500xi32, #tpu.memory_space<vmem>>
    %dma_wait3A_524 = tpu.memref_squeeze %dma_wait3A_523 : memref<1x500xi32, #tpu.memory_space<vmem>> -> memref<500xi32, #tpu.memory_space<vmem>>
    %dma_wait3A_525 = arith.constant 0 : i32
    %dma_wait3A_526 = arith.constant 0 : i32
    %dma_wait3A_527 = tpu.memref_slice %arg2[%dma_wait3A_525, %dma_wait3A_526] : memref<10000x32xf32, #tpu.memory_space<hbm>> -> memref<10000x32xf32, #tpu.memory_space<hbm>>
    tpu.wait_indirect_dma semaphore(%arg11 : memref<!tpu.dma_semaphore, #tpu.memory_space<semaphore_mem>>) src(%dma_wait3A_527 : memref<10000x32xf32, #tpu.memory_space<hbm>>) dst(%arg7 : memref<500x32xf32, #tpu.memory_space<vmem>>)
    %dma_start3A_528 = arith.constant 18 : i32
    %dma_start3A_529 = arith.constant 0 : i32
    %dma_start3A_530 = tpu.memref_slice %arg6[%dma_start3A_528, %dma_start3A_529] : memref<20x500xi32, #tpu.memory_space<vmem>> -> memref<1x500xi32, #tpu.memory_space<vmem>>
    %dma_start3A_531 = tpu.memref_squeeze %dma_start3A_530 : memref<1x500xi32, #tpu.memory_space<vmem>> -> memref<500xi32, #tpu.memory_space<vmem>>
    %dma_start3A_532 = arith.constant 0 : i32
    %dma_start3A_533 = arith.constant 0 : i32
    %dma_start3A_534 = tpu.memref_slice %arg10[%dma_start3A_532, %dma_start3A_533] : memref<10240x32xf32, #tpu.memory_space<vmem_shared>> -> memref<10240x32xf32, #tpu.memory_space<vmem_shared>>
    tpu.enqueue_indirect_dma source(%arg7 : memref<500x32xf32, #tpu.memory_space<vmem>>) target(%dma_start3A_534 : memref<10240x32xf32, #tpu.memory_space<vmem_shared>>) offsets(%dma_start3A_531 : memref<500xi32, #tpu.memory_space<vmem>>) semaphore(%arg12 : memref<!tpu.dma_semaphore, #tpu.memory_space<semaphore_mem>>) {add = true}
    %dma_wait3A_535 = arith.constant 19 : i32
    %dma_wait3A_536 = arith.constant 0 : i32
    %dma_wait3A_537 = tpu.memref_slice %arg5[%dma_wait3A_535, %dma_wait3A_536] : memref<20x500xi32, #tpu.memory_space<vmem>> -> memref<1x500xi32, #tpu.memory_space<vmem>>
    %dma_wait3A_538 = tpu.memref_squeeze %dma_wait3A_537 : memref<1x500xi32, #tpu.memory_space<vmem>> -> memref<500xi32, #tpu.memory_space<vmem>>
    %dma_wait3A_539 = arith.constant 0 : i32
    %dma_wait3A_540 = arith.constant 0 : i32
    %dma_wait3A_541 = tpu.memref_slice %arg2[%dma_wait3A_539, %dma_wait3A_540] : memref<10000x32xf32, #tpu.memory_space<hbm>> -> memref<10000x32xf32, #tpu.memory_space<hbm>>
    tpu.wait_indirect_dma semaphore(%arg11 : memref<!tpu.dma_semaphore, #tpu.memory_space<semaphore_mem>>) src(%dma_wait3A_541 : memref<10000x32xf32, #tpu.memory_space<hbm>>) dst(%arg8 : memref<500x32xf32, #tpu.memory_space<vmem>>)
    %dma_start3A_542 = arith.constant 19 : i32
    %dma_start3A_543 = arith.constant 0 : i32
    %dma_start3A_544 = tpu.memref_slice %arg6[%dma_start3A_542, %dma_start3A_543] : memref<20x500xi32, #tpu.memory_space<vmem>> -> memref<1x500xi32, #tpu.memory_space<vmem>>
    %dma_start3A_545 = tpu.memref_squeeze %dma_start3A_544 : memref<1x500xi32, #tpu.memory_space<vmem>> -> memref<500xi32, #tpu.memory_space<vmem>>
    %dma_start3A_546 = arith.constant 0 : i32
    %dma_start3A_547 = arith.constant 0 : i32
    %dma_start3A_548 = tpu.memref_slice %arg10[%dma_start3A_546, %dma_start3A_547] : memref<10240x32xf32, #tpu.memory_space<vmem_shared>> -> memref<10240x32xf32, #tpu.memory_space<vmem_shared>>
    tpu.enqueue_indirect_dma source(%arg8 : memref<500x32xf32, #tpu.memory_space<vmem>>) target(%dma_start3A_548 : memref<10240x32xf32, #tpu.memory_space<vmem_shared>>) offsets(%dma_start3A_545 : memref<500xi32, #tpu.memory_space<vmem>>) semaphore(%arg12 : memref<!tpu.dma_semaphore, #tpu.memory_space<semaphore_mem>>) {add = true}
    %dma_wait3A_549 = arith.constant 17 : i32
    %dma_wait3A_550 = arith.constant 0 : i32
    %dma_wait3A_551 = tpu.memref_slice %arg6[%dma_wait3A_549, %dma_wait3A_550] : memref<20x500xi32, #tpu.memory_space<vmem>> -> memref<1x500xi32, #tpu.memory_space<vmem>>
    %dma_wait3A_552 = tpu.memref_squeeze %dma_wait3A_551 : memref<1x500xi32, #tpu.memory_space<vmem>> -> memref<500xi32, #tpu.memory_space<vmem>>
    %dma_wait3A_553 = arith.constant 0 : i32
    %dma_wait3A_554 = arith.constant 0 : i32
    %dma_wait3A_555 = tpu.memref_slice %arg10[%dma_wait3A_553, %dma_wait3A_554] : memref<10240x32xf32, #tpu.memory_space<vmem_shared>> -> memref<10240x32xf32, #tpu.memory_space<vmem_shared>>
    tpu.wait_indirect_dma semaphore(%arg12 : memref<!tpu.dma_semaphore, #tpu.memory_space<semaphore_mem>>) src(%arg9 : memref<500x32xf32, #tpu.memory_space<vmem>>) dst(%dma_wait3A_555 : memref<10240x32xf32, #tpu.memory_space<vmem_shared>>)
    %dma_wait3A_556 = arith.constant 18 : i32
    %dma_wait3A_557 = arith.constant 0 : i32
    %dma_wait3A_558 = tpu.memref_slice %arg6[%dma_wait3A_556, %dma_wait3A_557] : memref<20x500xi32, #tpu.memory_space<vmem>> -> memref<1x500xi32, #tpu.memory_space<vmem>>
    %dma_wait3A_559 = tpu.memref_squeeze %dma_wait3A_558 : memref<1x500xi32, #tpu.memory_space<vmem>> -> memref<500xi32, #tpu.memory_space<vmem>>
    %dma_wait3A_560 = arith.constant 0 : i32
    %dma_wait3A_561 = arith.constant 0 : i32
    %dma_wait3A_562 = tpu.memref_slice %arg10[%dma_wait3A_560, %dma_wait3A_561] : memref<10240x32xf32, #tpu.memory_space<vmem_shared>> -> memref<10240x32xf32, #tpu.memory_space<vmem_shared>>
    tpu.wait_indirect_dma semaphore(%arg12 : memref<!tpu.dma_semaphore, #tpu.memory_space<semaphore_mem>>) src(%arg7 : memref<500x32xf32, #tpu.memory_space<vmem>>) dst(%dma_wait3A_562 : memref<10240x32xf32, #tpu.memory_space<vmem_shared>>)
    %dma_wait3A_563 = arith.constant 19 : i32
    %dma_wait3A_564 = arith.constant 0 : i32
    %dma_wait3A_565 = tpu.memref_slice %arg6[%dma_wait3A_563, %dma_wait3A_564] : memref<20x500xi32, #tpu.memory_space<vmem>> -> memref<1x500xi32, #tpu.memory_space<vmem>>
    %dma_wait3A_566 = tpu.memref_squeeze %dma_wait3A_565 : memref<1x500xi32, #tpu.memory_space<vmem>> -> memref<500xi32, #tpu.memory_space<vmem>>
    %dma_wait3A_567 = arith.constant 0 : i32
    %dma_wait3A_568 = arith.constant 0 : i32
    %dma_wait3A_569 = tpu.memref_slice %arg10[%dma_wait3A_567, %dma_wait3A_568] : memref<10240x32xf32, #tpu.memory_space<vmem_shared>> -> memref<10240x32xf32, #tpu.memory_space<vmem_shared>>
    tpu.wait_indirect_dma semaphore(%arg12 : memref<!tpu.dma_semaphore, #tpu.memory_space<semaphore_mem>>) src(%arg8 : memref<500x32xf32, #tpu.memory_space<vmem>>) dst(%dma_wait3A_569 : memref<10240x32xf32, #tpu.memory_space<vmem_shared>>)
    %barrier3A_570 = arith.constant 0 : index
    tpu.barrier barrier_id(%barrier3A_570)
    %mul3A_571 = arith.constant 640 : i32
    %mul3A_572 = arith.muli %arg1, %mul3A_571 : i32
    %mul3A_573 = arith.constant 640 : i32
    %mul3A_574 = arith.muli %arg1, %mul3A_573 : i32
    "tpu.region"() ({
      %run_scoped3A_575 = tpu.sem_alloc : memref<!tpu.dma_semaphore, #tpu.memory_space<semaphore_mem>>
      %dma_start3A_576 = arith.constant 0 : i32
      %dma_start3A_577 = tpu.memref_slice %arg4[%arg0, %mul3A_574, %dma_start3A_576] : memref<2x10240x32xf32, #tpu.memory_space<hbm>> -> memref<1x640x32xf32, #tpu.memory_space<hbm>>
      %dma_start3A_578 = tpu.memref_squeeze %dma_start3A_577 : memref<1x640x32xf32, #tpu.memory_space<hbm>> -> memref<640x32xf32, #tpu.memory_space<hbm>>
      %dma_start3A_579 = arith.constant 0 : i32
      %dma_start3A_580 = tpu.memref_slice %arg10[%mul3A_572, %dma_start3A_579] : memref<10240x32xf32, #tpu.memory_space<vmem_shared>> -> memref<640x32xf32, #tpu.memory_space<vmem_shared>>
      tpu.enqueue_dma source(%dma_start3A_580 : memref<640x32xf32, #tpu.memory_space<vmem_shared>>) target(%dma_start3A_578 : memref<640x32xf32, #tpu.memory_space<hbm>>) target_semaphore(%run_scoped3A_575 : memref<!tpu.dma_semaphore, #tpu.memory_space<semaphore_mem>>)
      %dma_wait3A_581 = arith.constant 0 : i32
      %dma_wait3A_582 = tpu.memref_slice %arg4[%arg0, %mul3A_574, %dma_wait3A_581] : memref<2x10240x32xf32, #tpu.memory_space<hbm>> -> memref<1x640x32xf32, #tpu.memory_space<hbm>>
      %dma_wait3A_583 = tpu.memref_squeeze %dma_wait3A_582 : memref<1x640x32xf32, #tpu.memory_space<hbm>> -> memref<640x32xf32, #tpu.memory_space<hbm>>
      %dma_wait3A_584 = arith.constant 0 : i32
      %dma_wait3A_585 = tpu.memref_slice %arg10[%mul3A_572, %dma_wait3A_584] : memref<10240x32xf32, #tpu.memory_space<vmem_shared>> -> memref<640x32xf32, #tpu.memory_space<vmem_shared>>
      tpu.wait_dma2 semaphore(%run_scoped3A_575 : memref<!tpu.dma_semaphore, #tpu.memory_space<semaphore_mem>>) src(%dma_wait3A_585 : memref<640x32xf32, #tpu.memory_space<vmem_shared>>) dst(%dma_wait3A_583 : memref<640x32xf32, #tpu.memory_space<hbm>>)
      tpu.yield
    }) : () -> ()
    return
  }
}

module attributes {stable_mosaic.version = 14 : i64} {
  func.func @body(%arg0: memref<2500x512xf32, #tpu.memory_space<vmem>>, %arg1: memref<512x128xf32, #tpu.memory_space<vmem>>, %arg2: memref<2x2560x128xf32, #tpu.memory_space<vmem>>, %arg3: memref<2x2560x128xf32, #tpu.memory_space<vmem>>, %arg4: memref<2500x128xf32, #tpu.memory_space<vmem>>, %arg5: memref<2560x128xf32, #tpu.memory_space<vmem>>, %arg6: memref<2560x128xf32, #tpu.memory_space<vmem>>) attributes {dimension_semantics = [], scalar_prefetch = 0 : i64, scratch_operands = 0 : i64, tpu.core_type = #tpu.core_type<tc>} {
    %get3A = arith.constant 0 : index
    %get3A_0 = arith.constant 0 : index
    %get3A_1 = arith.constant 0 : index
    %get3A_2 = vector.load %arg2[%get3A, %get3A_0, %get3A_1] : memref<2x2560x128xf32, #tpu.memory_space<vmem>>, vector<1x2560x128xf32>
    %get3A_3 = vector.shape_cast %get3A_2 : vector<1x2560x128xf32> to vector<2560x128xf32>
    %get3A_4 = arith.constant 1 : index
    %get3A_5 = arith.constant 0 : index
    %get3A_6 = arith.constant 0 : index
    %get3A_7 = vector.load %arg2[%get3A_4, %get3A_5, %get3A_6] : memref<2x2560x128xf32, #tpu.memory_space<vmem>>, vector<1x2560x128xf32>
    %get3A_8 = vector.shape_cast %get3A_7 : vector<1x2560x128xf32> to vector<2560x128xf32>
    %add3A = arith.addf %get3A_3, %get3A_8 : vector<2560x128xf32>
    %get3A_9 = arith.constant 0 : index
    %get3A_10 = arith.constant 0 : index
    %get3A_11 = arith.constant 0 : index
    %get3A_12 = vector.load %arg3[%get3A_9, %get3A_10, %get3A_11] : memref<2x2560x128xf32, #tpu.memory_space<vmem>>, vector<1x2560x128xf32>
    %get3A_13 = vector.shape_cast %get3A_12 : vector<1x2560x128xf32> to vector<2560x128xf32>
    %get3A_14 = arith.constant 1 : index
    %get3A_15 = arith.constant 0 : index
    %get3A_16 = arith.constant 0 : index
    %get3A_17 = vector.load %arg3[%get3A_14, %get3A_15, %get3A_16] : memref<2x2560x128xf32, #tpu.memory_space<vmem>>, vector<1x2560x128xf32>
    %get3A_18 = vector.shape_cast %get3A_17 : vector<1x2560x128xf32> to vector<2560x128xf32>
    %add3A_19 = arith.addf %get3A_13, %get3A_18 : vector<2560x128xf32>
    %gt3A = arith.constant 0.000000e+00 : f32
    %gt3A_20 = vector.broadcast %gt3A : f32 to vector<2560x128xf32>
    %gt3A_21 = arith.cmpf ogt, %add3A, %gt3A_20 : vector<2560x128xf32>
    %max3A = arith.constant 9.99999996E-13 : f32
    %max3A_22 = vector.broadcast %max3A : f32 to vector<2560x128xf32>
    %max3A_23 = arith.maximumf %add3A, %max3A_22 : vector<2560x128xf32>
    %rsqrt3A = math.rsqrt %max3A_23 : vector<2560x128xf32>
    %jit3A = arith.constant 0.000000e+00 : f32
    %broadcast_in_dim3A = vector.broadcast %jit3A : f32 to vector<2560x128xf32>
    %select_n3A = arith.select %gt3A_21, %rsqrt3A, %broadcast_in_dim3A : vector<2560x128xi1>, vector<2560x128xf32>
    %gt3A_24 = arith.constant 0.000000e+00 : f32
    %gt3A_25 = vector.broadcast %gt3A_24 : f32 to vector<2560x128xf32>
    %gt3A_26 = arith.cmpf ogt, %add3A_19, %gt3A_25 : vector<2560x128xf32>
    %max3A_27 = arith.constant 9.99999996E-13 : f32
    %max3A_28 = vector.broadcast %max3A_27 : f32 to vector<2560x128xf32>
    %max3A_29 = arith.maximumf %add3A_19, %max3A_28 : vector<2560x128xf32>
    %rsqrt3A_30 = math.rsqrt %max3A_29 : vector<2560x128xf32>
    %jit3A_31 = arith.constant 0.000000e+00 : f32
    %broadcast_in_dim3A_32 = vector.broadcast %jit3A_31 : f32 to vector<2560x128xf32>
    %select_n3A_33 = arith.select %gt3A_26, %rsqrt3A_30, %broadcast_in_dim3A_32 : vector<2560x128xi1>, vector<2560x128xf32>
    %swap3A = arith.constant 0 : index
    %swap3A_34 = arith.constant 0 : index
    %swap3A_35 = vector.load %arg5[%swap3A, %swap3A_34] : memref<2560x128xf32, #tpu.memory_space<vmem>>, vector<2560x128xf32>
    tpu.vector_store %arg5[%swap3A, %swap3A_34], %select_n3A {strides = array<i32>} : memref<2560x128xf32, #tpu.memory_space<vmem>>, vector<2560x128xf32>,
    %swap3A_36 = arith.constant 0 : index
    %swap3A_37 = arith.constant 0 : index
    %swap3A_38 = vector.load %arg6[%swap3A_36, %swap3A_37] : memref<2560x128xf32, #tpu.memory_space<vmem>>, vector<2560x128xf32>
    tpu.vector_store %arg6[%swap3A_36, %swap3A_37], %select_n3A_33 {strides = array<i32>} : memref<2560x128xf32, #tpu.memory_space<vmem>>, vector<2560x128xf32>,
    %get3A_39 = arith.constant 0 : index
    %get3A_40 = arith.constant 0 : index
    %get3A_41 = vector.load %arg0[%get3A_39, %get3A_40] : memref<2500x512xf32, #tpu.memory_space<vmem>>, vector<2500x512xf32>
    %get3A_42 = arith.constant 0 : index
    %get3A_43 = arith.constant 0 : index
    %get3A_44 = vector.load %arg1[%get3A_42, %get3A_43] : memref<512x128xf32, #tpu.memory_space<vmem>>, vector<512x128xf32>
    %dot_general3A = arith.constant dense<0.000000e+00> : vector<2500x128xf32>
    %dot_general3A_45 = tpu.matmul %get3A_41, %get3A_44, %dot_general3A {dimension_numbers = #tpu.dot_dimension_numbers<[1], [0], [0], [1], [0, 0, 1, 1], [], []>, transpose_lhs_hint = false} : vector<2500x512xf32>, vector<512x128xf32>, vector<2500x128xf32> -> vector<2500x128xf32>
    %slice3A = vector.extract_strided_slice %select_n3A {offsets = [0, 0], sizes = [2500, 128], strides = [1, 1]} : vector<2560x128xf32> to vector<2500x128xf32>
    %mul3A = arith.mulf %dot_general3A_45, %slice3A : vector<2500x128xf32>
    %swap3A_46 = arith.constant 0 : index
    %swap3A_47 = arith.constant 0 : index
    %swap3A_48 = vector.load %arg4[%swap3A_46, %swap3A_47] : memref<2500x128xf32, #tpu.memory_space<vmem>>, vector<2500x128xf32>
    tpu.vector_store %arg4[%swap3A_46, %swap3A_47], %mul3A {strides = array<i32>} : memref<2500x128xf32, #tpu.memory_space<vmem>>, vector<2500x128xf32>,
    return
  }
}

module attributes {stable_mosaic.version = 14 : i64} {
  func.func @body(%arg0: memref<2x2560x128xf32, #tpu.memory_space<vmem>>, %arg1: memref<2560x128xf32, #tpu.memory_space<vmem>>, %arg2: memref<2560x128xf32, #tpu.memory_space<vmem>>, %arg3: memref<32xf32, #tpu.memory_space<vmem>>, %arg4: memref<128x128xf32, #tpu.memory_space<vmem>>, %arg5: memref<2500x128xf32, #tpu.memory_space<vmem>>) attributes {dimension_semantics = [], scalar_prefetch = 0 : i64, scratch_operands = 0 : i64, tpu.core_type = #tpu.core_type<tc>} {
    %get3A = arith.constant 0 : index
    %get3A_0 = arith.constant 0 : index
    %get3A_1 = arith.constant 0 : index
    %get3A_2 = vector.load %arg0[%get3A, %get3A_0, %get3A_1] : memref<2x2560x128xf32, #tpu.memory_space<vmem>>, vector<1x2500x128xf32>
    %get3A_3 = vector.shape_cast %get3A_2 : vector<1x2500x128xf32> to vector<2500x128xf32>
    %get3A_4 = arith.constant 1 : index
    %get3A_5 = arith.constant 0 : index
    %get3A_6 = arith.constant 0 : index
    %get3A_7 = vector.load %arg0[%get3A_4, %get3A_5, %get3A_6] : memref<2x2560x128xf32, #tpu.memory_space<vmem>>, vector<1x2500x128xf32>
    %get3A_8 = vector.shape_cast %get3A_7 : vector<1x2500x128xf32> to vector<2500x128xf32>
    %add3A = arith.addf %get3A_3, %get3A_8 : vector<2500x128xf32>
    %get3A_9 = arith.constant 0 : index
    %get3A_10 = vector.load %arg3[%get3A_9] : memref<32xf32, #tpu.memory_space<vmem>>, vector<32xf32>
    %concatenate3A = tpu.concatenate %get3A_10, %get3A_10, %get3A_10, %get3A_10 in 0 : vector<32xf32>, vector<32xf32>, vector<32xf32>, vector<32xf32> -> vector<128xf32>
    %get3A_11 = arith.constant 0 : index
    %get3A_12 = arith.constant 0 : index
    %get3A_13 = vector.load %arg1[%get3A_11, %get3A_12] : memref<2560x128xf32, #tpu.memory_space<vmem>>, vector<2500x128xf32>
    %mul3A = arith.mulf %add3A, %get3A_13 : vector<2500x128xf32>
    %broadcast_in_dim3A = vector.shape_cast %concatenate3A : vector<128xf32> to vector<1x128xf32>
    %add3A_14 = vector.broadcast %broadcast_in_dim3A : vector<1x128xf32> to vector<2500x128xf32>
    %add3A_15 = arith.addf %mul3A, %add3A_14 : vector<2500x128xf32>
    %max3A = arith.constant 0.000000e+00 : f32
    %max3A_16 = vector.broadcast %max3A : f32 to vector<2500x128xf32>
    %max3A_17 = arith.maximumf %add3A_15, %max3A_16 : vector<2500x128xf32>
    %get3A_18 = arith.constant 0 : index
    %get3A_19 = arith.constant 0 : index
    %get3A_20 = vector.load %arg4[%get3A_18, %get3A_19] : memref<128x128xf32, #tpu.memory_space<vmem>>, vector<128x128xf32>
    %dot_general3A = arith.constant dense<0.000000e+00> : vector<2500x128xf32>
    %dot_general3A_21 = tpu.matmul %max3A_17, %get3A_20, %dot_general3A {dimension_numbers = #tpu.dot_dimension_numbers<[1], [0], [0], [1], [0, 0, 1, 1], [], []>, transpose_lhs_hint = false} : vector<2500x128xf32>, vector<128x128xf32>, vector<2500x128xf32> -> vector<2500x128xf32>
    %get3A_22 = arith.constant 0 : index
    %get3A_23 = arith.constant 0 : index
    %get3A_24 = vector.load %arg2[%get3A_22, %get3A_23] : memref<2560x128xf32, #tpu.memory_space<vmem>>, vector<2500x128xf32>
    %mul3A_25 = arith.mulf %dot_general3A_21, %get3A_24 : vector<2500x128xf32>
    %swap3A = arith.constant 0 : index
    %swap3A_26 = arith.constant 0 : index
    %swap3A_27 = vector.load %arg5[%swap3A, %swap3A_26] : memref<2500x128xf32, #tpu.memory_space<vmem>>, vector<2500x128xf32>
    tpu.vector_store %arg5[%swap3A, %swap3A_26], %mul3A_25 {strides = array<i32>} : memref<2500x128xf32, #tpu.memory_space<vmem>>, vector<2500x128xf32>,
    return
  }
}

module attributes {stable_mosaic.version = 14 : i64} {
  func.func @body(%arg0: memref<2x2560x128xf32, #tpu.memory_space<vmem>>, %arg1: memref<2560x128xf32, #tpu.memory_space<vmem>>, %arg2: memref<32xf32, #tpu.memory_space<vmem>>, %arg3: memref<32x8xf32, #tpu.memory_space<vmem>>, %arg4: memref<1x8xf32, #tpu.memory_space<vmem>>, %arg5: memref<1x8xf32, #tpu.memory_space<vmem>>) attributes {dimension_semantics = [], scalar_prefetch = 0 : i64, scratch_operands = 0 : i64, tpu.core_type = #tpu.core_type<tc>} {
    %get3A = arith.constant 0 : index
    %get3A_0 = arith.constant 0 : index
    %get3A_1 = arith.constant 0 : index
    %get3A_2 = vector.load %arg0[%get3A, %get3A_0, %get3A_1] : memref<2x2560x128xf32, #tpu.memory_space<vmem>>, vector<1x2500x128xf32>
    %get3A_3 = vector.shape_cast %get3A_2 : vector<1x2500x128xf32> to vector<2500x128xf32>
    %get3A_4 = arith.constant 1 : index
    %get3A_5 = arith.constant 0 : index
    %get3A_6 = arith.constant 0 : index
    %get3A_7 = vector.load %arg0[%get3A_4, %get3A_5, %get3A_6] : memref<2x2560x128xf32, #tpu.memory_space<vmem>>, vector<1x2500x128xf32>
    %get3A_8 = vector.shape_cast %get3A_7 : vector<1x2500x128xf32> to vector<2500x128xf32>
    %add3A = arith.addf %get3A_3, %get3A_8 : vector<2500x128xf32>
    %get3A_9 = arith.constant 0 : index
    %get3A_10 = vector.load %arg2[%get3A_9] : memref<32xf32, #tpu.memory_space<vmem>>, vector<32xf32>
    %concatenate3A = tpu.concatenate %get3A_10, %get3A_10, %get3A_10, %get3A_10 in 0 : vector<32xf32>, vector<32xf32>, vector<32xf32>, vector<32xf32> -> vector<128xf32>
    %get3A_11 = arith.constant 0 : index
    %get3A_12 = arith.constant 0 : index
    %get3A_13 = vector.load %arg1[%get3A_11, %get3A_12] : memref<2560x128xf32, #tpu.memory_space<vmem>>, vector<2500x128xf32>
    %mul3A = arith.mulf %add3A, %get3A_13 : vector<2500x128xf32>
    %broadcast_in_dim3A = vector.shape_cast %concatenate3A : vector<128xf32> to vector<1x128xf32>
    %add3A_14 = vector.broadcast %broadcast_in_dim3A : vector<1x128xf32> to vector<2500x128xf32>
    %add3A_15 = arith.addf %mul3A, %add3A_14 : vector<2500x128xf32>
    %max3A = arith.constant 0.000000e+00 : f32
    %max3A_16 = vector.broadcast %max3A : f32 to vector<2500x128xf32>
    %max3A_17 = arith.maximumf %add3A_15, %max3A_16 : vector<2500x128xf32>
    %reduce_max3A = arith.constant dense<0xFF800000> : vector<128xf32>
    %reduce_max3A_18 = vector.multi_reduction <maximumf>, %max3A_17, %reduce_max3A [0] : vector<2500x128xf32> to vector<128xf32>
    %broadcast_in_dim3A_19 = vector.shape_cast %reduce_max3A_18 : vector<128xf32> to vector<1x128xf32>
    %slice3A = vector.extract_strided_slice %broadcast_in_dim3A_19 {offsets = [0, 0], sizes = [1, 32], strides = [1, 1]} : vector<1x128xf32> to vector<1x32xf32>
    %slice3A_20 = vector.extract_strided_slice %broadcast_in_dim3A_19 {offsets = [0, 32], sizes = [1, 32], strides = [1, 1]} : vector<1x128xf32> to vector<1x32xf32>
    %max3A_21 = arith.maximumf %slice3A, %slice3A_20 : vector<1x32xf32>
    %slice3A_22 = vector.extract_strided_slice %broadcast_in_dim3A_19 {offsets = [0, 64], sizes = [1, 32], strides = [1, 1]} : vector<1x128xf32> to vector<1x32xf32>
    %slice3A_23 = vector.extract_strided_slice %broadcast_in_dim3A_19 {offsets = [0, 96], sizes = [1, 32], strides = [1, 1]} : vector<1x128xf32> to vector<1x32xf32>
    %max3A_24 = arith.maximumf %slice3A_22, %slice3A_23 : vector<1x32xf32>
    %max3A_25 = arith.maximumf %max3A_21, %max3A_24 : vector<1x32xf32>
    %get3A_26 = arith.constant 0 : index
    %get3A_27 = arith.constant 0 : index
    %get3A_28 = vector.load %arg3[%get3A_26, %get3A_27] : memref<32x8xf32, #tpu.memory_space<vmem>>, vector<32x8xf32>
    %dot_general3A = arith.constant dense<0.000000e+00> : vector<1x8xf32>
    %dot_general3A_29 = tpu.matmul %max3A_25, %get3A_28, %dot_general3A {dimension_numbers = #tpu.dot_dimension_numbers<[1], [0], [0], [1], [0, 0, 1, 1], [], []>, transpose_lhs_hint = false} : vector<1x32xf32>, vector<32x8xf32>, vector<1x8xf32> -> vector<1x8xf32>
    %get3A_30 = arith.constant 0 : index
    %get3A_31 = arith.constant 0 : index
    %get3A_32 = vector.load %arg4[%get3A_30, %get3A_31] : memref<1x8xf32, #tpu.memory_space<vmem>>, vector<1x8xf32>
    %add3A_33 = arith.addf %dot_general3A_29, %get3A_32 : vector<1x8xf32>
    %reduce_max3A_34 = arith.constant dense<0xFF800000> : vector<1xf32>
    %reduce_max3A_35 = vector.multi_reduction <maximumf>, %add3A_33, %reduce_max3A_34 [1] : vector<1x8xf32> to vector<1xf32>
    %broadcast_in_dim3A_36 = vector.shape_cast %reduce_max3A_35 : vector<1xf32> to vector<1x1xf32>
    %sub3A = vector.broadcast %broadcast_in_dim3A_36 : vector<1x1xf32> to vector<1x8xf32>
    %sub3A_37 = arith.subf %add3A_33, %sub3A : vector<1x8xf32>
    %exp3A = math.exp %sub3A_37 : vector<1x8xf32>
    %reduce_sum3A = arith.constant dense<0.000000e+00> : vector<1xf32>
    %reduce_sum3A_38 = vector.multi_reduction <add>, %exp3A, %reduce_sum3A [1] : vector<1x8xf32> to vector<1xf32>
    %broadcast_in_dim3A_39 = vector.shape_cast %reduce_sum3A_38 : vector<1xf32> to vector<1x1xf32>
    %div3A = vector.broadcast %broadcast_in_dim3A_39 : vector<1x1xf32> to vector<1x8xf32>
    %div3A_40 = arith.divf %exp3A, %div3A : vector<1x8xf32>
    %swap3A = arith.constant 0 : index
    %swap3A_41 = arith.constant 0 : index
    %swap3A_42 = vector.load %arg5[%swap3A, %swap3A_41] : memref<1x8xf32, #tpu.memory_space<vmem>>, vector<1x8xf32>
    tpu.vector_store %arg5[%swap3A, %swap3A_41], %div3A_40 {strides = array<i32>} : memref<1x8xf32, #tpu.memory_space<vmem>>, vector<1x8xf32>,
    return
  }
}

</mosaic_0001>

<sc_bundles>
// kernel: kernel.10.cloned.1.call-start
scs
__scs_entry_jumppad:
0x0: {  	(pc) =	sbr.rel $0x88, $3  }
0x1: {  	(tag) =	ssettag $0x0;
	lr =	simm.s32 $0x1  }
0x2: {  	[smem:$0x3F97] =	sst lr;
	_ =	strace $0xD0000000  }
0x3: {  	_ = 	snop  }
0x4: {  	_ = 	snop  }
0x5: {  	_ = 	snop  }
0x6: {  	_ = 	snop  }
0x7: {  	_ = 	snop  }
__scs_overlays_trampoline_lowered:
0x8: {  	[smem:$0x3FA6] =	sst s0  }
0x9: {  	[smem:$0x3FA7] =	sst s1  }
0xa: {  	[smem:$0x3FA8] =	sst s2  }
0xb: {  	[smem:$0x3FA9] =	sst s3  }
0xc: {  	[smem:$0x3FAA] =	sst s4  }
0xd: {  	[smem:$0x3FAB] =	sst s5  }
0xe: {  	[smem:$0x3FAC] =	sst s6  }
0xf: {  	[smem:$0x3FAD] =	sst s7  }
0x10: {  	[smem:$0x3FAE] =	sst s8  }
0x11: {  	[smem:$0x3FAF] =	sst s9;
	s0 =	simm.s32 @!p0 $0x0  }
0x12: {  	s1 =	sld [smem:$0x3F95];
	s0 =	simm.s32 @p0 $0x1  }
0x13: {  	[smem:$0x3FB0] =	sst s0;
	s0 =	simm.s32 @!p1 $0x0  }
0x14: {  	s2 =	sld [smem:$0x3F94];
	s0 =	simm.s32 @p1 $0x1  }
0x15: {  	[smem:$0x3FB1] =	sst s0;
	s0 =	simm.s32 @!p2 $0x0  }
0x16: {  	s3 =	sld [smem:$0x3FDB];
	s0 =	simm.s32 @p2 $0x1  }
0x17: {  	s4 =	simm.s32 $0x1BF5;
	[smem:$0x3FB3] =	sst s0  }
0x18: {  	s0 =	sld [smem:$0x3F96];
	_ =	swait.ge [sflag:s4], $0x0  }
0x19: {  	s7 =	sld [smem:$0x3F97]  }
0x1a: {  	s8 =	sadd.s32 $0xFFFFE003, lr  }
0x1b: {  	s9 =	sadd.s32 $0xFFFFFEF7, lr;
	s5 =	simm.s32 $0xFFFFFFFF;
	p2 =	slt.u32 s8, $0xFFFFF086  }
0x1c: {  	p1 =	slt.u32 s9, $0xF7A;
	s5 =	simm.s32 @!p2 $0x0  }
0x1d: {  	s5 =	simm.s32 @p1 $0x1;
	p0 =	seq.s32 s7, s2  }
0x1e: {  	s7 =	smul.u32 @!p0 $0xF7A, s2;
	p2 =	seq.s32 @!p0 s5, $0x0  }
0x1f: {  	s9 =	smul.u32 $0xF7A, s1;
	s8 =	simm.s32 @!p0 $0x1BF5;
	p2 =	por !p2, p0  }
0x20: {  	[sflag:s8] =	ssyncset.s32 @!p0 $0xFFFFF086;
	s6 =	sadd.s32 @!p0 s3, s7;
	s7 =	simm.s32 @!p0 $0x108  }
0x21: {  	s3 =	sadd.s32 s3, s9;
	s6 =	sadd.s32 @!p0 $0x88, s6;
	s7 =	simm.s32 @p2 $0x1082  }
0x22: {  	[simem:s7], [sflag:s8] =	dma.local @!p0 [hbm:s6], $0xF7A  }
0x23: {  	s9 =	sor.u32 $0xD0000000, s2;
	s6 =	simm.s32 $0x108;
	_ =	swait.ge @!p0 [sflag:s8], $0x0  }
0x24: {  	s3 =	sadd.s32 $0x88, s3;
	s6 =	simm.s32 @!p1 $0x1082;
	[sflag:s4] =	ssyncset.s32 $0xFFFFF086  }
0x25: {  	[simem:s6], [sflag:s4] =	dma.local [hbm:s3], $0xF7A  }
0x26: {  	[smem:$0x3F97] =	sst s1;
	(tag) =	ssettag s2;
	_ =	strace s9  }
0x27: {  	s1 =	sld [smem:$0x3FA7]  }
0x28: {  	s2 =	sld [smem:$0x3FA8]  }
0x29: {  	s4 =	sld [smem:$0x3FAA]  }
0x2a: {  	p0 =	seq.s32 s5, $0x0;
	s5 =	sld [smem:$0x3FAB]  }
0x2b: {  	s6 =	sld [smem:$0x3FAC]  }
0x2c: {  	s7 =	sld [smem:$0x3FAD]  }
0x2d: {  	s3 =	simm.s32 $0x108;
	s8 =	sld [smem:$0x3FAE]  }
0x2e: {  	s3 =	simm.s32 @!p0 $0x1082;
	s9 =	sld [smem:$0x3FAF]  }
0x2f: {  	lr =	sadd.s32 s0, s3;
	s0 =	sld [smem:$0x3FA6]  }
0x30: {  	s3 =	sld [smem:$0x3FA9]  }
0x31: {  	[smem:$0x3FB2] =	sst s10  }
0x32: {  	s10 =	sld [smem:$0x3FB0];
	_ =	sdelay $0x3  }
0x33: {  	p0 =	seq.s32 s10, $0x1;
	s10 =	sld [smem:$0x3FB2];
	_ =	sdelay $0x3  }
0x34: {  	[smem:$0x3FB2] =	sst s10  }
0x35: {  	s10 =	sld [smem:$0x3FB1];
	_ =	sdelay $0x3  }
0x36: {  	p1 =	seq.s32 s10, $0x1;
	s10 =	sld [smem:$0x3FB2];
	_ =	sdelay $0x3  }
0x37: {  	[smem:$0x3FB2] =	sst s10  }
0x38: {  	s10 =	sld [smem:$0x3FB3]  }
0x39: {  	_ = 	snop;
	(pc) =	sbr.ind lr, $3  }
0x3a: {  	_ = 	snop  }
0x3b: {  	_ = 	snop  }
0x3c: {  	p2 =	seq.s32 s10, $0x1;
	s10 =	sld [smem:$0x3FB2]  }
0x3d: {  	_ =	shalt  }
0x3e: {  	_ =	shalt  }
0x3f: {  	_ =	shalt  }
0x40: {  	_ =	shalt  }
0x41: {  	_ =	shalt  }
0x42: {  	_ =	shalt  }
0x43: {  	_ =	shalt  }
0x44: {  	_ =	shalt  }
0x45: {  	_ =	shalt  }
0x46: {  	_ =	shalt  }
0x47: {  	_ =	shalt  }
0x48: {  	_ =	shalt  }
0x49: {  	_ =	shalt  }
0x4a: {  	_ =	shalt  }
0x4b: {  	_ =	shalt  }
0x4c: {  	_ =	shalt  }
0x4d: {  	_ =	shalt  }
0x4e: {  	_ =	shalt  }
0x4f: {  	_ =	shalt  }
0x50: {  	_ =	shalt  }
0x51: {  	_ =	shalt  }
0x52: {  	_ =	shalt  }
0x53: {  	_ =	shalt  }
0x54: {  	_ =	shalt  }
0x55: {  	_ =	shalt  }
0x56: {  	_ =	shalt  }
0x57: {  	_ =	shalt  }
0x58: {  	_ =	shalt  }
0x59: {  	_ =	shalt  }
0x5a: {  	_ =	shalt  }
0x5b: {  	_ =	shalt  }
0x5c: {  	_ =	shalt  }
0x5d: {  	_ =	shalt  }
0x5e: {  	_ =	shalt  }
0x5f: {  	_ =	shalt  }
0x60: {  	_ =	shalt  }
0x61: {  	_ =	shalt  }
0x62: {  	_ =	shalt  }
0x63: {  	_ =	shalt  }
0x64: {  	_ =	shalt  }
0x65: {  	_ =	shalt  }
0x66: {  	_ =	shalt  }
0x67: {  	_ =	shalt  }
0x68: {  	_ =	shalt  }
0x69: {  	_ =	shalt  }
0x6a: {  	_ =	shalt  }
0x6b: {  	_ =	shalt  }
0x6c: {  	_ =	shalt  }
0x6d: {  	_ =	shalt  }
0x6e: {  	_ =	shalt  }
0x6f: {  	_ =	shalt  }
0x70: {  	_ =	shalt  }
0x71: {  	_ =	shalt  }
0x72: {  	_ =	shalt  }
0x73: {  	_ =	shalt  }
0x74: {  	_ =	shalt  }
0x75: {  	_ =	shalt  }
0x76: {  	_ =	shalt  }
0x77: {  	_ =	shalt  }
0x78: {  	_ =	shalt  }
0x79: {  	_ =	shalt  }
0x7a: {  	_ =	shalt  }
0x7b: {  	_ =	shalt  }
0x7c: {  	_ =	shalt  }
0x7d: {  	_ =	shalt  }
0x7e: {  	_ =	shalt  }
0x7f: {  	_ =	shalt  }
0x80: {  	_ =	shalt  }
0x81: {  	_ =	shalt  }
0x82: {  	_ =	shalt  }
0x83: {  	_ =	shalt  }
0x84: {  	_ =	shalt  }
0x85: {  	_ =	shalt  }
0x86: {  	_ =	shalt  }
0x87: {  	_ =	shalt  }
.Lfunc_end0:
.L_simem_size_0:
called_computation_lowered:
.L_overlay_start_0:
0x88: {  	s2 =	sld [smem:$0x3FD9]  }
0x89: {  	s3 =	sld [smem:$0x3FFE];
	_ =	sdelay $0x1  }
0x8a: {  	s1 =	srdreg.scid  }
0x8b: {  	s0 =	sand.u32 $0x1, s1  }
0x8c: {  	s16 =	sshll.u32 s0, $0xA;
	s2 =	sadd.s32 s3, s2  }
0x8d: {  	s2 =	sadd.s32 s2, s16  }
0x8e: {  	[smem:$0x3FBE] =	sst s2  }
0x8f: {  	_ = 	snop  }
0x90: {  	(tm) =	ssettm $0x1  }
0x91: {  	s17 =	sld [smem:$0x3FFB];
	_ =	sdelay $0x3  }
0x92: {  	_ =	strace s17  }
0x93: {  	s2 =	sld [smem:$0x3FFC];
	_ =	sdelay $0x3  }
0x94: {  	_ =	strace s2  }
0x95: {  	s2 =	sld [smem:$0x3FFD];
	_ =	sdelay $0x3  }
0x96: {  	_ =	strace s2  }
0x97: {  	_ =	strace $0x8FFFFFFF  }
0x98: {  	s18 =	sld [smem:$0x3FDB];
	_ =	sdelay $0x1  }
0x99: {  	s19 =	simm.s32 $_scs_section_size  }
0x9a: {  	s4 =	simm.s32 $_size__tile_overlayer_lowered;
	s5 =	simm.s32 $_tile_overlayer_lowered  }
0x9b: {  	s22 =	simm.s32 $0x1BFF;
	s21 =	sshll.u32 s5, $0x1;
	s2 =	sadd.s32 s19, s18  }
0x9c: {  	s6 =	simm.s32 $0x0;
	s20 =	sshll.u32 s4, $0x1;
	s4 =	sadd.s32 s21, s2  }
0x9d: {  	[timem:s6], [sflag:s22] =	dma.local [hbm:s4], s20  }
0x9e: {  	_ =	swait.ge [sflag:s22], s20  }
0x9f: {  	s3 =	ssub.s32 $0x0, s20;
	[sflag:s22] =	ssyncset.done $0x0  }
0xa0: {  	[sflag:s22] =	ssyncadd.s32 s3;
	_ =	sdelay $0x1  }
0xa1: {  	s23 =	simm.s32 $0x1B8B  }
0xa2: {  	_ =	swait.ge [sflag:s23], $0x1  }
0xa3: {  	[sflag:s23] =	ssyncset.done $0x0  }
0xa4: {  	s25 =	simm.s32 $0x1B8E;
	s24 =	sld [smem:$0x3FFE];
	[sflag:s23] =	ssyncadd.s32 $0xFFFFFFFF  }
0xa5: {  	s26 =	simm.s32 $execute0_lowered;
	[smem:$0x3FD2] =	sst s25  }
0xa6: {  	s4 =	sshll.u32 s26, $0x1;
	_ =	strace $0x80000046;
	[dreg:$0x1] =	wrdreg $0xFFFFFFFF  }
0xa7: {  	s28 =	simm.s32 $_size_execute0_lowered;
	s2 =	sadd.s32 s2, s4;
	[dreg:$0x0] =	wrdreg $0x0  }
0xa8: {  	s4 =	sshll.u32 s28, $0x1;
	[dreg:$0x2] =	wrdreg s2  }
0xa9: {  	[dreg:$0x3] =	wrdreg s4  }
0xaa: {  	[dreg:$0x4] =	wrdreg $0xC0  }
0xab: {  	_ =	task [dreg:s6], $0x5FFFF  }
0xac: {  	[dreg:$0x1] =	wrdreg $0xFFFFFFFF  }
0xad: {  	[dreg:$0x0] =	wrdreg $0x60  }
0xae: {  	[dreg:$0x2] =	wrdreg s24  }
0xaf: {  	[dreg:$0x3] =	wrdreg $0xE6000  }
0xb0: {  	[dreg:$0x4] =	wrdreg $0x10E000  }
0xb1: {  	[dreg:$0x5] =	wrdreg $0x9  }
0xb2: {  	_ =	task.clear_ibuf [dreg:s6], $0x6FFFF;
	_ =	strace $0x90000046  }
0xb3: {  	s29 =	simm.s32 $0x9;
	_ =	strace $0x80000048  }
0xb4: {  	_ =	swait.ge [sflag:s29], $0x1  }
0xb5: {  	[sflag:s29] =	ssyncadd.s32 $0xFFFFFFFF  }
0xb6: {  	_ =	strace $0x90000048  }
0xb7: {  	_ =	sfence  }
0xb8: {  	s30 =	sld [smem:$0x0];
	_ =	sdelay $0x2  }
0xb9: {  	s31 =	sshll.u32 s1, $0xD;
	s1 =	sshrl.u32 s1, $0x2  }
0xba: {  	s3 =	sand.u32 $0x4000, s31;
	s1 =	sadd.s32 s1, s30  }
0xbb: {  	s0 =	sor.u32 s3, s0;
	s1 =	sshll.u32 s1, $0x11  }
0xbc: {  	s0 =	sor.u32 s1, s0  }
0xbd: {  	s0 =	sadd.s32 $0x8F2B, s0  }
0xbe: {  	[sflag:s0] =	ssyncadd.remote.s32 $0x1  }
0xbf: {  	_ =	sfence.sel $0xFFFF  }
0xc0: {  	[dreg:$0x0] =	wrdreg $0xFFFFFFFF;
	(pc) =	sbr.abs _section_cstart, $3  }
0xc1: {  	[dreg:$0x1] =	wrdreg $0xFFFFFFFF  }
0xc2: {  	_ =	task.clear_ibuf [dreg:s6], $0x2FFFF;
	_ =	strace $0x9FFFFFFF  }
0xc3: {  	(tm) =	ssettm $0x7FFFFFFF  }
tec
execute0_lowered:
.L_overlay_start_1:
0x0: {  	(tag) =	ssettag $0x1  }
0x1: {  	s0 =	srdreg.scid;
	s1 =	rddreg [dreg:$0x0]  }
0x2: {  	s7 =	stileid.u32;
	s2 =	rddreg [dreg:$0x1]  }
0x3: {  	s6 =	simm.s32 $0x0;
	s12 =	simm.s32 $0x6E00;
	s13 =	simm.s32 $0x3  }
0x4: {  	s14 =	simm.s32 $0x2760;
	s15 =	simm.s32 $0x1F4;
	s16 =	simm.s32 $0x4EC0  }
0x5: {  	s29 =	simm.s32 $0x1D88;
	s30 =	simm.s32 $0x44E8;
	s31 =	simm.s32 $0x1F80  }
0x6: {  	s17 =	simm.s32 $0x2370;
	s18 =	simm.s32 $0x4AD0;
	s19 =	simm.s32 $0x2568  }
0x7: {  	s20 =	simm.s32 $0x4CC8;
	s21 =	simm.s32 $0x1;
	s22 =	simm.s32 $0x2  }
0x8: {  	s23 =	simm.s32 $0x9600;
	s24 =	simm.s32 $0x0;
	s26 =	smul.u32 $0x5000, s7  }
0x9: {  	s0 =	sand.u32 $0x1, s0;
	s3 =	sshll.u32 s7, $0x1;
	s7 =	smul.u32 $0x2800, s7  }
0xa: {  	[smem:$0x7FF] =	sst s6;
	s4 =	sor.u32 s0, s3;
	s5 =	smul.u32 $0x50000, s0  }
0xb: {  	s3 =	rddreg [dreg:$0x2];
	s0 =	ssub.s32 $0x2, s0;
	s4 =	smul.u32 $0x2760, s4  }
0xc: {  	_ =	strace $0x80000047;
	s28 =	sshrl.u32 s0, $0x1;
	s6 =	sadd.s32 s7, s3  }
0xd: {  	s5 =	sadd.s32 s26, s5;
	s0 =	ssub.s32 s0, s28;
	s4 =	sshrl.u32 s4, $0x3  }
0xe: {  	s5 =	sshrl.u32 s5, $0x3;
	s11 =	smax.u32 s0, $0x1;
	s0 =	simm.s32 $0x2178  }
0xf: {  	s4 =	sadd.s32 s4, s1;
	s1 =	sadd.s32 s5, s1;
	s5 =	sadd.s32 s7, s2  }
0x10: {  	s7 =	sadd.s32 $0x4000, s4;
	s8 =	sadd.s32 $0xDD80, s4;
	s9 =	sadd.s32 $0x17C00, s1  }
0x11: {  	v0 =	vimm.f32 $1.000000000e+00;
	v1 =	vimm.f32 $0.0e+00;
	s10 =	sadd.s32 $0x2BC00, s1;
	s1 =	simm.s32 $0x46E0;
	s4 =	simm.s32 $0x48D8  }
.LBB2_1:
0x12: {  	s25 =	simm.s32 $0x40;
	s26 =	simm.s32 $0x0  }
.LBB2_2:
0x13: {  	p0 =	sne.s32 s25, $0x7CC0;
	[tilespmem:s26+$0x4EC0] =	vst v0;
	s28 =	smov.u32 s25;
	s25 =	sadd.s32 $0x40, s25  }
.Ltmp0:
0x14: {  	[tilespmem:s26+$0x6E00] =	vst v1;
	(pc) =	sbr.rel @p0 .LBB2_2-.Ltmp0, $2  }
0x15: {  	_ =	sdelay $0x2  }
0x16: {  	s26 =	sshra.s32 s28, $0x2  }
0x17: {  	[tilespmem:s26+$0x4EC0] =	vst v0  }
0x18: {  	[tilespmem:s26+$0x6E00] =	vst v1  }
0x19: {  	[spmem:s5] =	stream.linear.scatter [tilespmem:s12], [sflag:$0x3], $0x2800, $0x38;
	[tilespmem:$0x13600] =	vst v63  }
0x1a: {  	_ =	swait.ge [sflag:s13], $0x2800  }
0x1b: {  	[sflag:s13] =	ssyncset.done $0x0  }
0x1c: {  	[sflag:s13] =	ssyncadd.s32 $0xFFFFD800  }
0x1d: {  	[spmem:s6] =	stream.linear.scatter [tilespmem:s12], [sflag:$0x3], $0x2800, $0x38;
	[tilespmem:$0x13600] =	vst v63  }
0x1e: {  	_ =	swait.ge [sflag:s13], $0x2800  }
0x1f: {  	[sflag:s13] =	ssyncset.done $0x0  }
0x20: {  	s25 =	simm.s32 $0x0;
	[sflag:s13] =	ssyncadd.s32 $0xFFFFD800  }
0x21: {  	[tilespmem:s25], [sflag:$0x3] =	stream.linear.gather [hbm4b:s7+s25], $0x2760, $0x38;
	[tilespmem:$0x13600] =	vst v63  }
0x22: {  	_ =	swait.ge [sflag:s13], $0x2760  }
0x23: {  	[sflag:s13] =	ssyncset.done $0x0  }
0x24: {  	[sflag:s13] =	ssyncadd.s32 $0xFFFFD8A0  }
0x25: {  	[tilespmem:s14], [sflag:$0x3] =	stream.linear.gather [hbm4b:s8+s25], $0x2760, $0x38;
	[tilespmem:$0x13600] =	vst v63  }
0x26: {  	_ =	swait.ge [sflag:s13], $0x2760  }
0x27: {  	[sflag:s13] =	ssyncset.done $0x0  }
0x28: {  	[sflag:s13] =	ssyncadd.s32 $0xFFFFD8A0  }
0x29: {  	[bflag:$0x0] =	sbarrier.arrive $0xFFFF  }
0x2a: {  	[spmem:s2] =	stream.indirect.scatter.add.f32 [tilespmem:s16], [sflag:$0x1], $0x10, s25, s15, $0xb8;
	[tilespmem:$0x13600] =	vst v63  }
0x2b: {  	_ = 	snop  }
0x2c: {  	[spmem:s3] =	stream.indirect.scatter.add.f32 [tilespmem:s16], [sflag:$0x2], $0x10, s14, s15, $0xb8;
	[tilespmem:$0x13600] =	vst v63  }
0x2d: {  	s26 =	simm.s32 $0x1F8  }
0x2e: {  	[spmem:s2] =	stream.indirect.scatter.add.f32 [tilespmem:s16], [sflag:$0x1], $0x10, s26, s15, $0xb8;
	[tilespmem:$0x13600] =	vst v63  }
0x2f: {  	s26 =	simm.s32 $0x2958  }
0x30: {  	[spmem:s3] =	stream.indirect.scatter.add.f32 [tilespmem:s16], [sflag:$0x2], $0x10, s26, s15, $0xb8;
	[tilespmem:$0x13600] =	vst v63  }
0x31: {  	s26 =	simm.s32 $0x3F0  }
0x32: {  	[spmem:s2] =	stream.indirect.scatter.add.f32 [tilespmem:s16], [sflag:$0x1], $0x10, s26, s15, $0xb8;
	[tilespmem:$0x13600] =	vst v63  }
0x33: {  	s26 =	simm.s32 $0x2B50  }
0x34: {  	[spmem:s3] =	stream.indirect.scatter.add.f32 [tilespmem:s16], [sflag:$0x2], $0x10, s26, s15, $0xb8;
	[tilespmem:$0x13600] =	vst v63  }
0x35: {  	s26 =	simm.s32 $0x5E8  }
0x36: {  	[spmem:s2] =	stream.indirect.scatter.add.f32 [tilespmem:s16], [sflag:$0x1], $0x10, s26, s15, $0xb8;
	[tilespmem:$0x13600] =	vst v63  }
0x37: {  	s26 =	simm.s32 $0x2D48  }
0x38: {  	[spmem:s3] =	stream.indirect.scatter.add.f32 [tilespmem:s16], [sflag:$0x2], $0x10, s26, s15, $0xb8;
	[tilespmem:$0x13600] =	vst v63  }
0x39: {  	s26 =	simm.s32 $0x7E0  }
0x3a: {  	[spmem:s2] =	stream.indirect.scatter.add.f32 [tilespmem:s16], [sflag:$0x1], $0x10, s26, s15, $0xb8;
	[tilespmem:$0x13600] =	vst v63  }
0x3b: {  	s26 =	simm.s32 $0x2F40  }
0x3c: {  	[spmem:s3] =	stream.indirect.scatter.add.f32 [tilespmem:s16], [sflag:$0x2], $0x10, s26, s15, $0xb8;
	[tilespmem:$0x13600] =	vst v63  }
0x3d: {  	s26 =	simm.s32 $0x9D8  }
0x3e: {  	[spmem:s2] =	stream.indirect.scatter.add.f32 [tilespmem:s16], [sflag:$0x1], $0x10, s26, s15, $0xb8;
	[tilespmem:$0x13600] =	vst v63  }
0x3f: {  	s26 =	simm.s32 $0x3138  }
0x40: {  	[spmem:s3] =	stream.indirect.scatter.add.f32 [tilespmem:s16], [sflag:$0x2], $0x10, s26, s15, $0xb8;
	[tilespmem:$0x13600] =	vst v63  }
0x41: {  	s26 =	simm.s32 $0xBD0  }
0x42: {  	[spmem:s2] =	stream.indirect.scatter.add.f32 [tilespmem:s16], [sflag:$0x1], $0x10, s26, s15, $0xb8;
	[tilespmem:$0x13600] =	vst v63  }
0x43: {  	s26 =	simm.s32 $0x3330  }
0x44: {  	[spmem:s3] =	stream.indirect.scatter.add.f32 [tilespmem:s16], [sflag:$0x2], $0x10, s26, s15, $0xb8;
	[tilespmem:$0x13600] =	vst v63  }
0x45: {  	s26 =	simm.s32 $0xDC8  }
0x46: {  	[spmem:s2] =	stream.indirect.scatter.add.f32 [tilespmem:s16], [sflag:$0x1], $0x10, s26, s15, $0xb8;
	[tilespmem:$0x13600] =	vst v63  }
0x47: {  	s26 =	simm.s32 $0x3528  }
0x48: {  	[spmem:s3] =	stream.indirect.scatter.add.f32 [tilespmem:s16], [sflag:$0x2], $0x10, s26, s15, $0xb8;
	[tilespmem:$0x13600] =	vst v63  }
0x49: {  	s26 =	simm.s32 $0xFC0  }
0x4a: {  	[spmem:s2] =	stream.indirect.scatter.add.f32 [tilespmem:s16], [sflag:$0x1], $0x10, s26, s15, $0xb8;
	[tilespmem:$0x13600] =	vst v63  }
0x4b: {  	s26 =	simm.s32 $0x3720  }
0x4c: {  	[spmem:s3] =	stream.indirect.scatter.add.f32 [tilespmem:s16], [sflag:$0x2], $0x10, s26, s15, $0xb8;
	[tilespmem:$0x13600] =	vst v63  }
0x4d: {  	s26 =	simm.s32 $0x11B8  }
0x4e: {  	[spmem:s2] =	stream.indirect.scatter.add.f32 [tilespmem:s16], [sflag:$0x1], $0x10, s26, s15, $0xb8;
	[tilespmem:$0x13600] =	vst v63  }
0x4f: {  	s26 =	simm.s32 $0x3918  }
0x50: {  	[spmem:s3] =	stream.indirect.scatter.add.f32 [tilespmem:s16], [sflag:$0x2], $0x10, s26, s15, $0xb8;
	[tilespmem:$0x13600] =	vst v63  }
0x51: {  	s26 =	simm.s32 $0x13B0  }
0x52: {  	[spmem:s2] =	stream.indirect.scatter.add.f32 [tilespmem:s16], [sflag:$0x1], $0x10, s26, s15, $0xb8;
	[tilespmem:$0x13600] =	vst v63  }
0x53: {  	s26 =	simm.s32 $0x3B10  }
0x54: {  	[spmem:s3] =	stream.indirect.scatter.add.f32 [tilespmem:s16], [sflag:$0x2], $0x10, s26, s15, $0xb8;
	[tilespmem:$0x13600] =	vst v63  }
0x55: {  	s26 =	simm.s32 $0x15A8  }
0x56: {  	[spmem:s2] =	stream.indirect.scatter.add.f32 [tilespmem:s16], [sflag:$0x1], $0x10, s26, s15, $0xb8;
	[tilespmem:$0x13600] =	vst v63  }
0x57: {  	s26 =	simm.s32 $0x3D08  }
0x58: {  	[spmem:s3] =	stream.indirect.scatter.add.f32 [tilespmem:s16], [sflag:$0x2], $0x10, s26, s15, $0xb8;
	[tilespmem:$0x13600] =	vst v63  }
0x59: {  	s26 =	simm.s32 $0x17A0  }
0x5a: {  	[spmem:s2] =	stream.indirect.scatter.add.f32 [tilespmem:s16], [sflag:$0x1], $0x10, s26, s15, $0xb8;
	[tilespmem:$0x13600] =	vst v63  }
0x5b: {  	s26 =	simm.s32 $0x3F00  }
0x5c: {  	[spmem:s3] =	stream.indirect.scatter.add.f32 [tilespmem:s16], [sflag:$0x2], $0x10, s26, s15, $0xb8;
	[tilespmem:$0x13600] =	vst v63  }
0x5d: {  	s26 =	simm.s32 $0x1998  }
0x5e: {  	[spmem:s2] =	stream.indirect.scatter.add.f32 [tilespmem:s16], [sflag:$0x1], $0x10, s26, s15, $0xb8;
	[tilespmem:$0x13600] =	vst v63  }
0x5f: {  	s26 =	simm.s32 $0x40F8  }
0x60: {  	[spmem:s3] =	stream.indirect.scatter.add.f32 [tilespmem:s16], [sflag:$0x2], $0x10, s26, s15, $0xb8;
	[tilespmem:$0x13600] =	vst v63  }
0x61: {  	s26 =	simm.s32 $0x1B90  }
0x62: {  	[spmem:s2] =	stream.indirect.scatter.add.f32 [tilespmem:s16], [sflag:$0x1], $0x10, s26, s15, $0xb8;
	[tilespmem:$0x13600] =	vst v63  }
0x63: {  	s26 =	simm.s32 $0x42F0  }
0x64: {  	[spmem:s3] =	stream.indirect.scatter.add.f32 [tilespmem:s16], [sflag:$0x2], $0x10, s26, s15, $0xb8;
	[tilespmem:$0x13600] =	vst v63  }
0x65: {  	_ = 	snop  }
0x66: {  	[spmem:s2] =	stream.indirect.scatter.add.f32 [tilespmem:s16], [sflag:$0x1], $0x10, s29, s15, $0xb8;
	[tilespmem:$0x13600] =	vst v63  }
0x67: {  	_ = 	snop  }
0x68: {  	[spmem:s3] =	stream.indirect.scatter.add.f32 [tilespmem:s16], [sflag:$0x2], $0x10, s30, s15, $0xb8;
	[tilespmem:$0x13600] =	vst v63  }
0x69: {  	_ = 	snop  }
0x6a: {  	[spmem:s2] =	stream.indirect.scatter.add.f32 [tilespmem:s16], [sflag:$0x1], $0x10, s31, s15, $0xb8;
	[tilespmem:$0x13600] =	vst v63  }
0x6b: {  	_ = 	snop  }
0x6c: {  	[spmem:s3] =	stream.indirect.scatter.add.f32 [tilespmem:s16], [sflag:$0x2], $0x10, s1, s15, $0xb8;
	[tilespmem:$0x13600] =	vst v63  }
0x6d: {  	_ = 	snop  }
0x6e: {  	[spmem:s2] =	stream.indirect.scatter.add.f32 [tilespmem:s16], [sflag:$0x1], $0x10, s0, s15, $0xb8;
	[tilespmem:$0x13600] =	vst v63  }
0x6f: {  	_ = 	snop  }
0x70: {  	[spmem:s3] =	stream.indirect.scatter.add.f32 [tilespmem:s16], [sflag:$0x2], $0x10, s4, s15, $0xb8;
	[tilespmem:$0x13600] =	vst v63  }
0x71: {  	_ = 	snop  }
0x72: {  	[spmem:s2] =	stream.indirect.scatter.add.f32 [tilespmem:s16], [sflag:$0x1], $0x10, s17, s15, $0xb8;
	[tilespmem:$0x13600] =	vst v63  }
0x73: {  	_ = 	snop  }
0x74: {  	[spmem:s3] =	stream.indirect.scatter.add.f32 [tilespmem:s16], [sflag:$0x2], $0x10, s18, s15, $0xb8;
	[tilespmem:$0x13600] =	vst v63  }
0x75: {  	_ = 	snop  }
0x76: {  	[spmem:s2] =	stream.indirect.scatter.add.f32 [tilespmem:s16], [sflag:$0x1], $0x10, s19, s15, $0xb8;
	[tilespmem:$0x13600] =	vst v63  }
0x77: {  	_ = 	snop  }
0x78: {  	[spmem:s3] =	stream.indirect.scatter.add.f32 [tilespmem:s16], [sflag:$0x2], $0x10, s20, s15, $0xb8;
	[tilespmem:$0x13600] =	vst v63  }
0x79: {  	_ =	swait.ge [sflag:s21], $0x1F40  }
0x7a: {  	[sflag:s21] =	ssyncset.done $0x0  }
0x7b: {  	[sflag:s21] =	ssyncadd.s32 $0xFFFFE0C0  }
0x7c: {  	_ =	swait.ge [sflag:s22], $0x1F40  }
0x7d: {  	[sflag:s22] =	ssyncset.done $0x0  }
0x7e: {  	[sflag:s22] =	ssyncadd.s32 $0xFFFFE0C0  }
0x7f: {  	_ =	swait.ge [sflag:s21], $0x1F40  }
0x80: {  	[sflag:s21] =	ssyncset.done $0x0  }
0x81: {  	[sflag:s21] =	ssyncadd.s32 $0xFFFFE0C0  }
0x82: {  	_ =	swait.ge [sflag:s22], $0x1F40  }
0x83: {  	[sflag:s22] =	ssyncset.done $0x0  }
0x84: {  	[sflag:s22] =	ssyncadd.s32 $0xFFFFE0C0  }
0x85: {  	_ =	swait.ge [sflag:s21], $0x1F40  }
0x86: {  	[sflag:s21] =	ssyncset.done $0x0  }
0x87: {  	[sflag:s21] =	ssyncadd.s32 $0xFFFFE0C0  }
0x88: {  	_ =	swait.ge [sflag:s22], $0x1F40  }
0x89: {  	[sflag:s22] =	ssyncset.done $0x0  }
0x8a: {  	[sflag:s22] =	ssyncadd.s32 $0xFFFFE0C0  }
0x8b: {  	_ =	swait.ge [sflag:s21], $0x1F40  }
0x8c: {  	[sflag:s21] =	ssyncset.done $0x0  }
0x8d: {  	[sflag:s21] =	ssyncadd.s32 $0xFFFFE0C0  }
0x8e: {  	_ =	swait.ge [sflag:s22], $0x1F40  }
0x8f: {  	[sflag:s22] =	ssyncset.done $0x0  }
0x90: {  	[sflag:s22] =	ssyncadd.s32 $0xFFFFE0C0  }
0x91: {  	_ =	swait.ge [sflag:s21], $0x1F40  }
0x92: {  	[sflag:s21] =	ssyncset.done $0x0  }
0x93: {  	[sflag:s21] =	ssyncadd.s32 $0xFFFFE0C0  }
0x94: {  	_ =	swait.ge [sflag:s22], $0x1F40  }
0x95: {  	[sflag:s22] =	ssyncset.done $0x0  }
0x96: {  	[sflag:s22] =	ssyncadd.s32 $0xFFFFE0C0  }
0x97: {  	_ =	swait.ge [sflag:s21], $0x1F40  }
0x98: {  	[sflag:s21] =	ssyncset.done $0x0  }
0x99: {  	[sflag:s21] =	ssyncadd.s32 $0xFFFFE0C0  }
0x9a: {  	_ =	swait.ge [sflag:s22], $0x1F40  }
0x9b: {  	[sflag:s22] =	ssyncset.done $0x0  }
0x9c: {  	[sflag:s22] =	ssyncadd.s32 $0xFFFFE0C0  }
0x9d: {  	_ =	swait.ge [sflag:s21], $0x1F40  }
0x9e: {  	[sflag:s21] =	ssyncset.done $0x0  }
0x9f: {  	[sflag:s21] =	ssyncadd.s32 $0xFFFFE0C0  }
0xa0: {  	_ =	swait.ge [sflag:s22], $0x1F40  }
0xa1: {  	[sflag:s22] =	ssyncset.done $0x0  }
0xa2: {  	[sflag:s22] =	ssyncadd.s32 $0xFFFFE0C0  }
0xa3: {  	_ =	swait.ge [sflag:s21], $0x1F40  }
0xa4: {  	[sflag:s21] =	ssyncset.done $0x0  }
0xa5: {  	[sflag:s21] =	ssyncadd.s32 $0xFFFFE0C0  }
0xa6: {  	_ =	swait.ge [sflag:s22], $0x1F40  }
0xa7: {  	[sflag:s22] =	ssyncset.done $0x0  }
0xa8: {  	[sflag:s22] =	ssyncadd.s32 $0xFFFFE0C0  }
0xa9: {  	_ =	swait.ge [sflag:s21], $0x1F40  }
0xaa: {  	[sflag:s21] =	ssyncset.done $0x0  }
0xab: {  	[sflag:s21] =	ssyncadd.s32 $0xFFFFE0C0  }
0xac: {  	_ =	swait.ge [sflag:s22], $0x1F40  }
0xad: {  	[sflag:s22] =	ssyncset.done $0x0  }
0xae: {  	[sflag:s22] =	ssyncadd.s32 $0xFFFFE0C0  }
0xaf: {  	_ =	swait.ge [sflag:s21], $0x1F40  }
0xb0: {  	[sflag:s21] =	ssyncset.done $0x0  }
0xb1: {  	[sflag:s21] =	ssyncadd.s32 $0xFFFFE0C0  }
0xb2: {  	_ =	swait.ge [sflag:s22], $0x1F40  }
0xb3: {  	[sflag:s22] =	ssyncset.done $0x0  }
0xb4: {  	[sflag:s22] =	ssyncadd.s32 $0xFFFFE0C0  }
0xb5: {  	_ =	swait.ge [sflag:s21], $0x1F40  }
0xb6: {  	[sflag:s21] =	ssyncset.done $0x0  }
0xb7: {  	[sflag:s21] =	ssyncadd.s32 $0xFFFFE0C0  }
0xb8: {  	_ =	swait.ge [sflag:s22], $0x1F40  }
0xb9: {  	[sflag:s22] =	ssyncset.done $0x0  }
0xba: {  	[sflag:s22] =	ssyncadd.s32 $0xFFFFE0C0  }
0xbb: {  	_ =	swait.ge [sflag:s21], $0x1F40  }
0xbc: {  	[sflag:s21] =	ssyncset.done $0x0  }
0xbd: {  	[sflag:s21] =	ssyncadd.s32 $0xFFFFE0C0  }
0xbe: {  	_ =	swait.ge [sflag:s22], $0x1F40  }
0xbf: {  	[sflag:s22] =	ssyncset.done $0x0  }
0xc0: {  	[sflag:s22] =	ssyncadd.s32 $0xFFFFE0C0  }
0xc1: {  	_ =	swait.ge [sflag:s21], $0x1F40  }
0xc2: {  	[sflag:s21] =	ssyncset.done $0x0  }
0xc3: {  	[sflag:s21] =	ssyncadd.s32 $0xFFFFE0C0  }
0xc4: {  	_ =	swait.ge [sflag:s22], $0x1F40  }
0xc5: {  	[sflag:s22] =	ssyncset.done $0x0  }
0xc6: {  	[sflag:s22] =	ssyncadd.s32 $0xFFFFE0C0  }
0xc7: {  	_ =	swait.ge [sflag:s21], $0x1F40  }
0xc8: {  	[sflag:s21] =	ssyncset.done $0x0  }
0xc9: {  	[sflag:s21] =	ssyncadd.s32 $0xFFFFE0C0  }
0xca: {  	_ =	swait.ge [sflag:s22], $0x1F40  }
0xcb: {  	[sflag:s22] =	ssyncset.done $0x0  }
0xcc: {  	[sflag:s22] =	ssyncadd.s32 $0xFFFFE0C0  }
0xcd: {  	_ =	swait.ge [sflag:s21], $0x1F40  }
0xce: {  	[sflag:s21] =	ssyncset.done $0x0  }
0xcf: {  	[sflag:s21] =	ssyncadd.s32 $0xFFFFE0C0  }
0xd0: {  	_ =	swait.ge [sflag:s22], $0x1F40  }
0xd1: {  	[sflag:s22] =	ssyncset.done $0x0  }
0xd2: {  	[sflag:s22] =	ssyncadd.s32 $0xFFFFE0C0  }
0xd3: {  	_ =	swait.ge [sflag:s21], $0x1F40  }
0xd4: {  	[sflag:s21] =	ssyncset.done $0x0  }
0xd5: {  	[sflag:s21] =	ssyncadd.s32 $0xFFFFE0C0  }
0xd6: {  	_ =	swait.ge [sflag:s22], $0x1F40  }
0xd7: {  	[sflag:s22] =	ssyncset.done $0x0  }
0xd8: {  	[sflag:s22] =	ssyncadd.s32 $0xFFFFE0C0  }
0xd9: {  	_ =	swait.ge [sflag:s21], $0x1F40  }
0xda: {  	[sflag:s21] =	ssyncset.done $0x0  }
0xdb: {  	[sflag:s21] =	ssyncadd.s32 $0xFFFFE0C0  }
0xdc: {  	_ =	swait.ge [sflag:s22], $0x1F40  }
0xdd: {  	[sflag:s22] =	ssyncset.done $0x0  }
0xde: {  	[sflag:s22] =	ssyncadd.s32 $0xFFFFE0C0  }
0xdf: {  	_ =	swait.ge [sflag:s21], $0x1F40  }
0xe0: {  	[sflag:s21] =	ssyncset.done $0x0  }
0xe1: {  	[sflag:s21] =	ssyncadd.s32 $0xFFFFE0C0  }
0xe2: {  	_ =	swait.ge [sflag:s22], $0x1F40  }
0xe3: {  	[sflag:s22] =	ssyncset.done $0x0  }
0xe4: {  	[sflag:s22] =	ssyncadd.s32 $0xFFFFE0C0  }
0xe5: {  	_ =	swait.ge [sflag:s21], $0x1F40  }
0xe6: {  	[sflag:s21] =	ssyncset.done $0x0  }
0xe7: {  	[sflag:s21] =	ssyncadd.s32 $0xFFFFE0C0  }
0xe8: {  	_ =	swait.ge [sflag:s22], $0x1F40  }
0xe9: {  	[sflag:s22] =	ssyncset.done $0x0  }
0xea: {  	[sflag:s22] =	ssyncadd.s32 $0xFFFFE0C0  }
0xeb: {  	_ =	swait.ge [sflag:s21], $0x1F40  }
0xec: {  	[sflag:s21] =	ssyncset.done $0x0  }
0xed: {  	[sflag:s21] =	ssyncadd.s32 $0xFFFFE0C0  }
0xee: {  	_ =	swait.ge [sflag:s22], $0x1F40  }
0xef: {  	[sflag:s22] =	ssyncset.done $0x0  }
0xf0: {  	[sflag:s22] =	ssyncadd.s32 $0xFFFFE0C0  }
0xf1: {  	[bflag:$0x0] =	sbarrier.arrive $0xFFFF  }
0xf2: {  	[tilespmem:s12], [sflag:$0x3] =	stream.linear.gather [spmem:s5], $0x2800, $0x38;
	[tilespmem:$0x13600] =	vst v63  }
0xf3: {  	_ =	swait.ge [sflag:s13], $0x2800  }
0xf4: {  	[sflag:s13] =	ssyncset.done $0x0  }
0xf5: {  	s26 =	simm.s32 $0x0;
	[sflag:s13] =	ssyncadd.s32 $0xFFFFD800  }
0xf6: {  	v2 =	vld [tilespmem:s26+$0x6E00];
	_ =	sdelay $0x3  }
0xf7: {  	s25 =	simm.s32 $0x9610  }
0xf8: {  	[tilespmem:s25+$0xFFFFFFF0] =	vst v2  }
0xf9: {  	s28 =	simm.s32 $0x10;
	s26 =	simm.s32 $0x80;
	[tilespmem:s25+$0x0] =	vst v2  }
.LBB2_4:
0xfa: {  	p0 =	sne.s32 s26, $0x9FC0;
	v2 =	vld [tilespmem:s28+$0x6E00];
	_ =	sdelay $0x1  }
.Ltmp1:
0xfb: {  	(pc) =	sbr.rel @p0 .LBB2_4-.Ltmp1, $4  }
0xfc: {  	_ = 	snop  }
0xfd: {  	s25 =	sadd.s32 $0x20, s25  }
0xfe: {  	[tilespmem:s25+$0xFFFFFFF0] =	vst v2  }
0xff: {  	s28 =	sshra.s32 s26, $0x2;
	s26 =	sadd.s32 $0x40, s26;
	[tilespmem:s25+$0x0] =	vst v2  }
0x100: {  	v2 =	vld [tilespmem:s28+$0x6E00];
	_ =	sdelay $0x3  }
0x101: {  	s25 =	sadd.s32 $0x20, s25  }
0x102: {  	[tilespmem:s25+$0xFFFFFFF0] =	vst v2  }
0x103: {  	s26 =	simm.s32 $0x0;
	[tilespmem:s25+$0x0] =	vst v2  }
0x104: {  	[hbm4b:s9+s26] =	stream.linear.scatter [tilespmem:s23], [sflag:$0x3], $0x5000, $0x38;
	[tilespmem:$0x13600] =	vst v63  }
0x105: {  	_ =	swait.ge [sflag:s13], $0x5000  }
0x106: {  	[sflag:s13] =	ssyncset.done $0x0  }
0x107: {  	[sflag:s13] =	ssyncadd.s32 $0xFFFFB000  }
0x108: {  	[tilespmem:s12], [sflag:$0x3] =	stream.linear.gather [spmem:s6], $0x2800, $0x38;
	[tilespmem:$0x13600] =	vst v63  }
0x109: {  	_ =	swait.ge [sflag:s13], $0x2800  }
0x10a: {  	[sflag:s13] =	ssyncset.done $0x0  }
0x10b: {  	s26 =	simm.s32 $0x0;
	[sflag:s13] =	ssyncadd.s32 $0xFFFFD800  }
0x10c: {  	v2 =	vld [tilespmem:s26+$0x6E00];
	_ =	sdelay $0x3  }
0x10d: {  	s25 =	simm.s32 $0x9610  }
0x10e: {  	[tilespmem:s25+$0xFFFFFFF0] =	vst v2  }
0x10f: {  	s28 =	simm.s32 $0x10;
	s26 =	simm.s32 $0x80;
	[tilespmem:s25+$0x0] =	vst v2  }
.LBB2_6:
0x110: {  	p0 =	sne.s32 s26, $0x9FC0;
	v2 =	vld [tilespmem:s28+$0x6E00];
	_ =	sdelay $0x1  }
.Ltmp2:
0x111: {  	(pc) =	sbr.rel @p0 .LBB2_6-.Ltmp2, $4  }
0x112: {  	_ = 	snop  }
0x113: {  	s25 =	sadd.s32 $0x20, s25  }
0x114: {  	[tilespmem:s25+$0xFFFFFFF0] =	vst v2  }
0x115: {  	s28 =	sshra.s32 s26, $0x2;
	s26 =	sadd.s32 $0x40, s26;
	[tilespmem:s25+$0x0] =	vst v2  }
0x116: {  	v2 =	vld [tilespmem:s28+$0x6E00];
	_ =	sdelay $0x3  }
0x117: {  	s25 =	sadd.s32 $0x20, s25;
	s24 =	sadd.s32 $0x1, s24  }
0x118: {  	p0 =	sne.s32 s24, s11;
	[tilespmem:s25+$0xFFFFFFF0] =	vst v2  }
.Ltmp3:
0x119: {  	s28 =	simm.s32 $0x0;
	[tilespmem:s25+$0x0] =	vst v2;
	(pc) =	sbr.rel @p0 .LBB2_1-.Ltmp3, $4  }
0x11a: {  	[hbm4b:s10+s28] =	stream.linear.scatter [tilespmem:s23], [sflag:$0x3], $0x5000, $0x38;
	[tilespmem:$0x13600] =	vst v63  }
0x11b: {  	_ =	swait.ge [sflag:s13], $0x5000  }
0x11c: {  	[sflag:s13] =	ssyncset.done $0x0  }
0x11d: {  	[sflag:s13] =	ssyncadd.s32 $0xFFFFB000  }
0x11e: {  	_ =	sfence.sel $0x180000  }
0x11f: {  	[bflag:$0x0] =	sbarrier.arrive $0xFFFF  }
0x120: {  	_ =	strace $0x90000047  }
0x121: {  	s0 =	stileid.u32;
	[bflag:$0x2] =	sbarrier.arrive $0xFFFF  }
0x122: {  	p0 =	sne.s32 s0, $0x0;
	s0 =	rddreg [dreg:$0x3]  }
0x123: {  	s0 =	sadd.s32 @!p0 $0x100000, s0  }
0x124: {  	[sflag:s0] =	ssyncadd.tile.s32 @!p0 $0x1;
	_ =	shalt  }
.Lfunc_end2:
_tile_overlayer_lowered:
.L_overlay_start_2:
0x125: {  	(tag) =	ssettag $0x2  }
0x126: {  	s0 =	rddreg [dreg:$0x0];
	s2 =	stileid.u32  }
0x127: {  	s1 =	rddreg [dreg:$0x1];
	p0 =	sne.s32 s2, $0x0  }
0x128: {  	s3 =	rddreg [dreg:$0x2];
	[bflag:$0x3] =	sbarrier.arrive $0xFFFF;
	s2 =	simm.s32 @!p0 $0x1C03  }
0x129: {  	[timem:s3], [sflag:s2] =	dma.local @!p0 [hbm:s0], s1  }
0x12a: {  	s0 =	simm.s32 @!p0 $0x3  }
0x12b: {  	_ =	swait.ge @!p0 [sflag:s0], s1  }
0x12c: {  	s1 =	ssub.s32 @!p0 $0x0, s1;
	[sflag:s0] =	ssyncset.done @!p0 $0x0  }
0x12d: {  	[sflag:s0] =	ssyncadd.s32 @!p0 s1  }
0x12e: {  	[bflag:$0x3] =	sbarrier.arrive $0xFFFF  }
0x12f: {  	_ =	shalt  }

// kernel: kernel.13.cloned.1.call-start
scs
__scs_entry_jumppad:
0x0: {  	(pc) =	sbr.rel $0x88, $3  }
0x1: {  	(tag) =	ssettag $0x0;
	lr =	simm.s32 $0x1  }
0x2: {  	[smem:$0x3F97] =	sst lr;
	_ =	strace $0xD0000000  }
0x3: {  	_ = 	snop  }
0x4: {  	_ = 	snop  }
0x5: {  	_ = 	snop  }
0x6: {  	_ = 	snop  }
0x7: {  	_ = 	snop  }
__scs_overlays_trampoline_lowered:
0x8: {  	[smem:$0x3FA6] =	sst s0  }
0x9: {  	[smem:$0x3FA7] =	sst s1  }
0xa: {  	[smem:$0x3FA8] =	sst s2  }
0xb: {  	[smem:$0x3FA9] =	sst s3  }
0xc: {  	[smem:$0x3FAA] =	sst s4  }
0xd: {  	[smem:$0x3FAB] =	sst s5  }
0xe: {  	[smem:$0x3FAC] =	sst s6  }
0xf: {  	[smem:$0x3FAD] =	sst s7  }
0x10: {  	[smem:$0x3FAE] =	sst s8  }
0x11: {  	[smem:$0x3FAF] =	sst s9;
	s0 =	simm.s32 @!p0 $0x0  }
0x12: {  	s1 =	sld [smem:$0x3F95];
	s0 =	simm.s32 @p0 $0x1  }
0x13: {  	[smem:$0x3FB0] =	sst s0;
	s0 =	simm.s32 @!p1 $0x0  }
0x14: {  	s2 =	sld [smem:$0x3F94];
	s0 =	simm.s32 @p1 $0x1  }
0x15: {  	[smem:$0x3FB1] =	sst s0;
	s0 =	simm.s32 @!p2 $0x0  }
0x16: {  	s3 =	sld [smem:$0x3FDB];
	s0 =	simm.s32 @p2 $0x1  }
0x17: {  	s4 =	simm.s32 $0x1BF5;
	[smem:$0x3FB3] =	sst s0  }
0x18: {  	s0 =	sld [smem:$0x3F96];
	_ =	swait.ge [sflag:s4], $0x0  }
0x19: {  	s7 =	sld [smem:$0x3F97]  }
0x1a: {  	s8 =	sadd.s32 $0xFFFFE003, lr  }
0x1b: {  	s9 =	sadd.s32 $0xFFFFFEF7, lr;
	s5 =	simm.s32 $0xFFFFFFFF;
	p2 =	slt.u32 s8, $0xFFFFF086  }
0x1c: {  	p1 =	slt.u32 s9, $0xF7A;
	s5 =	simm.s32 @!p2 $0x0  }
0x1d: {  	s5 =	simm.s32 @p1 $0x1;
	p0 =	seq.s32 s7, s2  }
0x1e: {  	s7 =	smul.u32 @!p0 $0xF7A, s2;
	p2 =	seq.s32 @!p0 s5, $0x0  }
0x1f: {  	s9 =	smul.u32 $0xF7A, s1;
	s8 =	simm.s32 @!p0 $0x1BF5;
	p2 =	por !p2, p0  }
0x20: {  	[sflag:s8] =	ssyncset.s32 @!p0 $0xFFFFF086;
	s6 =	sadd.s32 @!p0 s3, s7;
	s7 =	simm.s32 @!p0 $0x108  }
0x21: {  	s3 =	sadd.s32 s3, s9;
	s6 =	sadd.s32 @!p0 $0x88, s6;
	s7 =	simm.s32 @p2 $0x1082  }
0x22: {  	[simem:s7], [sflag:s8] =	dma.local @!p0 [hbm:s6], $0xF7A  }
0x23: {  	s9 =	sor.u32 $0xD0000000, s2;
	s6 =	simm.s32 $0x108;
	_ =	swait.ge @!p0 [sflag:s8], $0x0  }
0x24: {  	s3 =	sadd.s32 $0x88, s3;
	s6 =	simm.s32 @!p1 $0x1082;
	[sflag:s4] =	ssyncset.s32 $0xFFFFF086  }
0x25: {  	[simem:s6], [sflag:s4] =	dma.local [hbm:s3], $0xF7A  }
0x26: {  	[smem:$0x3F97] =	sst s1;
	(tag) =	ssettag s2;
	_ =	strace s9  }
0x27: {  	s1 =	sld [smem:$0x3FA7]  }
0x28: {  	s2 =	sld [smem:$0x3FA8]  }
0x29: {  	s4 =	sld [smem:$0x3FAA]  }
0x2a: {  	p0 =	seq.s32 s5, $0x0;
	s5 =	sld [smem:$0x3FAB]  }
0x2b: {  	s6 =	sld [smem:$0x3FAC]  }
0x2c: {  	s7 =	sld [smem:$0x3FAD]  }
0x2d: {  	s3 =	simm.s32 $0x108;
	s8 =	sld [smem:$0x3FAE]  }
0x2e: {  	s3 =	simm.s32 @!p0 $0x1082;
	s9 =	sld [smem:$0x3FAF]  }
0x2f: {  	lr =	sadd.s32 s0, s3;
	s0 =	sld [smem:$0x3FA6]  }
0x30: {  	s3 =	sld [smem:$0x3FA9]  }
0x31: {  	[smem:$0x3FB2] =	sst s10  }
0x32: {  	s10 =	sld [smem:$0x3FB0];
	_ =	sdelay $0x3  }
0x33: {  	p0 =	seq.s32 s10, $0x1;
	s10 =	sld [smem:$0x3FB2];
	_ =	sdelay $0x3  }
0x34: {  	[smem:$0x3FB2] =	sst s10  }
0x35: {  	s10 =	sld [smem:$0x3FB1];
	_ =	sdelay $0x3  }
0x36: {  	p1 =	seq.s32 s10, $0x1;
	s10 =	sld [smem:$0x3FB2];
	_ =	sdelay $0x3  }
0x37: {  	[smem:$0x3FB2] =	sst s10  }
0x38: {  	s10 =	sld [smem:$0x3FB3]  }
0x39: {  	_ = 	snop;
	(pc) =	sbr.ind lr, $3  }
0x3a: {  	_ = 	snop  }
0x3b: {  	_ = 	snop  }
0x3c: {  	p2 =	seq.s32 s10, $0x1;
	s10 =	sld [smem:$0x3FB2]  }
0x3d: {  	_ =	shalt  }
0x3e: {  	_ =	shalt  }
0x3f: {  	_ =	shalt  }
0x40: {  	_ =	shalt  }
0x41: {  	_ =	shalt  }
0x42: {  	_ =	shalt  }
0x43: {  	_ =	shalt  }
0x44: {  	_ =	shalt  }
0x45: {  	_ =	shalt  }
0x46: {  	_ =	shalt  }
0x47: {  	_ =	shalt  }
0x48: {  	_ =	shalt  }
0x49: {  	_ =	shalt  }
0x4a: {  	_ =	shalt  }
0x4b: {  	_ =	shalt  }
0x4c: {  	_ =	shalt  }
0x4d: {  	_ =	shalt  }
0x4e: {  	_ =	shalt  }
0x4f: {  	_ =	shalt  }
0x50: {  	_ =	shalt  }
0x51: {  	_ =	shalt  }
0x52: {  	_ =	shalt  }
0x53: {  	_ =	shalt  }
0x54: {  	_ =	shalt  }
0x55: {  	_ =	shalt  }
0x56: {  	_ =	shalt  }
0x57: {  	_ =	shalt  }
0x58: {  	_ =	shalt  }
0x59: {  	_ =	shalt  }
0x5a: {  	_ =	shalt  }
0x5b: {  	_ =	shalt  }
0x5c: {  	_ =	shalt  }
0x5d: {  	_ =	shalt  }
0x5e: {  	_ =	shalt  }
0x5f: {  	_ =	shalt  }
0x60: {  	_ =	shalt  }
0x61: {  	_ =	shalt  }
0x62: {  	_ =	shalt  }
0x63: {  	_ =	shalt  }
0x64: {  	_ =	shalt  }
0x65: {  	_ =	shalt  }
0x66: {  	_ =	shalt  }
0x67: {  	_ =	shalt  }
0x68: {  	_ =	shalt  }
0x69: {  	_ =	shalt  }
0x6a: {  	_ =	shalt  }
0x6b: {  	_ =	shalt  }
0x6c: {  	_ =	shalt  }
0x6d: {  	_ =	shalt  }
0x6e: {  	_ =	shalt  }
0x6f: {  	_ =	shalt  }
0x70: {  	_ =	shalt  }
0x71: {  	_ =	shalt  }
0x72: {  	_ =	shalt  }
0x73: {  	_ =	shalt  }
0x74: {  	_ =	shalt  }
0x75: {  	_ =	shalt  }
0x76: {  	_ =	shalt  }
0x77: {  	_ =	shalt  }
0x78: {  	_ =	shalt  }
0x79: {  	_ =	shalt  }
0x7a: {  	_ =	shalt  }
0x7b: {  	_ =	shalt  }
0x7c: {  	_ =	shalt  }
0x7d: {  	_ =	shalt  }
0x7e: {  	_ =	shalt  }
0x7f: {  	_ =	shalt  }
0x80: {  	_ =	shalt  }
0x81: {  	_ =	shalt  }
0x82: {  	_ =	shalt  }
0x83: {  	_ =	shalt  }
0x84: {  	_ =	shalt  }
0x85: {  	_ =	shalt  }
0x86: {  	_ =	shalt  }
0x87: {  	_ =	shalt  }
.Lfunc_end0:
.L_simem_size_0:
called_computation.1_lowered:
.L_overlay_start_0:
0x88: {  	s2 =	sld [smem:$0x3FD9]  }
0x89: {  	s3 =	sld [smem:$0x3FFE];
	_ =	sdelay $0x1  }
0x8a: {  	s1 =	srdreg.scid  }
0x8b: {  	s0 =	sand.u32 $0x1, s1  }
0x8c: {  	s16 =	sshll.u32 s0, $0xA;
	s2 =	sadd.s32 s3, s2  }
0x8d: {  	s2 =	sadd.s32 s2, s16  }
0x8e: {  	[smem:$0x3FBE] =	sst s2  }
0x8f: {  	_ = 	snop  }
0x90: {  	(tm) =	ssettm $0x1  }
0x91: {  	s17 =	sld [smem:$0x3FFB];
	_ =	sdelay $0x3  }
0x92: {  	_ =	strace s17  }
0x93: {  	s2 =	sld [smem:$0x3FFC];
	_ =	sdelay $0x3  }
0x94: {  	_ =	strace s2  }
0x95: {  	s2 =	sld [smem:$0x3FFD];
	_ =	sdelay $0x3  }
0x96: {  	_ =	strace s2  }
0x97: {  	_ =	strace $0x8FFFFFFF  }
0x98: {  	s18 =	sld [smem:$0x3FDB];
	_ =	sdelay $0x1  }
0x99: {  	s19 =	simm.s32 $_scs_section_size  }
0x9a: {  	s4 =	simm.s32 $_size__tile_overlayer_lowered;
	s5 =	simm.s32 $_tile_overlayer_lowered  }
0x9b: {  	s22 =	simm.s32 $0x1BFF;
	s21 =	sshll.u32 s5, $0x1;
	s2 =	sadd.s32 s19, s18  }
0x9c: {  	s6 =	simm.s32 $0x0;
	s20 =	sshll.u32 s4, $0x1;
	s4 =	sadd.s32 s21, s2  }
0x9d: {  	[timem:s6], [sflag:s22] =	dma.local [hbm:s4], s20  }
0x9e: {  	_ =	swait.ge [sflag:s22], s20  }
0x9f: {  	s3 =	ssub.s32 $0x0, s20;
	[sflag:s22] =	ssyncset.done $0x0  }
0xa0: {  	[sflag:s22] =	ssyncadd.s32 s3;
	_ =	sdelay $0x1  }
0xa1: {  	s23 =	simm.s32 $0x1B8B  }
0xa2: {  	_ =	swait.ge [sflag:s23], $0x1  }
0xa3: {  	[sflag:s23] =	ssyncset.done $0x0  }
0xa4: {  	s25 =	simm.s32 $0x1B8E;
	s24 =	sld [smem:$0x3FFE];
	[sflag:s23] =	ssyncadd.s32 $0xFFFFFFFF  }
0xa5: {  	s26 =	simm.s32 $execute0_lowered;
	[smem:$0x3FD2] =	sst s25  }
0xa6: {  	s4 =	sshll.u32 s26, $0x1;
	_ =	strace $0x80000049;
	[dreg:$0x1] =	wrdreg $0xFFFFFFFF  }
0xa7: {  	s28 =	simm.s32 $_size_execute0_lowered;
	s2 =	sadd.s32 s2, s4;
	[dreg:$0x0] =	wrdreg $0x0  }
0xa8: {  	s4 =	sshll.u32 s28, $0x1;
	[dreg:$0x2] =	wrdreg s2  }
0xa9: {  	[dreg:$0x3] =	wrdreg s4  }
0xaa: {  	[dreg:$0x4] =	wrdreg $0xC0  }
0xab: {  	_ =	task [dreg:s6], $0x5FFFF  }
0xac: {  	[dreg:$0x1] =	wrdreg $0xFFFFFFFF  }
0xad: {  	[dreg:$0x0] =	wrdreg $0x60  }
0xae: {  	[dreg:$0x2] =	wrdreg s24  }
0xaf: {  	[dreg:$0x3] =	wrdreg $0x10A400  }
0xb0: {  	[dreg:$0x4] =	wrdreg $0x9  }
0xb1: {  	_ =	task.clear_ibuf [dreg:s6], $0x5FFFF;
	_ =	strace $0x90000049  }
0xb2: {  	s29 =	simm.s32 $0x9;
	_ =	strace $0x8000004B  }
0xb3: {  	_ =	swait.ge [sflag:s29], $0x1  }
0xb4: {  	[sflag:s29] =	ssyncadd.s32 $0xFFFFFFFF  }
0xb5: {  	_ =	strace $0x9000004B  }
0xb6: {  	_ =	sfence  }
0xb7: {  	s30 =	sld [smem:$0x0];
	_ =	sdelay $0x2  }
0xb8: {  	s31 =	sshll.u32 s1, $0xD;
	s1 =	sshrl.u32 s1, $0x2  }
0xb9: {  	s3 =	sand.u32 $0x4000, s31;
	s1 =	sadd.s32 s1, s30  }
0xba: {  	s0 =	sor.u32 s3, s0;
	s1 =	sshll.u32 s1, $0x11  }
0xbb: {  	s0 =	sor.u32 s1, s0  }
0xbc: {  	s0 =	sadd.s32 $0x8F2B, s0  }
0xbd: {  	[sflag:s0] =	ssyncadd.remote.s32 $0x1  }
0xbe: {  	_ =	sfence.sel $0xFFFF  }
0xbf: {  	[dreg:$0x0] =	wrdreg $0xFFFFFFFF;
	(pc) =	sbr.abs _section_cstart, $3  }
0xc0: {  	[dreg:$0x1] =	wrdreg $0xFFFFFFFF  }
0xc1: {  	_ =	task.clear_ibuf [dreg:s6], $0x2FFFF;
	_ =	strace $0x9FFFFFFF  }
0xc2: {  	(tm) =	ssettm $0x7FFFFFFF  }
0xc3: {  	_ =	shalt  }
tec
execute0_lowered:
.L_overlay_start_1:
0x0: {  	(tag) =	ssettag $0x1  }
0x1: {  	s0 =	srdreg.scid;
	s5 =	rddreg [dreg:$0x0]  }
0x2: {  	s4 =	stileid.u32;
	s2 =	rddreg [dreg:$0x1];
	s3 =	simm.s32 $0x0  }
0x3: {  	s10 =	simm.s32 $0x4EC0;
	s11 =	simm.s32 $0x3;
	s12 =	simm.s32 $0x2760  }
0x4: {  	s13 =	simm.s32 $0x1F4;
	s15 =	simm.s32 $0x8D40;
	s16 =	simm.s32 $0x1  }
0x5: {  	s18 =	simm.s32 $0xCBC0;
	s20 =	simm.s32 $0x2;
	s31 =	simm.s32 $0x1D88  }
0x6: {  	s14 =	simm.s32 $0x44E8;
	s17 =	simm.s32 $0x2178;
	s19 =	simm.s32 $0x46E0  }
0x7: {  	s21 =	simm.s32 $0x2370;
	s22 =	simm.s32 $0x48D8;
	s23 =	simm.s32 $0x2568  }
0x8: {  	s24 =	simm.s32 $0x4AD0;
	s25 =	simm.s32 $0x4CC8;
	s26 =	simm.s32 $0x0  }
0x9: {  	s0 =	sand.u32 $0x1, s0;
	s1 =	sshll.u32 s4, $0x1;
	s6 =	smul.u32 $0x5000, s4  }
0xa: {  	[smem:$0x7FF] =	sst s3;
	s1 =	sor.u32 s0, s1;
	s7 =	smul.u32 $0x50000, s0  }
0xb: {  	s4 =	sadd.s32 $0x17C00, s5;
	s0 =	ssub.s32 $0x2, s0;
	s1 =	smul.u32 $0x2760, s1  }
0xc: {  	_ =	strace $0x8000004A;
	s8 =	sshrl.u32 s0, $0x1;
	s7 =	sadd.s32 s6, s7  }
0xd: {  	s0 =	ssub.s32 s0, s8;
	s1 =	sshrl.u32 s1, $0x3;
	s7 =	sshrl.u32 s7, $0x3  }
0xe: {  	s1 =	sadd.s32 s1, s5;
	s9 =	sadd.s32 s7, s5;
	s5 =	sadd.s32 s6, s2  }
0xf: {  	s6 =	sadd.s32 $0x4000, s1;
	s7 =	sadd.s32 $0xDD80, s1;
	s8 =	sadd.s32 $0x21A00, s9  }
0x10: {  	v0 =	vimm.f32 $0.0e+00;
	s9 =	smax.u32 s0, $0x1;
	s1 =	simm.s32 $0x42F0;
	s0 =	simm.s32 $0x1F80  }
.LBB2_1:
0x11: {  	s28 =	simm.s32 $0x80;
	s29 =	simm.s32 $0x0  }
.LBB2_2:
0x12: {  	p0 =	sne.s32 s28, $0x13F80;
	[tilespmem:s29+$0x4EC0] =	vst v0;
	s30 =	smov.u32 s28;
	s28 =	sadd.s32 $0x80, s28  }
.Ltmp0:
0x13: {  	[tilespmem:s29+$0x4ED0] =	vst v0;
	(pc) =	sbr.rel @p0 .LBB2_2-.Ltmp0, $2  }
0x14: {  	_ =	sdelay $0x2  }
0x15: {  	s29 =	sshra.s32 s30, $0x2  }
0x16: {  	[tilespmem:s29+$0x4EC0] =	vst v0  }
0x17: {  	[tilespmem:s29+$0x4ED0] =	vst v0  }
0x18: {  	[spmem:s5] =	stream.linear.scatter [tilespmem:s10], [sflag:$0x3], $0x5000, $0x38;
	[tilespmem:$0x15A40] =	vst v63  }
0x19: {  	_ =	swait.ge [sflag:s11], $0x5000  }
0x1a: {  	[sflag:s11] =	ssyncset.done $0x0  }
0x1b: {  	[sflag:s11] =	ssyncadd.s32 $0xFFFFB000  }
0x1c: {  	[tilespmem:s3], [sflag:$0x3] =	stream.linear.gather [hbm4b:s6+s3], $0x2760, $0x38;
	[tilespmem:$0x15A40] =	vst v63  }
0x1d: {  	_ =	swait.ge [sflag:s11], $0x2760  }
0x1e: {  	[sflag:s11] =	ssyncset.done $0x0  }
0x1f: {  	[sflag:s11] =	ssyncadd.s32 $0xFFFFD8A0  }
0x20: {  	[tilespmem:s12], [sflag:$0x3] =	stream.linear.gather [hbm4b:s7+s3], $0x2760, $0x38;
	[tilespmem:$0x15A40] =	vst v63  }
0x21: {  	_ =	swait.ge [sflag:s11], $0x2760  }
0x22: {  	[sflag:s11] =	ssyncset.done $0x0  }
0x23: {  	[sflag:s11] =	ssyncadd.s32 $0xFFFFD8A0  }
0x24: {  	[bflag:$0x0] =	sbarrier.arrive $0xFFFF  }
0x25: {  	[tilespmem:s10], [sflag:$0x1] =	stream.indirect.gather [hbm4b:s4+s13], $0x20, s3, s13, $0xb8;
	[tilespmem:$0x15A40] =	vst v63  }
0x26: {  	s28 =	simm.s32 $0x1F8  }
0x27: {  	[tilespmem:s15], [sflag:$0x1] =	stream.indirect.gather [hbm4b:s4+s13], $0x20, s28, s13, $0xb8;
	[tilespmem:$0x15A40] =	vst v63  }
0x28: {  	_ =	swait.ge [sflag:s16], $0x3E80  }
0x29: {  	[sflag:s16] =	ssyncset.done $0x0  }
0x2a: {  	[sflag:s16] =	ssyncadd.s32 $0xFFFFC180  }
0x2b: {  	[spmem:s2] =	stream.indirect.scatter.add.f32 [tilespmem:s10], [sflag:$0x2], $0x20, s12, s13, $0xb8;
	[tilespmem:$0x15A40] =	vst v63  }
0x2c: {  	s29 =	simm.s32 $0x3F0  }
0x2d: {  	[tilespmem:s18], [sflag:$0x1] =	stream.indirect.gather [hbm4b:s4+s13], $0x20, s29, s13, $0xb8;
	[tilespmem:$0x15A40] =	vst v63  }
0x2e: {  	_ =	swait.ge [sflag:s16], $0x3E80  }
0x2f: {  	[sflag:s16] =	ssyncset.done $0x0  }
0x30: {  	s30 =	simm.s32 $0x2958;
	[sflag:s16] =	ssyncadd.s32 $0xFFFFC180  }
0x31: {  	[spmem:s2] =	stream.indirect.scatter.add.f32 [tilespmem:s15], [sflag:$0x2], $0x20, s30, s13, $0xb8;
	[tilespmem:$0x15A40] =	vst v63  }
0x32: {  	_ =	swait.ge [sflag:s20], $0x3E80  }
0x33: {  	[sflag:s20] =	ssyncset.done $0x0  }
0x34: {  	s29 =	simm.s32 $0x5E8;
	[sflag:s20] =	ssyncadd.s32 $0xFFFFC180  }
0x35: {  	[tilespmem:s10], [sflag:$0x1] =	stream.indirect.gather [hbm4b:s4+s13], $0x20, s29, s13, $0xb8;
	[tilespmem:$0x15A40] =	vst v63  }
0x36: {  	_ =	swait.ge [sflag:s16], $0x3E80  }
0x37: {  	[sflag:s16] =	ssyncset.done $0x0  }
0x38: {  	s30 =	simm.s32 $0x2B50;
	[sflag:s16] =	ssyncadd.s32 $0xFFFFC180  }
0x39: {  	[spmem:s2] =	stream.indirect.scatter.add.f32 [tilespmem:s18], [sflag:$0x2], $0x20, s30, s13, $0xb8;
	[tilespmem:$0x15A40] =	vst v63  }
0x3a: {  	_ =	swait.ge [sflag:s20], $0x3E80  }
0x3b: {  	[sflag:s20] =	ssyncset.done $0x0  }
0x3c: {  	s29 =	simm.s32 $0x7E0;
	[sflag:s20] =	ssyncadd.s32 $0xFFFFC180  }
0x3d: {  	[tilespmem:s15], [sflag:$0x1] =	stream.indirect.gather [hbm4b:s4+s13], $0x20, s29, s13, $0xb8;
	[tilespmem:$0x15A40] =	vst v63  }
0x3e: {  	_ =	swait.ge [sflag:s16], $0x3E80  }
0x3f: {  	[sflag:s16] =	ssyncset.done $0x0  }
0x40: {  	s30 =	simm.s32 $0x2D48;
	[sflag:s16] =	ssyncadd.s32 $0xFFFFC180  }
0x41: {  	[spmem:s2] =	stream.indirect.scatter.add.f32 [tilespmem:s10], [sflag:$0x2], $0x20, s30, s13, $0xb8;
	[tilespmem:$0x15A40] =	vst v63  }
0x42: {  	_ =	swait.ge [sflag:s20], $0x3E80  }
0x43: {  	[sflag:s20] =	ssyncset.done $0x0  }
0x44: {  	s29 =	simm.s32 $0x9D8;
	[sflag:s20] =	ssyncadd.s32 $0xFFFFC180  }
0x45: {  	[tilespmem:s18], [sflag:$0x1] =	stream.indirect.gather [hbm4b:s4+s13], $0x20, s29, s13, $0xb8;
	[tilespmem:$0x15A40] =	vst v63  }
0x46: {  	_ =	swait.ge [sflag:s16], $0x3E80  }
0x47: {  	[sflag:s16] =	ssyncset.done $0x0  }
0x48: {  	s30 =	simm.s32 $0x2F40;
	[sflag:s16] =	ssyncadd.s32 $0xFFFFC180  }
0x49: {  	[spmem:s2] =	stream.indirect.scatter.add.f32 [tilespmem:s15], [sflag:$0x2], $0x20, s30, s13, $0xb8;
	[tilespmem:$0x15A40] =	vst v63  }
0x4a: {  	_ =	swait.ge [sflag:s20], $0x3E80  }
0x4b: {  	[sflag:s20] =	ssyncset.done $0x0  }
0x4c: {  	s29 =	simm.s32 $0xBD0;
	[sflag:s20] =	ssyncadd.s32 $0xFFFFC180  }
0x4d: {  	[tilespmem:s10], [sflag:$0x1] =	stream.indirect.gather [hbm4b:s4+s13], $0x20, s29, s13, $0xb8;
	[tilespmem:$0x15A40] =	vst v63  }
0x4e: {  	_ =	swait.ge [sflag:s16], $0x3E80  }
0x4f: {  	[sflag:s16] =	ssyncset.done $0x0  }
0x50: {  	s30 =	simm.s32 $0x3138;
	[sflag:s16] =	ssyncadd.s32 $0xFFFFC180  }
0x51: {  	[spmem:s2] =	stream.indirect.scatter.add.f32 [tilespmem:s18], [sflag:$0x2], $0x20, s30, s13, $0xb8;
	[tilespmem:$0x15A40] =	vst v63  }
0x52: {  	_ =	swait.ge [sflag:s20], $0x3E80  }
0x53: {  	[sflag:s20] =	ssyncset.done $0x0  }
0x54: {  	s29 =	simm.s32 $0xDC8;
	[sflag:s20] =	ssyncadd.s32 $0xFFFFC180  }
0x55: {  	[tilespmem:s15], [sflag:$0x1] =	stream.indirect.gather [hbm4b:s4+s13], $0x20, s29, s13, $0xb8;
	[tilespmem:$0x15A40] =	vst v63  }
0x56: {  	_ =	swait.ge [sflag:s16], $0x3E80  }
0x57: {  	[sflag:s16] =	ssyncset.done $0x0  }
0x58: {  	s30 =	simm.s32 $0x3330;
	[sflag:s16] =	ssyncadd.s32 $0xFFFFC180  }
0x59: {  	[spmem:s2] =	stream.indirect.scatter.add.f32 [tilespmem:s10], [sflag:$0x2], $0x20, s30, s13, $0xb8;
	[tilespmem:$0x15A40] =	vst v63  }
0x5a: {  	_ =	swait.ge [sflag:s20], $0x3E80  }
0x5b: {  	[sflag:s20] =	ssyncset.done $0x0  }
0x5c: {  	s29 =	simm.s32 $0xFC0;
	[sflag:s20] =	ssyncadd.s32 $0xFFFFC180  }
0x5d: {  	[tilespmem:s18], [sflag:$0x1] =	stream.indirect.gather [hbm4b:s4+s13], $0x20, s29, s13, $0xb8;
	[tilespmem:$0x15A40] =	vst v63  }
0x5e: {  	_ =	swait.ge [sflag:s16], $0x3E80  }
0x5f: {  	[sflag:s16] =	ssyncset.done $0x0  }
0x60: {  	s30 =	simm.s32 $0x3528;
	[sflag:s16] =	ssyncadd.s32 $0xFFFFC180  }
0x61: {  	[spmem:s2] =	stream.indirect.scatter.add.f32 [tilespmem:s15], [sflag:$0x2], $0x20, s30, s13, $0xb8;
	[tilespmem:$0x15A40] =	vst v63  }
0x62: {  	_ =	swait.ge [sflag:s20], $0x3E80  }
0x63: {  	[sflag:s20] =	ssyncset.done $0x0  }
0x64: {  	s29 =	simm.s32 $0x11B8;
	[sflag:s20] =	ssyncadd.s32 $0xFFFFC180  }
0x65: {  	[tilespmem:s10], [sflag:$0x1] =	stream.indirect.gather [hbm4b:s4+s13], $0x20, s29, s13, $0xb8;
	[tilespmem:$0x15A40] =	vst v63  }
0x66: {  	_ =	swait.ge [sflag:s16], $0x3E80  }
0x67: {  	[sflag:s16] =	ssyncset.done $0x0  }
0x68: {  	s30 =	simm.s32 $0x3720;
	[sflag:s16] =	ssyncadd.s32 $0xFFFFC180  }
0x69: {  	[spmem:s2] =	stream.indirect.scatter.add.f32 [tilespmem:s18], [sflag:$0x2], $0x20, s30, s13, $0xb8;
	[tilespmem:$0x15A40] =	vst v63  }
0x6a: {  	_ =	swait.ge [sflag:s20], $0x3E80  }
0x6b: {  	[sflag:s20] =	ssyncset.done $0x0  }
0x6c: {  	s29 =	simm.s32 $0x13B0;
	[sflag:s20] =	ssyncadd.s32 $0xFFFFC180  }
0x6d: {  	[tilespmem:s15], [sflag:$0x1] =	stream.indirect.gather [hbm4b:s4+s13], $0x20, s29, s13, $0xb8;
	[tilespmem:$0x15A40] =	vst v63  }
0x6e: {  	_ =	swait.ge [sflag:s16], $0x3E80  }
0x6f: {  	[sflag:s16] =	ssyncset.done $0x0  }
0x70: {  	s30 =	simm.s32 $0x3918;
	[sflag:s16] =	ssyncadd.s32 $0xFFFFC180  }
0x71: {  	[spmem:s2] =	stream.indirect.scatter.add.f32 [tilespmem:s10], [sflag:$0x2], $0x20, s30, s13, $0xb8;
	[tilespmem:$0x15A40] =	vst v63  }
0x72: {  	_ =	swait.ge [sflag:s20], $0x3E80  }
0x73: {  	[sflag:s20] =	ssyncset.done $0x0  }
0x74: {  	s29 =	simm.s32 $0x15A8;
	[sflag:s20] =	ssyncadd.s32 $0xFFFFC180  }
0x75: {  	[tilespmem:s18], [sflag:$0x1] =	stream.indirect.gather [hbm4b:s4+s13], $0x20, s29, s13, $0xb8;
	[tilespmem:$0x15A40] =	vst v63  }
0x76: {  	_ =	swait.ge [sflag:s16], $0x3E80  }
0x77: {  	[sflag:s16] =	ssyncset.done $0x0  }
0x78: {  	s30 =	simm.s32 $0x3B10;
	[sflag:s16] =	ssyncadd.s32 $0xFFFFC180  }
0x79: {  	[spmem:s2] =	stream.indirect.scatter.add.f32 [tilespmem:s15], [sflag:$0x2], $0x20, s30, s13, $0xb8;
	[tilespmem:$0x15A40] =	vst v63  }
0x7a: {  	_ =	swait.ge [sflag:s20], $0x3E80  }
0x7b: {  	[sflag:s20] =	ssyncset.done $0x0  }
0x7c: {  	s29 =	simm.s32 $0x17A0;
	[sflag:s20] =	ssyncadd.s32 $0xFFFFC180  }
0x7d: {  	[tilespmem:s10], [sflag:$0x1] =	stream.indirect.gather [hbm4b:s4+s13], $0x20, s29, s13, $0xb8;
	[tilespmem:$0x15A40] =	vst v63  }
0x7e: {  	_ =	swait.ge [sflag:s16], $0x3E80  }
0x7f: {  	[sflag:s16] =	ssyncset.done $0x0  }
0x80: {  	s30 =	simm.s32 $0x3D08;
	[sflag:s16] =	ssyncadd.s32 $0xFFFFC180  }
0x81: {  	[spmem:s2] =	stream.indirect.scatter.add.f32 [tilespmem:s18], [sflag:$0x2], $0x20, s30, s13, $0xb8;
	[tilespmem:$0x15A40] =	vst v63  }
0x82: {  	_ =	swait.ge [sflag:s20], $0x3E80  }
0x83: {  	[sflag:s20] =	ssyncset.done $0x0  }
0x84: {  	s29 =	simm.s32 $0x1998;
	[sflag:s20] =	ssyncadd.s32 $0xFFFFC180  }
0x85: {  	[tilespmem:s15], [sflag:$0x1] =	stream.indirect.gather [hbm4b:s4+s13], $0x20, s29, s13, $0xb8;
	[tilespmem:$0x15A40] =	vst v63  }
0x86: {  	_ =	swait.ge [sflag:s16], $0x3E80  }
0x87: {  	[sflag:s16] =	ssyncset.done $0x0  }
0x88: {  	s30 =	simm.s32 $0x3F00;
	[sflag:s16] =	ssyncadd.s32 $0xFFFFC180  }
0x89: {  	[spmem:s2] =	stream.indirect.scatter.add.f32 [tilespmem:s10], [sflag:$0x2], $0x20, s30, s13, $0xb8;
	[tilespmem:$0x15A40] =	vst v63  }
0x8a: {  	_ =	swait.ge [sflag:s20], $0x3E80  }
0x8b: {  	[sflag:s20] =	ssyncset.done $0x0  }
0x8c: {  	s29 =	simm.s32 $0x1B90;
	[sflag:s20] =	ssyncadd.s32 $0xFFFFC180  }
0x8d: {  	[tilespmem:s18], [sflag:$0x1] =	stream.indirect.gather [hbm4b:s4+s13], $0x20, s29, s13, $0xb8;
	[tilespmem:$0x15A40] =	vst v63  }
0x8e: {  	_ =	swait.ge [sflag:s16], $0x3E80  }
0x8f: {  	[sflag:s16] =	ssyncset.done $0x0  }
0x90: {  	s30 =	simm.s32 $0x40F8;
	[sflag:s16] =	ssyncadd.s32 $0xFFFFC180  }
0x91: {  	[spmem:s2] =	stream.indirect.scatter.add.f32 [tilespmem:s15], [sflag:$0x2], $0x20, s30, s13, $0xb8;
	[tilespmem:$0x15A40] =	vst v63  }
0x92: {  	_ =	swait.ge [sflag:s20], $0x3E80  }
0x93: {  	[sflag:s20] =	ssyncset.done $0x0  }
0x94: {  	[sflag:s20] =	ssyncadd.s32 $0xFFFFC180  }
0x95: {  	[tilespmem:s10], [sflag:$0x1] =	stream.indirect.gather [hbm4b:s4+s13], $0x20, s31, s13, $0xb8;
	[tilespmem:$0x15A40] =	vst v63  }
0x96: {  	_ =	swait.ge [sflag:s16], $0x3E80  }
0x97: {  	[sflag:s16] =	ssyncset.done $0x0  }
0x98: {  	[sflag:s16] =	ssyncadd.s32 $0xFFFFC180  }
0x99: {  	[spmem:s2] =	stream.indirect.scatter.add.f32 [tilespmem:s18], [sflag:$0x2], $0x20, s1, s13, $0xb8;
	[tilespmem:$0x15A40] =	vst v63  }
0x9a: {  	_ =	swait.ge [sflag:s20], $0x3E80  }
0x9b: {  	[sflag:s20] =	ssyncset.done $0x0  }
0x9c: {  	[sflag:s20] =	ssyncadd.s32 $0xFFFFC180  }
0x9d: {  	[tilespmem:s15], [sflag:$0x1] =	stream.indirect.gather [hbm4b:s4+s13], $0x20, s0, s13, $0xb8;
	[tilespmem:$0x15A40] =	vst v63  }
0x9e: {  	_ =	swait.ge [sflag:s16], $0x3E80  }
0x9f: {  	[sflag:s16] =	ssyncset.done $0x0  }
0xa0: {  	[sflag:s16] =	ssyncadd.s32 $0xFFFFC180  }
0xa1: {  	[spmem:s2] =	stream.indirect.scatter.add.f32 [tilespmem:s10], [sflag:$0x2], $0x20, s14, s13, $0xb8;
	[tilespmem:$0x15A40] =	vst v63  }
0xa2: {  	_ =	swait.ge [sflag:s20], $0x3E80  }
0xa3: {  	[sflag:s20] =	ssyncset.done $0x0  }
0xa4: {  	[sflag:s20] =	ssyncadd.s32 $0xFFFFC180  }
0xa5: {  	[tilespmem:s18], [sflag:$0x1] =	stream.indirect.gather [hbm4b:s4+s13], $0x20, s17, s13, $0xb8;
	[tilespmem:$0x15A40] =	vst v63  }
0xa6: {  	_ =	swait.ge [sflag:s16], $0x3E80  }
0xa7: {  	[sflag:s16] =	ssyncset.done $0x0  }
0xa8: {  	[sflag:s16] =	ssyncadd.s32 $0xFFFFC180  }
0xa9: {  	[spmem:s2] =	stream.indirect.scatter.add.f32 [tilespmem:s15], [sflag:$0x2], $0x20, s19, s13, $0xb8;
	[tilespmem:$0x15A40] =	vst v63  }
0xaa: {  	_ =	swait.ge [sflag:s20], $0x3E80  }
0xab: {  	[sflag:s20] =	ssyncset.done $0x0  }
0xac: {  	[sflag:s20] =	ssyncadd.s32 $0xFFFFC180  }
0xad: {  	[tilespmem:s10], [sflag:$0x1] =	stream.indirect.gather [hbm4b:s4+s13], $0x20, s21, s13, $0xb8;
	[tilespmem:$0x15A40] =	vst v63  }
0xae: {  	_ =	swait.ge [sflag:s16], $0x3E80  }
0xaf: {  	[sflag:s16] =	ssyncset.done $0x0  }
0xb0: {  	[sflag:s16] =	ssyncadd.s32 $0xFFFFC180  }
0xb1: {  	[spmem:s2] =	stream.indirect.scatter.add.f32 [tilespmem:s18], [sflag:$0x2], $0x20, s22, s13, $0xb8;
	[tilespmem:$0x15A40] =	vst v63  }
0xb2: {  	_ =	swait.ge [sflag:s20], $0x3E80  }
0xb3: {  	[sflag:s20] =	ssyncset.done $0x0  }
0xb4: {  	[sflag:s20] =	ssyncadd.s32 $0xFFFFC180  }
0xb5: {  	[tilespmem:s15], [sflag:$0x1] =	stream.indirect.gather [hbm4b:s4+s13], $0x20, s23, s13, $0xb8;
	[tilespmem:$0x15A40] =	vst v63  }
0xb6: {  	_ =	swait.ge [sflag:s16], $0x3E80  }
0xb7: {  	[sflag:s16] =	ssyncset.done $0x0  }
0xb8: {  	[sflag:s16] =	ssyncadd.s32 $0xFFFFC180  }
0xb9: {  	[spmem:s2] =	stream.indirect.scatter.add.f32 [tilespmem:s10], [sflag:$0x2], $0x20, s24, s13, $0xb8;
	[tilespmem:$0x15A40] =	vst v63  }
0xba: {  	_ =	swait.ge [sflag:s16], $0x3E80  }
0xbb: {  	[sflag:s16] =	ssyncset.done $0x0  }
0xbc: {  	[sflag:s16] =	ssyncadd.s32 $0xFFFFC180  }
0xbd: {  	[spmem:s2] =	stream.indirect.scatter.add.f32 [tilespmem:s15], [sflag:$0x2], $0x20, s25, s13, $0xb8;
	[tilespmem:$0x15A40] =	vst v63  }
0xbe: {  	_ =	swait.ge [sflag:s20], $0x3E80  }
0xbf: {  	[sflag:s20] =	ssyncset.done $0x0  }
0xc0: {  	[sflag:s20] =	ssyncadd.s32 $0xFFFFC180  }
0xc1: {  	_ =	swait.ge [sflag:s20], $0x3E80  }
0xc2: {  	[sflag:s20] =	ssyncset.done $0x0  }
0xc3: {  	[sflag:s20] =	ssyncadd.s32 $0xFFFFC180  }
0xc4: {  	s29 =	stileid.u32;
	_ =	swait.ge [sflag:s20], $0x3E80  }
0xc5: {  	s26 =	sadd.s32 $0x1, s26;
	s28 =	sshll.u32 s29, $0x6;
	[sflag:s20] =	ssyncset.done $0x0  }
0xc6: {  	p0 =	sne.s32 s26, s9;
	s28 =	sor.u32 $0x1C03, s28;
	[sflag:s20] =	ssyncadd.s32 $0xFFFFC180  }
.Ltmp1:
0xc7: {  	s30 =	sshrl.u32 s5, $0x3;
	[bflag:$0x0] =	sbarrier.arrive $0xFFFF;
	(pc) =	sbr.rel @p0 .LBB2_1-.Ltmp1, $4  }
0xc8: {  	[hbm:s8], [sflag:s28] =	dma.local [spmem:s30], $0xA00  }
0xc9: {  	_ =	swait.ge [sflag:s11], $0xA00  }
0xca: {  	[sflag:s11] =	ssyncset.done $0x0  }
0xcb: {  	[sflag:s11] =	ssyncadd.s32 $0xFFFFF600  }
0xcc: {  	_ =	sfence.sel $0x180000  }
0xcd: {  	[bflag:$0x0] =	sbarrier.arrive $0xFFFF  }
0xce: {  	_ =	strace $0x9000004A  }
0xcf: {  	s0 =	stileid.u32;
	[bflag:$0x2] =	sbarrier.arrive $0xFFFF  }
0xd0: {  	p0 =	sne.s32 s0, $0x0;
	s0 =	rddreg [dreg:$0x2]  }
0xd1: {  	s0 =	sadd.s32 @!p0 $0x100000, s0  }
0xd2: {  	[sflag:s0] =	ssyncadd.tile.s32 @!p0 $0x1;
	_ =	shalt  }
.Lfunc_end2:
_tile_overlayer_lowered:
.L_overlay_start_2:
0xd3: {  	(tag) =	ssettag $0x2  }
0xd4: {  	s0 =	rddreg [dreg:$0x0];
	s2 =	stileid.u32  }
0xd5: {  	s1 =	rddreg [dreg:$0x1];
	p0 =	sne.s32 s2, $0x0  }
0xd6: {  	s3 =	rddreg [dreg:$0x2];
	[bflag:$0x3] =	sbarrier.arrive $0xFFFF;
	s2 =	simm.s32 @!p0 $0x1C03  }
0xd7: {  	[timem:s3], [sflag:s2] =	dma.local @!p0 [hbm:s0], s1  }
0xd8: {  	s0 =	simm.s32 @!p0 $0x3  }
0xd9: {  	_ =	swait.ge @!p0 [sflag:s0], s1  }
0xda: {  	s1 =	ssub.s32 @!p0 $0x0, s1;
	[sflag:s0] =	ssyncset.done @!p0 $0x0  }
0xdb: {  	[sflag:s0] =	ssyncadd.s32 @!p0 s1  }
0xdc: {  	[bflag:$0x3] =	sbarrier.arrive $0xFFFF  }
0xdd: {  	_ =	shalt  }

// kernel: kernel.16.cloned.1.call-start
scs
__scs_entry_jumppad:
0x0: {  	(pc) =	sbr.rel $0x88, $3  }
0x1: {  	(tag) =	ssettag $0x0;
	lr =	simm.s32 $0x1  }
0x2: {  	[smem:$0x3F97] =	sst lr;
	_ =	strace $0xD0000000  }
0x3: {  	_ = 	snop  }
0x4: {  	_ = 	snop  }
0x5: {  	_ = 	snop  }
0x6: {  	_ = 	snop  }
0x7: {  	_ = 	snop  }
__scs_overlays_trampoline_lowered:
0x8: {  	[smem:$0x3FA6] =	sst s0  }
0x9: {  	[smem:$0x3FA7] =	sst s1  }
0xa: {  	[smem:$0x3FA8] =	sst s2  }
0xb: {  	[smem:$0x3FA9] =	sst s3  }
0xc: {  	[smem:$0x3FAA] =	sst s4  }
0xd: {  	[smem:$0x3FAB] =	sst s5  }
0xe: {  	[smem:$0x3FAC] =	sst s6  }
0xf: {  	[smem:$0x3FAD] =	sst s7  }
0x10: {  	[smem:$0x3FAE] =	sst s8  }
0x11: {  	[smem:$0x3FAF] =	sst s9;
	s0 =	simm.s32 @!p0 $0x0  }
0x12: {  	s1 =	sld [smem:$0x3F95];
	s0 =	simm.s32 @p0 $0x1  }
0x13: {  	[smem:$0x3FB0] =	sst s0;
	s0 =	simm.s32 @!p1 $0x0  }
0x14: {  	s2 =	sld [smem:$0x3F94];
	s0 =	simm.s32 @p1 $0x1  }
0x15: {  	[smem:$0x3FB1] =	sst s0;
	s0 =	simm.s32 @!p2 $0x0  }
0x16: {  	s3 =	sld [smem:$0x3FDB];
	s0 =	simm.s32 @p2 $0x1  }
0x17: {  	s4 =	simm.s32 $0x1BF5;
	[smem:$0x3FB3] =	sst s0  }
0x18: {  	s0 =	sld [smem:$0x3F96];
	_ =	swait.ge [sflag:s4], $0x0  }
0x19: {  	s7 =	sld [smem:$0x3F97]  }
0x1a: {  	s8 =	sadd.s32 $0xFFFFE003, lr  }
0x1b: {  	s9 =	sadd.s32 $0xFFFFFEF7, lr;
	s5 =	simm.s32 $0xFFFFFFFF;
	p2 =	slt.u32 s8, $0xFFFFF086  }
0x1c: {  	p1 =	slt.u32 s9, $0xF7A;
	s5 =	simm.s32 @!p2 $0x0  }
0x1d: {  	s5 =	simm.s32 @p1 $0x1;
	p0 =	seq.s32 s7, s2  }
0x1e: {  	s7 =	smul.u32 @!p0 $0xF7A, s2;
	p2 =	seq.s32 @!p0 s5, $0x0  }
0x1f: {  	s9 =	smul.u32 $0xF7A, s1;
	s8 =	simm.s32 @!p0 $0x1BF5;
	p2 =	por !p2, p0  }
0x20: {  	[sflag:s8] =	ssyncset.s32 @!p0 $0xFFFFF086;
	s6 =	sadd.s32 @!p0 s3, s7;
	s7 =	simm.s32 @!p0 $0x108  }
0x21: {  	s3 =	sadd.s32 s3, s9;
	s6 =	sadd.s32 @!p0 $0x88, s6;
	s7 =	simm.s32 @p2 $0x1082  }
0x22: {  	[simem:s7], [sflag:s8] =	dma.local @!p0 [hbm:s6], $0xF7A  }
0x23: {  	s9 =	sor.u32 $0xD0000000, s2;
	s6 =	simm.s32 $0x108;
	_ =	swait.ge @!p0 [sflag:s8], $0x0  }
0x24: {  	s3 =	sadd.s32 $0x88, s3;
	s6 =	simm.s32 @!p1 $0x1082;
	[sflag:s4] =	ssyncset.s32 $0xFFFFF086  }
0x25: {  	[simem:s6], [sflag:s4] =	dma.local [hbm:s3], $0xF7A  }
0x26: {  	[smem:$0x3F97] =	sst s1;
	(tag) =	ssettag s2;
	_ =	strace s9  }
0x27: {  	s1 =	sld [smem:$0x3FA7]  }
0x28: {  	s2 =	sld [smem:$0x3FA8]  }
0x29: {  	s4 =	sld [smem:$0x3FAA]  }
0x2a: {  	p0 =	seq.s32 s5, $0x0;
	s5 =	sld [smem:$0x3FAB]  }
0x2b: {  	s6 =	sld [smem:$0x3FAC]  }
0x2c: {  	s7 =	sld [smem:$0x3FAD]  }
0x2d: {  	s3 =	simm.s32 $0x108;
	s8 =	sld [smem:$0x3FAE]  }
0x2e: {  	s3 =	simm.s32 @!p0 $0x1082;
	s9 =	sld [smem:$0x3FAF]  }
0x2f: {  	lr =	sadd.s32 s0, s3;
	s0 =	sld [smem:$0x3FA6]  }
0x30: {  	s3 =	sld [smem:$0x3FA9]  }
0x31: {  	[smem:$0x3FB2] =	sst s10  }
0x32: {  	s10 =	sld [smem:$0x3FB0];
	_ =	sdelay $0x3  }
0x33: {  	p0 =	seq.s32 s10, $0x1;
	s10 =	sld [smem:$0x3FB2];
	_ =	sdelay $0x3  }
0x34: {  	[smem:$0x3FB2] =	sst s10  }
0x35: {  	s10 =	sld [smem:$0x3FB1];
	_ =	sdelay $0x3  }
0x36: {  	p1 =	seq.s32 s10, $0x1;
	s10 =	sld [smem:$0x3FB2];
	_ =	sdelay $0x3  }
0x37: {  	[smem:$0x3FB2] =	sst s10  }
0x38: {  	s10 =	sld [smem:$0x3FB3]  }
0x39: {  	_ = 	snop;
	(pc) =	sbr.ind lr, $3  }
0x3a: {  	_ = 	snop  }
0x3b: {  	_ = 	snop  }
0x3c: {  	p2 =	seq.s32 s10, $0x1;
	s10 =	sld [smem:$0x3FB2]  }
0x3d: {  	_ =	shalt  }
0x3e: {  	_ =	shalt  }
0x3f: {  	_ =	shalt  }
0x40: {  	_ =	shalt  }
0x41: {  	_ =	shalt  }
0x42: {  	_ =	shalt  }
0x43: {  	_ =	shalt  }
0x44: {  	_ =	shalt  }
0x45: {  	_ =	shalt  }
0x46: {  	_ =	shalt  }
0x47: {  	_ =	shalt  }
0x48: {  	_ =	shalt  }
0x49: {  	_ =	shalt  }
0x4a: {  	_ =	shalt  }
0x4b: {  	_ =	shalt  }
0x4c: {  	_ =	shalt  }
0x4d: {  	_ =	shalt  }
0x4e: {  	_ =	shalt  }
0x4f: {  	_ =	shalt  }
0x50: {  	_ =	shalt  }
0x51: {  	_ =	shalt  }
0x52: {  	_ =	shalt  }
0x53: {  	_ =	shalt  }
0x54: {  	_ =	shalt  }
0x55: {  	_ =	shalt  }
0x56: {  	_ =	shalt  }
0x57: {  	_ =	shalt  }
0x58: {  	_ =	shalt  }
0x59: {  	_ =	shalt  }
0x5a: {  	_ =	shalt  }
0x5b: {  	_ =	shalt  }
0x5c: {  	_ =	shalt  }
0x5d: {  	_ =	shalt  }
0x5e: {  	_ =	shalt  }
0x5f: {  	_ =	shalt  }
0x60: {  	_ =	shalt  }
0x61: {  	_ =	shalt  }
0x62: {  	_ =	shalt  }
0x63: {  	_ =	shalt  }
0x64: {  	_ =	shalt  }
0x65: {  	_ =	shalt  }
0x66: {  	_ =	shalt  }
0x67: {  	_ =	shalt  }
0x68: {  	_ =	shalt  }
0x69: {  	_ =	shalt  }
0x6a: {  	_ =	shalt  }
0x6b: {  	_ =	shalt  }
0x6c: {  	_ =	shalt  }
0x6d: {  	_ =	shalt  }
0x6e: {  	_ =	shalt  }
0x6f: {  	_ =	shalt  }
0x70: {  	_ =	shalt  }
0x71: {  	_ =	shalt  }
0x72: {  	_ =	shalt  }
0x73: {  	_ =	shalt  }
0x74: {  	_ =	shalt  }
0x75: {  	_ =	shalt  }
0x76: {  	_ =	shalt  }
0x77: {  	_ =	shalt  }
0x78: {  	_ =	shalt  }
0x79: {  	_ =	shalt  }
0x7a: {  	_ =	shalt  }
0x7b: {  	_ =	shalt  }
0x7c: {  	_ =	shalt  }
0x7d: {  	_ =	shalt  }
0x7e: {  	_ =	shalt  }
0x7f: {  	_ =	shalt  }
0x80: {  	_ =	shalt  }
0x81: {  	_ =	shalt  }
0x82: {  	_ =	shalt  }
0x83: {  	_ =	shalt  }
0x84: {  	_ =	shalt  }
0x85: {  	_ =	shalt  }
0x86: {  	_ =	shalt  }
0x87: {  	_ =	shalt  }
.Lfunc_end0:
.L_simem_size_0:
called_computation.2_lowered:
.L_overlay_start_0:
0x88: {  	s2 =	sld [smem:$0x3FD9]  }
0x89: {  	s3 =	sld [smem:$0x3FFE];
	_ =	sdelay $0x1  }
0x8a: {  	s1 =	srdreg.scid  }
0x8b: {  	s0 =	sand.u32 $0x1, s1  }
0x8c: {  	s16 =	sshll.u32 s0, $0xA;
	s2 =	sadd.s32 s3, s2  }
0x8d: {  	s2 =	sadd.s32 s2, s16  }
0x8e: {  	[smem:$0x3FBE] =	sst s2  }
0x8f: {  	_ = 	snop  }
0x90: {  	(tm) =	ssettm $0x1  }
0x91: {  	s17 =	sld [smem:$0x3FFB];
	_ =	sdelay $0x3  }
0x92: {  	_ =	strace s17  }
0x93: {  	s2 =	sld [smem:$0x3FFC];
	_ =	sdelay $0x3  }
0x94: {  	_ =	strace s2  }
0x95: {  	s2 =	sld [smem:$0x3FFD];
	_ =	sdelay $0x3  }
0x96: {  	_ =	strace s2  }
0x97: {  	_ =	strace $0x8FFFFFFF  }
0x98: {  	s18 =	sld [smem:$0x3FDB];
	_ =	sdelay $0x1  }
0x99: {  	s19 =	simm.s32 $_scs_section_size  }
0x9a: {  	s4 =	simm.s32 $_size__tile_overlayer_lowered;
	s5 =	simm.s32 $_tile_overlayer_lowered  }
0x9b: {  	s22 =	simm.s32 $0x1BFF;
	s21 =	sshll.u32 s5, $0x1;
	s2 =	sadd.s32 s19, s18  }
0x9c: {  	s6 =	simm.s32 $0x0;
	s20 =	sshll.u32 s4, $0x1;
	s4 =	sadd.s32 s21, s2  }
0x9d: {  	[timem:s6], [sflag:s22] =	dma.local [hbm:s4], s20  }
0x9e: {  	_ =	swait.ge [sflag:s22], s20  }
0x9f: {  	s3 =	ssub.s32 $0x0, s20;
	[sflag:s22] =	ssyncset.done $0x0  }
0xa0: {  	[sflag:s22] =	ssyncadd.s32 s3;
	_ =	sdelay $0x1  }
0xa1: {  	s23 =	simm.s32 $0x1B8B  }
0xa2: {  	_ =	swait.ge [sflag:s23], $0x1  }
0xa3: {  	[sflag:s23] =	ssyncset.done $0x0  }
0xa4: {  	s25 =	simm.s32 $0x1B8E;
	s24 =	sld [smem:$0x3FFE];
	[sflag:s23] =	ssyncadd.s32 $0xFFFFFFFF  }
0xa5: {  	s26 =	simm.s32 $execute0_lowered;
	[smem:$0x3FD2] =	sst s25  }
0xa6: {  	s4 =	sshll.u32 s26, $0x1;
	_ =	strace $0x8000004C;
	[dreg:$0x1] =	wrdreg $0xFFFFFFFF  }
0xa7: {  	s28 =	simm.s32 $_size_execute0_lowered;
	s2 =	sadd.s32 s2, s4;
	[dreg:$0x0] =	wrdreg $0x0  }
0xa8: {  	s4 =	sshll.u32 s28, $0x1;
	[dreg:$0x2] =	wrdreg s2  }
0xa9: {  	[dreg:$0x3] =	wrdreg s4  }
0xaa: {  	[dreg:$0x4] =	wrdreg $0xC0  }
0xab: {  	_ =	task [dreg:s6], $0x5FFFF  }
0xac: {  	[dreg:$0x1] =	wrdreg $0xFFFFFFFF  }
0xad: {  	[dreg:$0x0] =	wrdreg $0x60  }
0xae: {  	[dreg:$0x2] =	wrdreg s24  }
0xaf: {  	[dreg:$0x3] =	wrdreg $0x10A400  }
0xb0: {  	[dreg:$0x4] =	wrdreg $0x9  }
0xb1: {  	_ =	task.clear_ibuf [dreg:s6], $0x5FFFF;
	_ =	strace $0x9000004C  }
0xb2: {  	s29 =	simm.s32 $0x9;
	_ =	strace $0x8000004E  }
0xb3: {  	_ =	swait.ge [sflag:s29], $0x1  }
0xb4: {  	[sflag:s29] =	ssyncadd.s32 $0xFFFFFFFF  }
0xb5: {  	_ =	strace $0x9000004E  }
0xb6: {  	_ =	sfence  }
0xb7: {  	s30 =	sld [smem:$0x0];
	_ =	sdelay $0x2  }
0xb8: {  	s31 =	sshll.u32 s1, $0xD;
	s1 =	sshrl.u32 s1, $0x2  }
0xb9: {  	s3 =	sand.u32 $0x4000, s31;
	s1 =	sadd.s32 s1, s30  }
0xba: {  	s0 =	sor.u32 s3, s0;
	s1 =	sshll.u32 s1, $0x11  }
0xbb: {  	s0 =	sor.u32 s1, s0  }
0xbc: {  	s0 =	sadd.s32 $0x8F2B, s0  }
0xbd: {  	[sflag:s0] =	ssyncadd.remote.s32 $0x1  }
0xbe: {  	_ =	sfence.sel $0xFFFF  }
0xbf: {  	[dreg:$0x0] =	wrdreg $0xFFFFFFFF;
	(pc) =	sbr.abs _section_cstart, $3  }
0xc0: {  	[dreg:$0x1] =	wrdreg $0xFFFFFFFF  }
0xc1: {  	_ =	task.clear_ibuf [dreg:s6], $0x2FFFF;
	_ =	strace $0x9FFFFFFF  }
0xc2: {  	(tm) =	ssettm $0x7FFFFFFF  }
0xc3: {  	_ =	shalt  }
tec
execute0_lowered:
.L_overlay_start_1:
0x0: {  	(tag) =	ssettag $0x1  }
0x1: {  	s0 =	srdreg.scid;
	s5 =	rddreg [dreg:$0x0]  }
0x2: {  	s4 =	stileid.u32;
	s2 =	rddreg [dreg:$0x1];
	s3 =	simm.s32 $0x0  }
0x3: {  	s10 =	simm.s32 $0x4EC0;
	s11 =	simm.s32 $0x3;
	s12 =	simm.s32 $0x2760  }
0x4: {  	s13 =	simm.s32 $0x1F4;
	s15 =	simm.s32 $0x8D40;
	s16 =	simm.s32 $0x1  }
0x5: {  	s18 =	simm.s32 $0xCBC0;
	s20 =	simm.s32 $0x2;
	s31 =	simm.s32 $0x1D88  }
0x6: {  	s14 =	simm.s32 $0x44E8;
	s17 =	simm.s32 $0x2178;
	s19 =	simm.s32 $0x46E0  }
0x7: {  	s21 =	simm.s32 $0x2370;
	s22 =	simm.s32 $0x48D8;
	s23 =	simm.s32 $0x2568  }
0x8: {  	s24 =	simm.s32 $0x4AD0;
	s25 =	simm.s32 $0x4CC8;
	s26 =	simm.s32 $0x0  }
0x9: {  	s0 =	sand.u32 $0x1, s0;
	s1 =	sshll.u32 s4, $0x1;
	s6 =	smul.u32 $0x5000, s4  }
0xa: {  	[smem:$0x7FF] =	sst s3;
	s1 =	sor.u32 s0, s1;
	s7 =	smul.u32 $0x50000, s0  }
0xb: {  	s4 =	sadd.s32 $0x17C00, s5;
	s0 =	ssub.s32 $0x2, s0;
	s1 =	smul.u32 $0x2760, s1  }
0xc: {  	_ =	strace $0x8000004D;
	s8 =	sshrl.u32 s0, $0x1;
	s7 =	sadd.s32 s6, s7  }
0xd: {  	s0 =	ssub.s32 s0, s8;
	s1 =	sshrl.u32 s1, $0x3;
	s7 =	sshrl.u32 s7, $0x3  }
0xe: {  	s1 =	sadd.s32 s1, s5;
	s9 =	sadd.s32 s7, s5;
	s5 =	sadd.s32 s6, s2  }
0xf: {  	s6 =	sadd.s32 $0x4000, s1;
	s7 =	sadd.s32 $0xDD80, s1;
	s8 =	sadd.s32 $0x21A00, s9  }
0x10: {  	v0 =	vimm.f32 $0.0e+00;
	s9 =	smax.u32 s0, $0x1;
	s1 =	simm.s32 $0x42F0;
	s0 =	simm.s32 $0x1F80  }
.LBB2_1:
0x11: {  	s28 =	simm.s32 $0x80;
	s29 =	simm.s32 $0x0  }
.LBB2_2:
0x12: {  	p0 =	sne.s32 s28, $0x13F80;
	[tilespmem:s29+$0x4EC0] =	vst v0;
	s30 =	smov.u32 s28;
	s28 =	sadd.s32 $0x80, s28  }
.Ltmp0:
0x13: {  	[tilespmem:s29+$0x4ED0] =	vst v0;
	(pc) =	sbr.rel @p0 .LBB2_2-.Ltmp0, $2  }
0x14: {  	_ =	sdelay $0x2  }
0x15: {  	s29 =	sshra.s32 s30, $0x2  }
0x16: {  	[tilespmem:s29+$0x4EC0] =	vst v0  }
0x17: {  	[tilespmem:s29+$0x4ED0] =	vst v0  }
0x18: {  	[spmem:s5] =	stream.linear.scatter [tilespmem:s10], [sflag:$0x3], $0x5000, $0x38;
	[tilespmem:$0x15A40] =	vst v63  }
0x19: {  	_ =	swait.ge [sflag:s11], $0x5000  }
0x1a: {  	[sflag:s11] =	ssyncset.done $0x0  }
0x1b: {  	[sflag:s11] =	ssyncadd.s32 $0xFFFFB000  }
0x1c: {  	[tilespmem:s3], [sflag:$0x3] =	stream.linear.gather [hbm4b:s6+s3], $0x2760, $0x38;
	[tilespmem:$0x15A40] =	vst v63  }
0x1d: {  	_ =	swait.ge [sflag:s11], $0x2760  }
0x1e: {  	[sflag:s11] =	ssyncset.done $0x0  }
0x1f: {  	[sflag:s11] =	ssyncadd.s32 $0xFFFFD8A0  }
0x20: {  	[tilespmem:s12], [sflag:$0x3] =	stream.linear.gather [hbm4b:s7+s3], $0x2760, $0x38;
	[tilespmem:$0x15A40] =	vst v63  }
0x21: {  	_ =	swait.ge [sflag:s11], $0x2760  }
0x22: {  	[sflag:s11] =	ssyncset.done $0x0  }
0x23: {  	[sflag:s11] =	ssyncadd.s32 $0xFFFFD8A0  }
0x24: {  	[bflag:$0x0] =	sbarrier.arrive $0xFFFF  }
0x25: {  	[tilespmem:s10], [sflag:$0x1] =	stream.indirect.gather [hbm4b:s4+s13], $0x20, s3, s13, $0xb8;
	[tilespmem:$0x15A40] =	vst v63  }
0x26: {  	s28 =	simm.s32 $0x1F8  }
0x27: {  	[tilespmem:s15], [sflag:$0x1] =	stream.indirect.gather [hbm4b:s4+s13], $0x20, s28, s13, $0xb8;
	[tilespmem:$0x15A40] =	vst v63  }
0x28: {  	_ =	swait.ge [sflag:s16], $0x3E80  }
0x29: {  	[sflag:s16] =	ssyncset.done $0x0  }
0x2a: {  	[sflag:s16] =	ssyncadd.s32 $0xFFFFC180  }
0x2b: {  	[spmem:s2] =	stream.indirect.scatter.add.f32 [tilespmem:s10], [sflag:$0x2], $0x20, s12, s13, $0xb8;
	[tilespmem:$0x15A40] =	vst v63  }
0x2c: {  	s29 =	simm.s32 $0x3F0  }
0x2d: {  	[tilespmem:s18], [sflag:$0x1] =	stream.indirect.gather [hbm4b:s4+s13], $0x20, s29, s13, $0xb8;
	[tilespmem:$0x15A40] =	vst v63  }
0x2e: {  	_ =	swait.ge [sflag:s16], $0x3E80  }
0x2f: {  	[sflag:s16] =	ssyncset.done $0x0  }
0x30: {  	s30 =	simm.s32 $0x2958;
	[sflag:s16] =	ssyncadd.s32 $0xFFFFC180  }
0x31: {  	[spmem:s2] =	stream.indirect.scatter.add.f32 [tilespmem:s15], [sflag:$0x2], $0x20, s30, s13, $0xb8;
	[tilespmem:$0x15A40] =	vst v63  }
0x32: {  	_ =	swait.ge [sflag:s20], $0x3E80  }
0x33: {  	[sflag:s20] =	ssyncset.done $0x0  }
0x34: {  	s29 =	simm.s32 $0x5E8;
	[sflag:s20] =	ssyncadd.s32 $0xFFFFC180  }
0x35: {  	[tilespmem:s10], [sflag:$0x1] =	stream.indirect.gather [hbm4b:s4+s13], $0x20, s29, s13, $0xb8;
	[tilespmem:$0x15A40] =	vst v63  }
0x36: {  	_ =	swait.ge [sflag:s16], $0x3E80  }
0x37: {  	[sflag:s16] =	ssyncset.done $0x0  }
0x38: {  	s30 =	simm.s32 $0x2B50;
	[sflag:s16] =	ssyncadd.s32 $0xFFFFC180  }
0x39: {  	[spmem:s2] =	stream.indirect.scatter.add.f32 [tilespmem:s18], [sflag:$0x2], $0x20, s30, s13, $0xb8;
	[tilespmem:$0x15A40] =	vst v63  }
0x3a: {  	_ =	swait.ge [sflag:s20], $0x3E80  }
0x3b: {  	[sflag:s20] =	ssyncset.done $0x0  }
0x3c: {  	s29 =	simm.s32 $0x7E0;
	[sflag:s20] =	ssyncadd.s32 $0xFFFFC180  }
0x3d: {  	[tilespmem:s15], [sflag:$0x1] =	stream.indirect.gather [hbm4b:s4+s13], $0x20, s29, s13, $0xb8;
	[tilespmem:$0x15A40] =	vst v63  }
0x3e: {  	_ =	swait.ge [sflag:s16], $0x3E80  }
0x3f: {  	[sflag:s16] =	ssyncset.done $0x0  }
0x40: {  	s30 =	simm.s32 $0x2D48;
	[sflag:s16] =	ssyncadd.s32 $0xFFFFC180  }
0x41: {  	[spmem:s2] =	stream.indirect.scatter.add.f32 [tilespmem:s10], [sflag:$0x2], $0x20, s30, s13, $0xb8;
	[tilespmem:$0x15A40] =	vst v63  }
0x42: {  	_ =	swait.ge [sflag:s20], $0x3E80  }
0x43: {  	[sflag:s20] =	ssyncset.done $0x0  }
0x44: {  	s29 =	simm.s32 $0x9D8;
	[sflag:s20] =	ssyncadd.s32 $0xFFFFC180  }
0x45: {  	[tilespmem:s18], [sflag:$0x1] =	stream.indirect.gather [hbm4b:s4+s13], $0x20, s29, s13, $0xb8;
	[tilespmem:$0x15A40] =	vst v63  }
0x46: {  	_ =	swait.ge [sflag:s16], $0x3E80  }
0x47: {  	[sflag:s16] =	ssyncset.done $0x0  }
0x48: {  	s30 =	simm.s32 $0x2F40;
	[sflag:s16] =	ssyncadd.s32 $0xFFFFC180  }
0x49: {  	[spmem:s2] =	stream.indirect.scatter.add.f32 [tilespmem:s15], [sflag:$0x2], $0x20, s30, s13, $0xb8;
	[tilespmem:$0x15A40] =	vst v63  }
0x4a: {  	_ =	swait.ge [sflag:s20], $0x3E80  }
0x4b: {  	[sflag:s20] =	ssyncset.done $0x0  }
0x4c: {  	s29 =	simm.s32 $0xBD0;
	[sflag:s20] =	ssyncadd.s32 $0xFFFFC180  }
0x4d: {  	[tilespmem:s10], [sflag:$0x1] =	stream.indirect.gather [hbm4b:s4+s13], $0x20, s29, s13, $0xb8;
	[tilespmem:$0x15A40] =	vst v63  }
0x4e: {  	_ =	swait.ge [sflag:s16], $0x3E80  }
0x4f: {  	[sflag:s16] =	ssyncset.done $0x0  }
0x50: {  	s30 =	simm.s32 $0x3138;
	[sflag:s16] =	ssyncadd.s32 $0xFFFFC180  }
0x51: {  	[spmem:s2] =	stream.indirect.scatter.add.f32 [tilespmem:s18], [sflag:$0x2], $0x20, s30, s13, $0xb8;
	[tilespmem:$0x15A40] =	vst v63  }
0x52: {  	_ =	swait.ge [sflag:s20], $0x3E80  }
0x53: {  	[sflag:s20] =	ssyncset.done $0x0  }
0x54: {  	s29 =	simm.s32 $0xDC8;
	[sflag:s20] =	ssyncadd.s32 $0xFFFFC180  }
0x55: {  	[tilespmem:s15], [sflag:$0x1] =	stream.indirect.gather [hbm4b:s4+s13], $0x20, s29, s13, $0xb8;
	[tilespmem:$0x15A40] =	vst v63  }
0x56: {  	_ =	swait.ge [sflag:s16], $0x3E80  }
0x57: {  	[sflag:s16] =	ssyncset.done $0x0  }
0x58: {  	s30 =	simm.s32 $0x3330;
	[sflag:s16] =	ssyncadd.s32 $0xFFFFC180  }
0x59: {  	[spmem:s2] =	stream.indirect.scatter.add.f32 [tilespmem:s10], [sflag:$0x2], $0x20, s30, s13, $0xb8;
	[tilespmem:$0x15A40] =	vst v63  }
0x5a: {  	_ =	swait.ge [sflag:s20], $0x3E80  }
0x5b: {  	[sflag:s20] =	ssyncset.done $0x0  }
0x5c: {  	s29 =	simm.s32 $0xFC0;
	[sflag:s20] =	ssyncadd.s32 $0xFFFFC180  }
0x5d: {  	[tilespmem:s18], [sflag:$0x1] =	stream.indirect.gather [hbm4b:s4+s13], $0x20, s29, s13, $0xb8;
	[tilespmem:$0x15A40] =	vst v63  }
0x5e: {  	_ =	swait.ge [sflag:s16], $0x3E80  }
0x5f: {  	[sflag:s16] =	ssyncset.done $0x0  }
0x60: {  	s30 =	simm.s32 $0x3528;
	[sflag:s16] =	ssyncadd.s32 $0xFFFFC180  }
0x61: {  	[spmem:s2] =	stream.indirect.scatter.add.f32 [tilespmem:s15], [sflag:$0x2], $0x20, s30, s13, $0xb8;
	[tilespmem:$0x15A40] =	vst v63  }
0x62: {  	_ =	swait.ge [sflag:s20], $0x3E80  }
0x63: {  	[sflag:s20] =	ssyncset.done $0x0  }
0x64: {  	s29 =	simm.s32 $0x11B8;
	[sflag:s20] =	ssyncadd.s32 $0xFFFFC180  }
0x65: {  	[tilespmem:s10], [sflag:$0x1] =	stream.indirect.gather [hbm4b:s4+s13], $0x20, s29, s13, $0xb8;
	[tilespmem:$0x15A40] =	vst v63  }
0x66: {  	_ =	swait.ge [sflag:s16], $0x3E80  }
0x67: {  	[sflag:s16] =	ssyncset.done $0x0  }
0x68: {  	s30 =	simm.s32 $0x3720;
	[sflag:s16] =	ssyncadd.s32 $0xFFFFC180  }
0x69: {  	[spmem:s2] =	stream.indirect.scatter.add.f32 [tilespmem:s18], [sflag:$0x2], $0x20, s30, s13, $0xb8;
	[tilespmem:$0x15A40] =	vst v63  }
0x6a: {  	_ =	swait.ge [sflag:s20], $0x3E80  }
0x6b: {  	[sflag:s20] =	ssyncset.done $0x0  }
0x6c: {  	s29 =	simm.s32 $0x13B0;
	[sflag:s20] =	ssyncadd.s32 $0xFFFFC180  }
0x6d: {  	[tilespmem:s15], [sflag:$0x1] =	stream.indirect.gather [hbm4b:s4+s13], $0x20, s29, s13, $0xb8;
	[tilespmem:$0x15A40] =	vst v63  }
0x6e: {  	_ =	swait.ge [sflag:s16], $0x3E80  }
0x6f: {  	[sflag:s16] =	ssyncset.done $0x0  }
0x70: {  	s30 =	simm.s32 $0x3918;
	[sflag:s16] =	ssyncadd.s32 $0xFFFFC180  }
0x71: {  	[spmem:s2] =	stream.indirect.scatter.add.f32 [tilespmem:s10], [sflag:$0x2], $0x20, s30, s13, $0xb8;
	[tilespmem:$0x15A40] =	vst v63  }
0x72: {  	_ =	swait.ge [sflag:s20], $0x3E80  }
0x73: {  	[sflag:s20] =	ssyncset.done $0x0  }
0x74: {  	s29 =	simm.s32 $0x15A8;
	[sflag:s20] =	ssyncadd.s32 $0xFFFFC180  }
0x75: {  	[tilespmem:s18], [sflag:$0x1] =	stream.indirect.gather [hbm4b:s4+s13], $0x20, s29, s13, $0xb8;
	[tilespmem:$0x15A40] =	vst v63  }
0x76: {  	_ =	swait.ge [sflag:s16], $0x3E80  }
0x77: {  	[sflag:s16] =	ssyncset.done $0x0  }
0x78: {  	s30 =	simm.s32 $0x3B10;
	[sflag:s16] =	ssyncadd.s32 $0xFFFFC180  }
0x79: {  	[spmem:s2] =	stream.indirect.scatter.add.f32 [tilespmem:s15], [sflag:$0x2], $0x20, s30, s13, $0xb8;
	[tilespmem:$0x15A40] =	vst v63  }
0x7a: {  	_ =	swait.ge [sflag:s20], $0x3E80  }
0x7b: {  	[sflag:s20] =	ssyncset.done $0x0  }
0x7c: {  	s29 =	simm.s32 $0x17A0;
	[sflag:s20] =	ssyncadd.s32 $0xFFFFC180  }
0x7d: {  	[tilespmem:s10], [sflag:$0x1] =	stream.indirect.gather [hbm4b:s4+s13], $0x20, s29, s13, $0xb8;
	[tilespmem:$0x15A40] =	vst v63  }
0x7e: {  	_ =	swait.ge [sflag:s16], $0x3E80  }
0x7f: {  	[sflag:s16] =	ssyncset.done $0x0  }
0x80: {  	s30 =	simm.s32 $0x3D08;
	[sflag:s16] =	ssyncadd.s32 $0xFFFFC180  }
0x81: {  	[spmem:s2] =	stream.indirect.scatter.add.f32 [tilespmem:s18], [sflag:$0x2], $0x20, s30, s13, $0xb8;
	[tilespmem:$0x15A40] =	vst v63  }
0x82: {  	_ =	swait.ge [sflag:s20], $0x3E80  }
0x83: {  	[sflag:s20] =	ssyncset.done $0x0  }
0x84: {  	s29 =	simm.s32 $0x1998;
	[sflag:s20] =	ssyncadd.s32 $0xFFFFC180  }
0x85: {  	[tilespmem:s15], [sflag:$0x1] =	stream.indirect.gather [hbm4b:s4+s13], $0x20, s29, s13, $0xb8;
	[tilespmem:$0x15A40] =	vst v63  }
0x86: {  	_ =	swait.ge [sflag:s16], $0x3E80  }
0x87: {  	[sflag:s16] =	ssyncset.done $0x0  }
0x88: {  	s30 =	simm.s32 $0x3F00;
	[sflag:s16] =	ssyncadd.s32 $0xFFFFC180  }
0x89: {  	[spmem:s2] =	stream.indirect.scatter.add.f32 [tilespmem:s10], [sflag:$0x2], $0x20, s30, s13, $0xb8;
	[tilespmem:$0x15A40] =	vst v63  }
0x8a: {  	_ =	swait.ge [sflag:s20], $0x3E80  }
0x8b: {  	[sflag:s20] =	ssyncset.done $0x0  }
0x8c: {  	s29 =	simm.s32 $0x1B90;
	[sflag:s20] =	ssyncadd.s32 $0xFFFFC180  }
0x8d: {  	[tilespmem:s18], [sflag:$0x1] =	stream.indirect.gather [hbm4b:s4+s13], $0x20, s29, s13, $0xb8;
	[tilespmem:$0x15A40] =	vst v63  }
0x8e: {  	_ =	swait.ge [sflag:s16], $0x3E80  }
0x8f: {  	[sflag:s16] =	ssyncset.done $0x0  }
0x90: {  	s30 =	simm.s32 $0x40F8;
	[sflag:s16] =	ssyncadd.s32 $0xFFFFC180  }
0x91: {  	[spmem:s2] =	stream.indirect.scatter.add.f32 [tilespmem:s15], [sflag:$0x2], $0x20, s30, s13, $0xb8;
	[tilespmem:$0x15A40] =	vst v63  }
0x92: {  	_ =	swait.ge [sflag:s20], $0x3E80  }
0x93: {  	[sflag:s20] =	ssyncset.done $0x0  }
0x94: {  	[sflag:s20] =	ssyncadd.s32 $0xFFFFC180  }
0x95: {  	[tilespmem:s10], [sflag:$0x1] =	stream.indirect.gather [hbm4b:s4+s13], $0x20, s31, s13, $0xb8;
	[tilespmem:$0x15A40] =	vst v63  }
0x96: {  	_ =	swait.ge [sflag:s16], $0x3E80  }
0x97: {  	[sflag:s16] =	ssyncset.done $0x0  }
0x98: {  	[sflag:s16] =	ssyncadd.s32 $0xFFFFC180  }
0x99: {  	[spmem:s2] =	stream.indirect.scatter.add.f32 [tilespmem:s18], [sflag:$0x2], $0x20, s1, s13, $0xb8;
	[tilespmem:$0x15A40] =	vst v63  }
0x9a: {  	_ =	swait.ge [sflag:s20], $0x3E80  }
0x9b: {  	[sflag:s20] =	ssyncset.done $0x0  }
0x9c: {  	[sflag:s20] =	ssyncadd.s32 $0xFFFFC180  }
0x9d: {  	[tilespmem:s15], [sflag:$0x1] =	stream.indirect.gather [hbm4b:s4+s13], $0x20, s0, s13, $0xb8;
	[tilespmem:$0x15A40] =	vst v63  }
0x9e: {  	_ =	swait.ge [sflag:s16], $0x3E80  }
0x9f: {  	[sflag:s16] =	ssyncset.done $0x0  }
0xa0: {  	[sflag:s16] =	ssyncadd.s32 $0xFFFFC180  }
0xa1: {  	[spmem:s2] =	stream.indirect.scatter.add.f32 [tilespmem:s10], [sflag:$0x2], $0x20, s14, s13, $0xb8;
	[tilespmem:$0x15A40] =	vst v63  }
0xa2: {  	_ =	swait.ge [sflag:s20], $0x3E80  }
0xa3: {  	[sflag:s20] =	ssyncset.done $0x0  }
0xa4: {  	[sflag:s20] =	ssyncadd.s32 $0xFFFFC180  }
0xa5: {  	[tilespmem:s18], [sflag:$0x1] =	stream.indirect.gather [hbm4b:s4+s13], $0x20, s17, s13, $0xb8;
	[tilespmem:$0x15A40] =	vst v63  }
0xa6: {  	_ =	swait.ge [sflag:s16], $0x3E80  }
0xa7: {  	[sflag:s16] =	ssyncset.done $0x0  }
0xa8: {  	[sflag:s16] =	ssyncadd.s32 $0xFFFFC180  }
0xa9: {  	[spmem:s2] =	stream.indirect.scatter.add.f32 [tilespmem:s15], [sflag:$0x2], $0x20, s19, s13, $0xb8;
	[tilespmem:$0x15A40] =	vst v63  }
0xaa: {  	_ =	swait.ge [sflag:s20], $0x3E80  }
0xab: {  	[sflag:s20] =	ssyncset.done $0x0  }
0xac: {  	[sflag:s20] =	ssyncadd.s32 $0xFFFFC180  }
0xad: {  	[tilespmem:s10], [sflag:$0x1] =	stream.indirect.gather [hbm4b:s4+s13], $0x20, s21, s13, $0xb8;
	[tilespmem:$0x15A40] =	vst v63  }
0xae: {  	_ =	swait.ge [sflag:s16], $0x3E80  }
0xaf: {  	[sflag:s16] =	ssyncset.done $0x0  }
0xb0: {  	[sflag:s16] =	ssyncadd.s32 $0xFFFFC180  }
0xb1: {  	[spmem:s2] =	stream.indirect.scatter.add.f32 [tilespmem:s18], [sflag:$0x2], $0x20, s22, s13, $0xb8;
	[tilespmem:$0x15A40] =	vst v63  }
0xb2: {  	_ =	swait.ge [sflag:s20], $0x3E80  }
0xb3: {  	[sflag:s20] =	ssyncset.done $0x0  }
0xb4: {  	[sflag:s20] =	ssyncadd.s32 $0xFFFFC180  }
0xb5: {  	[tilespmem:s15], [sflag:$0x1] =	stream.indirect.gather [hbm4b:s4+s13], $0x20, s23, s13, $0xb8;
	[tilespmem:$0x15A40] =	vst v63  }
0xb6: {  	_ =	swait.ge [sflag:s16], $0x3E80  }
0xb7: {  	[sflag:s16] =	ssyncset.done $0x0  }
0xb8: {  	[sflag:s16] =	ssyncadd.s32 $0xFFFFC180  }
0xb9: {  	[spmem:s2] =	stream.indirect.scatter.add.f32 [tilespmem:s10], [sflag:$0x2], $0x20, s24, s13, $0xb8;
	[tilespmem:$0x15A40] =	vst v63  }
0xba: {  	_ =	swait.ge [sflag:s16], $0x3E80  }
0xbb: {  	[sflag:s16] =	ssyncset.done $0x0  }
0xbc: {  	[sflag:s16] =	ssyncadd.s32 $0xFFFFC180  }
0xbd: {  	[spmem:s2] =	stream.indirect.scatter.add.f32 [tilespmem:s15], [sflag:$0x2], $0x20, s25, s13, $0xb8;
	[tilespmem:$0x15A40] =	vst v63  }
0xbe: {  	_ =	swait.ge [sflag:s20], $0x3E80  }
0xbf: {  	[sflag:s20] =	ssyncset.done $0x0  }
0xc0: {  	[sflag:s20] =	ssyncadd.s32 $0xFFFFC180  }
0xc1: {  	_ =	swait.ge [sflag:s20], $0x3E80  }
0xc2: {  	[sflag:s20] =	ssyncset.done $0x0  }
0xc3: {  	[sflag:s20] =	ssyncadd.s32 $0xFFFFC180  }
0xc4: {  	s29 =	stileid.u32;
	_ =	swait.ge [sflag:s20], $0x3E80  }
0xc5: {  	s26 =	sadd.s32 $0x1, s26;
	s28 =	sshll.u32 s29, $0x6;
	[sflag:s20] =	ssyncset.done $0x0  }
0xc6: {  	p0 =	sne.s32 s26, s9;
	s28 =	sor.u32 $0x1C03, s28;
	[sflag:s20] =	ssyncadd.s32 $0xFFFFC180  }
.Ltmp1:
0xc7: {  	s30 =	sshrl.u32 s5, $0x3;
	[bflag:$0x0] =	sbarrier.arrive $0xFFFF;
	(pc) =	sbr.rel @p0 .LBB2_1-.Ltmp1, $4  }
0xc8: {  	[hbm:s8], [sflag:s28] =	dma.local [spmem:s30], $0xA00  }
0xc9: {  	_ =	swait.ge [sflag:s11], $0xA00  }
0xca: {  	[sflag:s11] =	ssyncset.done $0x0  }
0xcb: {  	[sflag:s11] =	ssyncadd.s32 $0xFFFFF600  }
0xcc: {  	_ =	sfence.sel $0x180000  }
0xcd: {  	[bflag:$0x0] =	sbarrier.arrive $0xFFFF  }
0xce: {  	_ =	strace $0x9000004D  }
0xcf: {  	s0 =	stileid.u32;
	[bflag:$0x2] =	sbarrier.arrive $0xFFFF  }
0xd0: {  	p0 =	sne.s32 s0, $0x0;
	s0 =	rddreg [dreg:$0x2]  }
0xd1: {  	s0 =	sadd.s32 @!p0 $0x100000, s0  }
0xd2: {  	[sflag:s0] =	ssyncadd.tile.s32 @!p0 $0x1;
	_ =	shalt  }
.Lfunc_end2:
_tile_overlayer_lowered:
.L_overlay_start_2:
0xd3: {  	(tag) =	ssettag $0x2  }
0xd4: {  	s0 =	rddreg [dreg:$0x0];
	s2 =	stileid.u32  }
0xd5: {  	s1 =	rddreg [dreg:$0x1];
	p0 =	sne.s32 s2, $0x0  }
0xd6: {  	s3 =	rddreg [dreg:$0x2];
	[bflag:$0x3] =	sbarrier.arrive $0xFFFF;
	s2 =	simm.s32 @!p0 $0x1C03  }
0xd7: {  	[timem:s3], [sflag:s2] =	dma.local @!p0 [hbm:s0], s1  }
0xd8: {  	s0 =	simm.s32 @!p0 $0x3  }
0xd9: {  	_ =	swait.ge @!p0 [sflag:s0], s1  }
0xda: {  	s1 =	ssub.s32 @!p0 $0x0, s1;
	[sflag:s0] =	ssyncset.done @!p0 $0x0  }
0xdb: {  	[sflag:s0] =	ssyncadd.s32 @!p0 s1  }
0xdc: {  	[bflag:$0x3] =	sbarrier.arrive $0xFFFF  }
0xdd: {  	_ =	shalt  }

// kernel: kernel.19.cloned.1.call-start
scs
__scs_entry_jumppad:
0x0: {  	(pc) =	sbr.rel $0x88, $3  }
0x1: {  	(tag) =	ssettag $0x0;
	lr =	simm.s32 $0x1  }
0x2: {  	[smem:$0x3F97] =	sst lr;
	_ =	strace $0xD0000000  }
0x3: {  	_ = 	snop  }
0x4: {  	_ = 	snop  }
0x5: {  	_ = 	snop  }
0x6: {  	_ = 	snop  }
0x7: {  	_ = 	snop  }
__scs_overlays_trampoline_lowered:
0x8: {  	[smem:$0x3FA6] =	sst s0  }
0x9: {  	[smem:$0x3FA7] =	sst s1  }
0xa: {  	[smem:$0x3FA8] =	sst s2  }
0xb: {  	[smem:$0x3FA9] =	sst s3  }
0xc: {  	[smem:$0x3FAA] =	sst s4  }
0xd: {  	[smem:$0x3FAB] =	sst s5  }
0xe: {  	[smem:$0x3FAC] =	sst s6  }
0xf: {  	[smem:$0x3FAD] =	sst s7  }
0x10: {  	[smem:$0x3FAE] =	sst s8  }
0x11: {  	[smem:$0x3FAF] =	sst s9;
	s0 =	simm.s32 @!p0 $0x0  }
0x12: {  	s1 =	sld [smem:$0x3F95];
	s0 =	simm.s32 @p0 $0x1  }
0x13: {  	[smem:$0x3FB0] =	sst s0;
	s0 =	simm.s32 @!p1 $0x0  }
0x14: {  	s2 =	sld [smem:$0x3F94];
	s0 =	simm.s32 @p1 $0x1  }
0x15: {  	[smem:$0x3FB1] =	sst s0;
	s0 =	simm.s32 @!p2 $0x0  }
0x16: {  	s3 =	sld [smem:$0x3FDB];
	s0 =	simm.s32 @p2 $0x1  }
0x17: {  	s4 =	simm.s32 $0x1BF5;
	[smem:$0x3FB3] =	sst s0  }
0x18: {  	s0 =	sld [smem:$0x3F96];
	_ =	swait.ge [sflag:s4], $0x0  }
0x19: {  	s7 =	sld [smem:$0x3F97]  }
0x1a: {  	s8 =	sadd.s32 $0xFFFFE003, lr  }
0x1b: {  	s9 =	sadd.s32 $0xFFFFFEF7, lr;
	s5 =	simm.s32 $0xFFFFFFFF;
	p2 =	slt.u32 s8, $0xFFFFF086  }
0x1c: {  	p1 =	slt.u32 s9, $0xF7A;
	s5 =	simm.s32 @!p2 $0x0  }
0x1d: {  	s5 =	simm.s32 @p1 $0x1;
	p0 =	seq.s32 s7, s2  }
0x1e: {  	s7 =	smul.u32 @!p0 $0xF7A, s2;
	p2 =	seq.s32 @!p0 s5, $0x0  }
0x1f: {  	s9 =	smul.u32 $0xF7A, s1;
	s8 =	simm.s32 @!p0 $0x1BF5;
	p2 =	por !p2, p0  }
0x20: {  	[sflag:s8] =	ssyncset.s32 @!p0 $0xFFFFF086;
	s6 =	sadd.s32 @!p0 s3, s7;
	s7 =	simm.s32 @!p0 $0x108  }
0x21: {  	s3 =	sadd.s32 s3, s9;
	s6 =	sadd.s32 @!p0 $0x88, s6;
	s7 =	simm.s32 @p2 $0x1082  }
0x22: {  	[simem:s7], [sflag:s8] =	dma.local @!p0 [hbm:s6], $0xF7A  }
0x23: {  	s9 =	sor.u32 $0xD0000000, s2;
	s6 =	simm.s32 $0x108;
	_ =	swait.ge @!p0 [sflag:s8], $0x0  }
0x24: {  	s3 =	sadd.s32 $0x88, s3;
	s6 =	simm.s32 @!p1 $0x1082;
	[sflag:s4] =	ssyncset.s32 $0xFFFFF086  }
0x25: {  	[simem:s6], [sflag:s4] =	dma.local [hbm:s3], $0xF7A  }
0x26: {  	[smem:$0x3F97] =	sst s1;
	(tag) =	ssettag s2;
	_ =	strace s9  }
0x27: {  	s1 =	sld [smem:$0x3FA7]  }
0x28: {  	s2 =	sld [smem:$0x3FA8]  }
0x29: {  	s4 =	sld [smem:$0x3FAA]  }
0x2a: {  	p0 =	seq.s32 s5, $0x0;
	s5 =	sld [smem:$0x3FAB]  }
0x2b: {  	s6 =	sld [smem:$0x3FAC]  }
0x2c: {  	s7 =	sld [smem:$0x3FAD]  }
0x2d: {  	s3 =	simm.s32 $0x108;
	s8 =	sld [smem:$0x3FAE]  }
0x2e: {  	s3 =	simm.s32 @!p0 $0x1082;
	s9 =	sld [smem:$0x3FAF]  }
0x2f: {  	lr =	sadd.s32 s0, s3;
	s0 =	sld [smem:$0x3FA6]  }
0x30: {  	s3 =	sld [smem:$0x3FA9]  }
0x31: {  	[smem:$0x3FB2] =	sst s10  }
0x32: {  	s10 =	sld [smem:$0x3FB0];
	_ =	sdelay $0x3  }
0x33: {  	p0 =	seq.s32 s10, $0x1;
	s10 =	sld [smem:$0x3FB2];
	_ =	sdelay $0x3  }
0x34: {  	[smem:$0x3FB2] =	sst s10  }
0x35: {  	s10 =	sld [smem:$0x3FB1];
	_ =	sdelay $0x3  }
0x36: {  	p1 =	seq.s32 s10, $0x1;
	s10 =	sld [smem:$0x3FB2];
	_ =	sdelay $0x3  }
0x37: {  	[smem:$0x3FB2] =	sst s10  }
0x38: {  	s10 =	sld [smem:$0x3FB3]  }
0x39: {  	_ = 	snop;
	(pc) =	sbr.ind lr, $3  }
0x3a: {  	_ = 	snop  }
0x3b: {  	_ = 	snop  }
0x3c: {  	p2 =	seq.s32 s10, $0x1;
	s10 =	sld [smem:$0x3FB2]  }
0x3d: {  	_ =	shalt  }
0x3e: {  	_ =	shalt  }
0x3f: {  	_ =	shalt  }
0x40: {  	_ =	shalt  }
0x41: {  	_ =	shalt  }
0x42: {  	_ =	shalt  }
0x43: {  	_ =	shalt  }
0x44: {  	_ =	shalt  }
0x45: {  	_ =	shalt  }
0x46: {  	_ =	shalt  }
0x47: {  	_ =	shalt  }
0x48: {  	_ =	shalt  }
0x49: {  	_ =	shalt  }
0x4a: {  	_ =	shalt  }
0x4b: {  	_ =	shalt  }
0x4c: {  	_ =	shalt  }
0x4d: {  	_ =	shalt  }
0x4e: {  	_ =	shalt  }
0x4f: {  	_ =	shalt  }
0x50: {  	_ =	shalt  }
0x51: {  	_ =	shalt  }
0x52: {  	_ =	shalt  }
0x53: {  	_ =	shalt  }
0x54: {  	_ =	shalt  }
0x55: {  	_ =	shalt  }
0x56: {  	_ =	shalt  }
0x57: {  	_ =	shalt  }
0x58: {  	_ =	shalt  }
0x59: {  	_ =	shalt  }
0x5a: {  	_ =	shalt  }
0x5b: {  	_ =	shalt  }
0x5c: {  	_ =	shalt  }
0x5d: {  	_ =	shalt  }
0x5e: {  	_ =	shalt  }
0x5f: {  	_ =	shalt  }
0x60: {  	_ =	shalt  }
0x61: {  	_ =	shalt  }
0x62: {  	_ =	shalt  }
0x63: {  	_ =	shalt  }
0x64: {  	_ =	shalt  }
0x65: {  	_ =	shalt  }
0x66: {  	_ =	shalt  }
0x67: {  	_ =	shalt  }
0x68: {  	_ =	shalt  }
0x69: {  	_ =	shalt  }
0x6a: {  	_ =	shalt  }
0x6b: {  	_ =	shalt  }
0x6c: {  	_ =	shalt  }
0x6d: {  	_ =	shalt  }
0x6e: {  	_ =	shalt  }
0x6f: {  	_ =	shalt  }
0x70: {  	_ =	shalt  }
0x71: {  	_ =	shalt  }
0x72: {  	_ =	shalt  }
0x73: {  	_ =	shalt  }
0x74: {  	_ =	shalt  }
0x75: {  	_ =	shalt  }
0x76: {  	_ =	shalt  }
0x77: {  	_ =	shalt  }
0x78: {  	_ =	shalt  }
0x79: {  	_ =	shalt  }
0x7a: {  	_ =	shalt  }
0x7b: {  	_ =	shalt  }
0x7c: {  	_ =	shalt  }
0x7d: {  	_ =	shalt  }
0x7e: {  	_ =	shalt  }
0x7f: {  	_ =	shalt  }
0x80: {  	_ =	shalt  }
0x81: {  	_ =	shalt  }
0x82: {  	_ =	shalt  }
0x83: {  	_ =	shalt  }
0x84: {  	_ =	shalt  }
0x85: {  	_ =	shalt  }
0x86: {  	_ =	shalt  }
0x87: {  	_ =	shalt  }
.Lfunc_end0:
.L_simem_size_0:
called_computation.3_lowered:
.L_overlay_start_0:
0x88: {  	s2 =	sld [smem:$0x3FD9]  }
0x89: {  	s3 =	sld [smem:$0x3FFE];
	_ =	sdelay $0x1  }
0x8a: {  	s1 =	srdreg.scid  }
0x8b: {  	s0 =	sand.u32 $0x1, s1  }
0x8c: {  	s16 =	sshll.u32 s0, $0xA;
	s2 =	sadd.s32 s3, s2  }
0x8d: {  	s2 =	sadd.s32 s2, s16  }
0x8e: {  	[smem:$0x3FBE] =	sst s2  }
0x8f: {  	_ = 	snop  }
0x90: {  	(tm) =	ssettm $0x1  }
0x91: {  	s17 =	sld [smem:$0x3FFB];
	_ =	sdelay $0x3  }
0x92: {  	_ =	strace s17  }
0x93: {  	s2 =	sld [smem:$0x3FFC];
	_ =	sdelay $0x3  }
0x94: {  	_ =	strace s2  }
0x95: {  	s2 =	sld [smem:$0x3FFD];
	_ =	sdelay $0x3  }
0x96: {  	_ =	strace s2  }
0x97: {  	_ =	strace $0x8FFFFFFF  }
0x98: {  	s18 =	sld [smem:$0x3FDB];
	_ =	sdelay $0x1  }
0x99: {  	s19 =	simm.s32 $_scs_section_size  }
0x9a: {  	s4 =	simm.s32 $_size__tile_overlayer_lowered;
	s5 =	simm.s32 $_tile_overlayer_lowered  }
0x9b: {  	s22 =	simm.s32 $0x1BFF;
	s21 =	sshll.u32 s5, $0x1;
	s2 =	sadd.s32 s19, s18  }
0x9c: {  	s6 =	simm.s32 $0x0;
	s20 =	sshll.u32 s4, $0x1;
	s4 =	sadd.s32 s21, s2  }
0x9d: {  	[timem:s6], [sflag:s22] =	dma.local [hbm:s4], s20  }
0x9e: {  	_ =	swait.ge [sflag:s22], s20  }
0x9f: {  	s3 =	ssub.s32 $0x0, s20;
	[sflag:s22] =	ssyncset.done $0x0  }
0xa0: {  	[sflag:s22] =	ssyncadd.s32 s3;
	_ =	sdelay $0x1  }
0xa1: {  	s23 =	simm.s32 $0x1B8B  }
0xa2: {  	_ =	swait.ge [sflag:s23], $0x1  }
0xa3: {  	[sflag:s23] =	ssyncset.done $0x0  }
0xa4: {  	s25 =	simm.s32 $0x1B8E;
	s24 =	sld [smem:$0x3FFE];
	[sflag:s23] =	ssyncadd.s32 $0xFFFFFFFF  }
0xa5: {  	s26 =	simm.s32 $execute0_lowered;
	[smem:$0x3FD2] =	sst s25  }
0xa6: {  	s4 =	sshll.u32 s26, $0x1;
	_ =	strace $0x8000004F;
	[dreg:$0x1] =	wrdreg $0xFFFFFFFF  }
0xa7: {  	s28 =	simm.s32 $_size_execute0_lowered;
	s2 =	sadd.s32 s2, s4;
	[dreg:$0x0] =	wrdreg $0x0  }
0xa8: {  	s4 =	sshll.u32 s28, $0x1;
	[dreg:$0x2] =	wrdreg s2  }
0xa9: {  	[dreg:$0x3] =	wrdreg s4  }
0xaa: {  	[dreg:$0x4] =	wrdreg $0xC0  }
0xab: {  	_ =	task [dreg:s6], $0x5FFFF  }
0xac: {  	[dreg:$0x1] =	wrdreg $0xFFFFFFFF  }
0xad: {  	[dreg:$0x0] =	wrdreg $0x60  }
0xae: {  	[dreg:$0x2] =	wrdreg s24  }
0xaf: {  	[dreg:$0x3] =	wrdreg $0x10A400  }
0xb0: {  	[dreg:$0x4] =	wrdreg $0x9  }
0xb1: {  	_ =	task.clear_ibuf [dreg:s6], $0x5FFFF;
	_ =	strace $0x9000004F  }
0xb2: {  	s29 =	simm.s32 $0x9;
	_ =	strace $0x80000051  }
0xb3: {  	_ =	swait.ge [sflag:s29], $0x1  }
0xb4: {  	[sflag:s29] =	ssyncadd.s32 $0xFFFFFFFF  }
0xb5: {  	_ =	strace $0x90000051  }
0xb6: {  	_ =	sfence  }
0xb7: {  	s30 =	sld [smem:$0x0];
	_ =	sdelay $0x2  }
0xb8: {  	s31 =	sshll.u32 s1, $0xD;
	s1 =	sshrl.u32 s1, $0x2  }
0xb9: {  	s3 =	sand.u32 $0x4000, s31;
	s1 =	sadd.s32 s1, s30  }
0xba: {  	s0 =	sor.u32 s3, s0;
	s1 =	sshll.u32 s1, $0x11  }
0xbb: {  	s0 =	sor.u32 s1, s0  }
0xbc: {  	s0 =	sadd.s32 $0x8F2B, s0  }
0xbd: {  	[sflag:s0] =	ssyncadd.remote.s32 $0x1  }
0xbe: {  	_ =	sfence.sel $0xFFFF  }
0xbf: {  	[dreg:$0x0] =	wrdreg $0xFFFFFFFF;
	(pc) =	sbr.abs _section_cstart, $3  }
0xc0: {  	[dreg:$0x1] =	wrdreg $0xFFFFFFFF  }
0xc1: {  	_ =	task.clear_ibuf [dreg:s6], $0x2FFFF;
	_ =	strace $0x9FFFFFFF  }
0xc2: {  	(tm) =	ssettm $0x7FFFFFFF  }
0xc3: {  	_ =	shalt  }
tec
execute0_lowered:
.L_overlay_start_1:
0x0: {  	(tag) =	ssettag $0x1  }
0x1: {  	s0 =	srdreg.scid;
	s5 =	rddreg [dreg:$0x0]  }
0x2: {  	s4 =	stileid.u32;
	s2 =	rddreg [dreg:$0x1];
	s3 =	simm.s32 $0x0  }
0x3: {  	s10 =	simm.s32 $0x4EC0;
	s11 =	simm.s32 $0x3;
	s12 =	simm.s32 $0x2760  }
0x4: {  	s13 =	simm.s32 $0x1F4;
	s15 =	simm.s32 $0x8D40;
	s16 =	simm.s32 $0x1  }
0x5: {  	s18 =	simm.s32 $0xCBC0;
	s20 =	simm.s32 $0x2;
	s31 =	simm.s32 $0x1D88  }
0x6: {  	s14 =	simm.s32 $0x44E8;
	s17 =	simm.s32 $0x2178;
	s19 =	simm.s32 $0x46E0  }
0x7: {  	s21 =	simm.s32 $0x2370;
	s22 =	simm.s32 $0x48D8;
	s23 =	simm.s32 $0x2568  }
0x8: {  	s24 =	simm.s32 $0x4AD0;
	s25 =	simm.s32 $0x4CC8;
	s26 =	simm.s32 $0x0  }
0x9: {  	s0 =	sand.u32 $0x1, s0;
	s1 =	sshll.u32 s4, $0x1;
	s6 =	smul.u32 $0x5000, s4  }
0xa: {  	[smem:$0x7FF] =	sst s3;
	s1 =	sor.u32 s0, s1;
	s7 =	smul.u32 $0x50000, s0  }
0xb: {  	s4 =	sadd.s32 $0x17C00, s5;
	s0 =	ssub.s32 $0x2, s0;
	s1 =	smul.u32 $0x2760, s1  }
0xc: {  	_ =	strace $0x80000050;
	s8 =	sshrl.u32 s0, $0x1;
	s7 =	sadd.s32 s6, s7  }
0xd: {  	s0 =	ssub.s32 s0, s8;
	s1 =	sshrl.u32 s1, $0x3;
	s7 =	sshrl.u32 s7, $0x3  }
0xe: {  	s1 =	sadd.s32 s1, s5;
	s9 =	sadd.s32 s7, s5;
	s5 =	sadd.s32 s6, s2  }
0xf: {  	s6 =	sadd.s32 $0x4000, s1;
	s7 =	sadd.s32 $0xDD80, s1;
	s8 =	sadd.s32 $0x21A00, s9  }
0x10: {  	v0 =	vimm.f32 $0.0e+00;
	s9 =	smax.u32 s0, $0x1;
	s1 =	simm.s32 $0x42F0;
	s0 =	simm.s32 $0x1F80  }
.LBB2_1:
0x11: {  	s28 =	simm.s32 $0x80;
	s29 =	simm.s32 $0x0  }
.LBB2_2:
0x12: {  	p0 =	sne.s32 s28, $0x13F80;
	[tilespmem:s29+$0x4EC0] =	vst v0;
	s30 =	smov.u32 s28;
	s28 =	sadd.s32 $0x80, s28  }
.Ltmp0:
0x13: {  	[tilespmem:s29+$0x4ED0] =	vst v0;
	(pc) =	sbr.rel @p0 .LBB2_2-.Ltmp0, $2  }
0x14: {  	_ =	sdelay $0x2  }
0x15: {  	s29 =	sshra.s32 s30, $0x2  }
0x16: {  	[tilespmem:s29+$0x4EC0] =	vst v0  }
0x17: {  	[tilespmem:s29+$0x4ED0] =	vst v0  }
0x18: {  	[spmem:s5] =	stream.linear.scatter [tilespmem:s10], [sflag:$0x3], $0x5000, $0x38;
	[tilespmem:$0x15A40] =	vst v63  }
0x19: {  	_ =	swait.ge [sflag:s11], $0x5000  }
0x1a: {  	[sflag:s11] =	ssyncset.done $0x0  }
0x1b: {  	[sflag:s11] =	ssyncadd.s32 $0xFFFFB000  }
0x1c: {  	[tilespmem:s3], [sflag:$0x3] =	stream.linear.gather [hbm4b:s6+s3], $0x2760, $0x38;
	[tilespmem:$0x15A40] =	vst v63  }
0x1d: {  	_ =	swait.ge [sflag:s11], $0x2760  }
0x1e: {  	[sflag:s11] =	ssyncset.done $0x0  }
0x1f: {  	[sflag:s11] =	ssyncadd.s32 $0xFFFFD8A0  }
0x20: {  	[tilespmem:s12], [sflag:$0x3] =	stream.linear.gather [hbm4b:s7+s3], $0x2760, $0x38;
	[tilespmem:$0x15A40] =	vst v63  }
0x21: {  	_ =	swait.ge [sflag:s11], $0x2760  }
0x22: {  	[sflag:s11] =	ssyncset.done $0x0  }
0x23: {  	[sflag:s11] =	ssyncadd.s32 $0xFFFFD8A0  }
0x24: {  	[bflag:$0x0] =	sbarrier.arrive $0xFFFF  }
0x25: {  	[tilespmem:s10], [sflag:$0x1] =	stream.indirect.gather [hbm4b:s4+s13], $0x20, s3, s13, $0xb8;
	[tilespmem:$0x15A40] =	vst v63  }
0x26: {  	s28 =	simm.s32 $0x1F8  }
0x27: {  	[tilespmem:s15], [sflag:$0x1] =	stream.indirect.gather [hbm4b:s4+s13], $0x20, s28, s13, $0xb8;
	[tilespmem:$0x15A40] =	vst v63  }
0x28: {  	_ =	swait.ge [sflag:s16], $0x3E80  }
0x29: {  	[sflag:s16] =	ssyncset.done $0x0  }
0x2a: {  	[sflag:s16] =	ssyncadd.s32 $0xFFFFC180  }
0x2b: {  	[spmem:s2] =	stream.indirect.scatter.add.f32 [tilespmem:s10], [sflag:$0x2], $0x20, s12, s13, $0xb8;
	[tilespmem:$0x15A40] =	vst v63  }
0x2c: {  	s29 =	simm.s32 $0x3F0  }
0x2d: {  	[tilespmem:s18], [sflag:$0x1] =	stream.indirect.gather [hbm4b:s4+s13], $0x20, s29, s13, $0xb8;
	[tilespmem:$0x15A40] =	vst v63  }
0x2e: {  	_ =	swait.ge [sflag:s16], $0x3E80  }
0x2f: {  	[sflag:s16] =	ssyncset.done $0x0  }
0x30: {  	s30 =	simm.s32 $0x2958;
	[sflag:s16] =	ssyncadd.s32 $0xFFFFC180  }
0x31: {  	[spmem:s2] =	stream.indirect.scatter.add.f32 [tilespmem:s15], [sflag:$0x2], $0x20, s30, s13, $0xb8;
	[tilespmem:$0x15A40] =	vst v63  }
0x32: {  	_ =	swait.ge [sflag:s20], $0x3E80  }
0x33: {  	[sflag:s20] =	ssyncset.done $0x0  }
0x34: {  	s29 =	simm.s32 $0x5E8;
	[sflag:s20] =	ssyncadd.s32 $0xFFFFC180  }
0x35: {  	[tilespmem:s10], [sflag:$0x1] =	stream.indirect.gather [hbm4b:s4+s13], $0x20, s29, s13, $0xb8;
	[tilespmem:$0x15A40] =	vst v63  }
0x36: {  	_ =	swait.ge [sflag:s16], $0x3E80  }
0x37: {  	[sflag:s16] =	ssyncset.done $0x0  }
0x38: {  	s30 =	simm.s32 $0x2B50;
	[sflag:s16] =	ssyncadd.s32 $0xFFFFC180  }
0x39: {  	[spmem:s2] =	stream.indirect.scatter.add.f32 [tilespmem:s18], [sflag:$0x2], $0x20, s30, s13, $0xb8;
	[tilespmem:$0x15A40] =	vst v63  }
0x3a: {  	_ =	swait.ge [sflag:s20], $0x3E80  }
0x3b: {  	[sflag:s20] =	ssyncset.done $0x0  }
0x3c: {  	s29 =	simm.s32 $0x7E0;
	[sflag:s20] =	ssyncadd.s32 $0xFFFFC180  }
0x3d: {  	[tilespmem:s15], [sflag:$0x1] =	stream.indirect.gather [hbm4b:s4+s13], $0x20, s29, s13, $0xb8;
	[tilespmem:$0x15A40] =	vst v63  }
0x3e: {  	_ =	swait.ge [sflag:s16], $0x3E80  }
0x3f: {  	[sflag:s16] =	ssyncset.done $0x0  }
0x40: {  	s30 =	simm.s32 $0x2D48;
	[sflag:s16] =	ssyncadd.s32 $0xFFFFC180  }
0x41: {  	[spmem:s2] =	stream.indirect.scatter.add.f32 [tilespmem:s10], [sflag:$0x2], $0x20, s30, s13, $0xb8;
	[tilespmem:$0x15A40] =	vst v63  }
0x42: {  	_ =	swait.ge [sflag:s20], $0x3E80  }
0x43: {  	[sflag:s20] =	ssyncset.done $0x0  }
0x44: {  	s29 =	simm.s32 $0x9D8;
	[sflag:s20] =	ssyncadd.s32 $0xFFFFC180  }
0x45: {  	[tilespmem:s18], [sflag:$0x1] =	stream.indirect.gather [hbm4b:s4+s13], $0x20, s29, s13, $0xb8;
	[tilespmem:$0x15A40] =	vst v63  }
0x46: {  	_ =	swait.ge [sflag:s16], $0x3E80  }
0x47: {  	[sflag:s16] =	ssyncset.done $0x0  }
0x48: {  	s30 =	simm.s32 $0x2F40;
	[sflag:s16] =	ssyncadd.s32 $0xFFFFC180  }
0x49: {  	[spmem:s2] =	stream.indirect.scatter.add.f32 [tilespmem:s15], [sflag:$0x2], $0x20, s30, s13, $0xb8;
	[tilespmem:$0x15A40] =	vst v63  }
0x4a: {  	_ =	swait.ge [sflag:s20], $0x3E80  }
0x4b: {  	[sflag:s20] =	ssyncset.done $0x0  }
0x4c: {  	s29 =	simm.s32 $0xBD0;
	[sflag:s20] =	ssyncadd.s32 $0xFFFFC180  }
0x4d: {  	[tilespmem:s10], [sflag:$0x1] =	stream.indirect.gather [hbm4b:s4+s13], $0x20, s29, s13, $0xb8;
	[tilespmem:$0x15A40] =	vst v63  }
0x4e: {  	_ =	swait.ge [sflag:s16], $0x3E80  }
0x4f: {  	[sflag:s16] =	ssyncset.done $0x0  }
0x50: {  	s30 =	simm.s32 $0x3138;
	[sflag:s16] =	ssyncadd.s32 $0xFFFFC180  }
0x51: {  	[spmem:s2] =	stream.indirect.scatter.add.f32 [tilespmem:s18], [sflag:$0x2], $0x20, s30, s13, $0xb8;
	[tilespmem:$0x15A40] =	vst v63  }
0x52: {  	_ =	swait.ge [sflag:s20], $0x3E80  }
0x53: {  	[sflag:s20] =	ssyncset.done $0x0  }
0x54: {  	s29 =	simm.s32 $0xDC8;
	[sflag:s20] =	ssyncadd.s32 $0xFFFFC180  }
0x55: {  	[tilespmem:s15], [sflag:$0x1] =	stream.indirect.gather [hbm4b:s4+s13], $0x20, s29, s13, $0xb8;
	[tilespmem:$0x15A40] =	vst v63  }
0x56: {  	_ =	swait.ge [sflag:s16], $0x3E80  }
0x57: {  	[sflag:s16] =	ssyncset.done $0x0  }
0x58: {  	s30 =	simm.s32 $0x3330;
	[sflag:s16] =	ssyncadd.s32 $0xFFFFC180  }
0x59: {  	[spmem:s2] =	stream.indirect.scatter.add.f32 [tilespmem:s10], [sflag:$0x2], $0x20, s30, s13, $0xb8;
	[tilespmem:$0x15A40] =	vst v63  }
0x5a: {  	_ =	swait.ge [sflag:s20], $0x3E80  }
0x5b: {  	[sflag:s20] =	ssyncset.done $0x0  }
0x5c: {  	s29 =	simm.s32 $0xFC0;
	[sflag:s20] =	ssyncadd.s32 $0xFFFFC180  }
0x5d: {  	[tilespmem:s18], [sflag:$0x1] =	stream.indirect.gather [hbm4b:s4+s13], $0x20, s29, s13, $0xb8;
	[tilespmem:$0x15A40] =	vst v63  }
0x5e: {  	_ =	swait.ge [sflag:s16], $0x3E80  }
0x5f: {  	[sflag:s16] =	ssyncset.done $0x0  }
0x60: {  	s30 =	simm.s32 $0x3528;
	[sflag:s16] =	ssyncadd.s32 $0xFFFFC180  }
0x61: {  	[spmem:s2] =	stream.indirect.scatter.add.f32 [tilespmem:s15], [sflag:$0x2], $0x20, s30, s13, $0xb8;
	[tilespmem:$0x15A40] =	vst v63  }
0x62: {  	_ =	swait.ge [sflag:s20], $0x3E80  }
0x63: {  	[sflag:s20] =	ssyncset.done $0x0  }
0x64: {  	s29 =	simm.s32 $0x11B8;
	[sflag:s20] =	ssyncadd.s32 $0xFFFFC180  }
0x65: {  	[tilespmem:s10], [sflag:$0x1] =	stream.indirect.gather [hbm4b:s4+s13], $0x20, s29, s13, $0xb8;
	[tilespmem:$0x15A40] =	vst v63  }
0x66: {  	_ =	swait.ge [sflag:s16], $0x3E80  }
0x67: {  	[sflag:s16] =	ssyncset.done $0x0  }
0x68: {  	s30 =	simm.s32 $0x3720;
	[sflag:s16] =	ssyncadd.s32 $0xFFFFC180  }
0x69: {  	[spmem:s2] =	stream.indirect.scatter.add.f32 [tilespmem:s18], [sflag:$0x2], $0x20, s30, s13, $0xb8;
	[tilespmem:$0x15A40] =	vst v63  }
0x6a: {  	_ =	swait.ge [sflag:s20], $0x3E80  }
0x6b: {  	[sflag:s20] =	ssyncset.done $0x0  }
0x6c: {  	s29 =	simm.s32 $0x13B0;
	[sflag:s20] =	ssyncadd.s32 $0xFFFFC180  }
0x6d: {  	[tilespmem:s15], [sflag:$0x1] =	stream.indirect.gather [hbm4b:s4+s13], $0x20, s29, s13, $0xb8;
	[tilespmem:$0x15A40] =	vst v63  }
0x6e: {  	_ =	swait.ge [sflag:s16], $0x3E80  }
0x6f: {  	[sflag:s16] =	ssyncset.done $0x0  }
0x70: {  	s30 =	simm.s32 $0x3918;
	[sflag:s16] =	ssyncadd.s32 $0xFFFFC180  }
0x71: {  	[spmem:s2] =	stream.indirect.scatter.add.f32 [tilespmem:s10], [sflag:$0x2], $0x20, s30, s13, $0xb8;
	[tilespmem:$0x15A40] =	vst v63  }
0x72: {  	_ =	swait.ge [sflag:s20], $0x3E80  }
0x73: {  	[sflag:s20] =	ssyncset.done $0x0  }
0x74: {  	s29 =	simm.s32 $0x15A8;
	[sflag:s20] =	ssyncadd.s32 $0xFFFFC180  }
0x75: {  	[tilespmem:s18], [sflag:$0x1] =	stream.indirect.gather [hbm4b:s4+s13], $0x20, s29, s13, $0xb8;
	[tilespmem:$0x15A40] =	vst v63  }
0x76: {  	_ =	swait.ge [sflag:s16], $0x3E80  }
0x77: {  	[sflag:s16] =	ssyncset.done $0x0  }
0x78: {  	s30 =	simm.s32 $0x3B10;
	[sflag:s16] =	ssyncadd.s32 $0xFFFFC180  }
0x79: {  	[spmem:s2] =	stream.indirect.scatter.add.f32 [tilespmem:s15], [sflag:$0x2], $0x20, s30, s13, $0xb8;
	[tilespmem:$0x15A40] =	vst v63  }
0x7a: {  	_ =	swait.ge [sflag:s20], $0x3E80  }
0x7b: {  	[sflag:s20] =	ssyncset.done $0x0  }
0x7c: {  	s29 =	simm.s32 $0x17A0;
	[sflag:s20] =	ssyncadd.s32 $0xFFFFC180  }
0x7d: {  	[tilespmem:s10], [sflag:$0x1] =	stream.indirect.gather [hbm4b:s4+s13], $0x20, s29, s13, $0xb8;
	[tilespmem:$0x15A40] =	vst v63  }
0x7e: {  	_ =	swait.ge [sflag:s16], $0x3E80  }
0x7f: {  	[sflag:s16] =	ssyncset.done $0x0  }
0x80: {  	s30 =	simm.s32 $0x3D08;
	[sflag:s16] =	ssyncadd.s32 $0xFFFFC180  }
0x81: {  	[spmem:s2] =	stream.indirect.scatter.add.f32 [tilespmem:s18], [sflag:$0x2], $0x20, s30, s13, $0xb8;
	[tilespmem:$0x15A40] =	vst v63  }
0x82: {  	_ =	swait.ge [sflag:s20], $0x3E80  }
0x83: {  	[sflag:s20] =	ssyncset.done $0x0  }
0x84: {  	s29 =	simm.s32 $0x1998;
	[sflag:s20] =	ssyncadd.s32 $0xFFFFC180  }
0x85: {  	[tilespmem:s15], [sflag:$0x1] =	stream.indirect.gather [hbm4b:s4+s13], $0x20, s29, s13, $0xb8;
	[tilespmem:$0x15A40] =	vst v63  }
0x86: {  	_ =	swait.ge [sflag:s16], $0x3E80  }
0x87: {  	[sflag:s16] =	ssyncset.done $0x0  }
0x88: {  	s30 =	simm.s32 $0x3F00;
	[sflag:s16] =	ssyncadd.s32 $0xFFFFC180  }
0x89: {  	[spmem:s2] =	stream.indirect.scatter.add.f32 [tilespmem:s10], [sflag:$0x2], $0x20, s30, s13, $0xb8;
	[tilespmem:$0x15A40] =	vst v63  }
0x8a: {  	_ =	swait.ge [sflag:s20], $0x3E80  }
0x8b: {  	[sflag:s20] =	ssyncset.done $0x0  }
0x8c: {  	s29 =	simm.s32 $0x1B90;
	[sflag:s20] =	ssyncadd.s32 $0xFFFFC180  }
0x8d: {  	[tilespmem:s18], [sflag:$0x1] =	stream.indirect.gather [hbm4b:s4+s13], $0x20, s29, s13, $0xb8;
	[tilespmem:$0x15A40] =	vst v63  }
0x8e: {  	_ =	swait.ge [sflag:s16], $0x3E80  }
0x8f: {  	[sflag:s16] =	ssyncset.done $0x0  }
0x90: {  	s30 =	simm.s32 $0x40F8;
	[sflag:s16] =	ssyncadd.s32 $0xFFFFC180  }
0x91: {  	[spmem:s2] =	stream.indirect.scatter.add.f32 [tilespmem:s15], [sflag:$0x2], $0x20, s30, s13, $0xb8;
	[tilespmem:$0x15A40] =	vst v63  }
0x92: {  	_ =	swait.ge [sflag:s20], $0x3E80  }
0x93: {  	[sflag:s20] =	ssyncset.done $0x0  }
0x94: {  	[sflag:s20] =	ssyncadd.s32 $0xFFFFC180  }
0x95: {  	[tilespmem:s10], [sflag:$0x1] =	stream.indirect.gather [hbm4b:s4+s13], $0x20, s31, s13, $0xb8;
	[tilespmem:$0x15A40] =	vst v63  }
0x96: {  	_ =	swait.ge [sflag:s16], $0x3E80  }
0x97: {  	[sflag:s16] =	ssyncset.done $0x0  }
0x98: {  	[sflag:s16] =	ssyncadd.s32 $0xFFFFC180  }
0x99: {  	[spmem:s2] =	stream.indirect.scatter.add.f32 [tilespmem:s18], [sflag:$0x2], $0x20, s1, s13, $0xb8;
	[tilespmem:$0x15A40] =	vst v63  }
0x9a: {  	_ =	swait.ge [sflag:s20], $0x3E80  }
0x9b: {  	[sflag:s20] =	ssyncset.done $0x0  }
0x9c: {  	[sflag:s20] =	ssyncadd.s32 $0xFFFFC180  }
0x9d: {  	[tilespmem:s15], [sflag:$0x1] =	stream.indirect.gather [hbm4b:s4+s13], $0x20, s0, s13, $0xb8;
	[tilespmem:$0x15A40] =	vst v63  }
0x9e: {  	_ =	swait.ge [sflag:s16], $0x3E80  }
0x9f: {  	[sflag:s16] =	ssyncset.done $0x0  }
0xa0: {  	[sflag:s16] =	ssyncadd.s32 $0xFFFFC180  }
0xa1: {  	[spmem:s2] =	stream.indirect.scatter.add.f32 [tilespmem:s10], [sflag:$0x2], $0x20, s14, s13, $0xb8;
	[tilespmem:$0x15A40] =	vst v63  }
0xa2: {  	_ =	swait.ge [sflag:s20], $0x3E80  }
0xa3: {  	[sflag:s20] =	ssyncset.done $0x0  }
0xa4: {  	[sflag:s20] =	ssyncadd.s32 $0xFFFFC180  }
0xa5: {  	[tilespmem:s18], [sflag:$0x1] =	stream.indirect.gather [hbm4b:s4+s13], $0x20, s17, s13, $0xb8;
	[tilespmem:$0x15A40] =	vst v63  }
0xa6: {  	_ =	swait.ge [sflag:s16], $0x3E80  }
0xa7: {  	[sflag:s16] =	ssyncset.done $0x0  }
0xa8: {  	[sflag:s16] =	ssyncadd.s32 $0xFFFFC180  }
0xa9: {  	[spmem:s2] =	stream.indirect.scatter.add.f32 [tilespmem:s15], [sflag:$0x2], $0x20, s19, s13, $0xb8;
	[tilespmem:$0x15A40] =	vst v63  }
0xaa: {  	_ =	swait.ge [sflag:s20], $0x3E80  }
0xab: {  	[sflag:s20] =	ssyncset.done $0x0  }
0xac: {  	[sflag:s20] =	ssyncadd.s32 $0xFFFFC180  }
0xad: {  	[tilespmem:s10], [sflag:$0x1] =	stream.indirect.gather [hbm4b:s4+s13], $0x20, s21, s13, $0xb8;
	[tilespmem:$0x15A40] =	vst v63  }
0xae: {  	_ =	swait.ge [sflag:s16], $0x3E80  }
0xaf: {  	[sflag:s16] =	ssyncset.done $0x0  }
0xb0: {  	[sflag:s16] =	ssyncadd.s32 $0xFFFFC180  }
0xb1: {  	[spmem:s2] =	stream.indirect.scatter.add.f32 [tilespmem:s18], [sflag:$0x2], $0x20, s22, s13, $0xb8;
	[tilespmem:$0x15A40] =	vst v63  }
0xb2: {  	_ =	swait.ge [sflag:s20], $0x3E80  }
0xb3: {  	[sflag:s20] =	ssyncset.done $0x0  }
0xb4: {  	[sflag:s20] =	ssyncadd.s32 $0xFFFFC180  }
0xb5: {  	[tilespmem:s15], [sflag:$0x1] =	stream.indirect.gather [hbm4b:s4+s13], $0x20, s23, s13, $0xb8;
	[tilespmem:$0x15A40] =	vst v63  }
0xb6: {  	_ =	swait.ge [sflag:s16], $0x3E80  }
0xb7: {  	[sflag:s16] =	ssyncset.done $0x0  }
0xb8: {  	[sflag:s16] =	ssyncadd.s32 $0xFFFFC180  }
0xb9: {  	[spmem:s2] =	stream.indirect.scatter.add.f32 [tilespmem:s10], [sflag:$0x2], $0x20, s24, s13, $0xb8;
	[tilespmem:$0x15A40] =	vst v63  }
0xba: {  	_ =	swait.ge [sflag:s16], $0x3E80  }
0xbb: {  	[sflag:s16] =	ssyncset.done $0x0  }
0xbc: {  	[sflag:s16] =	ssyncadd.s32 $0xFFFFC180  }
0xbd: {  	[spmem:s2] =	stream.indirect.scatter.add.f32 [tilespmem:s15], [sflag:$0x2], $0x20, s25, s13, $0xb8;
	[tilespmem:$0x15A40] =	vst v63  }
0xbe: {  	_ =	swait.ge [sflag:s20], $0x3E80  }
0xbf: {  	[sflag:s20] =	ssyncset.done $0x0  }
0xc0: {  	[sflag:s20] =	ssyncadd.s32 $0xFFFFC180  }
0xc1: {  	_ =	swait.ge [sflag:s20], $0x3E80  }
0xc2: {  	[sflag:s20] =	ssyncset.done $0x0  }
0xc3: {  	[sflag:s20] =	ssyncadd.s32 $0xFFFFC180  }
0xc4: {  	s29 =	stileid.u32;
	_ =	swait.ge [sflag:s20], $0x3E80  }
0xc5: {  	s26 =	sadd.s32 $0x1, s26;
	s28 =	sshll.u32 s29, $0x6;
	[sflag:s20] =	ssyncset.done $0x0  }
0xc6: {  	p0 =	sne.s32 s26, s9;
	s28 =	sor.u32 $0x1C03, s28;
	[sflag:s20] =	ssyncadd.s32 $0xFFFFC180  }
.Ltmp1:
0xc7: {  	s30 =	sshrl.u32 s5, $0x3;
	[bflag:$0x0] =	sbarrier.arrive $0xFFFF;
	(pc) =	sbr.rel @p0 .LBB2_1-.Ltmp1, $4  }
0xc8: {  	[hbm:s8], [sflag:s28] =	dma.local [spmem:s30], $0xA00  }
0xc9: {  	_ =	swait.ge [sflag:s11], $0xA00  }
0xca: {  	[sflag:s11] =	ssyncset.done $0x0  }
0xcb: {  	[sflag:s11] =	ssyncadd.s32 $0xFFFFF600  }
0xcc: {  	_ =	sfence.sel $0x180000  }
0xcd: {  	[bflag:$0x0] =	sbarrier.arrive $0xFFFF  }
0xce: {  	_ =	strace $0x90000050  }
0xcf: {  	s0 =	stileid.u32;
	[bflag:$0x2] =	sbarrier.arrive $0xFFFF  }
0xd0: {  	p0 =	sne.s32 s0, $0x0;
	s0 =	rddreg [dreg:$0x2]  }
0xd1: {  	s0 =	sadd.s32 @!p0 $0x100000, s0  }
0xd2: {  	[sflag:s0] =	ssyncadd.tile.s32 @!p0 $0x1;
	_ =	shalt  }
.Lfunc_end2:
_tile_overlayer_lowered:
.L_overlay_start_2:
0xd3: {  	(tag) =	ssettag $0x2  }
0xd4: {  	s0 =	rddreg [dreg:$0x0];
	s2 =	stileid.u32  }
0xd5: {  	s1 =	rddreg [dreg:$0x1];
	p0 =	sne.s32 s2, $0x0  }
0xd6: {  	s3 =	rddreg [dreg:$0x2];
	[bflag:$0x3] =	sbarrier.arrive $0xFFFF;
	s2 =	simm.s32 @!p0 $0x1C03  }
0xd7: {  	[timem:s3], [sflag:s2] =	dma.local @!p0 [hbm:s0], s1  }
0xd8: {  	s0 =	simm.s32 @!p0 $0x3  }
0xd9: {  	_ =	swait.ge @!p0 [sflag:s0], s1  }
0xda: {  	s1 =	ssub.s32 @!p0 $0x0, s1;
	[sflag:s0] =	ssyncset.done @!p0 $0x0  }
0xdb: {  	[sflag:s0] =	ssyncadd.s32 @!p0 s1  }
0xdc: {  	[bflag:$0x3] =	sbarrier.arrive $0xFFFF  }
0xdd: {  	_ =	shalt  }

</sc_bundles>
